<compile_context>
chip_gen: v7x
topology: tpu7x:2x2x1
jax: 0.10.2.dev20260603
libtpu: 0.0.44.dev20260713+nightly
codegen_flags: <defaults>
</compile_context>

<pallas_src>
import jax
import jax.numpy as jnp
from jax import lax
from jax.experimental import pallas as pl
from jax.experimental.pallas import tpu as pltpu
from jax.experimental.pallas import tpu_sc as plsc

NC = 2
NS = 16


def _npad(N):
  return -(-N // (NS * 128)) * (NS * 128)



def _make_sc_scatter(N, E, W, has_gather):
  NW = NC * NS
  EW = E // NW
  CH = EW // 128
  TAIL = EW - CH * 128
  CHUNK = 32 if has_gather else 128
  NBUF = 6
  HPR = 128 // CHUNK
  IF = 8
  NPAD = _npad(N)
  assert E % NW == 0 and TAIL % 16 == 0 and CH >= IF and TAIL <= CHUNK
  assert not has_gather or (HPR * CH) % NBUF == 0
  RPS = NPAD // NS
  NPIECE = RPS // CHUNK
  mesh = plsc.VectorSubcoreMesh(core_axis_name="c", subcore_axis_name="s")

  scratch = [
      pltpu.VMEM((CH, 128), jnp.int32),
      pltpu.VMEM((TAIL,), jnp.int32),
      pltpu.VMEM((CHUNK, W), jnp.float32),
      pltpu.VMEM_SHARED((NPAD, W), jnp.float32),
      pltpu.SemaphoreType.DMA,
      pltpu.SemaphoreType.DMA,
  ]
  if has_gather:
    scratch = [
        pltpu.VMEM((CH, 128), jnp.int32),
        pltpu.VMEM((TAIL,), jnp.int32),
    ] + [pltpu.VMEM((CHUNK, W), jnp.float32)] * (NBUF - 1) + [
        pltpu.SemaphoreType.DMA] * NBUF + [
        pltpu.SemaphoreType.DMA] * (NBUF - 1
    ) + scratch

  def body(*refs):
    if has_gather:
      (gidxm_hbm, gidxt_hbm, sidxm_hbm, sidxt_hbm, table_hbm, out_hbm,
       gidx_all, gidxT) = refs[:8]
      rows_hi = refs[8:8 + NBUF - 1]
      sg = list(refs[8 + NBUF - 1:8 + 2 * NBUF - 1])
      ss_hi = refs[8 + 2 * NBUF - 1:8 + 3 * NBUF - 2]
      (sidx_all, sidxT, rows0, acc, ss0, ws) = refs[8 + 3 * NBUF - 2:]
      rows = [rows0] + list(rows_hi)
      ss = [ss0] + list(ss_hi)
    else:
      (sidxm_hbm, sidxt_hbm, ones_hbm, out_hbm,
       sidx_all, sidxT, rows0, acc, ss0, ws) = refs
    c = lax.axis_index("c")
    s = lax.axis_index("s")
    wid = c * NS + s
    lo = s * RPS

    zero = jnp.zeros((16,), jnp.float32)
    def zrow(r, carry):
      for j in range(W // 16):
        rows0[r, pl.ds(j * 16, 16)] = zero
      return carry
    lax.fori_loop(0, CHUNK, zrow, 0)
    def zpiece(j, carry):
      pltpu.async_copy(rows0, acc.at[pl.ds(lo + j * CHUNK, CHUNK)], ws)
      @pl.when(j > 0)
      def _():
        pltpu.make_async_copy(
            rows0, acc.at[pl.ds(lo + (j - 1) * CHUNK, CHUNK)], ws).wait()
      return carry
    lax.fori_loop(0, NPIECE, zpiece, 0)
    pltpu.async_copy(sidxm_hbm.at[wid], sidx_all, ss0)
    if has_gather:
      pltpu.async_copy(sidxt_hbm.at[wid], sidxT, ss[1])
      pltpu.async_copy(gidxm_hbm.at[wid], gidx_all, sg[0])
      pltpu.async_copy(gidxt_hbm.at[wid], gidxT, sg[1])
      pltpu.make_async_copy(gidxm_hbm.at[wid], gidx_all, sg[0]).wait()
      pltpu.make_async_copy(gidxt_hbm.at[wid], gidxT, sg[1]).wait()
      pltpu.make_async_copy(sidxt_hbm.at[wid], sidxT, ss[1]).wait()
    else:
      pltpu.async_copy(sidxt_hbm.at[wid], sidxT, ss0)
      pltpu.make_async_copy(sidxt_hbm.at[wid], sidxT, ss0).wait()
    pltpu.make_async_copy(sidxm_hbm.at[wid], sidx_all, ss0).wait()
    pltpu.make_async_copy(
        rows0, acc.at[pl.ds(lo + (NPIECE - 1) * CHUNK, CHUNK)], ws).wait()
    if not has_gather:
      pltpu.sync_copy(ones_hbm, rows0)
    if has_gather:
      for k in range(NBUF):
        pltpu.async_copy(
            table_hbm.at[gidx_all.at[k // HPR,
                                     pl.ds(CHUNK * (k % HPR), CHUNK)]],
            rows[k], sg[k])
    plsc.subcore_barrier()

    if has_gather:
      T = (HPR * CH) // NBUF
      def chunk_at(idx, q):
        return idx.at[lax.div(q, HPR), pl.ds(lax.rem(q, HPR) * CHUNK, CHUNK)]
      def ebody(t, carry):
        q0 = t * NBUF
        for k in range(NBUF):
          pltpu.make_async_copy(
              table_hbm.at[chunk_at(gidx_all, q0 + k)], rows[k],
              sg[k]).wait()
          pltpu.async_copy(rows[k], acc.at[chunk_at(sidx_all, q0 + k)],
                           ss[k], add=True)
        for k in range(NBUF):
          pltpu.make_async_copy(
              rows[k], acc.at[chunk_at(sidx_all, q0 + k)], ss[k]).wait()
          @pl.when(t + 1 < T)
          def _():
            pltpu.async_copy(
                table_hbm.at[chunk_at(gidx_all, q0 + NBUF + k)], rows[k],
                sg[k])
        return carry
      lax.fori_loop(0, T, ebody, 0)
      pltpu.sync_copy(table_hbm.at[gidxT], rows0.at[pl.ds(0, TAIL)])
      pltpu.sync_copy(rows0.at[pl.ds(0, TAIL)], acc.at[sidxT], add=True)
    else:
      for j in range(IF):
        pltpu.async_copy(rows0, acc.at[sidx_all.at[j]], ss0, add=True)
      def ebody(i, carry):
        pltpu.make_async_copy(rows0, acc.at[sidx_all.at[i - IF]], ss0).wait()
        pltpu.async_copy(rows0, acc.at[sidx_all.at[i]], ss0, add=True)
        return carry
      lax.fori_loop(IF, CH, ebody, 0)
      for j in range(IF):
        pltpu.make_async_copy(rows0, acc.at[sidx_all.at[CH - IF + j]],
                              ss0).wait()
      pltpu.sync_copy(rows0.at[pl.ds(0, TAIL)], acc.at[sidxT], add=True)
    plsc.subcore_barrier()

    def wpiece(j, carry):
      pltpu.async_copy(acc.at[pl.ds(lo + j * CHUNK, CHUNK)],
                       out_hbm.at[c, pl.ds(lo + j * CHUNK, CHUNK)], ws)
      @pl.when(j > 0)
      def _():
        pltpu.make_async_copy(acc.at[pl.ds(lo + (j - 1) * CHUNK, CHUNK)],
                              out_hbm.at[c, pl.ds(lo + (j - 1) * CHUNK,
                                                  CHUNK)], ws).wait()
      return carry
    lax.fori_loop(0, NPIECE, wpiece, 0)
    pltpu.make_async_copy(acc.at[pl.ds(lo + (NPIECE - 1) * CHUNK, CHUNK)],
                          out_hbm.at[c, pl.ds(lo + (NPIECE - 1) * CHUNK,
                                              CHUNK)], ws).wait()

  return pl.kernel(
      body,
      out_type=jax.ShapeDtypeStruct((NC, NPAD, W), jnp.float32),
      mesh=mesh,
      scratch_types=scratch,
  )



_R = 1000


def _tc1(x, W1, degp):
  N, D = x.shape

  def body(x_ref, w_ref, degp_ref, h_ref, hs_ref, d128_ref):
    h = jnp.dot(x_ref[...], w_ref[...], preferred_element_type=jnp.float32)
    deg = degp_ref[0, :, :1] + degp_ref[1, :, :1] + 1.0
    dcol = lax.rsqrt(deg)
    h_ref[...] = h
    hs_ref[...] = h * dcol
    d128_ref[...] = jnp.broadcast_to(dcol, (_R, D))

  G = N // _R
  return pl.pallas_call(
      body,
      grid=(G,),
      in_specs=[
          pl.BlockSpec((_R, D), lambda i: (i, 0)),
          pl.BlockSpec((D, D), lambda i: (0, 0)),
          pl.BlockSpec((NC, _R, D), lambda i: (0, i, 0)),
      ],
      out_specs=[
          pl.BlockSpec((_R, D), lambda i: (i, 0)),
          pl.BlockSpec((_R, D), lambda i: (i, 0)),
          pl.BlockSpec((_R, D), lambda i: (i, 0)),
      ],
      out_shape=[
          jax.ShapeDtypeStruct((N, D), jnp.float32),
          jax.ShapeDtypeStruct((N, D), jnp.float32),
          jax.ShapeDtypeStruct((N, D), jnp.float32),
      ],
  )(x, W1, degp)


def _tc2(aggp, h_prev, d128, b, W):
  N, D = h_prev.shape

  def body(aggp_ref, h_ref, d_ref, b_ref, w_ref, h2_ref, hs2_ref):
    d = d_ref[...]
    agg = aggp_ref[0] + aggp_ref[1]
    hp = jnp.maximum(d * agg + d * d * h_ref[...] + b_ref[...], 0.0)
    h2 = jnp.dot(hp, w_ref[...], preferred_element_type=jnp.float32)
    h2_ref[...] = h2
    hs2_ref[...] = d * h2

  G = N // _R
  return pl.pallas_call(
      body,
      grid=(G,),
      in_specs=[
          pl.BlockSpec((NC, _R, D), lambda i: (0, i, 0)),
          pl.BlockSpec((_R, D), lambda i: (i, 0)),
          pl.BlockSpec((_R, D), lambda i: (i, 0)),
          pl.BlockSpec((1, D), lambda i: (0, 0)),
          pl.BlockSpec((D, D), lambda i: (0, 0)),
      ],
      out_specs=[
          pl.BlockSpec((_R, D), lambda i: (i, 0)),
          pl.BlockSpec((_R, D), lambda i: (i, 0)),
      ],
      out_shape=[
          jax.ShapeDtypeStruct((N, D), jnp.float32),
          jax.ShapeDtypeStruct((N, D), jnp.float32),
      ],
  )(aggp, h_prev, d128, b, W)


def _tc4(aggp, h3, d128, b3p):
  N, D = h3.shape
  G = N // _R

  def body(aggp_ref, h_ref, d_ref, b_ref, out_ref, vacc):
    i = pl.program_id(0)
    d = d_ref[...]
    agg = aggp_ref[0] + aggp_ref[1]
    t = d * agg + d * d * h_ref[...]
    part = jnp.sum(t, axis=0, keepdims=True)

    @pl.when(i == 0)
    def _():
      vacc[...] = jnp.zeros_like(vacc)

    vacc[...] += part

    @pl.when(i == G - 1)
    def _():
      out_ref[...] = vacc[...] * (1.0 / N) + b_ref[...]

  return pl.pallas_call(
      body,
      grid=(G,),
      in_specs=[
          pl.BlockSpec((NC, _R, D), lambda i: (0, i, 0)),
          pl.BlockSpec((_R, D), lambda i: (i, 0)),
          pl.BlockSpec((_R, D), lambda i: (i, 0)),
          pl.BlockSpec((1, D), lambda i: (0, 0)),
      ],
      out_specs=pl.BlockSpec((1, D), lambda i: (0, 0)),
      out_shape=jax.ShapeDtypeStruct((1, D), jnp.float32),
      scratch_shapes=[pltpu.VMEM((1, D), jnp.float32)],
  )(aggp, h3, d128, b3p)



def kernel(x, edge_index, W1, b1, W2, b2, W3, b3):
  N, D = x.shape
  E = edge_index.shape[1]
  DO = W3.shape[1]
  src = edge_index[0].astype(jnp.int32)
  dst = edge_index[1].astype(jnp.int32)

  deg_sc = _make_sc_scatter(N, E, D, has_gather=False)
  agg_sc = _make_sc_scatter(N, E, D, has_gather=True)

  W3p = jnp.pad(W3, ((0, 0), (0, D - DO)))
  b3p = jnp.pad(b3, (0, D - DO)).reshape(1, D)

  NW = NC * NS
  EW = E // NW
  CH = EW // 128
  srcr = src.reshape(NW, EW)
  dstr = dst.reshape(NW, EW)
  src_m = srcr[:, :CH * 128].reshape(NW, CH, 128)
  src_t = srcr[:, CH * 128:]
  dst_m = dstr[:, :CH * 128].reshape(NW, CH, 128)
  dst_t = dstr[:, CH * 128:]
  ones = jnp.ones((128, D), jnp.float32)

  degp = deg_sc(dst_m, dst_t, ones)
  h1, hs1, d128 = _tc1(x, W1, degp)
  aggp1 = agg_sc(src_m, src_t, dst_m, dst_t, hs1)
  h2, hs2 = _tc2(aggp1, h1, d128, b1.reshape(1, -1), W2)
  aggp2 = agg_sc(src_m, src_t, dst_m, dst_t, hs2)
  h3, hs3 = _tc2(aggp2, h2, d128, b2.reshape(1, -1), W3p)
  aggp3 = agg_sc(src_m, src_t, dst_m, dst_t, hs3)
  outp = _tc4(aggp3, h3, d128, b3p)
  return outp[:, :DO]

# --- scband reference (transcript-rebuilt; emitter-appended) ---
"""Pipeline reference for scband-graph-neural-embedder-45131516346425 (READ-ONLY COPY).

The authoritative reference and input builder live on the scoring server;
editing this copy changes nothing except your own understanding.
"""

import jax, jax.numpy as jnp
import numpy as np

N = 10000
E = 320000
D_IN = 128
D_H = 128
D_OUT = 64


def setup_inputs(seed: int = 0) -> dict:
    key = jax.random.key(seed)
    ks = jax.random.split(key, 9)
    x = jax.random.normal(ks[0], (N, D_IN), dtype=jnp.float32)
    edge_index = jax.random.randint(ks[1], (2, E), 0, N)
    W1 = jax.random.normal(ks[2], (D_IN, D_H), dtype=jnp.float32) * 0.05
    b1 = jnp.zeros((D_H,), dtype=jnp.float32)
    W2 = jax.random.normal(ks[3], (D_H, D_H), dtype=jnp.float32) * 0.05
    b2 = jnp.zeros((D_H,), dtype=jnp.float32)
    W3 = jax.random.normal(ks[4], (D_H, D_OUT), dtype=jnp.float32) * 0.05
    b3 = jnp.zeros((D_OUT,), dtype=jnp.float32)
    return {"x": x, "edge_index": edge_index, "W1": W1, "b1": b1, "W2": W2, "b2": b2, "W3": W3, "b3": b3}


def _gcn_conv(x, src, dst, W, b):
    # GCNConv with add_self_loops=True and symmetric normalization:
    # out = D^{-1/2} (A + I) D^{-1/2} X W + b
    h = x @ W
    deg = jnp.zeros((N,), dtype=jnp.float32).at[dst].add(1.0) + 1.0  # +1 for self loop
    dinv = jax.lax.rsqrt(deg)
    norm = dinv[src] * dinv[dst]
    agg = jnp.zeros_like(h).at[dst].add(h[src] * norm[:, None])
    # self-loop contribution: dinv[i] * dinv[i] * h[i]
    agg = agg + h * (dinv * dinv)[:, None]
    return agg + b


def reference(x, edge_index, W1, b1, W2, b2, W3, b3):
    src = edge_index[0]
    dst = edge_index[1]
    h = _gcn_conv(x, src, dst, W1, b1)
    h = jax.nn.relu(h)
    # dropout is identity at inference
    h = _gcn_conv(h, src, dst, W2, b2)
    h = jax.nn.relu(h)
    h = _gcn_conv(h, src, dst, W3, b3)
    # batch is None -> global mean over all nodes
    return h.mean(axis=0, keepdims=True)

if __name__ == "__main__":
    import jax
    _d = setup_inputs()
    print(jax.jit(kernel)(*tuple(_d.values())))

</pallas_src>

<mosaic_0001>
#map = affine_map<(d0, d1) -> (0, 0, 0)>
#map1 = affine_map<(d0, d1) -> (0, 0)>
module attributes {stable_mosaic.version = 14 : i64} {
  func.func @body(%arg0: i32, %arg1: i32, %arg2: memref<32x78x128xi32, #tpu.memory_space<hbm>>, %arg3: memref<32x16xi32, #tpu.memory_space<hbm>>, %arg4: memref<128x128xf32, #tpu.memory_space<hbm>>, %arg5: memref<2x10240x128xf32, #tpu.memory_space<hbm>>, %arg6: memref<78x128xi32, #tpu.memory_space<vmem>>, %arg7: memref<16xi32, #tpu.memory_space<vmem>>, %arg8: memref<128x128xf32, #tpu.memory_space<vmem>>, %arg9: memref<10240x128xf32, #tpu.memory_space<vmem_shared>>, %arg10: memref<!tpu.dma_semaphore, #tpu.memory_space<semaphore_mem>>, %arg11: memref<!tpu.dma_semaphore, #tpu.memory_space<semaphore_mem>>) attributes {dimension_semantics = [#tpu.dimension_semantics<core_parallel>, #tpu.dimension_semantics<subcore_parallel>], iteration_bounds = array<i64: 2, 16>, scalar_prefetch = 0 : i64, scratch_operands = 6 : i64, tpu.core_type = #tpu.core_type<sc_vector_subcore>, window_params = [{transform_indices = #map}, {transform_indices = #map1}, {transform_indices = #map1}, {transform_indices = #map}]} {
    %mul3A = arith.constant 16 : i32
    %mul3A_0 = arith.muli %arg0, %mul3A : i32
    %add3A = arith.addi %mul3A_0, %arg1 : i32
    %mul3A_1 = arith.constant 640 : i32
    %mul3A_2 = arith.muli %arg1, %mul3A_1 : i32
    %broadcast_in_dim3A = arith.constant 0.000000e+00 : f32
    %broadcast_in_dim3A_3 = vector.broadcast %broadcast_in_dim3A : f32 to vector<16xf32>
    %scan3A = arith.constant 0 : i32
    %scan3A_4 = arith.constant 0 : i32
    %scan3A_5 = arith.constant 128 : i32
    %scan3A_6 = arith.addi %scan3A_4, %scan3A_5 : i32
    %scan3A_7 = arith.constant 1 : i32
    scf.for %scan3A_181 = %scan3A_4 to %scan3A_6 step %scan3A_7  : i32 {
      %swap3A = arith.index_cast %scan3A_181 : i32 to index
      %swap3A_182 = arith.constant 0 : index
      %swap3A_183 = tpu.vector_load %arg8[%swap3A, %swap3A_182] {strides = array<i32>} : memref<128x128xf32, #tpu.memory_space<vmem>>, vector<1x16xf32>,
      %swap3A_184 = vector.shape_cast %swap3A_183 : vector<1x16xf32> to vector<16xf32>
      %swap3A_185 = vector.shape_cast %broadcast_in_dim3A_3 : vector<16xf32> to vector<1x16xf32>
      tpu.vector_store %arg8[%swap3A, %swap3A_182], %swap3A_185 {strides = array<i32>} : memref<128x128xf32, #tpu.memory_space<vmem>>, vector<1x16xf32>,
      %swap3A_186 = arith.index_cast %scan3A_181 : i32 to index
      %swap3A_187 = arith.constant 16 : index
      %swap3A_188 = tpu.vector_load %arg8[%swap3A_186, %swap3A_187] {strides = array<i32>} : memref<128x128xf32, #tpu.memory_space<vmem>>, vector<1x16xf32>,
      %swap3A_189 = vector.shape_cast %swap3A_188 : vector<1x16xf32> to vector<16xf32>
      %swap3A_190 = vector.shape_cast %broadcast_in_dim3A_3 : vector<16xf32> to vector<1x16xf32>
      tpu.vector_store %arg8[%swap3A_186, %swap3A_187], %swap3A_190 {strides = array<i32>} : memref<128x128xf32, #tpu.memory_space<vmem>>, vector<1x16xf32>,
      %swap3A_191 = arith.index_cast %scan3A_181 : i32 to index
      %swap3A_192 = arith.constant 32 : index
      %swap3A_193 = tpu.vector_load %arg8[%swap3A_191, %swap3A_192] {strides = array<i32>} : memref<128x128xf32, #tpu.memory_space<vmem>>, vector<1x16xf32>,
      %swap3A_194 = vector.shape_cast %swap3A_193 : vector<1x16xf32> to vector<16xf32>
      %swap3A_195 = vector.shape_cast %broadcast_in_dim3A_3 : vector<16xf32> to vector<1x16xf32>
      tpu.vector_store %arg8[%swap3A_191, %swap3A_192], %swap3A_195 {strides = array<i32>} : memref<128x128xf32, #tpu.memory_space<vmem>>, vector<1x16xf32>,
      %swap3A_196 = arith.index_cast %scan3A_181 : i32 to index
      %swap3A_197 = arith.constant 48 : index
      %swap3A_198 = tpu.vector_load %arg8[%swap3A_196, %swap3A_197] {strides = array<i32>} : memref<128x128xf32, #tpu.memory_space<vmem>>, vector<1x16xf32>,
      %swap3A_199 = vector.shape_cast %swap3A_198 : vector<1x16xf32> to vector<16xf32>
      %swap3A_200 = vector.shape_cast %broadcast_in_dim3A_3 : vector<16xf32> to vector<1x16xf32>
      tpu.vector_store %arg8[%swap3A_196, %swap3A_197], %swap3A_200 {strides = array<i32>} : memref<128x128xf32, #tpu.memory_space<vmem>>, vector<1x16xf32>,
      %swap3A_201 = arith.index_cast %scan3A_181 : i32 to index
      %swap3A_202 = arith.constant 64 : index
      %swap3A_203 = tpu.vector_load %arg8[%swap3A_201, %swap3A_202] {strides = array<i32>} : memref<128x128xf32, #tpu.memory_space<vmem>>, vector<1x16xf32>,
      %swap3A_204 = vector.shape_cast %swap3A_203 : vector<1x16xf32> to vector<16xf32>
      %swap3A_205 = vector.shape_cast %broadcast_in_dim3A_3 : vector<16xf32> to vector<1x16xf32>
      tpu.vector_store %arg8[%swap3A_201, %swap3A_202], %swap3A_205 {strides = array<i32>} : memref<128x128xf32, #tpu.memory_space<vmem>>, vector<1x16xf32>,
      %swap3A_206 = arith.index_cast %scan3A_181 : i32 to index
      %swap3A_207 = arith.constant 80 : index
      %swap3A_208 = tpu.vector_load %arg8[%swap3A_206, %swap3A_207] {strides = array<i32>} : memref<128x128xf32, #tpu.memory_space<vmem>>, vector<1x16xf32>,
      %swap3A_209 = vector.shape_cast %swap3A_208 : vector<1x16xf32> to vector<16xf32>
      %swap3A_210 = vector.shape_cast %broadcast_in_dim3A_3 : vector<16xf32> to vector<1x16xf32>
      tpu.vector_store %arg8[%swap3A_206, %swap3A_207], %swap3A_210 {strides = array<i32>} : memref<128x128xf32, #tpu.memory_space<vmem>>, vector<1x16xf32>,
      %swap3A_211 = arith.index_cast %scan3A_181 : i32 to index
      %swap3A_212 = arith.constant 96 : index
      %swap3A_213 = tpu.vector_load %arg8[%swap3A_211, %swap3A_212] {strides = array<i32>} : memref<128x128xf32, #tpu.memory_space<vmem>>, vector<1x16xf32>,
      %swap3A_214 = vector.shape_cast %swap3A_213 : vector<1x16xf32> to vector<16xf32>
      %swap3A_215 = vector.shape_cast %broadcast_in_dim3A_3 : vector<16xf32> to vector<1x16xf32>
      tpu.vector_store %arg8[%swap3A_211, %swap3A_212], %swap3A_215 {strides = array<i32>} : memref<128x128xf32, #tpu.memory_space<vmem>>, vector<1x16xf32>,
      %swap3A_216 = arith.index_cast %scan3A_181 : i32 to index
      %swap3A_217 = arith.constant 112 : index
      %swap3A_218 = tpu.vector_load %arg8[%swap3A_216, %swap3A_217] {strides = array<i32>} : memref<128x128xf32, #tpu.memory_space<vmem>>, vector<1x16xf32>,
      %swap3A_219 = vector.shape_cast %swap3A_218 : vector<1x16xf32> to vector<16xf32>
      %swap3A_220 = vector.shape_cast %broadcast_in_dim3A_3 : vector<16xf32> to vector<1x16xf32>
      tpu.vector_store %arg8[%swap3A_216, %swap3A_217], %swap3A_220 {strides = array<i32>} : memref<128x128xf32, #tpu.memory_space<vmem>>, vector<1x16xf32>,
    }
    %scan3A_8 = arith.constant 128 : i32
    %scan3A_9 = arith.constant 0 : i32
    %scan3A_10 = arith.constant 0 : i32
    %scan3A_11 = arith.constant 5 : i32
    %scan3A_12 = arith.addi %scan3A_10, %scan3A_11 : i32
    %scan3A_13 = arith.constant 1 : i32
    scf.for %scan3A_181 = %scan3A_10 to %scan3A_12 step %scan3A_13  : i32 {
      %mul3A_182 = arith.constant 128 : i32
      %mul3A_183 = arith.muli %scan3A_181, %mul3A_182 : i32
      %add3A_184 = arith.addi %mul3A_2, %mul3A_183 : i32
      %dma_start3A_185 = arith.constant 0 : i32
      %dma_start3A_186 = tpu.memref_slice %arg9[%add3A_184, %dma_start3A_185] : memref<10240x128xf32, #tpu.memory_space<vmem_shared>> -> memref<128x128xf32, #tpu.memory_space<vmem_shared>>
      %dma_start3A_187 = arith.constant 0 : i32
      %dma_start3A_188 = tpu.memref_slice %arg9[%add3A_184, %dma_start3A_187] : memref<10240x128xf32, #tpu.memory_space<vmem_shared>> -> memref<128x128xf32, #tpu.memory_space<vmem_shared>>
      tpu.enqueue_dma source(%arg8 : memref<128x128xf32, #tpu.memory_space<vmem>>) target(%dma_start3A_188 : memref<128x128xf32, #tpu.memory_space<vmem_shared>>) target_semaphore(%arg11 : memref<!tpu.dma_semaphore, #tpu.memory_space<semaphore_mem>>)
      %gt3A = arith.constant 0 : i32
      %gt3A_189 = arith.cmpi sgt, %scan3A_181, %gt3A : i32
      %convert_element_type3A = arith.extui %gt3A_189 : i1 to i32
      %cond3A = arith.constant 0 : i32
      %cond3A_190 = arith.cmpi ne, %convert_element_type3A, %cond3A : i32
      scf.if %cond3A_190 {
        %sub3A = arith.constant 1 : i32
        %sub3A_191 = arith.subi %scan3A_181, %sub3A : i32
        %mul3A_192 = arith.constant 128 : i32
        %mul3A_193 = arith.muli %sub3A_191, %mul3A_192 : i32
        %add3A_194 = arith.addi %mul3A_2, %mul3A_193 : i32
        %dma_wait3A_195 = arith.constant 0 : i32
        %dma_wait3A_196 = tpu.memref_slice %arg9[%add3A_194, %dma_wait3A_195] : memref<10240x128xf32, #tpu.memory_space<vmem_shared>> -> memref<128x128xf32, #tpu.memory_space<vmem_shared>>
        %dma_wait3A_197 = arith.constant 0 : i32
        %dma_wait3A_198 = tpu.memref_slice %arg9[%add3A_194, %dma_wait3A_197] : memref<10240x128xf32, #tpu.memory_space<vmem_shared>> -> memref<128x128xf32, #tpu.memory_space<vmem_shared>>
        tpu.wait_dma2 semaphore(%arg11 : memref<!tpu.dma_semaphore, #tpu.memory_space<semaphore_mem>>) src(%arg8 : memref<128x128xf32, #tpu.memory_space<vmem>>) dst(%dma_wait3A_198 : memref<128x128xf32, #tpu.memory_space<vmem_shared>>)
      } else {
      }
    }
    %scan3A_14 = arith.constant 5 : i32
    %dma_start3A = arith.constant 0 : i32
    %dma_start3A_15 = arith.constant 0 : i32
    %dma_start3A_16 = tpu.memref_slice %arg2[%add3A, %dma_start3A, %dma_start3A_15] : memref<32x78x128xi32, #tpu.memory_space<hbm>> -> memref<1x78x128xi32, #tpu.memory_space<hbm>>
    %dma_start3A_17 = tpu.memref_squeeze %dma_start3A_16 : memref<1x78x128xi32, #tpu.memory_space<hbm>> -> memref<78x128xi32, #tpu.memory_space<hbm>>
    %dma_start3A_18 = arith.constant 0 : i32
    %dma_start3A_19 = arith.constant 0 : i32
    %dma_start3A_20 = tpu.memref_slice %arg2[%add3A, %dma_start3A_18, %dma_start3A_19] : memref<32x78x128xi32, #tpu.memory_space<hbm>> -> memref<1x78x128xi32, #tpu.memory_space<hbm>>
    %dma_start3A_21 = tpu.memref_squeeze %dma_start3A_20 : memref<1x78x128xi32, #tpu.memory_space<hbm>> -> memref<78x128xi32, #tpu.memory_space<hbm>>
    tpu.enqueue_dma source(%dma_start3A_21 : memref<78x128xi32, #tpu.memory_space<hbm>>) target(%arg6 : memref<78x128xi32, #tpu.memory_space<vmem>>) target_semaphore(%arg10 : memref<!tpu.dma_semaphore, #tpu.memory_space<semaphore_mem>>)
    %dma_start3A_22 = arith.constant 0 : i32
    %dma_start3A_23 = tpu.memref_slice %arg3[%add3A, %dma_start3A_22] : memref<32x16xi32, #tpu.memory_space<hbm>> -> memref<1x16xi32, #tpu.memory_space<hbm>>
    %dma_start3A_24 = tpu.memref_squeeze %dma_start3A_23 : memref<1x16xi32, #tpu.memory_space<hbm>> -> memref<16xi32, #tpu.memory_space<hbm>>
    %dma_start3A_25 = arith.constant 0 : i32
    %dma_start3A_26 = tpu.memref_slice %arg3[%add3A, %dma_start3A_25] : memref<32x16xi32, #tpu.memory_space<hbm>> -> memref<1x16xi32, #tpu.memory_space<hbm>>
    %dma_start3A_27 = tpu.memref_squeeze %dma_start3A_26 : memref<1x16xi32, #tpu.memory_space<hbm>> -> memref<16xi32, #tpu.memory_space<hbm>>
    tpu.enqueue_dma source(%dma_start3A_27 : memref<16xi32, #tpu.memory_space<hbm>>) target(%arg7 : memref<16xi32, #tpu.memory_space<vmem>>) target_semaphore(%arg10 : memref<!tpu.dma_semaphore, #tpu.memory_space<semaphore_mem>>)
    %dma_wait3A = arith.constant 0 : i32
    %dma_wait3A_28 = tpu.memref_slice %arg3[%add3A, %dma_wait3A] : memref<32x16xi32, #tpu.memory_space<hbm>> -> memref<1x16xi32, #tpu.memory_space<hbm>>
    %dma_wait3A_29 = tpu.memref_squeeze %dma_wait3A_28 : memref<1x16xi32, #tpu.memory_space<hbm>> -> memref<16xi32, #tpu.memory_space<hbm>>
    %dma_wait3A_30 = arith.constant 0 : i32
    %dma_wait3A_31 = tpu.memref_slice %arg3[%add3A, %dma_wait3A_30] : memref<32x16xi32, #tpu.memory_space<hbm>> -> memref<1x16xi32, #tpu.memory_space<hbm>>
    %dma_wait3A_32 = tpu.memref_squeeze %dma_wait3A_31 : memref<1x16xi32, #tpu.memory_space<hbm>> -> memref<16xi32, #tpu.memory_space<hbm>>
    tpu.wait_dma2 semaphore(%arg10 : memref<!tpu.dma_semaphore, #tpu.memory_space<semaphore_mem>>) src(%dma_wait3A_32 : memref<16xi32, #tpu.memory_space<hbm>>) dst(%arg7 : memref<16xi32, #tpu.memory_space<vmem>>)
    %dma_wait3A_33 = arith.constant 0 : i32
    %dma_wait3A_34 = arith.constant 0 : i32
    %dma_wait3A_35 = tpu.memref_slice %arg2[%add3A, %dma_wait3A_33, %dma_wait3A_34] : memref<32x78x128xi32, #tpu.memory_space<hbm>> -> memref<1x78x128xi32, #tpu.memory_space<hbm>>
    %dma_wait3A_36 = tpu.memref_squeeze %dma_wait3A_35 : memref<1x78x128xi32, #tpu.memory_space<hbm>> -> memref<78x128xi32, #tpu.memory_space<hbm>>
    %dma_wait3A_37 = arith.constant 0 : i32
    %dma_wait3A_38 = arith.constant 0 : i32
    %dma_wait3A_39 = tpu.memref_slice %arg2[%add3A, %dma_wait3A_37, %dma_wait3A_38] : memref<32x78x128xi32, #tpu.memory_space<hbm>> -> memref<1x78x128xi32, #tpu.memory_space<hbm>>
    %dma_wait3A_40 = tpu.memref_squeeze %dma_wait3A_39 : memref<1x78x128xi32, #tpu.memory_space<hbm>> -> memref<78x128xi32, #tpu.memory_space<hbm>>
    tpu.wait_dma2 semaphore(%arg10 : memref<!tpu.dma_semaphore, #tpu.memory_space<semaphore_mem>>) src(%dma_wait3A_40 : memref<78x128xi32, #tpu.memory_space<hbm>>) dst(%arg6 : memref<78x128xi32, #tpu.memory_space<vmem>>)
    %add3A_41 = arith.constant 512 : i32
    %add3A_42 = arith.addi %mul3A_2, %add3A_41 : i32
    %dma_wait3A_43 = arith.constant 0 : i32
    %dma_wait3A_44 = tpu.memref_slice %arg9[%add3A_42, %dma_wait3A_43] : memref<10240x128xf32, #tpu.memory_space<vmem_shared>> -> memref<128x128xf32, #tpu.memory_space<vmem_shared>>
    %dma_wait3A_45 = arith.constant 0 : i32
    %dma_wait3A_46 = tpu.memref_slice %arg9[%add3A_42, %dma_wait3A_45] : memref<10240x128xf32, #tpu.memory_space<vmem_shared>> -> memref<128x128xf32, #tpu.memory_space<vmem_shared>>
    tpu.wait_dma2 semaphore(%arg11 : memref<!tpu.dma_semaphore, #tpu.memory_space<semaphore_mem>>) src(%arg8 : memref<128x128xf32, #tpu.memory_space<vmem>>) dst(%dma_wait3A_46 : memref<128x128xf32, #tpu.memory_space<vmem_shared>>)
    "tpu.region"() ({
      %run_scoped3A = tpu.sem_alloc : memref<!tpu.dma_semaphore, #tpu.memory_space<semaphore_mem>>
      tpu.enqueue_dma source(%arg4 : memref<128x128xf32, #tpu.memory_space<hbm>>) target(%arg8 : memref<128x128xf32, #tpu.memory_space<vmem>>) target_semaphore(%run_scoped3A : memref<!tpu.dma_semaphore, #tpu.memory_space<semaphore_mem>>)
      tpu.wait_dma2 semaphore(%run_scoped3A : memref<!tpu.dma_semaphore, #tpu.memory_space<semaphore_mem>>) src(%arg4 : memref<128x128xf32, #tpu.memory_space<hbm>>) dst(%arg8 : memref<128x128xf32, #tpu.memory_space<vmem>>)
      tpu.yield
    }) : () -> ()
    %barrier3A = arith.constant 0 : index
    tpu.barrier barrier_id(%barrier3A)
    %dma_start3A_47 = arith.constant 0 : i32
    %dma_start3A_48 = arith.constant 0 : i32
    %dma_start3A_49 = tpu.memref_slice %arg6[%dma_start3A_47, %dma_start3A_48] : memref<78x128xi32, #tpu.memory_space<vmem>> -> memref<1x128xi32, #tpu.memory_space<vmem>>
    %dma_start3A_50 = tpu.memref_squeeze %dma_start3A_49 : memref<1x128xi32, #tpu.memory_space<vmem>> -> memref<128xi32, #tpu.memory_space<vmem>>
    %dma_start3A_51 = arith.constant 0 : i32
    %dma_start3A_52 = arith.constant 0 : i32
    %dma_start3A_53 = tpu.memref_slice %arg9[%dma_start3A_51, %dma_start3A_52] : memref<10240x128xf32, #tpu.memory_space<vmem_shared>> -> memref<10240x128xf32, #tpu.memory_space<vmem_shared>>
    tpu.enqueue_indirect_dma source(%arg8 : memref<128x128xf32, #tpu.memory_space<vmem>>) target(%dma_start3A_53 : memref<10240x128xf32, #tpu.memory_space<vmem_shared>>) offsets(%dma_start3A_50 : memref<128xi32, #tpu.memory_space<vmem>>) semaphore(%arg10 : memref<!tpu.dma_semaphore, #tpu.memory_space<semaphore_mem>>) {add = true}
    %dma_start3A_54 = arith.constant 1 : i32
    %dma_start3A_55 = arith.constant 0 : i32
    %dma_start3A_56 = tpu.memref_slice %arg6[%dma_start3A_54, %dma_start3A_55] : memref<78x128xi32, #tpu.memory_space<vmem>> -> memref<1x128xi32, #tpu.memory_space<vmem>>
    %dma_start3A_57 = tpu.memref_squeeze %dma_start3A_56 : memref<1x128xi32, #tpu.memory_space<vmem>> -> memref<128xi32, #tpu.memory_space<vmem>>
    %dma_start3A_58 = arith.constant 0 : i32
    %dma_start3A_59 = arith.constant 0 : i32
    %dma_start3A_60 = tpu.memref_slice %arg9[%dma_start3A_58, %dma_start3A_59] : memref<10240x128xf32, #tpu.memory_space<vmem_shared>> -> memref<10240x128xf32, #tpu.memory_space<vmem_shared>>
    tpu.enqueue_indirect_dma source(%arg8 : memref<128x128xf32, #tpu.memory_space<vmem>>) target(%dma_start3A_60 : memref<10240x128xf32, #tpu.memory_space<vmem_shared>>) offsets(%dma_start3A_57 : memref<128xi32, #tpu.memory_space<vmem>>) semaphore(%arg10 : memref<!tpu.dma_semaphore, #tpu.memory_space<semaphore_mem>>) {add = true}
    %dma_start3A_61 = arith.constant 2 : i32
    %dma_start3A_62 = arith.constant 0 : i32
    %dma_start3A_63 = tpu.memref_slice %arg6[%dma_start3A_61, %dma_start3A_62] : memref<78x128xi32, #tpu.memory_space<vmem>> -> memref<1x128xi32, #tpu.memory_space<vmem>>
    %dma_start3A_64 = tpu.memref_squeeze %dma_start3A_63 : memref<1x128xi32, #tpu.memory_space<vmem>> -> memref<128xi32, #tpu.memory_space<vmem>>
    %dma_start3A_65 = arith.constant 0 : i32
    %dma_start3A_66 = arith.constant 0 : i32
    %dma_start3A_67 = tpu.memref_slice %arg9[%dma_start3A_65, %dma_start3A_66] : memref<10240x128xf32, #tpu.memory_space<vmem_shared>> -> memref<10240x128xf32, #tpu.memory_space<vmem_shared>>
    tpu.enqueue_indirect_dma source(%arg8 : memref<128x128xf32, #tpu.memory_space<vmem>>) target(%dma_start3A_67 : memref<10240x128xf32, #tpu.memory_space<vmem_shared>>) offsets(%dma_start3A_64 : memref<128xi32, #tpu.memory_space<vmem>>) semaphore(%arg10 : memref<!tpu.dma_semaphore, #tpu.memory_space<semaphore_mem>>) {add = true}
    %dma_start3A_68 = arith.constant 3 : i32
    %dma_start3A_69 = arith.constant 0 : i32
    %dma_start3A_70 = tpu.memref_slice %arg6[%dma_start3A_68, %dma_start3A_69] : memref<78x128xi32, #tpu.memory_space<vmem>> -> memref<1x128xi32, #tpu.memory_space<vmem>>
    %dma_start3A_71 = tpu.memref_squeeze %dma_start3A_70 : memref<1x128xi32, #tpu.memory_space<vmem>> -> memref<128xi32, #tpu.memory_space<vmem>>
    %dma_start3A_72 = arith.constant 0 : i32
    %dma_start3A_73 = arith.constant 0 : i32
    %dma_start3A_74 = tpu.memref_slice %arg9[%dma_start3A_72, %dma_start3A_73] : memref<10240x128xf32, #tpu.memory_space<vmem_shared>> -> memref<10240x128xf32, #tpu.memory_space<vmem_shared>>
    tpu.enqueue_indirect_dma source(%arg8 : memref<128x128xf32, #tpu.memory_space<vmem>>) target(%dma_start3A_74 : memref<10240x128xf32, #tpu.memory_space<vmem_shared>>) offsets(%dma_start3A_71 : memref<128xi32, #tpu.memory_space<vmem>>) semaphore(%arg10 : memref<!tpu.dma_semaphore, #tpu.memory_space<semaphore_mem>>) {add = true}
    %dma_start3A_75 = arith.constant 4 : i32
    %dma_start3A_76 = arith.constant 0 : i32
    %dma_start3A_77 = tpu.memref_slice %arg6[%dma_start3A_75, %dma_start3A_76] : memref<78x128xi32, #tpu.memory_space<vmem>> -> memref<1x128xi32, #tpu.memory_space<vmem>>
    %dma_start3A_78 = tpu.memref_squeeze %dma_start3A_77 : memref<1x128xi32, #tpu.memory_space<vmem>> -> memref<128xi32, #tpu.memory_space<vmem>>
    %dma_start3A_79 = arith.constant 0 : i32
    %dma_start3A_80 = arith.constant 0 : i32
    %dma_start3A_81 = tpu.memref_slice %arg9[%dma_start3A_79, %dma_start3A_80] : memref<10240x128xf32, #tpu.memory_space<vmem_shared>> -> memref<10240x128xf32, #tpu.memory_space<vmem_shared>>
    tpu.enqueue_indirect_dma source(%arg8 : memref<128x128xf32, #tpu.memory_space<vmem>>) target(%dma_start3A_81 : memref<10240x128xf32, #tpu.memory_space<vmem_shared>>) offsets(%dma_start3A_78 : memref<128xi32, #tpu.memory_space<vmem>>) semaphore(%arg10 : memref<!tpu.dma_semaphore, #tpu.memory_space<semaphore_mem>>) {add = true}
    %dma_start3A_82 = arith.constant 5 : i32
    %dma_start3A_83 = arith.constant 0 : i32
    %dma_start3A_84 = tpu.memref_slice %arg6[%dma_start3A_82, %dma_start3A_83] : memref<78x128xi32, #tpu.memory_space<vmem>> -> memref<1x128xi32, #tpu.memory_space<vmem>>
    %dma_start3A_85 = tpu.memref_squeeze %dma_start3A_84 : memref<1x128xi32, #tpu.memory_space<vmem>> -> memref<128xi32, #tpu.memory_space<vmem>>
    %dma_start3A_86 = arith.constant 0 : i32
    %dma_start3A_87 = arith.constant 0 : i32
    %dma_start3A_88 = tpu.memref_slice %arg9[%dma_start3A_86, %dma_start3A_87] : memref<10240x128xf32, #tpu.memory_space<vmem_shared>> -> memref<10240x128xf32, #tpu.memory_space<vmem_shared>>
    tpu.enqueue_indirect_dma source(%arg8 : memref<128x128xf32, #tpu.memory_space<vmem>>) target(%dma_start3A_88 : memref<10240x128xf32, #tpu.memory_space<vmem_shared>>) offsets(%dma_start3A_85 : memref<128xi32, #tpu.memory_space<vmem>>) semaphore(%arg10 : memref<!tpu.dma_semaphore, #tpu.memory_space<semaphore_mem>>) {add = true}
    %dma_start3A_89 = arith.constant 6 : i32
    %dma_start3A_90 = arith.constant 0 : i32
    %dma_start3A_91 = tpu.memref_slice %arg6[%dma_start3A_89, %dma_start3A_90] : memref<78x128xi32, #tpu.memory_space<vmem>> -> memref<1x128xi32, #tpu.memory_space<vmem>>
    %dma_start3A_92 = tpu.memref_squeeze %dma_start3A_91 : memref<1x128xi32, #tpu.memory_space<vmem>> -> memref<128xi32, #tpu.memory_space<vmem>>
    %dma_start3A_93 = arith.constant 0 : i32
    %dma_start3A_94 = arith.constant 0 : i32
    %dma_start3A_95 = tpu.memref_slice %arg9[%dma_start3A_93, %dma_start3A_94] : memref<10240x128xf32, #tpu.memory_space<vmem_shared>> -> memref<10240x128xf32, #tpu.memory_space<vmem_shared>>
    tpu.enqueue_indirect_dma source(%arg8 : memref<128x128xf32, #tpu.memory_space<vmem>>) target(%dma_start3A_95 : memref<10240x128xf32, #tpu.memory_space<vmem_shared>>) offsets(%dma_start3A_92 : memref<128xi32, #tpu.memory_space<vmem>>) semaphore(%arg10 : memref<!tpu.dma_semaphore, #tpu.memory_space<semaphore_mem>>) {add = true}
    %dma_start3A_96 = arith.constant 7 : i32
    %dma_start3A_97 = arith.constant 0 : i32
    %dma_start3A_98 = tpu.memref_slice %arg6[%dma_start3A_96, %dma_start3A_97] : memref<78x128xi32, #tpu.memory_space<vmem>> -> memref<1x128xi32, #tpu.memory_space<vmem>>
    %dma_start3A_99 = tpu.memref_squeeze %dma_start3A_98 : memref<1x128xi32, #tpu.memory_space<vmem>> -> memref<128xi32, #tpu.memory_space<vmem>>
    %dma_start3A_100 = arith.constant 0 : i32
    %dma_start3A_101 = arith.constant 0 : i32
    %dma_start3A_102 = tpu.memref_slice %arg9[%dma_start3A_100, %dma_start3A_101] : memref<10240x128xf32, #tpu.memory_space<vmem_shared>> -> memref<10240x128xf32, #tpu.memory_space<vmem_shared>>
    tpu.enqueue_indirect_dma source(%arg8 : memref<128x128xf32, #tpu.memory_space<vmem>>) target(%dma_start3A_102 : memref<10240x128xf32, #tpu.memory_space<vmem_shared>>) offsets(%dma_start3A_99 : memref<128xi32, #tpu.memory_space<vmem>>) semaphore(%arg10 : memref<!tpu.dma_semaphore, #tpu.memory_space<semaphore_mem>>) {add = true}
    %scan3A_103 = arith.constant 0 : i32
    %scan3A_104 = arith.constant 8 : i32
    %scan3A_105 = arith.constant 70 : i32
    %scan3A_106 = arith.addi %scan3A_104, %scan3A_105 : i32
    %scan3A_107 = arith.constant 1 : i32
    scf.for %scan3A_181 = %scan3A_104 to %scan3A_106 step %scan3A_107  : i32 {
      %sub3A = arith.constant 8 : i32
      %sub3A_182 = arith.subi %scan3A_181, %sub3A : i32
      %dma_wait3A_183 = arith.constant 0 : i32
      %dma_wait3A_184 = tpu.memref_slice %arg6[%sub3A_182, %dma_wait3A_183] : memref<78x128xi32, #tpu.memory_space<vmem>> -> memref<1x128xi32, #tpu.memory_space<vmem>>
      %dma_wait3A_185 = tpu.memref_squeeze %dma_wait3A_184 : memref<1x128xi32, #tpu.memory_space<vmem>> -> memref<128xi32, #tpu.memory_space<vmem>>
      %dma_wait3A_186 = arith.constant 0 : i32
      %dma_wait3A_187 = arith.constant 0 : i32
      %dma_wait3A_188 = tpu.memref_slice %arg9[%dma_wait3A_186, %dma_wait3A_187] : memref<10240x128xf32, #tpu.memory_space<vmem_shared>> -> memref<10240x128xf32, #tpu.memory_space<vmem_shared>>
      tpu.wait_indirect_dma semaphore(%arg10 : memref<!tpu.dma_semaphore, #tpu.memory_space<semaphore_mem>>) src(%arg8 : memref<128x128xf32, #tpu.memory_space<vmem>>) dst(%dma_wait3A_188 : memref<10240x128xf32, #tpu.memory_space<vmem_shared>>)
      %dma_start3A_189 = arith.constant 0 : i32
      %dma_start3A_190 = tpu.memref_slice %arg6[%scan3A_181, %dma_start3A_189] : memref<78x128xi32, #tpu.memory_space<vmem>> -> memref<1x128xi32, #tpu.memory_space<vmem>>
      %dma_start3A_191 = tpu.memref_squeeze %dma_start3A_190 : memref<1x128xi32, #tpu.memory_space<vmem>> -> memref<128xi32, #tpu.memory_space<vmem>>
      %dma_start3A_192 = arith.constant 0 : i32
      %dma_start3A_193 = arith.constant 0 : i32
      %dma_start3A_194 = tpu.memref_slice %arg9[%dma_start3A_192, %dma_start3A_193] : memref<10240x128xf32, #tpu.memory_space<vmem_shared>> -> memref<10240x128xf32, #tpu.memory_space<vmem_shared>>
      tpu.enqueue_indirect_dma source(%arg8 : memref<128x128xf32, #tpu.memory_space<vmem>>) target(%dma_start3A_194 : memref<10240x128xf32, #tpu.memory_space<vmem_shared>>) offsets(%dma_start3A_191 : memref<128xi32, #tpu.memory_space<vmem>>) semaphore(%arg10 : memref<!tpu.dma_semaphore, #tpu.memory_space<semaphore_mem>>) {add = true}
    }
    %scan3A_108 = arith.constant 70 : i32
    %dma_wait3A_109 = arith.constant 70 : i32
    %dma_wait3A_110 = arith.constant 0 : i32
    %dma_wait3A_111 = tpu.memref_slice %arg6[%dma_wait3A_109, %dma_wait3A_110] : memref<78x128xi32, #tpu.memory_space<vmem>> -> memref<1x128xi32, #tpu.memory_space<vmem>>
    %dma_wait3A_112 = tpu.memref_squeeze %dma_wait3A_111 : memref<1x128xi32, #tpu.memory_space<vmem>> -> memref<128xi32, #tpu.memory_space<vmem>>
    %dma_wait3A_113 = arith.constant 0 : i32
    %dma_wait3A_114 = arith.constant 0 : i32
    %dma_wait3A_115 = tpu.memref_slice %arg9[%dma_wait3A_113, %dma_wait3A_114] : memref<10240x128xf32, #tpu.memory_space<vmem_shared>> -> memref<10240x128xf32, #tpu.memory_space<vmem_shared>>
    tpu.wait_indirect_dma semaphore(%arg10 : memref<!tpu.dma_semaphore, #tpu.memory_space<semaphore_mem>>) src(%arg8 : memref<128x128xf32, #tpu.memory_space<vmem>>) dst(%dma_wait3A_115 : memref<10240x128xf32, #tpu.memory_space<vmem_shared>>)
    %dma_wait3A_116 = arith.constant 71 : i32
    %dma_wait3A_117 = arith.constant 0 : i32
    %dma_wait3A_118 = tpu.memref_slice %arg6[%dma_wait3A_116, %dma_wait3A_117] : memref<78x128xi32, #tpu.memory_space<vmem>> -> memref<1x128xi32, #tpu.memory_space<vmem>>
    %dma_wait3A_119 = tpu.memref_squeeze %dma_wait3A_118 : memref<1x128xi32, #tpu.memory_space<vmem>> -> memref<128xi32, #tpu.memory_space<vmem>>
    %dma_wait3A_120 = arith.constant 0 : i32
    %dma_wait3A_121 = arith.constant 0 : i32
    %dma_wait3A_122 = tpu.memref_slice %arg9[%dma_wait3A_120, %dma_wait3A_121] : memref<10240x128xf32, #tpu.memory_space<vmem_shared>> -> memref<10240x128xf32, #tpu.memory_space<vmem_shared>>
    tpu.wait_indirect_dma semaphore(%arg10 : memref<!tpu.dma_semaphore, #tpu.memory_space<semaphore_mem>>) src(%arg8 : memref<128x128xf32, #tpu.memory_space<vmem>>) dst(%dma_wait3A_122 : memref<10240x128xf32, #tpu.memory_space<vmem_shared>>)
    %dma_wait3A_123 = arith.constant 72 : i32
    %dma_wait3A_124 = arith.constant 0 : i32
    %dma_wait3A_125 = tpu.memref_slice %arg6[%dma_wait3A_123, %dma_wait3A_124] : memref<78x128xi32, #tpu.memory_space<vmem>> -> memref<1x128xi32, #tpu.memory_space<vmem>>
    %dma_wait3A_126 = tpu.memref_squeeze %dma_wait3A_125 : memref<1x128xi32, #tpu.memory_space<vmem>> -> memref<128xi32, #tpu.memory_space<vmem>>
    %dma_wait3A_127 = arith.constant 0 : i32
    %dma_wait3A_128 = arith.constant 0 : i32
    %dma_wait3A_129 = tpu.memref_slice %arg9[%dma_wait3A_127, %dma_wait3A_128] : memref<10240x128xf32, #tpu.memory_space<vmem_shared>> -> memref<10240x128xf32, #tpu.memory_space<vmem_shared>>
    tpu.wait_indirect_dma semaphore(%arg10 : memref<!tpu.dma_semaphore, #tpu.memory_space<semaphore_mem>>) src(%arg8 : memref<128x128xf32, #tpu.memory_space<vmem>>) dst(%dma_wait3A_129 : memref<10240x128xf32, #tpu.memory_space<vmem_shared>>)
    %dma_wait3A_130 = arith.constant 73 : i32
    %dma_wait3A_131 = arith.constant 0 : i32
    %dma_wait3A_132 = tpu.memref_slice %arg6[%dma_wait3A_130, %dma_wait3A_131] : memref<78x128xi32, #tpu.memory_space<vmem>> -> memref<1x128xi32, #tpu.memory_space<vmem>>
    %dma_wait3A_133 = tpu.memref_squeeze %dma_wait3A_132 : memref<1x128xi32, #tpu.memory_space<vmem>> -> memref<128xi32, #tpu.memory_space<vmem>>
    %dma_wait3A_134 = arith.constant 0 : i32
    %dma_wait3A_135 = arith.constant 0 : i32
    %dma_wait3A_136 = tpu.memref_slice %arg9[%dma_wait3A_134, %dma_wait3A_135] : memref<10240x128xf32, #tpu.memory_space<vmem_shared>> -> memref<10240x128xf32, #tpu.memory_space<vmem_shared>>
    tpu.wait_indirect_dma semaphore(%arg10 : memref<!tpu.dma_semaphore, #tpu.memory_space<semaphore_mem>>) src(%arg8 : memref<128x128xf32, #tpu.memory_space<vmem>>) dst(%dma_wait3A_136 : memref<10240x128xf32, #tpu.memory_space<vmem_shared>>)
    %dma_wait3A_137 = arith.constant 74 : i32
    %dma_wait3A_138 = arith.constant 0 : i32
    %dma_wait3A_139 = tpu.memref_slice %arg6[%dma_wait3A_137, %dma_wait3A_138] : memref<78x128xi32, #tpu.memory_space<vmem>> -> memref<1x128xi32, #tpu.memory_space<vmem>>
    %dma_wait3A_140 = tpu.memref_squeeze %dma_wait3A_139 : memref<1x128xi32, #tpu.memory_space<vmem>> -> memref<128xi32, #tpu.memory_space<vmem>>
    %dma_wait3A_141 = arith.constant 0 : i32
    %dma_wait3A_142 = arith.constant 0 : i32
    %dma_wait3A_143 = tpu.memref_slice %arg9[%dma_wait3A_141, %dma_wait3A_142] : memref<10240x128xf32, #tpu.memory_space<vmem_shared>> -> memref<10240x128xf32, #tpu.memory_space<vmem_shared>>
    tpu.wait_indirect_dma semaphore(%arg10 : memref<!tpu.dma_semaphore, #tpu.memory_space<semaphore_mem>>) src(%arg8 : memref<128x128xf32, #tpu.memory_space<vmem>>) dst(%dma_wait3A_143 : memref<10240x128xf32, #tpu.memory_space<vmem_shared>>)
    %dma_wait3A_144 = arith.constant 75 : i32
    %dma_wait3A_145 = arith.constant 0 : i32
    %dma_wait3A_146 = tpu.memref_slice %arg6[%dma_wait3A_144, %dma_wait3A_145] : memref<78x128xi32, #tpu.memory_space<vmem>> -> memref<1x128xi32, #tpu.memory_space<vmem>>
    %dma_wait3A_147 = tpu.memref_squeeze %dma_wait3A_146 : memref<1x128xi32, #tpu.memory_space<vmem>> -> memref<128xi32, #tpu.memory_space<vmem>>
    %dma_wait3A_148 = arith.constant 0 : i32
    %dma_wait3A_149 = arith.constant 0 : i32
    %dma_wait3A_150 = tpu.memref_slice %arg9[%dma_wait3A_148, %dma_wait3A_149] : memref<10240x128xf32, #tpu.memory_space<vmem_shared>> -> memref<10240x128xf32, #tpu.memory_space<vmem_shared>>
    tpu.wait_indirect_dma semaphore(%arg10 : memref<!tpu.dma_semaphore, #tpu.memory_space<semaphore_mem>>) src(%arg8 : memref<128x128xf32, #tpu.memory_space<vmem>>) dst(%dma_wait3A_150 : memref<10240x128xf32, #tpu.memory_space<vmem_shared>>)
    %dma_wait3A_151 = arith.constant 76 : i32
    %dma_wait3A_152 = arith.constant 0 : i32
    %dma_wait3A_153 = tpu.memref_slice %arg6[%dma_wait3A_151, %dma_wait3A_152] : memref<78x128xi32, #tpu.memory_space<vmem>> -> memref<1x128xi32, #tpu.memory_space<vmem>>
    %dma_wait3A_154 = tpu.memref_squeeze %dma_wait3A_153 : memref<1x128xi32, #tpu.memory_space<vmem>> -> memref<128xi32, #tpu.memory_space<vmem>>
    %dma_wait3A_155 = arith.constant 0 : i32
    %dma_wait3A_156 = arith.constant 0 : i32
    %dma_wait3A_157 = tpu.memref_slice %arg9[%dma_wait3A_155, %dma_wait3A_156] : memref<10240x128xf32, #tpu.memory_space<vmem_shared>> -> memref<10240x128xf32, #tpu.memory_space<vmem_shared>>
    tpu.wait_indirect_dma semaphore(%arg10 : memref<!tpu.dma_semaphore, #tpu.memory_space<semaphore_mem>>) src(%arg8 : memref<128x128xf32, #tpu.memory_space<vmem>>) dst(%dma_wait3A_157 : memref<10240x128xf32, #tpu.memory_space<vmem_shared>>)
    %dma_wait3A_158 = arith.constant 77 : i32
    %dma_wait3A_159 = arith.constant 0 : i32
    %dma_wait3A_160 = tpu.memref_slice %arg6[%dma_wait3A_158, %dma_wait3A_159] : memref<78x128xi32, #tpu.memory_space<vmem>> -> memref<1x128xi32, #tpu.memory_space<vmem>>
    %dma_wait3A_161 = tpu.memref_squeeze %dma_wait3A_160 : memref<1x128xi32, #tpu.memory_space<vmem>> -> memref<128xi32, #tpu.memory_space<vmem>>
    %dma_wait3A_162 = arith.constant 0 : i32
    %dma_wait3A_163 = arith.constant 0 : i32
    %dma_wait3A_164 = tpu.memref_slice %arg9[%dma_wait3A_162, %dma_wait3A_163] : memref<10240x128xf32, #tpu.memory_space<vmem_shared>> -> memref<10240x128xf32, #tpu.memory_space<vmem_shared>>
    tpu.wait_indirect_dma semaphore(%arg10 : memref<!tpu.dma_semaphore, #tpu.memory_space<semaphore_mem>>) src(%arg8 : memref<128x128xf32, #tpu.memory_space<vmem>>) dst(%dma_wait3A_164 : memref<10240x128xf32, #tpu.memory_space<vmem_shared>>)
    "tpu.region"() ({
      %run_scoped3A = tpu.sem_alloc : memref<!tpu.dma_semaphore, #tpu.memory_space<semaphore_mem>>
      %dma_start3A_181 = arith.constant 0 : i32
      %dma_start3A_182 = arith.constant 0 : i32
      %dma_start3A_183 = tpu.memref_slice %arg8[%dma_start3A_181, %dma_start3A_182] : memref<128x128xf32, #tpu.memory_space<vmem>> -> memref<16x128xf32, #tpu.memory_space<vmem>>
      %dma_start3A_184 = arith.constant 0 : i32
      %dma_start3A_185 = arith.constant 0 : i32
      %dma_start3A_186 = tpu.memref_slice %arg9[%dma_start3A_184, %dma_start3A_185] : memref<10240x128xf32, #tpu.memory_space<vmem_shared>> -> memref<10240x128xf32, #tpu.memory_space<vmem_shared>>
      tpu.enqueue_indirect_dma source(%dma_start3A_183 : memref<16x128xf32, #tpu.memory_space<vmem>>) target(%dma_start3A_186 : memref<10240x128xf32, #tpu.memory_space<vmem_shared>>) offsets(%arg7 : memref<16xi32, #tpu.memory_space<vmem>>) semaphore(%run_scoped3A : memref<!tpu.dma_semaphore, #tpu.memory_space<semaphore_mem>>) {add = true}
      %dma_wait3A_187 = arith.constant 0 : i32
      %dma_wait3A_188 = arith.constant 0 : i32
      %dma_wait3A_189 = tpu.memref_slice %arg8[%dma_wait3A_187, %dma_wait3A_188] : memref<128x128xf32, #tpu.memory_space<vmem>> -> memref<16x128xf32, #tpu.memory_space<vmem>>
      %dma_wait3A_190 = arith.constant 0 : i32
      %dma_wait3A_191 = arith.constant 0 : i32
      %dma_wait3A_192 = tpu.memref_slice %arg9[%dma_wait3A_190, %dma_wait3A_191] : memref<10240x128xf32, #tpu.memory_space<vmem_shared>> -> memref<10240x128xf32, #tpu.memory_space<vmem_shared>>
      tpu.wait_indirect_dma semaphore(%run_scoped3A : memref<!tpu.dma_semaphore, #tpu.memory_space<semaphore_mem>>) src(%dma_wait3A_189 : memref<16x128xf32, #tpu.memory_space<vmem>>) dst(%dma_wait3A_192 : memref<10240x128xf32, #tpu.memory_space<vmem_shared>>)
      tpu.yield
    }) : () -> ()
    %barrier3A_165 = arith.constant 0 : index
    tpu.barrier barrier_id(%barrier3A_165)
    %scan3A_166 = arith.constant 0 : i32
    %scan3A_167 = arith.constant 0 : i32
    %scan3A_168 = arith.constant 5 : i32
    %scan3A_169 = arith.addi %scan3A_167, %scan3A_168 : i32
    %scan3A_170 = arith.constant 1 : i32
    scf.for %scan3A_181 = %scan3A_167 to %scan3A_169 step %scan3A_170  : i32 {
      %mul3A_182 = arith.constant 128 : i32
      %mul3A_183 = arith.muli %scan3A_181, %mul3A_182 : i32
      %add3A_184 = arith.addi %mul3A_2, %mul3A_183 : i32
      %mul3A_185 = arith.constant 128 : i32
      %mul3A_186 = arith.muli %scan3A_181, %mul3A_185 : i32
      %add3A_187 = arith.addi %mul3A_2, %mul3A_186 : i32
      %dma_start3A_188 = arith.constant 0 : i32
      %dma_start3A_189 = tpu.memref_slice %arg5[%arg0, %add3A_187, %dma_start3A_188] : memref<2x10240x128xf32, #tpu.memory_space<hbm>> -> memref<1x128x128xf32, #tpu.memory_space<hbm>>
      %dma_start3A_190 = tpu.memref_squeeze %dma_start3A_189 : memref<1x128x128xf32, #tpu.memory_space<hbm>> -> memref<128x128xf32, #tpu.memory_space<hbm>>
      %dma_start3A_191 = arith.constant 0 : i32
      %dma_start3A_192 = tpu.memref_slice %arg9[%add3A_184, %dma_start3A_191] : memref<10240x128xf32, #tpu.memory_space<vmem_shared>> -> memref<128x128xf32, #tpu.memory_space<vmem_shared>>
      tpu.enqueue_dma source(%dma_start3A_192 : memref<128x128xf32, #tpu.memory_space<vmem_shared>>) target(%dma_start3A_190 : memref<128x128xf32, #tpu.memory_space<hbm>>) target_semaphore(%arg11 : memref<!tpu.dma_semaphore, #tpu.memory_space<semaphore_mem>>)
      %gt3A = arith.constant 0 : i32
      %gt3A_193 = arith.cmpi sgt, %scan3A_181, %gt3A : i32
      %convert_element_type3A = arith.extui %gt3A_193 : i1 to i32
      %cond3A = arith.constant 0 : i32
      %cond3A_194 = arith.cmpi ne, %convert_element_type3A, %cond3A : i32
      scf.if %cond3A_194 {
        %sub3A = arith.constant 1 : i32
        %sub3A_195 = arith.subi %scan3A_181, %sub3A : i32
        %mul3A_196 = arith.constant 128 : i32
        %mul3A_197 = arith.muli %sub3A_195, %mul3A_196 : i32
        %add3A_198 = arith.addi %mul3A_2, %mul3A_197 : i32
        %sub3A_199 = arith.constant 1 : i32
        %sub3A_200 = arith.subi %scan3A_181, %sub3A_199 : i32
        %mul3A_201 = arith.constant 128 : i32
        %mul3A_202 = arith.muli %sub3A_200, %mul3A_201 : i32
        %add3A_203 = arith.addi %mul3A_2, %mul3A_202 : i32
        %dma_wait3A_204 = arith.constant 0 : i32
        %dma_wait3A_205 = tpu.memref_slice %arg5[%arg0, %add3A_203, %dma_wait3A_204] : memref<2x10240x128xf32, #tpu.memory_space<hbm>> -> memref<1x128x128xf32, #tpu.memory_space<hbm>>
        %dma_wait3A_206 = tpu.memref_squeeze %dma_wait3A_205 : memref<1x128x128xf32, #tpu.memory_space<hbm>> -> memref<128x128xf32, #tpu.memory_space<hbm>>
        %dma_wait3A_207 = arith.constant 0 : i32
        %dma_wait3A_208 = tpu.memref_slice %arg9[%add3A_198, %dma_wait3A_207] : memref<10240x128xf32, #tpu.memory_space<vmem_shared>> -> memref<128x128xf32, #tpu.memory_space<vmem_shared>>
        tpu.wait_dma2 semaphore(%arg11 : memref<!tpu.dma_semaphore, #tpu.memory_space<semaphore_mem>>) src(%dma_wait3A_208 : memref<128x128xf32, #tpu.memory_space<vmem_shared>>) dst(%dma_wait3A_206 : memref<128x128xf32, #tpu.memory_space<hbm>>)
      } else {
      }
    }
    %scan3A_171 = arith.constant 5 : i32
    %add3A_172 = arith.constant 512 : i32
    %add3A_173 = arith.addi %mul3A_2, %add3A_172 : i32
    %add3A_174 = arith.constant 512 : i32
    %add3A_175 = arith.addi %mul3A_2, %add3A_174 : i32
    %dma_wait3A_176 = arith.constant 0 : i32
    %dma_wait3A_177 = tpu.memref_slice %arg5[%arg0, %add3A_175, %dma_wait3A_176] : memref<2x10240x128xf32, #tpu.memory_space<hbm>> -> memref<1x128x128xf32, #tpu.memory_space<hbm>>
    %dma_wait3A_178 = tpu.memref_squeeze %dma_wait3A_177 : memref<1x128x128xf32, #tpu.memory_space<hbm>> -> memref<128x128xf32, #tpu.memory_space<hbm>>
    %dma_wait3A_179 = arith.constant 0 : i32
    %dma_wait3A_180 = tpu.memref_slice %arg9[%add3A_173, %dma_wait3A_179] : memref<10240x128xf32, #tpu.memory_space<vmem_shared>> -> memref<128x128xf32, #tpu.memory_space<vmem_shared>>
    tpu.wait_dma2 semaphore(%arg11 : memref<!tpu.dma_semaphore, #tpu.memory_space<semaphore_mem>>) src(%dma_wait3A_180 : memref<128x128xf32, #tpu.memory_space<vmem_shared>>) dst(%dma_wait3A_178 : memref<128x128xf32, #tpu.memory_space<hbm>>)
    return
  }
}

#map = affine_map<(d0, d1) -> (0, 0, 0)>
#map1 = affine_map<(d0, d1) -> (0, 0)>
module attributes {stable_mosaic.version = 14 : i64} {
  func.func @body(%arg0: i32, %arg1: i32, %arg2: memref<32x78x128xi32, #tpu.memory_space<hbm>>, %arg3: memref<32x16xi32, #tpu.memory_space<hbm>>, %arg4: memref<32x78x128xi32, #tpu.memory_space<hbm>>, %arg5: memref<32x16xi32, #tpu.memory_space<hbm>>, %arg6: memref<10000x128xf32, #tpu.memory_space<hbm>>, %arg7: memref<2x10240x128xf32, #tpu.memory_space<hbm>>, %arg8: memref<78x128xi32, #tpu.memory_space<vmem>>, %arg9: memref<16xi32, #tpu.memory_space<vmem>>, %arg10: memref<32x128xf32, #tpu.memory_space<vmem>>, %arg11: memref<32x128xf32, #tpu.memory_space<vmem>>, %arg12: memref<32x128xf32, #tpu.memory_space<vmem>>, %arg13: memref<32x128xf32, #tpu.memory_space<vmem>>, %arg14: memref<32x128xf32, #tpu.memory_space<vmem>>, %arg15: memref<!tpu.dma_semaphore, #tpu.memory_space<semaphore_mem>>, %arg16: memref<!tpu.dma_semaphore, #tpu.memory_space<semaphore_mem>>, %arg17: memref<!tpu.dma_semaphore, #tpu.memory_space<semaphore_mem>>, %arg18: memref<!tpu.dma_semaphore, #tpu.memory_space<semaphore_mem>>, %arg19: memref<!tpu.dma_semaphore, #tpu.memory_space<semaphore_mem>>, %arg20: memref<!tpu.dma_semaphore, #tpu.memory_space<semaphore_mem>>, %arg21: memref<!tpu.dma_semaphore, #tpu.memory_space<semaphore_mem>>, %arg22: memref<!tpu.dma_semaphore, #tpu.memory_space<semaphore_mem>>, %arg23: memref<!tpu.dma_semaphore, #tpu.memory_space<semaphore_mem>>, %arg24: memref<!tpu.dma_semaphore, #tpu.memory_space<semaphore_mem>>, %arg25: memref<!tpu.dma_semaphore, #tpu.memory_space<semaphore_mem>>, %arg26: memref<78x128xi32, #tpu.memory_space<vmem>>, %arg27: memref<16xi32, #tpu.memory_space<vmem>>, %arg28: memref<32x128xf32, #tpu.memory_space<vmem>>, %arg29: memref<10240x128xf32, #tpu.memory_space<vmem_shared>>, %arg30: memref<!tpu.dma_semaphore, #tpu.memory_space<semaphore_mem>>, %arg31: memref<!tpu.dma_semaphore, #tpu.memory_space<semaphore_mem>>) attributes {dimension_semantics = [#tpu.dimension_semantics<core_parallel>, #tpu.dimension_semantics<subcore_parallel>], iteration_bounds = array<i64: 2, 16>, scalar_prefetch = 0 : i64, scratch_operands = 24 : i64, tpu.core_type = #tpu.core_type<sc_vector_subcore>, window_params = [{transform_indices = #map}, {transform_indices = #map1}, {transform_indices = #map}, {transform_indices = #map1}, {transform_indices = #map1}, {transform_indices = #map}]} {
    %mul3A = arith.constant 16 : i32
    %mul3A_0 = arith.muli %arg0, %mul3A : i32
    %add3A = arith.addi %mul3A_0, %arg1 : i32
    %mul3A_1 = arith.constant 640 : i32
    %mul3A_2 = arith.muli %arg1, %mul3A_1 : i32
    %broadcast_in_dim3A = arith.constant 0.000000e+00 : f32
    %broadcast_in_dim3A_3 = vector.broadcast %broadcast_in_dim3A : f32 to vector<16xf32>
    %scan3A = arith.constant 0 : i32
    %scan3A_4 = arith.constant 0 : i32
    %scan3A_5 = arith.constant 32 : i32
    %scan3A_6 = arith.addi %scan3A_4, %scan3A_5 : i32
    %scan3A_7 = arith.constant 1 : i32
    scf.for %scan3A_139 = %scan3A_4 to %scan3A_6 step %scan3A_7  : i32 {
      %swap3A = arith.index_cast %scan3A_139 : i32 to index
      %swap3A_140 = arith.constant 0 : index
      %swap3A_141 = tpu.vector_load %arg28[%swap3A, %swap3A_140] {strides = array<i32>} : memref<32x128xf32, #tpu.memory_space<vmem>>, vector<1x16xf32>,
      %swap3A_142 = vector.shape_cast %swap3A_141 : vector<1x16xf32> to vector<16xf32>
      %swap3A_143 = vector.shape_cast %broadcast_in_dim3A_3 : vector<16xf32> to vector<1x16xf32>
      tpu.vector_store %arg28[%swap3A, %swap3A_140], %swap3A_143 {strides = array<i32>} : memref<32x128xf32, #tpu.memory_space<vmem>>, vector<1x16xf32>,
      %swap3A_144 = arith.index_cast %scan3A_139 : i32 to index
      %swap3A_145 = arith.constant 16 : index
      %swap3A_146 = tpu.vector_load %arg28[%swap3A_144, %swap3A_145] {strides = array<i32>} : memref<32x128xf32, #tpu.memory_space<vmem>>, vector<1x16xf32>,
      %swap3A_147 = vector.shape_cast %swap3A_146 : vector<1x16xf32> to vector<16xf32>
      %swap3A_148 = vector.shape_cast %broadcast_in_dim3A_3 : vector<16xf32> to vector<1x16xf32>
      tpu.vector_store %arg28[%swap3A_144, %swap3A_145], %swap3A_148 {strides = array<i32>} : memref<32x128xf32, #tpu.memory_space<vmem>>, vector<1x16xf32>,
      %swap3A_149 = arith.index_cast %scan3A_139 : i32 to index
      %swap3A_150 = arith.constant 32 : index
      %swap3A_151 = tpu.vector_load %arg28[%swap3A_149, %swap3A_150] {strides = array<i32>} : memref<32x128xf32, #tpu.memory_space<vmem>>, vector<1x16xf32>,
      %swap3A_152 = vector.shape_cast %swap3A_151 : vector<1x16xf32> to vector<16xf32>
      %swap3A_153 = vector.shape_cast %broadcast_in_dim3A_3 : vector<16xf32> to vector<1x16xf32>
      tpu.vector_store %arg28[%swap3A_149, %swap3A_150], %swap3A_153 {strides = array<i32>} : memref<32x128xf32, #tpu.memory_space<vmem>>, vector<1x16xf32>,
      %swap3A_154 = arith.index_cast %scan3A_139 : i32 to index
      %swap3A_155 = arith.constant 48 : index
      %swap3A_156 = tpu.vector_load %arg28[%swap3A_154, %swap3A_155] {strides = array<i32>} : memref<32x128xf32, #tpu.memory_space<vmem>>, vector<1x16xf32>,
      %swap3A_157 = vector.shape_cast %swap3A_156 : vector<1x16xf32> to vector<16xf32>
      %swap3A_158 = vector.shape_cast %broadcast_in_dim3A_3 : vector<16xf32> to vector<1x16xf32>
      tpu.vector_store %arg28[%swap3A_154, %swap3A_155], %swap3A_158 {strides = array<i32>} : memref<32x128xf32, #tpu.memory_space<vmem>>, vector<1x16xf32>,
      %swap3A_159 = arith.index_cast %scan3A_139 : i32 to index
      %swap3A_160 = arith.constant 64 : index
      %swap3A_161 = tpu.vector_load %arg28[%swap3A_159, %swap3A_160] {strides = array<i32>} : memref<32x128xf32, #tpu.memory_space<vmem>>, vector<1x16xf32>,
      %swap3A_162 = vector.shape_cast %swap3A_161 : vector<1x16xf32> to vector<16xf32>
      %swap3A_163 = vector.shape_cast %broadcast_in_dim3A_3 : vector<16xf32> to vector<1x16xf32>
      tpu.vector_store %arg28[%swap3A_159, %swap3A_160], %swap3A_163 {strides = array<i32>} : memref<32x128xf32, #tpu.memory_space<vmem>>, vector<1x16xf32>,
      %swap3A_164 = arith.index_cast %scan3A_139 : i32 to index
      %swap3A_165 = arith.constant 80 : index
      %swap3A_166 = tpu.vector_load %arg28[%swap3A_164, %swap3A_165] {strides = array<i32>} : memref<32x128xf32, #tpu.memory_space<vmem>>, vector<1x16xf32>,
      %swap3A_167 = vector.shape_cast %swap3A_166 : vector<1x16xf32> to vector<16xf32>
      %swap3A_168 = vector.shape_cast %broadcast_in_dim3A_3 : vector<16xf32> to vector<1x16xf32>
      tpu.vector_store %arg28[%swap3A_164, %swap3A_165], %swap3A_168 {strides = array<i32>} : memref<32x128xf32, #tpu.memory_space<vmem>>, vector<1x16xf32>,
      %swap3A_169 = arith.index_cast %scan3A_139 : i32 to index
      %swap3A_170 = arith.constant 96 : index
      %swap3A_171 = tpu.vector_load %arg28[%swap3A_169, %swap3A_170] {strides = array<i32>} : memref<32x128xf32, #tpu.memory_space<vmem>>, vector<1x16xf32>,
      %swap3A_172 = vector.shape_cast %swap3A_171 : vector<1x16xf32> to vector<16xf32>
      %swap3A_173 = vector.shape_cast %broadcast_in_dim3A_3 : vector<16xf32> to vector<1x16xf32>
      tpu.vector_store %arg28[%swap3A_169, %swap3A_170], %swap3A_173 {strides = array<i32>} : memref<32x128xf32, #tpu.memory_space<vmem>>, vector<1x16xf32>,
      %swap3A_174 = arith.index_cast %scan3A_139 : i32 to index
      %swap3A_175 = arith.constant 112 : index
      %swap3A_176 = tpu.vector_load %arg28[%swap3A_174, %swap3A_175] {strides = array<i32>} : memref<32x128xf32, #tpu.memory_space<vmem>>, vector<1x16xf32>,
      %swap3A_177 = vector.shape_cast %swap3A_176 : vector<1x16xf32> to vector<16xf32>
      %swap3A_178 = vector.shape_cast %broadcast_in_dim3A_3 : vector<16xf32> to vector<1x16xf32>
      tpu.vector_store %arg28[%swap3A_174, %swap3A_175], %swap3A_178 {strides = array<i32>} : memref<32x128xf32, #tpu.memory_space<vmem>>, vector<1x16xf32>,
    }
    %scan3A_8 = arith.constant 32 : i32
    %scan3A_9 = arith.constant 0 : i32
    %scan3A_10 = arith.constant 0 : i32
    %scan3A_11 = arith.constant 20 : i32
    %scan3A_12 = arith.addi %scan3A_10, %scan3A_11 : i32
    %scan3A_13 = arith.constant 1 : i32
    scf.for %scan3A_139 = %scan3A_10 to %scan3A_12 step %scan3A_13  : i32 {
      %mul3A_140 = arith.constant 32 : i32
      %mul3A_141 = arith.muli %scan3A_139, %mul3A_140 : i32
      %add3A_142 = arith.addi %mul3A_2, %mul3A_141 : i32
      %dma_start3A_143 = arith.constant 0 : i32
      %dma_start3A_144 = tpu.memref_slice %arg29[%add3A_142, %dma_start3A_143] : memref<10240x128xf32, #tpu.memory_space<vmem_shared>> -> memref<32x128xf32, #tpu.memory_space<vmem_shared>>
      %dma_start3A_145 = arith.constant 0 : i32
      %dma_start3A_146 = tpu.memref_slice %arg29[%add3A_142, %dma_start3A_145] : memref<10240x128xf32, #tpu.memory_space<vmem_shared>> -> memref<32x128xf32, #tpu.memory_space<vmem_shared>>
      tpu.enqueue_dma source(%arg28 : memref<32x128xf32, #tpu.memory_space<vmem>>) target(%dma_start3A_146 : memref<32x128xf32, #tpu.memory_space<vmem_shared>>) target_semaphore(%arg31 : memref<!tpu.dma_semaphore, #tpu.memory_space<semaphore_mem>>)
      %gt3A = arith.constant 0 : i32
      %gt3A_147 = arith.cmpi sgt, %scan3A_139, %gt3A : i32
      %convert_element_type3A = arith.extui %gt3A_147 : i1 to i32
      %cond3A = arith.constant 0 : i32
      %cond3A_148 = arith.cmpi ne, %convert_element_type3A, %cond3A : i32
      scf.if %cond3A_148 {
        %sub3A = arith.constant 1 : i32
        %sub3A_149 = arith.subi %scan3A_139, %sub3A : i32
        %mul3A_150 = arith.constant 32 : i32
        %mul3A_151 = arith.muli %sub3A_149, %mul3A_150 : i32
        %add3A_152 = arith.addi %mul3A_2, %mul3A_151 : i32
        %dma_wait3A_153 = arith.constant 0 : i32
        %dma_wait3A_154 = tpu.memref_slice %arg29[%add3A_152, %dma_wait3A_153] : memref<10240x128xf32, #tpu.memory_space<vmem_shared>> -> memref<32x128xf32, #tpu.memory_space<vmem_shared>>
        %dma_wait3A_155 = arith.constant 0 : i32
        %dma_wait3A_156 = tpu.memref_slice %arg29[%add3A_152, %dma_wait3A_155] : memref<10240x128xf32, #tpu.memory_space<vmem_shared>> -> memref<32x128xf32, #tpu.memory_space<vmem_shared>>
        tpu.wait_dma2 semaphore(%arg31 : memref<!tpu.dma_semaphore, #tpu.memory_space<semaphore_mem>>) src(%arg28 : memref<32x128xf32, #tpu.memory_space<vmem>>) dst(%dma_wait3A_156 : memref<32x128xf32, #tpu.memory_space<vmem_shared>>)
      } else {
      }
    }
    %scan3A_14 = arith.constant 20 : i32
    %dma_start3A = arith.constant 0 : i32
    %dma_start3A_15 = arith.constant 0 : i32
    %dma_start3A_16 = tpu.memref_slice %arg4[%add3A, %dma_start3A, %dma_start3A_15] : memref<32x78x128xi32, #tpu.memory_space<hbm>> -> memref<1x78x128xi32, #tpu.memory_space<hbm>>
    %dma_start3A_17 = tpu.memref_squeeze %dma_start3A_16 : memref<1x78x128xi32, #tpu.memory_space<hbm>> -> memref<78x128xi32, #tpu.memory_space<hbm>>
    %dma_start3A_18 = arith.constant 0 : i32
    %dma_start3A_19 = arith.constant 0 : i32
    %dma_start3A_20 = tpu.memref_slice %arg4[%add3A, %dma_start3A_18, %dma_start3A_19] : memref<32x78x128xi32, #tpu.memory_space<hbm>> -> memref<1x78x128xi32, #tpu.memory_space<hbm>>
    %dma_start3A_21 = tpu.memref_squeeze %dma_start3A_20 : memref<1x78x128xi32, #tpu.memory_space<hbm>> -> memref<78x128xi32, #tpu.memory_space<hbm>>
    tpu.enqueue_dma source(%dma_start3A_21 : memref<78x128xi32, #tpu.memory_space<hbm>>) target(%arg26 : memref<78x128xi32, #tpu.memory_space<vmem>>) target_semaphore(%arg30 : memref<!tpu.dma_semaphore, #tpu.memory_space<semaphore_mem>>)
    %dma_start3A_22 = arith.constant 0 : i32
    %dma_start3A_23 = tpu.memref_slice %arg5[%add3A, %dma_start3A_22] : memref<32x16xi32, #tpu.memory_space<hbm>> -> memref<1x16xi32, #tpu.memory_space<hbm>>
    %dma_start3A_24 = tpu.memref_squeeze %dma_start3A_23 : memref<1x16xi32, #tpu.memory_space<hbm>> -> memref<16xi32, #tpu.memory_space<hbm>>
    %dma_start3A_25 = arith.constant 0 : i32
    %dma_start3A_26 = tpu.memref_slice %arg5[%add3A, %dma_start3A_25] : memref<32x16xi32, #tpu.memory_space<hbm>> -> memref<1x16xi32, #tpu.memory_space<hbm>>
    %dma_start3A_27 = tpu.memref_squeeze %dma_start3A_26 : memref<1x16xi32, #tpu.memory_space<hbm>> -> memref<16xi32, #tpu.memory_space<hbm>>
    tpu.enqueue_dma source(%dma_start3A_27 : memref<16xi32, #tpu.memory_space<hbm>>) target(%arg27 : memref<16xi32, #tpu.memory_space<vmem>>) target_semaphore(%arg21 : memref<!tpu.dma_semaphore, #tpu.memory_space<semaphore_mem>>)
    %dma_start3A_28 = arith.constant 0 : i32
    %dma_start3A_29 = arith.constant 0 : i32
    %dma_start3A_30 = tpu.memref_slice %arg2[%add3A, %dma_start3A_28, %dma_start3A_29] : memref<32x78x128xi32, #tpu.memory_space<hbm>> -> memref<1x78x128xi32, #tpu.memory_space<hbm>>
    %dma_start3A_31 = tpu.memref_squeeze %dma_start3A_30 : memref<1x78x128xi32, #tpu.memory_space<hbm>> -> memref<78x128xi32, #tpu.memory_space<hbm>>
    %dma_start3A_32 = arith.constant 0 : i32
    %dma_start3A_33 = arith.constant 0 : i32
    %dma_start3A_34 = tpu.memref_slice %arg2[%add3A, %dma_start3A_32, %dma_start3A_33] : memref<32x78x128xi32, #tpu.memory_space<hbm>> -> memref<1x78x128xi32, #tpu.memory_space<hbm>>
    %dma_start3A_35 = tpu.memref_squeeze %dma_start3A_34 : memref<1x78x128xi32, #tpu.memory_space<hbm>> -> memref<78x128xi32, #tpu.memory_space<hbm>>
    tpu.enqueue_dma source(%dma_start3A_35 : memref<78x128xi32, #tpu.memory_space<hbm>>) target(%arg8 : memref<78x128xi32, #tpu.memory_space<vmem>>) target_semaphore(%arg15 : memref<!tpu.dma_semaphore, #tpu.memory_space<semaphore_mem>>)
    %dma_start3A_36 = arith.constant 0 : i32
    %dma_start3A_37 = tpu.memref_slice %arg3[%add3A, %dma_start3A_36] : memref<32x16xi32, #tpu.memory_space<hbm>> -> memref<1x16xi32, #tpu.memory_space<hbm>>
    %dma_start3A_38 = tpu.memref_squeeze %dma_start3A_37 : memref<1x16xi32, #tpu.memory_space<hbm>> -> memref<16xi32, #tpu.memory_space<hbm>>
    %dma_start3A_39 = arith.constant 0 : i32
    %dma_start3A_40 = tpu.memref_slice %arg3[%add3A, %dma_start3A_39] : memref<32x16xi32, #tpu.memory_space<hbm>> -> memref<1x16xi32, #tpu.memory_space<hbm>>
    %dma_start3A_41 = tpu.memref_squeeze %dma_start3A_40 : memref<1x16xi32, #tpu.memory_space<hbm>> -> memref<16xi32, #tpu.memory_space<hbm>>
    tpu.enqueue_dma source(%dma_start3A_41 : memref<16xi32, #tpu.memory_space<hbm>>) target(%arg9 : memref<16xi32, #tpu.memory_space<vmem>>) target_semaphore(%arg16 : memref<!tpu.dma_semaphore, #tpu.memory_space<semaphore_mem>>)
    %dma_wait3A = arith.constant 0 : i32
    %dma_wait3A_42 = arith.constant 0 : i32
    %dma_wait3A_43 = tpu.memref_slice %arg2[%add3A, %dma_wait3A, %dma_wait3A_42] : memref<32x78x128xi32, #tpu.memory_space<hbm>> -> memref<1x78x128xi32, #tpu.memory_space<hbm>>
    %dma_wait3A_44 = tpu.memref_squeeze %dma_wait3A_43 : memref<1x78x128xi32, #tpu.memory_space<hbm>> -> memref<78x128xi32, #tpu.memory_space<hbm>>
    %dma_wait3A_45 = arith.constant 0 : i32
    %dma_wait3A_46 = arith.constant 0 : i32
    %dma_wait3A_47 = tpu.memref_slice %arg2[%add3A, %dma_wait3A_45, %dma_wait3A_46] : memref<32x78x128xi32, #tpu.memory_space<hbm>> -> memref<1x78x128xi32, #tpu.memory_space<hbm>>
    %dma_wait3A_48 = tpu.memref_squeeze %dma_wait3A_47 : memref<1x78x128xi32, #tpu.memory_space<hbm>> -> memref<78x128xi32, #tpu.memory_space<hbm>>
    tpu.wait_dma2 semaphore(%arg15 : memref<!tpu.dma_semaphore, #tpu.memory_space<semaphore_mem>>) src(%dma_wait3A_48 : memref<78x128xi32, #tpu.memory_space<hbm>>) dst(%arg8 : memref<78x128xi32, #tpu.memory_space<vmem>>)
    %dma_wait3A_49 = arith.constant 0 : i32
    %dma_wait3A_50 = tpu.memref_slice %arg3[%add3A, %dma_wait3A_49] : memref<32x16xi32, #tpu.memory_space<hbm>> -> memref<1x16xi32, #tpu.memory_space<hbm>>
    %dma_wait3A_51 = tpu.memref_squeeze %dma_wait3A_50 : memref<1x16xi32, #tpu.memory_space<hbm>> -> memref<16xi32, #tpu.memory_space<hbm>>
    %dma_wait3A_52 = arith.constant 0 : i32
    %dma_wait3A_53 = tpu.memref_slice %arg3[%add3A, %dma_wait3A_52] : memref<32x16xi32, #tpu.memory_space<hbm>> -> memref<1x16xi32, #tpu.memory_space<hbm>>
    %dma_wait3A_54 = tpu.memref_squeeze %dma_wait3A_53 : memref<1x16xi32, #tpu.memory_space<hbm>> -> memref<16xi32, #tpu.memory_space<hbm>>
    tpu.wait_dma2 semaphore(%arg16 : memref<!tpu.dma_semaphore, #tpu.memory_space<semaphore_mem>>) src(%dma_wait3A_54 : memref<16xi32, #tpu.memory_space<hbm>>) dst(%arg9 : memref<16xi32, #tpu.memory_space<vmem>>)
    %dma_wait3A_55 = arith.constant 0 : i32
    %dma_wait3A_56 = tpu.memref_slice %arg5[%add3A, %dma_wait3A_55] : memref<32x16xi32, #tpu.memory_space<hbm>> -> memref<1x16xi32, #tpu.memory_space<hbm>>
    %dma_wait3A_57 = tpu.memref_squeeze %dma_wait3A_56 : memref<1x16xi32, #tpu.memory_space<hbm>> -> memref<16xi32, #tpu.memory_space<hbm>>
    %dma_wait3A_58 = arith.constant 0 : i32
    %dma_wait3A_59 = tpu.memref_slice %arg5[%add3A, %dma_wait3A_58] : memref<32x16xi32, #tpu.memory_space<hbm>> -> memref<1x16xi32, #tpu.memory_space<hbm>>
    %dma_wait3A_60 = tpu.memref_squeeze %dma_wait3A_59 : memref<1x16xi32, #tpu.memory_space<hbm>> -> memref<16xi32, #tpu.memory_space<hbm>>
    tpu.wait_dma2 semaphore(%arg21 : memref<!tpu.dma_semaphore, #tpu.memory_space<semaphore_mem>>) src(%dma_wait3A_60 : memref<16xi32, #tpu.memory_space<hbm>>) dst(%arg27 : memref<16xi32, #tpu.memory_space<vmem>>)
    %dma_wait3A_61 = arith.constant 0 : i32
    %dma_wait3A_62 = arith.constant 0 : i32
    %dma_wait3A_63 = tpu.memref_slice %arg4[%add3A, %dma_wait3A_61, %dma_wait3A_62] : memref<32x78x128xi32, #tpu.memory_space<hbm>> -> memref<1x78x128xi32, #tpu.memory_space<hbm>>
    %dma_wait3A_64 = tpu.memref_squeeze %dma_wait3A_63 : memref<1x78x128xi32, #tpu.memory_space<hbm>> -> memref<78x128xi32, #tpu.memory_space<hbm>>
    %dma_wait3A_65 = arith.constant 0 : i32
    %dma_wait3A_66 = arith.constant 0 : i32
    %dma_wait3A_67 = tpu.memref_slice %arg4[%add3A, %dma_wait3A_65, %dma_wait3A_66] : memref<32x78x128xi32, #tpu.memory_space<hbm>> -> memref<1x78x128xi32, #tpu.memory_space<hbm>>
    %dma_wait3A_68 = tpu.memref_squeeze %dma_wait3A_67 : memref<1x78x128xi32, #tpu.memory_space<hbm>> -> memref<78x128xi32, #tpu.memory_space<hbm>>
    tpu.wait_dma2 semaphore(%arg30 : memref<!tpu.dma_semaphore, #tpu.memory_space<semaphore_mem>>) src(%dma_wait3A_68 : memref<78x128xi32, #tpu.memory_space<hbm>>) dst(%arg26 : memref<78x128xi32, #tpu.memory_space<vmem>>)
    %add3A_69 = arith.constant 608 : i32
    %add3A_70 = arith.addi %mul3A_2, %add3A_69 : i32
    %dma_wait3A_71 = arith.constant 0 : i32
    %dma_wait3A_72 = tpu.memref_slice %arg29[%add3A_70, %dma_wait3A_71] : memref<10240x128xf32, #tpu.memory_space<vmem_shared>> -> memref<32x128xf32, #tpu.memory_space<vmem_shared>>
    %dma_wait3A_73 = arith.constant 0 : i32
    %dma_wait3A_74 = tpu.memref_slice %arg29[%add3A_70, %dma_wait3A_73] : memref<10240x128xf32, #tpu.memory_space<vmem_shared>> -> memref<32x128xf32, #tpu.memory_space<vmem_shared>>
    tpu.wait_dma2 semaphore(%arg31 : memref<!tpu.dma_semaphore, #tpu.memory_space<semaphore_mem>>) src(%arg28 : memref<32x128xf32, #tpu.memory_space<vmem>>) dst(%dma_wait3A_74 : memref<32x128xf32, #tpu.memory_space<vmem_shared>>)
    %dma_start3A_75 = arith.constant 0 : i32
    %dma_start3A_76 = arith.constant 0 : i32
    %dma_start3A_77 = tpu.memref_slice %arg8[%dma_start3A_75, %dma_start3A_76] : memref<78x128xi32, #tpu.memory_space<vmem>> -> memref<1x32xi32, #tpu.memory_space<vmem>>
    %dma_start3A_78 = tpu.memref_squeeze %dma_start3A_77 : memref<1x32xi32, #tpu.memory_space<vmem>> -> memref<32xi32, #tpu.memory_space<vmem>>
    %dma_start3A_79 = arith.constant 0 : i32
    %dma_start3A_80 = arith.constant 0 : i32
    %dma_start3A_81 = tpu.memref_slice %arg6[%dma_start3A_79, %dma_start3A_80] : memref<10000x128xf32, #tpu.memory_space<hbm>> -> memref<10000x128xf32, #tpu.memory_space<hbm>>
    tpu.enqueue_indirect_dma source(%dma_start3A_81 : memref<10000x128xf32, #tpu.memory_space<hbm>>) target(%arg28 : memref<32x128xf32, #tpu.memory_space<vmem>>) offsets(%dma_start3A_78 : memref<32xi32, #tpu.memory_space<vmem>>) semaphore(%arg15 : memref<!tpu.dma_semaphore, #tpu.memory_space<semaphore_mem>>)
    %dma_start3A_82 = arith.constant 0 : i32
    %dma_start3A_83 = arith.constant 32 : i32
    %dma_start3A_84 = tpu.memref_slice %arg8[%dma_start3A_82, %dma_start3A_83] : memref<78x128xi32, #tpu.memory_space<vmem>> -> memref<1x32xi32, #tpu.memory_space<vmem>>
    %dma_start3A_85 = tpu.memref_squeeze %dma_start3A_84 : memref<1x32xi32, #tpu.memory_space<vmem>> -> memref<32xi32, #tpu.memory_space<vmem>>
    %dma_start3A_86 = arith.constant 0 : i32
    %dma_start3A_87 = arith.constant 0 : i32
    %dma_start3A_88 = tpu.memref_slice %arg6[%dma_start3A_86, %dma_start3A_87] : memref<10000x128xf32, #tpu.memory_space<hbm>> -> memref<10000x128xf32, #tpu.memory_space<hbm>>
    tpu.enqueue_indirect_dma source(%dma_start3A_88 : memref<10000x128xf32, #tpu.memory_space<hbm>>) target(%arg10 : memref<32x128xf32, #tpu.memory_space<vmem>>) offsets(%dma_start3A_85 : memref<32xi32, #tpu.memory_space<vmem>>) semaphore(%arg16 : memref<!tpu.dma_semaphore, #tpu.memory_space<semaphore_mem>>)
    %dma_start3A_89 = arith.constant 0 : i32
    %dma_start3A_90 = arith.constant 64 : i32
    %dma_start3A_91 = tpu.memref_slice %arg8[%dma_start3A_89, %dma_start3A_90] : memref<78x128xi32, #tpu.memory_space<vmem>> -> memref<1x32xi32, #tpu.memory_space<vmem>>
    %dma_start3A_92 = tpu.memref_squeeze %dma_start3A_91 : memref<1x32xi32, #tpu.memory_space<vmem>> -> memref<32xi32, #tpu.memory_space<vmem>>
    %dma_start3A_93 = arith.constant 0 : i32
    %dma_start3A_94 = arith.constant 0 : i32
    %dma_start3A_95 = tpu.memref_slice %arg6[%dma_start3A_93, %dma_start3A_94] : memref<10000x128xf32, #tpu.memory_space<hbm>> -> memref<10000x128xf32, #tpu.memory_space<hbm>>
    tpu.enqueue_indirect_dma source(%dma_start3A_95 : memref<10000x128xf32, #tpu.memory_space<hbm>>) target(%arg11 : memref<32x128xf32, #tpu.memory_space<vmem>>) offsets(%dma_start3A_92 : memref<32xi32, #tpu.memory_space<vmem>>) semaphore(%arg17 : memref<!tpu.dma_semaphore, #tpu.memory_space<semaphore_mem>>)
    %dma_start3A_96 = arith.constant 0 : i32
    %dma_start3A_97 = arith.constant 96 : i32
    %dma_start3A_98 = tpu.memref_slice %arg8[%dma_start3A_96, %dma_start3A_97] : memref<78x128xi32, #tpu.memory_space<vmem>> -> memref<1x32xi32, #tpu.memory_space<vmem>>
    %dma_start3A_99 = tpu.memref_squeeze %dma_start3A_98 : memref<1x32xi32, #tpu.memory_space<vmem>> -> memref<32xi32, #tpu.memory_space<vmem>>
    %dma_start3A_100 = arith.constant 0 : i32
    %dma_start3A_101 = arith.constant 0 : i32
    %dma_start3A_102 = tpu.memref_slice %arg6[%dma_start3A_100, %dma_start3A_101] : memref<10000x128xf32, #tpu.memory_space<hbm>> -> memref<10000x128xf32, #tpu.memory_space<hbm>>
    tpu.enqueue_indirect_dma source(%dma_start3A_102 : memref<10000x128xf32, #tpu.memory_space<hbm>>) target(%arg12 : memref<32x128xf32, #tpu.memory_space<vmem>>) offsets(%dma_start3A_99 : memref<32xi32, #tpu.memory_space<vmem>>) semaphore(%arg18 : memref<!tpu.dma_semaphore, #tpu.memory_space<semaphore_mem>>)
    %dma_start3A_103 = arith.constant 1 : i32
    %dma_start3A_104 = arith.constant 0 : i32
    %dma_start3A_105 = tpu.memref_slice %arg8[%dma_start3A_103, %dma_start3A_104] : memref<78x128xi32, #tpu.memory_space<vmem>> -> memref<1x32xi32, #tpu.memory_space<vmem>>
    %dma_start3A_106 = tpu.memref_squeeze %dma_start3A_105 : memref<1x32xi32, #tpu.memory_space<vmem>> -> memref<32xi32, #tpu.memory_space<vmem>>
    %dma_start3A_107 = arith.constant 0 : i32
    %dma_start3A_108 = arith.constant 0 : i32
    %dma_start3A_109 = tpu.memref_slice %arg6[%dma_start3A_107, %dma_start3A_108] : memref<10000x128xf32, #tpu.memory_space<hbm>> -> memref<10000x128xf32, #tpu.memory_space<hbm>>
    tpu.enqueue_indirect_dma source(%dma_start3A_109 : memref<10000x128xf32, #tpu.memory_space<hbm>>) target(%arg13 : memref<32x128xf32, #tpu.memory_space<vmem>>) offsets(%dma_start3A_106 : memref<32xi32, #tpu.memory_space<vmem>>) semaphore(%arg19 : memref<!tpu.dma_semaphore, #tpu.memory_space<semaphore_mem>>)
    %dma_start3A_110 = arith.constant 1 : i32
    %dma_start3A_111 = arith.constant 32 : i32
    %dma_start3A_112 = tpu.memref_slice %arg8[%dma_start3A_110, %dma_start3A_111] : memref<78x128xi32, #tpu.memory_space<vmem>> -> memref<1x32xi32, #tpu.memory_space<vmem>>
    %dma_start3A_113 = tpu.memref_squeeze %dma_start3A_112 : memref<1x32xi32, #tpu.memory_space<vmem>> -> memref<32xi32, #tpu.memory_space<vmem>>
    %dma_start3A_114 = arith.constant 0 : i32
    %dma_start3A_115 = arith.constant 0 : i32
    %dma_start3A_116 = tpu.memref_slice %arg6[%dma_start3A_114, %dma_start3A_115] : memref<10000x128xf32, #tpu.memory_space<hbm>> -> memref<10000x128xf32, #tpu.memory_space<hbm>>
    tpu.enqueue_indirect_dma source(%dma_start3A_116 : memref<10000x128xf32, #tpu.memory_space<hbm>>) target(%arg14 : memref<32x128xf32, #tpu.memory_space<vmem>>) offsets(%dma_start3A_113 : memref<32xi32, #tpu.memory_space<vmem>>) semaphore(%arg20 : memref<!tpu.dma_semaphore, #tpu.memory_space<semaphore_mem>>)
    %barrier3A = arith.constant 0 : index
    tpu.barrier barrier_id(%barrier3A)
    %scan3A_117 = arith.constant 0 : i32
    %scan3A_118 = arith.constant 0 : i32
    %scan3A_119 = arith.constant 52 : i32
    %scan3A_120 = arith.addi %scan3A_118, %scan3A_119 : i32
    %scan3A_121 = arith.constant 1 : i32
    scf.for %scan3A_139 = %scan3A_118 to %scan3A_120 step %scan3A_121  : i32 {
      %mul3A_140 = arith.constant 6 : i32
      %mul3A_141 = arith.muli %scan3A_139, %mul3A_140 : i32
      %add3A_142 = arith.constant 0 : i32
      %add3A_143 = arith.addi %mul3A_141, %add3A_142 : i32
      %div3A = arith.constant 4 : i32
      %div3A_144 = arith.divsi %add3A_143, %div3A : i32
      %rem3A = arith.constant 4 : i32
      %rem3A_145 = arith.remsi %add3A_143, %rem3A : i32
      %mul3A_146 = arith.constant 32 : i32
      %mul3A_147 = arith.muli %rem3A_145, %mul3A_146 : i32
      %dma_wait3A_148 = tpu.memref_slice %arg8[%div3A_144, %mul3A_147] : memref<78x128xi32, #tpu.memory_space<vmem>> -> memref<1x32xi32, #tpu.memory_space<vmem>>
      %dma_wait3A_149 = tpu.memref_squeeze %dma_wait3A_148 : memref<1x32xi32, #tpu.memory_space<vmem>> -> memref<32xi32, #tpu.memory_space<vmem>>
      %dma_wait3A_150 = arith.constant 0 : i32
      %dma_wait3A_151 = arith.constant 0 : i32
      %dma_wait3A_152 = tpu.memref_slice %arg6[%dma_wait3A_150, %dma_wait3A_151] : memref<10000x128xf32, #tpu.memory_space<hbm>> -> memref<10000x128xf32, #tpu.memory_space<hbm>>
      tpu.wait_indirect_dma semaphore(%arg15 : memref<!tpu.dma_semaphore, #tpu.memory_space<semaphore_mem>>) src(%dma_wait3A_152 : memref<10000x128xf32, #tpu.memory_space<hbm>>) dst(%arg28 : memref<32x128xf32, #tpu.memory_space<vmem>>)
      %add3A_153 = arith.constant 0 : i32
      %add3A_154 = arith.addi %mul3A_141, %add3A_153 : i32
      %div3A_155 = arith.constant 4 : i32
      %div3A_156 = arith.divsi %add3A_154, %div3A_155 : i32
      %rem3A_157 = arith.constant 4 : i32
      %rem3A_158 = arith.remsi %add3A_154, %rem3A_157 : i32
      %mul3A_159 = arith.constant 32 : i32
      %mul3A_160 = arith.muli %rem3A_158, %mul3A_159 : i32
      %dma_start3A_161 = tpu.memref_slice %arg26[%div3A_156, %mul3A_160] : memref<78x128xi32, #tpu.memory_space<vmem>> -> memref<1x32xi32, #tpu.memory_space<vmem>>
      %dma_start3A_162 = tpu.memref_squeeze %dma_start3A_161 : memref<1x32xi32, #tpu.memory_space<vmem>> -> memref<32xi32, #tpu.memory_space<vmem>>
      %dma_start3A_163 = arith.constant 0 : i32
      %dma_start3A_164 = arith.constant 0 : i32
      %dma_start3A_165 = tpu.memref_slice %arg29[%dma_start3A_163, %dma_start3A_164] : memref<10240x128xf32, #tpu.memory_space<vmem_shared>> -> memref<10240x128xf32, #tpu.memory_space<vmem_shared>>
      tpu.enqueue_indirect_dma source(%arg28 : memref<32x128xf32, #tpu.memory_space<vmem>>) target(%dma_start3A_165 : memref<10240x128xf32, #tpu.memory_space<vmem_shared>>) offsets(%dma_start3A_162 : memref<32xi32, #tpu.memory_space<vmem>>) semaphore(%arg30 : memref<!tpu.dma_semaphore, #tpu.memory_space<semaphore_mem>>) {add = true}
      %add3A_166 = arith.constant 1 : i32
      %add3A_167 = arith.addi %mul3A_141, %add3A_166 : i32
      %div3A_168 = arith.constant 4 : i32
      %div3A_169 = arith.divsi %add3A_167, %div3A_168 : i32
      %rem3A_170 = arith.constant 4 : i32
      %rem3A_171 = arith.remsi %add3A_167, %rem3A_170 : i32
      %mul3A_172 = arith.constant 32 : i32
      %mul3A_173 = arith.muli %rem3A_171, %mul3A_172 : i32
      %dma_wait3A_174 = tpu.memref_slice %arg8[%div3A_169, %mul3A_173] : memref<78x128xi32, #tpu.memory_space<vmem>> -> memref<1x32xi32, #tpu.memory_space<vmem>>
      %dma_wait3A_175 = tpu.memref_squeeze %dma_wait3A_174 : memref<1x32xi32, #tpu.memory_space<vmem>> -> memref<32xi32, #tpu.memory_space<vmem>>
      %dma_wait3A_176 = arith.constant 0 : i32
      %dma_wait3A_177 = arith.constant 0 : i32
      %dma_wait3A_178 = tpu.memref_slice %arg6[%dma_wait3A_176, %dma_wait3A_177] : memref<10000x128xf32, #tpu.memory_space<hbm>> -> memref<10000x128xf32, #tpu.memory_space<hbm>>
      tpu.wait_indirect_dma semaphore(%arg16 : memref<!tpu.dma_semaphore, #tpu.memory_space<semaphore_mem>>) src(%dma_wait3A_178 : memref<10000x128xf32, #tpu.memory_space<hbm>>) dst(%arg10 : memref<32x128xf32, #tpu.memory_space<vmem>>)
      %add3A_179 = arith.constant 1 : i32
      %add3A_180 = arith.addi %mul3A_141, %add3A_179 : i32
      %div3A_181 = arith.constant 4 : i32
      %div3A_182 = arith.divsi %add3A_180, %div3A_181 : i32
      %rem3A_183 = arith.constant 4 : i32
      %rem3A_184 = arith.remsi %add3A_180, %rem3A_183 : i32
      %mul3A_185 = arith.constant 32 : i32
      %mul3A_186 = arith.muli %rem3A_184, %mul3A_185 : i32
      %dma_start3A_187 = tpu.memref_slice %arg26[%div3A_182, %mul3A_186] : memref<78x128xi32, #tpu.memory_space<vmem>> -> memref<1x32xi32, #tpu.memory_space<vmem>>
      %dma_start3A_188 = tpu.memref_squeeze %dma_start3A_187 : memref<1x32xi32, #tpu.memory_space<vmem>> -> memref<32xi32, #tpu.memory_space<vmem>>
      %dma_start3A_189 = arith.constant 0 : i32
      %dma_start3A_190 = arith.constant 0 : i32
      %dma_start3A_191 = tpu.memref_slice %arg29[%dma_start3A_189, %dma_start3A_190] : memref<10240x128xf32, #tpu.memory_space<vmem_shared>> -> memref<10240x128xf32, #tpu.memory_space<vmem_shared>>
      tpu.enqueue_indirect_dma source(%arg10 : memref<32x128xf32, #tpu.memory_space<vmem>>) target(%dma_start3A_191 : memref<10240x128xf32, #tpu.memory_space<vmem_shared>>) offsets(%dma_start3A_188 : memref<32xi32, #tpu.memory_space<vmem>>) semaphore(%arg21 : memref<!tpu.dma_semaphore, #tpu.memory_space<semaphore_mem>>) {add = true}
      %add3A_192 = arith.constant 2 : i32
      %add3A_193 = arith.addi %mul3A_141, %add3A_192 : i32
      %div3A_194 = arith.constant 4 : i32
      %div3A_195 = arith.divsi %add3A_193, %div3A_194 : i32
      %rem3A_196 = arith.constant 4 : i32
      %rem3A_197 = arith.remsi %add3A_193, %rem3A_196 : i32
      %mul3A_198 = arith.constant 32 : i32
      %mul3A_199 = arith.muli %rem3A_197, %mul3A_198 : i32
      %dma_wait3A_200 = tpu.memref_slice %arg8[%div3A_195, %mul3A_199] : memref<78x128xi32, #tpu.memory_space<vmem>> -> memref<1x32xi32, #tpu.memory_space<vmem>>
      %dma_wait3A_201 = tpu.memref_squeeze %dma_wait3A_200 : memref<1x32xi32, #tpu.memory_space<vmem>> -> memref<32xi32, #tpu.memory_space<vmem>>
      %dma_wait3A_202 = arith.constant 0 : i32
      %dma_wait3A_203 = arith.constant 0 : i32
      %dma_wait3A_204 = tpu.memref_slice %arg6[%dma_wait3A_202, %dma_wait3A_203] : memref<10000x128xf32, #tpu.memory_space<hbm>> -> memref<10000x128xf32, #tpu.memory_space<hbm>>
      tpu.wait_indirect_dma semaphore(%arg17 : memref<!tpu.dma_semaphore, #tpu.memory_space<semaphore_mem>>) src(%dma_wait3A_204 : memref<10000x128xf32, #tpu.memory_space<hbm>>) dst(%arg11 : memref<32x128xf32, #tpu.memory_space<vmem>>)
      %add3A_205 = arith.constant 2 : i32
      %add3A_206 = arith.addi %mul3A_141, %add3A_205 : i32
      %div3A_207 = arith.constant 4 : i32
      %div3A_208 = arith.divsi %add3A_206, %div3A_207 : i32
      %rem3A_209 = arith.constant 4 : i32
      %rem3A_210 = arith.remsi %add3A_206, %rem3A_209 : i32
      %mul3A_211 = arith.constant 32 : i32
      %mul3A_212 = arith.muli %rem3A_210, %mul3A_211 : i32
      %dma_start3A_213 = tpu.memref_slice %arg26[%div3A_208, %mul3A_212] : memref<78x128xi32, #tpu.memory_space<vmem>> -> memref<1x32xi32, #tpu.memory_space<vmem>>
      %dma_start3A_214 = tpu.memref_squeeze %dma_start3A_213 : memref<1x32xi32, #tpu.memory_space<vmem>> -> memref<32xi32, #tpu.memory_space<vmem>>
      %dma_start3A_215 = arith.constant 0 : i32
      %dma_start3A_216 = arith.constant 0 : i32
      %dma_start3A_217 = tpu.memref_slice %arg29[%dma_start3A_215, %dma_start3A_216] : memref<10240x128xf32, #tpu.memory_space<vmem_shared>> -> memref<10240x128xf32, #tpu.memory_space<vmem_shared>>
      tpu.enqueue_indirect_dma source(%arg11 : memref<32x128xf32, #tpu.memory_space<vmem>>) target(%dma_start3A_217 : memref<10240x128xf32, #tpu.memory_space<vmem_shared>>) offsets(%dma_start3A_214 : memref<32xi32, #tpu.memory_space<vmem>>) semaphore(%arg22 : memref<!tpu.dma_semaphore, #tpu.memory_space<semaphore_mem>>) {add = true}
      %add3A_218 = arith.constant 3 : i32
      %add3A_219 = arith.addi %mul3A_141, %add3A_218 : i32
      %div3A_220 = arith.constant 4 : i32
      %div3A_221 = arith.divsi %add3A_219, %div3A_220 : i32
      %rem3A_222 = arith.constant 4 : i32
      %rem3A_223 = arith.remsi %add3A_219, %rem3A_222 : i32
      %mul3A_224 = arith.constant 32 : i32
      %mul3A_225 = arith.muli %rem3A_223, %mul3A_224 : i32
      %dma_wait3A_226 = tpu.memref_slice %arg8[%div3A_221, %mul3A_225] : memref<78x128xi32, #tpu.memory_space<vmem>> -> memref<1x32xi32, #tpu.memory_space<vmem>>
      %dma_wait3A_227 = tpu.memref_squeeze %dma_wait3A_226 : memref<1x32xi32, #tpu.memory_space<vmem>> -> memref<32xi32, #tpu.memory_space<vmem>>
      %dma_wait3A_228 = arith.constant 0 : i32
      %dma_wait3A_229 = arith.constant 0 : i32
      %dma_wait3A_230 = tpu.memref_slice %arg6[%dma_wait3A_228, %dma_wait3A_229] : memref<10000x128xf32, #tpu.memory_space<hbm>> -> memref<10000x128xf32, #tpu.memory_space<hbm>>
      tpu.wait_indirect_dma semaphore(%arg18 : memref<!tpu.dma_semaphore, #tpu.memory_space<semaphore_mem>>) src(%dma_wait3A_230 : memref<10000x128xf32, #tpu.memory_space<hbm>>) dst(%arg12 : memref<32x128xf32, #tpu.memory_space<vmem>>)
      %add3A_231 = arith.constant 3 : i32
      %add3A_232 = arith.addi %mul3A_141, %add3A_231 : i32
      %div3A_233 = arith.constant 4 : i32
      %div3A_234 = arith.divsi %add3A_232, %div3A_233 : i32
      %rem3A_235 = arith.constant 4 : i32
      %rem3A_236 = arith.remsi %add3A_232, %rem3A_235 : i32
      %mul3A_237 = arith.constant 32 : i32
      %mul3A_238 = arith.muli %rem3A_236, %mul3A_237 : i32
      %dma_start3A_239 = tpu.memref_slice %arg26[%div3A_234, %mul3A_238] : memref<78x128xi32, #tpu.memory_space<vmem>> -> memref<1x32xi32, #tpu.memory_space<vmem>>
      %dma_start3A_240 = tpu.memref_squeeze %dma_start3A_239 : memref<1x32xi32, #tpu.memory_space<vmem>> -> memref<32xi32, #tpu.memory_space<vmem>>
      %dma_start3A_241 = arith.constant 0 : i32
      %dma_start3A_242 = arith.constant 0 : i32
      %dma_start3A_243 = tpu.memref_slice %arg29[%dma_start3A_241, %dma_start3A_242] : memref<10240x128xf32, #tpu.memory_space<vmem_shared>> -> memref<10240x128xf32, #tpu.memory_space<vmem_shared>>
      tpu.enqueue_indirect_dma source(%arg12 : memref<32x128xf32, #tpu.memory_space<vmem>>) target(%dma_start3A_243 : memref<10240x128xf32, #tpu.memory_space<vmem_shared>>) offsets(%dma_start3A_240 : memref<32xi32, #tpu.memory_space<vmem>>) semaphore(%arg23 : memref<!tpu.dma_semaphore, #tpu.memory_space<semaphore_mem>>) {add = true}
      %add3A_244 = arith.constant 4 : i32
      %add3A_245 = arith.addi %mul3A_141, %add3A_244 : i32
      %div3A_246 = arith.constant 4 : i32
      %div3A_247 = arith.divsi %add3A_245, %div3A_246 : i32
      %rem3A_248 = arith.constant 4 : i32
      %rem3A_249 = arith.remsi %add3A_245, %rem3A_248 : i32
      %mul3A_250 = arith.constant 32 : i32
      %mul3A_251 = arith.muli %rem3A_249, %mul3A_250 : i32
      %dma_wait3A_252 = tpu.memref_slice %arg8[%div3A_247, %mul3A_251] : memref<78x128xi32, #tpu.memory_space<vmem>> -> memref<1x32xi32, #tpu.memory_space<vmem>>
      %dma_wait3A_253 = tpu.memref_squeeze %dma_wait3A_252 : memref<1x32xi32, #tpu.memory_space<vmem>> -> memref<32xi32, #tpu.memory_space<vmem>>
      %dma_wait3A_254 = arith.constant 0 : i32
      %dma_wait3A_255 = arith.constant 0 : i32
      %dma_wait3A_256 = tpu.memref_slice %arg6[%dma_wait3A_254, %dma_wait3A_255] : memref<10000x128xf32, #tpu.memory_space<hbm>> -> memref<10000x128xf32, #tpu.memory_space<hbm>>
      tpu.wait_indirect_dma semaphore(%arg19 : memref<!tpu.dma_semaphore, #tpu.memory_space<semaphore_mem>>) src(%dma_wait3A_256 : memref<10000x128xf32, #tpu.memory_space<hbm>>) dst(%arg13 : memref<32x128xf32, #tpu.memory_space<vmem>>)
      %add3A_257 = arith.constant 4 : i32
      %add3A_258 = arith.addi %mul3A_141, %add3A_257 : i32
      %div3A_259 = arith.constant 4 : i32
      %div3A_260 = arith.divsi %add3A_258, %div3A_259 : i32
      %rem3A_261 = arith.constant 4 : i32
      %rem3A_262 = arith.remsi %add3A_258, %rem3A_261 : i32
      %mul3A_263 = arith.constant 32 : i32
      %mul3A_264 = arith.muli %rem3A_262, %mul3A_263 : i32
      %dma_start3A_265 = tpu.memref_slice %arg26[%div3A_260, %mul3A_264] : memref<78x128xi32, #tpu.memory_space<vmem>> -> memref<1x32xi32, #tpu.memory_space<vmem>>
      %dma_start3A_266 = tpu.memref_squeeze %dma_start3A_265 : memref<1x32xi32, #tpu.memory_space<vmem>> -> memref<32xi32, #tpu.memory_space<vmem>>
      %dma_start3A_267 = arith.constant 0 : i32
      %dma_start3A_268 = arith.constant 0 : i32
      %dma_start3A_269 = tpu.memref_slice %arg29[%dma_start3A_267, %dma_start3A_268] : memref<10240x128xf32, #tpu.memory_space<vmem_shared>> -> memref<10240x128xf32, #tpu.memory_space<vmem_shared>>
      tpu.enqueue_indirect_dma source(%arg13 : memref<32x128xf32, #tpu.memory_space<vmem>>) target(%dma_start3A_269 : memref<10240x128xf32, #tpu.memory_space<vmem_shared>>) offsets(%dma_start3A_266 : memref<32xi32, #tpu.memory_space<vmem>>) semaphore(%arg24 : memref<!tpu.dma_semaphore, #tpu.memory_space<semaphore_mem>>) {add = true}
      %add3A_270 = arith.constant 5 : i32
      %add3A_271 = arith.addi %mul3A_141, %add3A_270 : i32
      %div3A_272 = arith.constant 4 : i32
      %div3A_273 = arith.divsi %add3A_271, %div3A_272 : i32
      %rem3A_274 = arith.constant 4 : i32
      %rem3A_275 = arith.remsi %add3A_271, %rem3A_274 : i32
      %mul3A_276 = arith.constant 32 : i32
      %mul3A_277 = arith.muli %rem3A_275, %mul3A_276 : i32
      %dma_wait3A_278 = tpu.memref_slice %arg8[%div3A_273, %mul3A_277] : memref<78x128xi32, #tpu.memory_space<vmem>> -> memref<1x32xi32, #tpu.memory_space<vmem>>
      %dma_wait3A_279 = tpu.memref_squeeze %dma_wait3A_278 : memref<1x32xi32, #tpu.memory_space<vmem>> -> memref<32xi32, #tpu.memory_space<vmem>>
      %dma_wait3A_280 = arith.constant 0 : i32
      %dma_wait3A_281 = arith.constant 0 : i32
      %dma_wait3A_282 = tpu.memref_slice %arg6[%dma_wait3A_280, %dma_wait3A_281] : memref<10000x128xf32, #tpu.memory_space<hbm>> -> memref<10000x128xf32, #tpu.memory_space<hbm>>
      tpu.wait_indirect_dma semaphore(%arg20 : memref<!tpu.dma_semaphore, #tpu.memory_space<semaphore_mem>>) src(%dma_wait3A_282 : memref<10000x128xf32, #tpu.memory_space<hbm>>) dst(%arg14 : memref<32x128xf32, #tpu.memory_space<vmem>>)
      %add3A_283 = arith.constant 5 : i32
      %add3A_284 = arith.addi %mul3A_141, %add3A_283 : i32
      %div3A_285 = arith.constant 4 : i32
      %div3A_286 = arith.divsi %add3A_284, %div3A_285 : i32
      %rem3A_287 = arith.constant 4 : i32
      %rem3A_288 = arith.remsi %add3A_284, %rem3A_287 : i32
      %mul3A_289 = arith.constant 32 : i32
      %mul3A_290 = arith.muli %rem3A_288, %mul3A_289 : i32
      %dma_start3A_291 = tpu.memref_slice %arg26[%div3A_286, %mul3A_290] : memref<78x128xi32, #tpu.memory_space<vmem>> -> memref<1x32xi32, #tpu.memory_space<vmem>>
      %dma_start3A_292 = tpu.memref_squeeze %dma_start3A_291 : memref<1x32xi32, #tpu.memory_space<vmem>> -> memref<32xi32, #tpu.memory_space<vmem>>
      %dma_start3A_293 = arith.constant 0 : i32
      %dma_start3A_294 = arith.constant 0 : i32
      %dma_start3A_295 = tpu.memref_slice %arg29[%dma_start3A_293, %dma_start3A_294] : memref<10240x128xf32, #tpu.memory_space<vmem_shared>> -> memref<10240x128xf32, #tpu.memory_space<vmem_shared>>
      tpu.enqueue_indirect_dma source(%arg14 : memref<32x128xf32, #tpu.memory_space<vmem>>) target(%dma_start3A_295 : memref<10240x128xf32, #tpu.memory_space<vmem_shared>>) offsets(%dma_start3A_292 : memref<32xi32, #tpu.memory_space<vmem>>) semaphore(%arg25 : memref<!tpu.dma_semaphore, #tpu.memory_space<semaphore_mem>>) {add = true}
      %add3A_296 = arith.constant 0 : i32
      %add3A_297 = arith.addi %mul3A_141, %add3A_296 : i32
      %div3A_298 = arith.constant 4 : i32
      %div3A_299 = arith.divsi %add3A_297, %div3A_298 : i32
      %rem3A_300 = arith.constant 4 : i32
      %rem3A_301 = arith.remsi %add3A_297, %rem3A_300 : i32
      %mul3A_302 = arith.constant 32 : i32
      %mul3A_303 = arith.muli %rem3A_301, %mul3A_302 : i32
      %dma_wait3A_304 = tpu.memref_slice %arg26[%div3A_299, %mul3A_303] : memref<78x128xi32, #tpu.memory_space<vmem>> -> memref<1x32xi32, #tpu.memory_space<vmem>>
      %dma_wait3A_305 = tpu.memref_squeeze %dma_wait3A_304 : memref<1x32xi32, #tpu.memory_space<vmem>> -> memref<32xi32, #tpu.memory_space<vmem>>
      %dma_wait3A_306 = arith.constant 0 : i32
      %dma_wait3A_307 = arith.constant 0 : i32
      %dma_wait3A_308 = tpu.memref_slice %arg29[%dma_wait3A_306, %dma_wait3A_307] : memref<10240x128xf32, #tpu.memory_space<vmem_shared>> -> memref<10240x128xf32, #tpu.memory_space<vmem_shared>>
      tpu.wait_indirect_dma semaphore(%arg30 : memref<!tpu.dma_semaphore, #tpu.memory_space<semaphore_mem>>) src(%arg28 : memref<32x128xf32, #tpu.memory_space<vmem>>) dst(%dma_wait3A_308 : memref<10240x128xf32, #tpu.memory_space<vmem_shared>>)
      %add3A_309 = arith.constant 1 : i32
      %add3A_310 = arith.addi %scan3A_139, %add3A_309 : i32
      %lt3A = arith.constant 52 : i32
      %lt3A_311 = arith.cmpi slt, %add3A_310, %lt3A : i32
      %convert_element_type3A = arith.extui %lt3A_311 : i1 to i32
      %cond3A = arith.constant 0 : i32
      %cond3A_312 = arith.cmpi ne, %convert_element_type3A, %cond3A : i32
      scf.if %cond3A_312 {
        %add3A_413 = arith.constant 6 : i32
        %add3A_414 = arith.addi %mul3A_141, %add3A_413 : i32
        %add3A_415 = arith.constant 0 : i32
        %add3A_416 = arith.addi %add3A_414, %add3A_415 : i32
        %div3A_417 = arith.constant 4 : i32
        %div3A_418 = arith.divsi %add3A_416, %div3A_417 : i32
        %rem3A_419 = arith.constant 4 : i32
        %rem3A_420 = arith.remsi %add3A_416, %rem3A_419 : i32
        %mul3A_421 = arith.constant 32 : i32
        %mul3A_422 = arith.muli %rem3A_420, %mul3A_421 : i32
        %dma_start3A_423 = tpu.memref_slice %arg8[%div3A_418, %mul3A_422] : memref<78x128xi32, #tpu.memory_space<vmem>> -> memref<1x32xi32, #tpu.memory_space<vmem>>
        %dma_start3A_424 = tpu.memref_squeeze %dma_start3A_423 : memref<1x32xi32, #tpu.memory_space<vmem>> -> memref<32xi32, #tpu.memory_space<vmem>>
        %dma_start3A_425 = arith.constant 0 : i32
        %dma_start3A_426 = arith.constant 0 : i32
        %dma_start3A_427 = tpu.memref_slice %arg6[%dma_start3A_425, %dma_start3A_426] : memref<10000x128xf32, #tpu.memory_space<hbm>> -> memref<10000x128xf32, #tpu.memory_space<hbm>>
        tpu.enqueue_indirect_dma source(%dma_start3A_427 : memref<10000x128xf32, #tpu.memory_space<hbm>>) target(%arg28 : memref<32x128xf32, #tpu.memory_space<vmem>>) offsets(%dma_start3A_424 : memref<32xi32, #tpu.memory_space<vmem>>) semaphore(%arg15 : memref<!tpu.dma_semaphore, #tpu.memory_space<semaphore_mem>>)
      } else {
      }
      %add3A_313 = arith.constant 1 : i32
      %add3A_314 = arith.addi %mul3A_141, %add3A_313 : i32
      %div3A_315 = arith.constant 4 : i32
      %div3A_316 = arith.divsi %add3A_314, %div3A_315 : i32
      %rem3A_317 = arith.constant 4 : i32
      %rem3A_318 = arith.remsi %add3A_314, %rem3A_317 : i32
      %mul3A_319 = arith.constant 32 : i32
      %mul3A_320 = arith.muli %rem3A_318, %mul3A_319 : i32
      %dma_wait3A_321 = tpu.memref_slice %arg26[%div3A_316, %mul3A_320] : memref<78x128xi32, #tpu.memory_space<vmem>> -> memref<1x32xi32, #tpu.memory_space<vmem>>
      %dma_wait3A_322 = tpu.memref_squeeze %dma_wait3A_321 : memref<1x32xi32, #tpu.memory_space<vmem>> -> memref<32xi32, #tpu.memory_space<vmem>>
      %dma_wait3A_323 = arith.constant 0 : i32
      %dma_wait3A_324 = arith.constant 0 : i32
      %dma_wait3A_325 = tpu.memref_slice %arg29[%dma_wait3A_323, %dma_wait3A_324] : memref<10240x128xf32, #tpu.memory_space<vmem_shared>> -> memref<10240x128xf32, #tpu.memory_space<vmem_shared>>
      tpu.wait_indirect_dma semaphore(%arg21 : memref<!tpu.dma_semaphore, #tpu.memory_space<semaphore_mem>>) src(%arg10 : memref<32x128xf32, #tpu.memory_space<vmem>>) dst(%dma_wait3A_325 : memref<10240x128xf32, #tpu.memory_space<vmem_shared>>)
      %add3A_326 = arith.constant 1 : i32
      %add3A_327 = arith.addi %scan3A_139, %add3A_326 : i32
      %lt3A_328 = arith.constant 52 : i32
      %lt3A_329 = arith.cmpi slt, %add3A_327, %lt3A_328 : i32
      %convert_element_type3A_330 = arith.extui %lt3A_329 : i1 to i32
      %cond3A_331 = arith.constant 0 : i32
      %cond3A_332 = arith.cmpi ne, %convert_element_type3A_330, %cond3A_331 : i32
      scf.if %cond3A_332 {
        %add3A_413 = arith.constant 6 : i32
        %add3A_414 = arith.addi %mul3A_141, %add3A_413 : i32
        %add3A_415 = arith.constant 1 : i32
        %add3A_416 = arith.addi %add3A_414, %add3A_415 : i32
        %div3A_417 = arith.constant 4 : i32
        %div3A_418 = arith.divsi %add3A_416, %div3A_417 : i32
        %rem3A_419 = arith.constant 4 : i32
        %rem3A_420 = arith.remsi %add3A_416, %rem3A_419 : i32
        %mul3A_421 = arith.constant 32 : i32
        %mul3A_422 = arith.muli %rem3A_420, %mul3A_421 : i32
        %dma_start3A_423 = tpu.memref_slice %arg8[%div3A_418, %mul3A_422] : memref<78x128xi32, #tpu.memory_space<vmem>> -> memref<1x32xi32, #tpu.memory_space<vmem>>
        %dma_start3A_424 = tpu.memref_squeeze %dma_start3A_423 : memref<1x32xi32, #tpu.memory_space<vmem>> -> memref<32xi32, #tpu.memory_space<vmem>>
        %dma_start3A_425 = arith.constant 0 : i32
        %dma_start3A_426 = arith.constant 0 : i32
        %dma_start3A_427 = tpu.memref_slice %arg6[%dma_start3A_425, %dma_start3A_426] : memref<10000x128xf32, #tpu.memory_space<hbm>> -> memref<10000x128xf32, #tpu.memory_space<hbm>>
        tpu.enqueue_indirect_dma source(%dma_start3A_427 : memref<10000x128xf32, #tpu.memory_space<hbm>>) target(%arg10 : memref<32x128xf32, #tpu.memory_space<vmem>>) offsets(%dma_start3A_424 : memref<32xi32, #tpu.memory_space<vmem>>) semaphore(%arg16 : memref<!tpu.dma_semaphore, #tpu.memory_space<semaphore_mem>>)
      } else {
      }
      %add3A_333 = arith.constant 2 : i32
      %add3A_334 = arith.addi %mul3A_141, %add3A_333 : i32
      %div3A_335 = arith.constant 4 : i32
      %div3A_336 = arith.divsi %add3A_334, %div3A_335 : i32
      %rem3A_337 = arith.constant 4 : i32
      %rem3A_338 = arith.remsi %add3A_334, %rem3A_337 : i32
      %mul3A_339 = arith.constant 32 : i32
      %mul3A_340 = arith.muli %rem3A_338, %mul3A_339 : i32
      %dma_wait3A_341 = tpu.memref_slice %arg26[%div3A_336, %mul3A_340] : memref<78x128xi32, #tpu.memory_space<vmem>> -> memref<1x32xi32, #tpu.memory_space<vmem>>
      %dma_wait3A_342 = tpu.memref_squeeze %dma_wait3A_341 : memref<1x32xi32, #tpu.memory_space<vmem>> -> memref<32xi32, #tpu.memory_space<vmem>>
      %dma_wait3A_343 = arith.constant 0 : i32
      %dma_wait3A_344 = arith.constant 0 : i32
      %dma_wait3A_345 = tpu.memref_slice %arg29[%dma_wait3A_343, %dma_wait3A_344] : memref<10240x128xf32, #tpu.memory_space<vmem_shared>> -> memref<10240x128xf32, #tpu.memory_space<vmem_shared>>
      tpu.wait_indirect_dma semaphore(%arg22 : memref<!tpu.dma_semaphore, #tpu.memory_space<semaphore_mem>>) src(%arg11 : memref<32x128xf32, #tpu.memory_space<vmem>>) dst(%dma_wait3A_345 : memref<10240x128xf32, #tpu.memory_space<vmem_shared>>)
      %add3A_346 = arith.constant 1 : i32
      %add3A_347 = arith.addi %scan3A_139, %add3A_346 : i32
      %lt3A_348 = arith.constant 52 : i32
      %lt3A_349 = arith.cmpi slt, %add3A_347, %lt3A_348 : i32
      %convert_element_type3A_350 = arith.extui %lt3A_349 : i1 to i32
      %cond3A_351 = arith.constant 0 : i32
      %cond3A_352 = arith.cmpi ne, %convert_element_type3A_350, %cond3A_351 : i32
      scf.if %cond3A_352 {
        %add3A_413 = arith.constant 6 : i32
        %add3A_414 = arith.addi %mul3A_141, %add3A_413 : i32
        %add3A_415 = arith.constant 2 : i32
        %add3A_416 = arith.addi %add3A_414, %add3A_415 : i32
        %div3A_417 = arith.constant 4 : i32
        %div3A_418 = arith.divsi %add3A_416, %div3A_417 : i32
        %rem3A_419 = arith.constant 4 : i32
        %rem3A_420 = arith.remsi %add3A_416, %rem3A_419 : i32
        %mul3A_421 = arith.constant 32 : i32
        %mul3A_422 = arith.muli %rem3A_420, %mul3A_421 : i32
        %dma_start3A_423 = tpu.memref_slice %arg8[%div3A_418, %mul3A_422] : memref<78x128xi32, #tpu.memory_space<vmem>> -> memref<1x32xi32, #tpu.memory_space<vmem>>
        %dma_start3A_424 = tpu.memref_squeeze %dma_start3A_423 : memref<1x32xi32, #tpu.memory_space<vmem>> -> memref<32xi32, #tpu.memory_space<vmem>>
        %dma_start3A_425 = arith.constant 0 : i32
        %dma_start3A_426 = arith.constant 0 : i32
        %dma_start3A_427 = tpu.memref_slice %arg6[%dma_start3A_425, %dma_start3A_426] : memref<10000x128xf32, #tpu.memory_space<hbm>> -> memref<10000x128xf32, #tpu.memory_space<hbm>>
        tpu.enqueue_indirect_dma source(%dma_start3A_427 : memref<10000x128xf32, #tpu.memory_space<hbm>>) target(%arg11 : memref<32x128xf32, #tpu.memory_space<vmem>>) offsets(%dma_start3A_424 : memref<32xi32, #tpu.memory_space<vmem>>) semaphore(%arg17 : memref<!tpu.dma_semaphore, #tpu.memory_space<semaphore_mem>>)
      } else {
      }
      %add3A_353 = arith.constant 3 : i32
      %add3A_354 = arith.addi %mul3A_141, %add3A_353 : i32
      %div3A_355 = arith.constant 4 : i32
      %div3A_356 = arith.divsi %add3A_354, %div3A_355 : i32
      %rem3A_357 = arith.constant 4 : i32
      %rem3A_358 = arith.remsi %add3A_354, %rem3A_357 : i32
      %mul3A_359 = arith.constant 32 : i32
      %mul3A_360 = arith.muli %rem3A_358, %mul3A_359 : i32
      %dma_wait3A_361 = tpu.memref_slice %arg26[%div3A_356, %mul3A_360] : memref<78x128xi32, #tpu.memory_space<vmem>> -> memref<1x32xi32, #tpu.memory_space<vmem>>
      %dma_wait3A_362 = tpu.memref_squeeze %dma_wait3A_361 : memref<1x32xi32, #tpu.memory_space<vmem>> -> memref<32xi32, #tpu.memory_space<vmem>>
      %dma_wait3A_363 = arith.constant 0 : i32
      %dma_wait3A_364 = arith.constant 0 : i32
      %dma_wait3A_365 = tpu.memref_slice %arg29[%dma_wait3A_363, %dma_wait3A_364] : memref<10240x128xf32, #tpu.memory_space<vmem_shared>> -> memref<10240x128xf32, #tpu.memory_space<vmem_shared>>
      tpu.wait_indirect_dma semaphore(%arg23 : memref<!tpu.dma_semaphore, #tpu.memory_space<semaphore_mem>>) src(%arg12 : memref<32x128xf32, #tpu.memory_space<vmem>>) dst(%dma_wait3A_365 : memref<10240x128xf32, #tpu.memory_space<vmem_shared>>)
      %add3A_366 = arith.constant 1 : i32
      %add3A_367 = arith.addi %scan3A_139, %add3A_366 : i32
      %lt3A_368 = arith.constant 52 : i32
      %lt3A_369 = arith.cmpi slt, %add3A_367, %lt3A_368 : i32
      %convert_element_type3A_370 = arith.extui %lt3A_369 : i1 to i32
      %cond3A_371 = arith.constant 0 : i32
      %cond3A_372 = arith.cmpi ne, %convert_element_type3A_370, %cond3A_371 : i32
      scf.if %cond3A_372 {
        %add3A_413 = arith.constant 6 : i32
        %add3A_414 = arith.addi %mul3A_141, %add3A_413 : i32
        %add3A_415 = arith.constant 3 : i32
        %add3A_416 = arith.addi %add3A_414, %add3A_415 : i32
        %div3A_417 = arith.constant 4 : i32
        %div3A_418 = arith.divsi %add3A_416, %div3A_417 : i32
        %rem3A_419 = arith.constant 4 : i32
        %rem3A_420 = arith.remsi %add3A_416, %rem3A_419 : i32
        %mul3A_421 = arith.constant 32 : i32
        %mul3A_422 = arith.muli %rem3A_420, %mul3A_421 : i32
        %dma_start3A_423 = tpu.memref_slice %arg8[%div3A_418, %mul3A_422] : memref<78x128xi32, #tpu.memory_space<vmem>> -> memref<1x32xi32, #tpu.memory_space<vmem>>
        %dma_start3A_424 = tpu.memref_squeeze %dma_start3A_423 : memref<1x32xi32, #tpu.memory_space<vmem>> -> memref<32xi32, #tpu.memory_space<vmem>>
        %dma_start3A_425 = arith.constant 0 : i32
        %dma_start3A_426 = arith.constant 0 : i32
        %dma_start3A_427 = tpu.memref_slice %arg6[%dma_start3A_425, %dma_start3A_426] : memref<10000x128xf32, #tpu.memory_space<hbm>> -> memref<10000x128xf32, #tpu.memory_space<hbm>>
        tpu.enqueue_indirect_dma source(%dma_start3A_427 : memref<10000x128xf32, #tpu.memory_space<hbm>>) target(%arg12 : memref<32x128xf32, #tpu.memory_space<vmem>>) offsets(%dma_start3A_424 : memref<32xi32, #tpu.memory_space<vmem>>) semaphore(%arg18 : memref<!tpu.dma_semaphore, #tpu.memory_space<semaphore_mem>>)
      } else {
      }
      %add3A_373 = arith.constant 4 : i32
      %add3A_374 = arith.addi %mul3A_141, %add3A_373 : i32
      %div3A_375 = arith.constant 4 : i32
      %div3A_376 = arith.divsi %add3A_374, %div3A_375 : i32
      %rem3A_377 = arith.constant 4 : i32
      %rem3A_378 = arith.remsi %add3A_374, %rem3A_377 : i32
      %mul3A_379 = arith.constant 32 : i32
      %mul3A_380 = arith.muli %rem3A_378, %mul3A_379 : i32
      %dma_wait3A_381 = tpu.memref_slice %arg26[%div3A_376, %mul3A_380] : memref<78x128xi32, #tpu.memory_space<vmem>> -> memref<1x32xi32, #tpu.memory_space<vmem>>
      %dma_wait3A_382 = tpu.memref_squeeze %dma_wait3A_381 : memref<1x32xi32, #tpu.memory_space<vmem>> -> memref<32xi32, #tpu.memory_space<vmem>>
      %dma_wait3A_383 = arith.constant 0 : i32
      %dma_wait3A_384 = arith.constant 0 : i32
      %dma_wait3A_385 = tpu.memref_slice %arg29[%dma_wait3A_383, %dma_wait3A_384] : memref<10240x128xf32, #tpu.memory_space<vmem_shared>> -> memref<10240x128xf32, #tpu.memory_space<vmem_shared>>
      tpu.wait_indirect_dma semaphore(%arg24 : memref<!tpu.dma_semaphore, #tpu.memory_space<semaphore_mem>>) src(%arg13 : memref<32x128xf32, #tpu.memory_space<vmem>>) dst(%dma_wait3A_385 : memref<10240x128xf32, #tpu.memory_space<vmem_shared>>)
      %add3A_386 = arith.constant 1 : i32
      %add3A_387 = arith.addi %scan3A_139, %add3A_386 : i32
      %lt3A_388 = arith.constant 52 : i32
      %lt3A_389 = arith.cmpi slt, %add3A_387, %lt3A_388 : i32
      %convert_element_type3A_390 = arith.extui %lt3A_389 : i1 to i32
      %cond3A_391 = arith.constant 0 : i32
      %cond3A_392 = arith.cmpi ne, %convert_element_type3A_390, %cond3A_391 : i32
      scf.if %cond3A_392 {
        %add3A_413 = arith.constant 6 : i32
        %add3A_414 = arith.addi %mul3A_141, %add3A_413 : i32
        %add3A_415 = arith.constant 4 : i32
        %add3A_416 = arith.addi %add3A_414, %add3A_415 : i32
        %div3A_417 = arith.constant 4 : i32
        %div3A_418 = arith.divsi %add3A_416, %div3A_417 : i32
        %rem3A_419 = arith.constant 4 : i32
        %rem3A_420 = arith.remsi %add3A_416, %rem3A_419 : i32
        %mul3A_421 = arith.constant 32 : i32
        %mul3A_422 = arith.muli %rem3A_420, %mul3A_421 : i32
        %dma_start3A_423 = tpu.memref_slice %arg8[%div3A_418, %mul3A_422] : memref<78x128xi32, #tpu.memory_space<vmem>> -> memref<1x32xi32, #tpu.memory_space<vmem>>
        %dma_start3A_424 = tpu.memref_squeeze %dma_start3A_423 : memref<1x32xi32, #tpu.memory_space<vmem>> -> memref<32xi32, #tpu.memory_space<vmem>>
        %dma_start3A_425 = arith.constant 0 : i32
        %dma_start3A_426 = arith.constant 0 : i32
        %dma_start3A_427 = tpu.memref_slice %arg6[%dma_start3A_425, %dma_start3A_426] : memref<10000x128xf32, #tpu.memory_space<hbm>> -> memref<10000x128xf32, #tpu.memory_space<hbm>>
        tpu.enqueue_indirect_dma source(%dma_start3A_427 : memref<10000x128xf32, #tpu.memory_space<hbm>>) target(%arg13 : memref<32x128xf32, #tpu.memory_space<vmem>>) offsets(%dma_start3A_424 : memref<32xi32, #tpu.memory_space<vmem>>) semaphore(%arg19 : memref<!tpu.dma_semaphore, #tpu.memory_space<semaphore_mem>>)
      } else {
      }
      %add3A_393 = arith.constant 5 : i32
      %add3A_394 = arith.addi %mul3A_141, %add3A_393 : i32
      %div3A_395 = arith.constant 4 : i32
      %div3A_396 = arith.divsi %add3A_394, %div3A_395 : i32
      %rem3A_397 = arith.constant 4 : i32
      %rem3A_398 = arith.remsi %add3A_394, %rem3A_397 : i32
      %mul3A_399 = arith.constant 32 : i32
      %mul3A_400 = arith.muli %rem3A_398, %mul3A_399 : i32
      %dma_wait3A_401 = tpu.memref_slice %arg26[%div3A_396, %mul3A_400] : memref<78x128xi32, #tpu.memory_space<vmem>> -> memref<1x32xi32, #tpu.memory_space<vmem>>
      %dma_wait3A_402 = tpu.memref_squeeze %dma_wait3A_401 : memref<1x32xi32, #tpu.memory_space<vmem>> -> memref<32xi32, #tpu.memory_space<vmem>>
      %dma_wait3A_403 = arith.constant 0 : i32
      %dma_wait3A_404 = arith.constant 0 : i32
      %dma_wait3A_405 = tpu.memref_slice %arg29[%dma_wait3A_403, %dma_wait3A_404] : memref<10240x128xf32, #tpu.memory_space<vmem_shared>> -> memref<10240x128xf32, #tpu.memory_space<vmem_shared>>
      tpu.wait_indirect_dma semaphore(%arg25 : memref<!tpu.dma_semaphore, #tpu.memory_space<semaphore_mem>>) src(%arg14 : memref<32x128xf32, #tpu.memory_space<vmem>>) dst(%dma_wait3A_405 : memref<10240x128xf32, #tpu.memory_space<vmem_shared>>)
      %add3A_406 = arith.constant 1 : i32
      %add3A_407 = arith.addi %scan3A_139, %add3A_406 : i32
      %lt3A_408 = arith.constant 52 : i32
      %lt3A_409 = arith.cmpi slt, %add3A_407, %lt3A_408 : i32
      %convert_element_type3A_410 = arith.extui %lt3A_409 : i1 to i32
      %cond3A_411 = arith.constant 0 : i32
      %cond3A_412 = arith.cmpi ne, %convert_element_type3A_410, %cond3A_411 : i32
      scf.if %cond3A_412 {
        %add3A_413 = arith.constant 6 : i32
        %add3A_414 = arith.addi %mul3A_141, %add3A_413 : i32
        %add3A_415 = arith.constant 5 : i32
        %add3A_416 = arith.addi %add3A_414, %add3A_415 : i32
        %div3A_417 = arith.constant 4 : i32
        %div3A_418 = arith.divsi %add3A_416, %div3A_417 : i32
        %rem3A_419 = arith.constant 4 : i32
        %rem3A_420 = arith.remsi %add3A_416, %rem3A_419 : i32
        %mul3A_421 = arith.constant 32 : i32
        %mul3A_422 = arith.muli %rem3A_420, %mul3A_421 : i32
        %dma_start3A_423 = tpu.memref_slice %arg8[%div3A_418, %mul3A_422] : memref<78x128xi32, #tpu.memory_space<vmem>> -> memref<1x32xi32, #tpu.memory_space<vmem>>
        %dma_start3A_424 = tpu.memref_squeeze %dma_start3A_423 : memref<1x32xi32, #tpu.memory_space<vmem>> -> memref<32xi32, #tpu.memory_space<vmem>>
        %dma_start3A_425 = arith.constant 0 : i32
        %dma_start3A_426 = arith.constant 0 : i32
        %dma_start3A_427 = tpu.memref_slice %arg6[%dma_start3A_425, %dma_start3A_426] : memref<10000x128xf32, #tpu.memory_space<hbm>> -> memref<10000x128xf32, #tpu.memory_space<hbm>>
        tpu.enqueue_indirect_dma source(%dma_start3A_427 : memref<10000x128xf32, #tpu.memory_space<hbm>>) target(%arg14 : memref<32x128xf32, #tpu.memory_space<vmem>>) offsets(%dma_start3A_424 : memref<32xi32, #tpu.memory_space<vmem>>) semaphore(%arg20 : memref<!tpu.dma_semaphore, #tpu.memory_space<semaphore_mem>>)
      } else {
      }
    }
    %scan3A_122 = arith.constant 52 : i32
    "tpu.region"() ({
      %run_scoped3A = tpu.sem_alloc : memref<!tpu.dma_semaphore, #tpu.memory_space<semaphore_mem>>
      %dma_start3A_139 = arith.constant 0 : i32
      %dma_start3A_140 = arith.constant 0 : i32
      %dma_start3A_141 = tpu.memref_slice %arg28[%dma_start3A_139, %dma_start3A_140] : memref<32x128xf32, #tpu.memory_space<vmem>> -> memref<16x128xf32, #tpu.memory_space<vmem>>
      %dma_start3A_142 = arith.constant 0 : i32
      %dma_start3A_143 = arith.constant 0 : i32
      %dma_start3A_144 = tpu.memref_slice %arg6[%dma_start3A_142, %dma_start3A_143] : memref<10000x128xf32, #tpu.memory_space<hbm>> -> memref<10000x128xf32, #tpu.memory_space<hbm>>
      tpu.enqueue_indirect_dma source(%dma_start3A_144 : memref<10000x128xf32, #tpu.memory_space<hbm>>) target(%dma_start3A_141 : memref<16x128xf32, #tpu.memory_space<vmem>>) offsets(%arg9 : memref<16xi32, #tpu.memory_space<vmem>>) semaphore(%run_scoped3A : memref<!tpu.dma_semaphore, #tpu.memory_space<semaphore_mem>>)
      %dma_wait3A_145 = arith.constant 0 : i32
      %dma_wait3A_146 = arith.constant 0 : i32
      %dma_wait3A_147 = tpu.memref_slice %arg28[%dma_wait3A_145, %dma_wait3A_146] : memref<32x128xf32, #tpu.memory_space<vmem>> -> memref<16x128xf32, #tpu.memory_space<vmem>>
      %dma_wait3A_148 = arith.constant 0 : i32
      %dma_wait3A_149 = arith.constant 0 : i32
      %dma_wait3A_150 = tpu.memref_slice %arg6[%dma_wait3A_148, %dma_wait3A_149] : memref<10000x128xf32, #tpu.memory_space<hbm>> -> memref<10000x128xf32, #tpu.memory_space<hbm>>
      tpu.wait_indirect_dma semaphore(%run_scoped3A : memref<!tpu.dma_semaphore, #tpu.memory_space<semaphore_mem>>) src(%dma_wait3A_150 : memref<10000x128xf32, #tpu.memory_space<hbm>>) dst(%dma_wait3A_147 : memref<16x128xf32, #tpu.memory_space<vmem>>)
      tpu.yield
    }) : () -> ()
    "tpu.region"() ({
      %run_scoped3A = tpu.sem_alloc : memref<!tpu.dma_semaphore, #tpu.memory_space<semaphore_mem>>
      %dma_start3A_139 = arith.constant 0 : i32
      %dma_start3A_140 = arith.constant 0 : i32
      %dma_start3A_141 = tpu.memref_slice %arg28[%dma_start3A_139, %dma_start3A_140] : memref<32x128xf32, #tpu.memory_space<vmem>> -> memref<16x128xf32, #tpu.memory_space<vmem>>
      %dma_start3A_142 = arith.constant 0 : i32
      %dma_start3A_143 = arith.constant 0 : i32
      %dma_start3A_144 = tpu.memref_slice %arg29[%dma_start3A_142, %dma_start3A_143] : memref<10240x128xf32, #tpu.memory_space<vmem_shared>> -> memref<10240x128xf32, #tpu.memory_space<vmem_shared>>
      tpu.enqueue_indirect_dma source(%dma_start3A_141 : memref<16x128xf32, #tpu.memory_space<vmem>>) target(%dma_start3A_144 : memref<10240x128xf32, #tpu.memory_space<vmem_shared>>) offsets(%arg27 : memref<16xi32, #tpu.memory_space<vmem>>) semaphore(%run_scoped3A : memref<!tpu.dma_semaphore, #tpu.memory_space<semaphore_mem>>) {add = true}
      %dma_wait3A_145 = arith.constant 0 : i32
      %dma_wait3A_146 = arith.constant 0 : i32
      %dma_wait3A_147 = tpu.memref_slice %arg28[%dma_wait3A_145, %dma_wait3A_146] : memref<32x128xf32, #tpu.memory_space<vmem>> -> memref<16x128xf32, #tpu.memory_space<vmem>>
      %dma_wait3A_148 = arith.constant 0 : i32
      %dma_wait3A_149 = arith.constant 0 : i32
      %dma_wait3A_150 = tpu.memref_slice %arg29[%dma_wait3A_148, %dma_wait3A_149] : memref<10240x128xf32, #tpu.memory_space<vmem_shared>> -> memref<10240x128xf32, #tpu.memory_space<vmem_shared>>
      tpu.wait_indirect_dma semaphore(%run_scoped3A : memref<!tpu.dma_semaphore, #tpu.memory_space<semaphore_mem>>) src(%dma_wait3A_147 : memref<16x128xf32, #tpu.memory_space<vmem>>) dst(%dma_wait3A_150 : memref<10240x128xf32, #tpu.memory_space<vmem_shared>>)
      tpu.yield
    }) : () -> ()
    %barrier3A_123 = arith.constant 0 : index
    tpu.barrier barrier_id(%barrier3A_123)
    %scan3A_124 = arith.constant 0 : i32
    %scan3A_125 = arith.constant 0 : i32
    %scan3A_126 = arith.constant 20 : i32
    %scan3A_127 = arith.addi %scan3A_125, %scan3A_126 : i32
    %scan3A_128 = arith.constant 1 : i32
    scf.for %scan3A_139 = %scan3A_125 to %scan3A_127 step %scan3A_128  : i32 {
      %mul3A_140 = arith.constant 32 : i32
      %mul3A_141 = arith.muli %scan3A_139, %mul3A_140 : i32
      %add3A_142 = arith.addi %mul3A_2, %mul3A_141 : i32
      %mul3A_143 = arith.constant 32 : i32
      %mul3A_144 = arith.muli %scan3A_139, %mul3A_143 : i32
      %add3A_145 = arith.addi %mul3A_2, %mul3A_144 : i32
      %dma_start3A_146 = arith.constant 0 : i32
      %dma_start3A_147 = tpu.memref_slice %arg7[%arg0, %add3A_145, %dma_start3A_146] : memref<2x10240x128xf32, #tpu.memory_space<hbm>> -> memref<1x32x128xf32, #tpu.memory_space<hbm>>
      %dma_start3A_148 = tpu.memref_squeeze %dma_start3A_147 : memref<1x32x128xf32, #tpu.memory_space<hbm>> -> memref<32x128xf32, #tpu.memory_space<hbm>>
      %dma_start3A_149 = arith.constant 0 : i32
      %dma_start3A_150 = tpu.memref_slice %arg29[%add3A_142, %dma_start3A_149] : memref<10240x128xf32, #tpu.memory_space<vmem_shared>> -> memref<32x128xf32, #tpu.memory_space<vmem_shared>>
      tpu.enqueue_dma source(%dma_start3A_150 : memref<32x128xf32, #tpu.memory_space<vmem_shared>>) target(%dma_start3A_148 : memref<32x128xf32, #tpu.memory_space<hbm>>) target_semaphore(%arg31 : memref<!tpu.dma_semaphore, #tpu.memory_space<semaphore_mem>>)
      %gt3A = arith.constant 0 : i32
      %gt3A_151 = arith.cmpi sgt, %scan3A_139, %gt3A : i32
      %convert_element_type3A = arith.extui %gt3A_151 : i1 to i32
      %cond3A = arith.constant 0 : i32
      %cond3A_152 = arith.cmpi ne, %convert_element_type3A, %cond3A : i32
      scf.if %cond3A_152 {
        %sub3A = arith.constant 1 : i32
        %sub3A_153 = arith.subi %scan3A_139, %sub3A : i32
        %mul3A_154 = arith.constant 32 : i32
        %mul3A_155 = arith.muli %sub3A_153, %mul3A_154 : i32
        %add3A_156 = arith.addi %mul3A_2, %mul3A_155 : i32
        %sub3A_157 = arith.constant 1 : i32
        %sub3A_158 = arith.subi %scan3A_139, %sub3A_157 : i32
        %mul3A_159 = arith.constant 32 : i32
        %mul3A_160 = arith.muli %sub3A_158, %mul3A_159 : i32
        %add3A_161 = arith.addi %mul3A_2, %mul3A_160 : i32
        %dma_wait3A_162 = arith.constant 0 : i32
        %dma_wait3A_163 = tpu.memref_slice %arg7[%arg0, %add3A_161, %dma_wait3A_162] : memref<2x10240x128xf32, #tpu.memory_space<hbm>> -> memref<1x32x128xf32, #tpu.memory_space<hbm>>
        %dma_wait3A_164 = tpu.memref_squeeze %dma_wait3A_163 : memref<1x32x128xf32, #tpu.memory_space<hbm>> -> memref<32x128xf32, #tpu.memory_space<hbm>>
        %dma_wait3A_165 = arith.constant 0 : i32
        %dma_wait3A_166 = tpu.memref_slice %arg29[%add3A_156, %dma_wait3A_165] : memref<10240x128xf32, #tpu.memory_space<vmem_shared>> -> memref<32x128xf32, #tpu.memory_space<vmem_shared>>
        tpu.wait_dma2 semaphore(%arg31 : memref<!tpu.dma_semaphore, #tpu.memory_space<semaphore_mem>>) src(%dma_wait3A_166 : memref<32x128xf32, #tpu.memory_space<vmem_shared>>) dst(%dma_wait3A_164 : memref<32x128xf32, #tpu.memory_space<hbm>>)
      } else {
      }
    }
    %scan3A_129 = arith.constant 20 : i32
    %add3A_130 = arith.constant 608 : i32
    %add3A_131 = arith.addi %mul3A_2, %add3A_130 : i32
    %add3A_132 = arith.constant 608 : i32
    %add3A_133 = arith.addi %mul3A_2, %add3A_132 : i32
    %dma_wait3A_134 = arith.constant 0 : i32
    %dma_wait3A_135 = tpu.memref_slice %arg7[%arg0, %add3A_133, %dma_wait3A_134] : memref<2x10240x128xf32, #tpu.memory_space<hbm>> -> memref<1x32x128xf32, #tpu.memory_space<hbm>>
    %dma_wait3A_136 = tpu.memref_squeeze %dma_wait3A_135 : memref<1x32x128xf32, #tpu.memory_space<hbm>> -> memref<32x128xf32, #tpu.memory_space<hbm>>
    %dma_wait3A_137 = arith.constant 0 : i32
    %dma_wait3A_138 = tpu.memref_slice %arg29[%add3A_131, %dma_wait3A_137] : memref<10240x128xf32, #tpu.memory_space<vmem_shared>> -> memref<32x128xf32, #tpu.memory_space<vmem_shared>>
    tpu.wait_dma2 semaphore(%arg31 : memref<!tpu.dma_semaphore, #tpu.memory_space<semaphore_mem>>) src(%dma_wait3A_138 : memref<32x128xf32, #tpu.memory_space<vmem_shared>>) dst(%dma_wait3A_136 : memref<32x128xf32, #tpu.memory_space<hbm>>)
    return
  }
}

#map = affine_map<(d0, d1) -> (0, 0, 0)>
#map1 = affine_map<(d0, d1) -> (0, 0)>
module attributes {stable_mosaic.version = 14 : i64} {
  func.func @body(%arg0: i32, %arg1: i32, %arg2: memref<32x78x128xi32, #tpu.memory_space<hbm>>, %arg3: memref<32x16xi32, #tpu.memory_space<hbm>>, %arg4: memref<32x78x128xi32, #tpu.memory_space<hbm>>, %arg5: memref<32x16xi32, #tpu.memory_space<hbm>>, %arg6: memref<10000x128xf32, #tpu.memory_space<hbm>>, %arg7: memref<2x10240x128xf32, #tpu.memory_space<hbm>>, %arg8: memref<78x128xi32, #tpu.memory_space<vmem>>, %arg9: memref<16xi32, #tpu.memory_space<vmem>>, %arg10: memref<32x128xf32, #tpu.memory_space<vmem>>, %arg11: memref<32x128xf32, #tpu.memory_space<vmem>>, %arg12: memref<32x128xf32, #tpu.memory_space<vmem>>, %arg13: memref<32x128xf32, #tpu.memory_space<vmem>>, %arg14: memref<32x128xf32, #tpu.memory_space<vmem>>, %arg15: memref<!tpu.dma_semaphore, #tpu.memory_space<semaphore_mem>>, %arg16: memref<!tpu.dma_semaphore, #tpu.memory_space<semaphore_mem>>, %arg17: memref<!tpu.dma_semaphore, #tpu.memory_space<semaphore_mem>>, %arg18: memref<!tpu.dma_semaphore, #tpu.memory_space<semaphore_mem>>, %arg19: memref<!tpu.dma_semaphore, #tpu.memory_space<semaphore_mem>>, %arg20: memref<!tpu.dma_semaphore, #tpu.memory_space<semaphore_mem>>, %arg21: memref<!tpu.dma_semaphore, #tpu.memory_space<semaphore_mem>>, %arg22: memref<!tpu.dma_semaphore, #tpu.memory_space<semaphore_mem>>, %arg23: memref<!tpu.dma_semaphore, #tpu.memory_space<semaphore_mem>>, %arg24: memref<!tpu.dma_semaphore, #tpu.memory_space<semaphore_mem>>, %arg25: memref<!tpu.dma_semaphore, #tpu.memory_space<semaphore_mem>>, %arg26: memref<78x128xi32, #tpu.memory_space<vmem>>, %arg27: memref<16xi32, #tpu.memory_space<vmem>>, %arg28: memref<32x128xf32, #tpu.memory_space<vmem>>, %arg29: memref<10240x128xf32, #tpu.memory_space<vmem_shared>>, %arg30: memref<!tpu.dma_semaphore, #tpu.memory_space<semaphore_mem>>, %arg31: memref<!tpu.dma_semaphore, #tpu.memory_space<semaphore_mem>>) attributes {dimension_semantics = [#tpu.dimension_semantics<core_parallel>, #tpu.dimension_semantics<subcore_parallel>], iteration_bounds = array<i64: 2, 16>, scalar_prefetch = 0 : i64, scratch_operands = 24 : i64, tpu.core_type = #tpu.core_type<sc_vector_subcore>, window_params = [{transform_indices = #map}, {transform_indices = #map1}, {transform_indices = #map}, {transform_indices = #map1}, {transform_indices = #map1}, {transform_indices = #map}]} {
    %mul3A = arith.constant 16 : i32
    %mul3A_0 = arith.muli %arg0, %mul3A : i32
    %add3A = arith.addi %mul3A_0, %arg1 : i32
    %mul3A_1 = arith.constant 640 : i32
    %mul3A_2 = arith.muli %arg1, %mul3A_1 : i32
    %broadcast_in_dim3A = arith.constant 0.000000e+00 : f32
    %broadcast_in_dim3A_3 = vector.broadcast %broadcast_in_dim3A : f32 to vector<16xf32>
    %scan3A = arith.constant 0 : i32
    %scan3A_4 = arith.constant 0 : i32
    %scan3A_5 = arith.constant 32 : i32
    %scan3A_6 = arith.addi %scan3A_4, %scan3A_5 : i32
    %scan3A_7 = arith.constant 1 : i32
    scf.for %scan3A_139 = %scan3A_4 to %scan3A_6 step %scan3A_7  : i32 {
      %swap3A = arith.index_cast %scan3A_139 : i32 to index
      %swap3A_140 = arith.constant 0 : index
      %swap3A_141 = tpu.vector_load %arg28[%swap3A, %swap3A_140] {strides = array<i32>} : memref<32x128xf32, #tpu.memory_space<vmem>>, vector<1x16xf32>,
      %swap3A_142 = vector.shape_cast %swap3A_141 : vector<1x16xf32> to vector<16xf32>
      %swap3A_143 = vector.shape_cast %broadcast_in_dim3A_3 : vector<16xf32> to vector<1x16xf32>
      tpu.vector_store %arg28[%swap3A, %swap3A_140], %swap3A_143 {strides = array<i32>} : memref<32x128xf32, #tpu.memory_space<vmem>>, vector<1x16xf32>,
      %swap3A_144 = arith.index_cast %scan3A_139 : i32 to index
      %swap3A_145 = arith.constant 16 : index
      %swap3A_146 = tpu.vector_load %arg28[%swap3A_144, %swap3A_145] {strides = array<i32>} : memref<32x128xf32, #tpu.memory_space<vmem>>, vector<1x16xf32>,
      %swap3A_147 = vector.shape_cast %swap3A_146 : vector<1x16xf32> to vector<16xf32>
      %swap3A_148 = vector.shape_cast %broadcast_in_dim3A_3 : vector<16xf32> to vector<1x16xf32>
      tpu.vector_store %arg28[%swap3A_144, %swap3A_145], %swap3A_148 {strides = array<i32>} : memref<32x128xf32, #tpu.memory_space<vmem>>, vector<1x16xf32>,
      %swap3A_149 = arith.index_cast %scan3A_139 : i32 to index
      %swap3A_150 = arith.constant 32 : index
      %swap3A_151 = tpu.vector_load %arg28[%swap3A_149, %swap3A_150] {strides = array<i32>} : memref<32x128xf32, #tpu.memory_space<vmem>>, vector<1x16xf32>,
      %swap3A_152 = vector.shape_cast %swap3A_151 : vector<1x16xf32> to vector<16xf32>
      %swap3A_153 = vector.shape_cast %broadcast_in_dim3A_3 : vector<16xf32> to vector<1x16xf32>
      tpu.vector_store %arg28[%swap3A_149, %swap3A_150], %swap3A_153 {strides = array<i32>} : memref<32x128xf32, #tpu.memory_space<vmem>>, vector<1x16xf32>,
      %swap3A_154 = arith.index_cast %scan3A_139 : i32 to index
      %swap3A_155 = arith.constant 48 : index
      %swap3A_156 = tpu.vector_load %arg28[%swap3A_154, %swap3A_155] {strides = array<i32>} : memref<32x128xf32, #tpu.memory_space<vmem>>, vector<1x16xf32>,
      %swap3A_157 = vector.shape_cast %swap3A_156 : vector<1x16xf32> to vector<16xf32>
      %swap3A_158 = vector.shape_cast %broadcast_in_dim3A_3 : vector<16xf32> to vector<1x16xf32>
      tpu.vector_store %arg28[%swap3A_154, %swap3A_155], %swap3A_158 {strides = array<i32>} : memref<32x128xf32, #tpu.memory_space<vmem>>, vector<1x16xf32>,
      %swap3A_159 = arith.index_cast %scan3A_139 : i32 to index
      %swap3A_160 = arith.constant 64 : index
      %swap3A_161 = tpu.vector_load %arg28[%swap3A_159, %swap3A_160] {strides = array<i32>} : memref<32x128xf32, #tpu.memory_space<vmem>>, vector<1x16xf32>,
      %swap3A_162 = vector.shape_cast %swap3A_161 : vector<1x16xf32> to vector<16xf32>
      %swap3A_163 = vector.shape_cast %broadcast_in_dim3A_3 : vector<16xf32> to vector<1x16xf32>
      tpu.vector_store %arg28[%swap3A_159, %swap3A_160], %swap3A_163 {strides = array<i32>} : memref<32x128xf32, #tpu.memory_space<vmem>>, vector<1x16xf32>,
      %swap3A_164 = arith.index_cast %scan3A_139 : i32 to index
      %swap3A_165 = arith.constant 80 : index
      %swap3A_166 = tpu.vector_load %arg28[%swap3A_164, %swap3A_165] {strides = array<i32>} : memref<32x128xf32, #tpu.memory_space<vmem>>, vector<1x16xf32>,
      %swap3A_167 = vector.shape_cast %swap3A_166 : vector<1x16xf32> to vector<16xf32>
      %swap3A_168 = vector.shape_cast %broadcast_in_dim3A_3 : vector<16xf32> to vector<1x16xf32>
      tpu.vector_store %arg28[%swap3A_164, %swap3A_165], %swap3A_168 {strides = array<i32>} : memref<32x128xf32, #tpu.memory_space<vmem>>, vector<1x16xf32>,
      %swap3A_169 = arith.index_cast %scan3A_139 : i32 to index
      %swap3A_170 = arith.constant 96 : index
      %swap3A_171 = tpu.vector_load %arg28[%swap3A_169, %swap3A_170] {strides = array<i32>} : memref<32x128xf32, #tpu.memory_space<vmem>>, vector<1x16xf32>,
      %swap3A_172 = vector.shape_cast %swap3A_171 : vector<1x16xf32> to vector<16xf32>
      %swap3A_173 = vector.shape_cast %broadcast_in_dim3A_3 : vector<16xf32> to vector<1x16xf32>
      tpu.vector_store %arg28[%swap3A_169, %swap3A_170], %swap3A_173 {strides = array<i32>} : memref<32x128xf32, #tpu.memory_space<vmem>>, vector<1x16xf32>,
      %swap3A_174 = arith.index_cast %scan3A_139 : i32 to index
      %swap3A_175 = arith.constant 112 : index
      %swap3A_176 = tpu.vector_load %arg28[%swap3A_174, %swap3A_175] {strides = array<i32>} : memref<32x128xf32, #tpu.memory_space<vmem>>, vector<1x16xf32>,
      %swap3A_177 = vector.shape_cast %swap3A_176 : vector<1x16xf32> to vector<16xf32>
      %swap3A_178 = vector.shape_cast %broadcast_in_dim3A_3 : vector<16xf32> to vector<1x16xf32>
      tpu.vector_store %arg28[%swap3A_174, %swap3A_175], %swap3A_178 {strides = array<i32>} : memref<32x128xf32, #tpu.memory_space<vmem>>, vector<1x16xf32>,
    }
    %scan3A_8 = arith.constant 32 : i32
    %scan3A_9 = arith.constant 0 : i32
    %scan3A_10 = arith.constant 0 : i32
    %scan3A_11 = arith.constant 20 : i32
    %scan3A_12 = arith.addi %scan3A_10, %scan3A_11 : i32
    %scan3A_13 = arith.constant 1 : i32
    scf.for %scan3A_139 = %scan3A_10 to %scan3A_12 step %scan3A_13  : i32 {
      %mul3A_140 = arith.constant 32 : i32
      %mul3A_141 = arith.muli %scan3A_139, %mul3A_140 : i32
      %add3A_142 = arith.addi %mul3A_2, %mul3A_141 : i32
      %dma_start3A_143 = arith.constant 0 : i32
      %dma_start3A_144 = tpu.memref_slice %arg29[%add3A_142, %dma_start3A_143] : memref<10240x128xf32, #tpu.memory_space<vmem_shared>> -> memref<32x128xf32, #tpu.memory_space<vmem_shared>>
      %dma_start3A_145 = arith.constant 0 : i32
      %dma_start3A_146 = tpu.memref_slice %arg29[%add3A_142, %dma_start3A_145] : memref<10240x128xf32, #tpu.memory_space<vmem_shared>> -> memref<32x128xf32, #tpu.memory_space<vmem_shared>>
      tpu.enqueue_dma source(%arg28 : memref<32x128xf32, #tpu.memory_space<vmem>>) target(%dma_start3A_146 : memref<32x128xf32, #tpu.memory_space<vmem_shared>>) target_semaphore(%arg31 : memref<!tpu.dma_semaphore, #tpu.memory_space<semaphore_mem>>)
      %gt3A = arith.constant 0 : i32
      %gt3A_147 = arith.cmpi sgt, %scan3A_139, %gt3A : i32
      %convert_element_type3A = arith.extui %gt3A_147 : i1 to i32
      %cond3A = arith.constant 0 : i32
      %cond3A_148 = arith.cmpi ne, %convert_element_type3A, %cond3A : i32
      scf.if %cond3A_148 {
        %sub3A = arith.constant 1 : i32
        %sub3A_149 = arith.subi %scan3A_139, %sub3A : i32
        %mul3A_150 = arith.constant 32 : i32
        %mul3A_151 = arith.muli %sub3A_149, %mul3A_150 : i32
        %add3A_152 = arith.addi %mul3A_2, %mul3A_151 : i32
        %dma_wait3A_153 = arith.constant 0 : i32
        %dma_wait3A_154 = tpu.memref_slice %arg29[%add3A_152, %dma_wait3A_153] : memref<10240x128xf32, #tpu.memory_space<vmem_shared>> -> memref<32x128xf32, #tpu.memory_space<vmem_shared>>
        %dma_wait3A_155 = arith.constant 0 : i32
        %dma_wait3A_156 = tpu.memref_slice %arg29[%add3A_152, %dma_wait3A_155] : memref<10240x128xf32, #tpu.memory_space<vmem_shared>> -> memref<32x128xf32, #tpu.memory_space<vmem_shared>>
        tpu.wait_dma2 semaphore(%arg31 : memref<!tpu.dma_semaphore, #tpu.memory_space<semaphore_mem>>) src(%arg28 : memref<32x128xf32, #tpu.memory_space<vmem>>) dst(%dma_wait3A_156 : memref<32x128xf32, #tpu.memory_space<vmem_shared>>)
      } else {
      }
    }
    %scan3A_14 = arith.constant 20 : i32
    %dma_start3A = arith.constant 0 : i32
    %dma_start3A_15 = arith.constant 0 : i32
    %dma_start3A_16 = tpu.memref_slice %arg4[%add3A, %dma_start3A, %dma_start3A_15] : memref<32x78x128xi32, #tpu.memory_space<hbm>> -> memref<1x78x128xi32, #tpu.memory_space<hbm>>
    %dma_start3A_17 = tpu.memref_squeeze %dma_start3A_16 : memref<1x78x128xi32, #tpu.memory_space<hbm>> -> memref<78x128xi32, #tpu.memory_space<hbm>>
    %dma_start3A_18 = arith.constant 0 : i32
    %dma_start3A_19 = arith.constant 0 : i32
    %dma_start3A_20 = tpu.memref_slice %arg4[%add3A, %dma_start3A_18, %dma_start3A_19] : memref<32x78x128xi32, #tpu.memory_space<hbm>> -> memref<1x78x128xi32, #tpu.memory_space<hbm>>
    %dma_start3A_21 = tpu.memref_squeeze %dma_start3A_20 : memref<1x78x128xi32, #tpu.memory_space<hbm>> -> memref<78x128xi32, #tpu.memory_space<hbm>>
    tpu.enqueue_dma source(%dma_start3A_21 : memref<78x128xi32, #tpu.memory_space<hbm>>) target(%arg26 : memref<78x128xi32, #tpu.memory_space<vmem>>) target_semaphore(%arg30 : memref<!tpu.dma_semaphore, #tpu.memory_space<semaphore_mem>>)
    %dma_start3A_22 = arith.constant 0 : i32
    %dma_start3A_23 = tpu.memref_slice %arg5[%add3A, %dma_start3A_22] : memref<32x16xi32, #tpu.memory_space<hbm>> -> memref<1x16xi32, #tpu.memory_space<hbm>>
    %dma_start3A_24 = tpu.memref_squeeze %dma_start3A_23 : memref<1x16xi32, #tpu.memory_space<hbm>> -> memref<16xi32, #tpu.memory_space<hbm>>
    %dma_start3A_25 = arith.constant 0 : i32
    %dma_start3A_26 = tpu.memref_slice %arg5[%add3A, %dma_start3A_25] : memref<32x16xi32, #tpu.memory_space<hbm>> -> memref<1x16xi32, #tpu.memory_space<hbm>>
    %dma_start3A_27 = tpu.memref_squeeze %dma_start3A_26 : memref<1x16xi32, #tpu.memory_space<hbm>> -> memref<16xi32, #tpu.memory_space<hbm>>
    tpu.enqueue_dma source(%dma_start3A_27 : memref<16xi32, #tpu.memory_space<hbm>>) target(%arg27 : memref<16xi32, #tpu.memory_space<vmem>>) target_semaphore(%arg21 : memref<!tpu.dma_semaphore, #tpu.memory_space<semaphore_mem>>)
    %dma_start3A_28 = arith.constant 0 : i32
    %dma_start3A_29 = arith.constant 0 : i32
    %dma_start3A_30 = tpu.memref_slice %arg2[%add3A, %dma_start3A_28, %dma_start3A_29] : memref<32x78x128xi32, #tpu.memory_space<hbm>> -> memref<1x78x128xi32, #tpu.memory_space<hbm>>
    %dma_start3A_31 = tpu.memref_squeeze %dma_start3A_30 : memref<1x78x128xi32, #tpu.memory_space<hbm>> -> memref<78x128xi32, #tpu.memory_space<hbm>>
    %dma_start3A_32 = arith.constant 0 : i32
    %dma_start3A_33 = arith.constant 0 : i32
    %dma_start3A_34 = tpu.memref_slice %arg2[%add3A, %dma_start3A_32, %dma_start3A_33] : memref<32x78x128xi32, #tpu.memory_space<hbm>> -> memref<1x78x128xi32, #tpu.memory_space<hbm>>
    %dma_start3A_35 = tpu.memref_squeeze %dma_start3A_34 : memref<1x78x128xi32, #tpu.memory_space<hbm>> -> memref<78x128xi32, #tpu.memory_space<hbm>>
    tpu.enqueue_dma source(%dma_start3A_35 : memref<78x128xi32, #tpu.memory_space<hbm>>) target(%arg8 : memref<78x128xi32, #tpu.memory_space<vmem>>) target_semaphore(%arg15 : memref<!tpu.dma_semaphore, #tpu.memory_space<semaphore_mem>>)
    %dma_start3A_36 = arith.constant 0 : i32
    %dma_start3A_37 = tpu.memref_slice %arg3[%add3A, %dma_start3A_36] : memref<32x16xi32, #tpu.memory_space<hbm>> -> memref<1x16xi32, #tpu.memory_space<hbm>>
    %dma_start3A_38 = tpu.memref_squeeze %dma_start3A_37 : memref<1x16xi32, #tpu.memory_space<hbm>> -> memref<16xi32, #tpu.memory_space<hbm>>
    %dma_start3A_39 = arith.constant 0 : i32
    %dma_start3A_40 = tpu.memref_slice %arg3[%add3A, %dma_start3A_39] : memref<32x16xi32, #tpu.memory_space<hbm>> -> memref<1x16xi32, #tpu.memory_space<hbm>>
    %dma_start3A_41 = tpu.memref_squeeze %dma_start3A_40 : memref<1x16xi32, #tpu.memory_space<hbm>> -> memref<16xi32, #tpu.memory_space<hbm>>
    tpu.enqueue_dma source(%dma_start3A_41 : memref<16xi32, #tpu.memory_space<hbm>>) target(%arg9 : memref<16xi32, #tpu.memory_space<vmem>>) target_semaphore(%arg16 : memref<!tpu.dma_semaphore, #tpu.memory_space<semaphore_mem>>)
    %dma_wait3A = arith.constant 0 : i32
    %dma_wait3A_42 = arith.constant 0 : i32
    %dma_wait3A_43 = tpu.memref_slice %arg2[%add3A, %dma_wait3A, %dma_wait3A_42] : memref<32x78x128xi32, #tpu.memory_space<hbm>> -> memref<1x78x128xi32, #tpu.memory_space<hbm>>
    %dma_wait3A_44 = tpu.memref_squeeze %dma_wait3A_43 : memref<1x78x128xi32, #tpu.memory_space<hbm>> -> memref<78x128xi32, #tpu.memory_space<hbm>>
    %dma_wait3A_45 = arith.constant 0 : i32
    %dma_wait3A_46 = arith.constant 0 : i32
    %dma_wait3A_47 = tpu.memref_slice %arg2[%add3A, %dma_wait3A_45, %dma_wait3A_46] : memref<32x78x128xi32, #tpu.memory_space<hbm>> -> memref<1x78x128xi32, #tpu.memory_space<hbm>>
    %dma_wait3A_48 = tpu.memref_squeeze %dma_wait3A_47 : memref<1x78x128xi32, #tpu.memory_space<hbm>> -> memref<78x128xi32, #tpu.memory_space<hbm>>
    tpu.wait_dma2 semaphore(%arg15 : memref<!tpu.dma_semaphore, #tpu.memory_space<semaphore_mem>>) src(%dma_wait3A_48 : memref<78x128xi32, #tpu.memory_space<hbm>>) dst(%arg8 : memref<78x128xi32, #tpu.memory_space<vmem>>)
    %dma_wait3A_49 = arith.constant 0 : i32
    %dma_wait3A_50 = tpu.memref_slice %arg3[%add3A, %dma_wait3A_49] : memref<32x16xi32, #tpu.memory_space<hbm>> -> memref<1x16xi32, #tpu.memory_space<hbm>>
    %dma_wait3A_51 = tpu.memref_squeeze %dma_wait3A_50 : memref<1x16xi32, #tpu.memory_space<hbm>> -> memref<16xi32, #tpu.memory_space<hbm>>
    %dma_wait3A_52 = arith.constant 0 : i32
    %dma_wait3A_53 = tpu.memref_slice %arg3[%add3A, %dma_wait3A_52] : memref<32x16xi32, #tpu.memory_space<hbm>> -> memref<1x16xi32, #tpu.memory_space<hbm>>
    %dma_wait3A_54 = tpu.memref_squeeze %dma_wait3A_53 : memref<1x16xi32, #tpu.memory_space<hbm>> -> memref<16xi32, #tpu.memory_space<hbm>>
    tpu.wait_dma2 semaphore(%arg16 : memref<!tpu.dma_semaphore, #tpu.memory_space<semaphore_mem>>) src(%dma_wait3A_54 : memref<16xi32, #tpu.memory_space<hbm>>) dst(%arg9 : memref<16xi32, #tpu.memory_space<vmem>>)
    %dma_wait3A_55 = arith.constant 0 : i32
    %dma_wait3A_56 = tpu.memref_slice %arg5[%add3A, %dma_wait3A_55] : memref<32x16xi32, #tpu.memory_space<hbm>> -> memref<1x16xi32, #tpu.memory_space<hbm>>
    %dma_wait3A_57 = tpu.memref_squeeze %dma_wait3A_56 : memref<1x16xi32, #tpu.memory_space<hbm>> -> memref<16xi32, #tpu.memory_space<hbm>>
    %dma_wait3A_58 = arith.constant 0 : i32
    %dma_wait3A_59 = tpu.memref_slice %arg5[%add3A, %dma_wait3A_58] : memref<32x16xi32, #tpu.memory_space<hbm>> -> memref<1x16xi32, #tpu.memory_space<hbm>>
    %dma_wait3A_60 = tpu.memref_squeeze %dma_wait3A_59 : memref<1x16xi32, #tpu.memory_space<hbm>> -> memref<16xi32, #tpu.memory_space<hbm>>
    tpu.wait_dma2 semaphore(%arg21 : memref<!tpu.dma_semaphore, #tpu.memory_space<semaphore_mem>>) src(%dma_wait3A_60 : memref<16xi32, #tpu.memory_space<hbm>>) dst(%arg27 : memref<16xi32, #tpu.memory_space<vmem>>)
    %dma_wait3A_61 = arith.constant 0 : i32
    %dma_wait3A_62 = arith.constant 0 : i32
    %dma_wait3A_63 = tpu.memref_slice %arg4[%add3A, %dma_wait3A_61, %dma_wait3A_62] : memref<32x78x128xi32, #tpu.memory_space<hbm>> -> memref<1x78x128xi32, #tpu.memory_space<hbm>>
    %dma_wait3A_64 = tpu.memref_squeeze %dma_wait3A_63 : memref<1x78x128xi32, #tpu.memory_space<hbm>> -> memref<78x128xi32, #tpu.memory_space<hbm>>
    %dma_wait3A_65 = arith.constant 0 : i32
    %dma_wait3A_66 = arith.constant 0 : i32
    %dma_wait3A_67 = tpu.memref_slice %arg4[%add3A, %dma_wait3A_65, %dma_wait3A_66] : memref<32x78x128xi32, #tpu.memory_space<hbm>> -> memref<1x78x128xi32, #tpu.memory_space<hbm>>
    %dma_wait3A_68 = tpu.memref_squeeze %dma_wait3A_67 : memref<1x78x128xi32, #tpu.memory_space<hbm>> -> memref<78x128xi32, #tpu.memory_space<hbm>>
    tpu.wait_dma2 semaphore(%arg30 : memref<!tpu.dma_semaphore, #tpu.memory_space<semaphore_mem>>) src(%dma_wait3A_68 : memref<78x128xi32, #tpu.memory_space<hbm>>) dst(%arg26 : memref<78x128xi32, #tpu.memory_space<vmem>>)
    %add3A_69 = arith.constant 608 : i32
    %add3A_70 = arith.addi %mul3A_2, %add3A_69 : i32
    %dma_wait3A_71 = arith.constant 0 : i32
    %dma_wait3A_72 = tpu.memref_slice %arg29[%add3A_70, %dma_wait3A_71] : memref<10240x128xf32, #tpu.memory_space<vmem_shared>> -> memref<32x128xf32, #tpu.memory_space<vmem_shared>>
    %dma_wait3A_73 = arith.constant 0 : i32
    %dma_wait3A_74 = tpu.memref_slice %arg29[%add3A_70, %dma_wait3A_73] : memref<10240x128xf32, #tpu.memory_space<vmem_shared>> -> memref<32x128xf32, #tpu.memory_space<vmem_shared>>
    tpu.wait_dma2 semaphore(%arg31 : memref<!tpu.dma_semaphore, #tpu.memory_space<semaphore_mem>>) src(%arg28 : memref<32x128xf32, #tpu.memory_space<vmem>>) dst(%dma_wait3A_74 : memref<32x128xf32, #tpu.memory_space<vmem_shared>>)
    %dma_start3A_75 = arith.constant 0 : i32
    %dma_start3A_76 = arith.constant 0 : i32
    %dma_start3A_77 = tpu.memref_slice %arg8[%dma_start3A_75, %dma_start3A_76] : memref<78x128xi32, #tpu.memory_space<vmem>> -> memref<1x32xi32, #tpu.memory_space<vmem>>
    %dma_start3A_78 = tpu.memref_squeeze %dma_start3A_77 : memref<1x32xi32, #tpu.memory_space<vmem>> -> memref<32xi32, #tpu.memory_space<vmem>>
    %dma_start3A_79 = arith.constant 0 : i32
    %dma_start3A_80 = arith.constant 0 : i32
    %dma_start3A_81 = tpu.memref_slice %arg6[%dma_start3A_79, %dma_start3A_80] : memref<10000x128xf32, #tpu.memory_space<hbm>> -> memref<10000x128xf32, #tpu.memory_space<hbm>>
    tpu.enqueue_indirect_dma source(%dma_start3A_81 : memref<10000x128xf32, #tpu.memory_space<hbm>>) target(%arg28 : memref<32x128xf32, #tpu.memory_space<vmem>>) offsets(%dma_start3A_78 : memref<32xi32, #tpu.memory_space<vmem>>) semaphore(%arg15 : memref<!tpu.dma_semaphore, #tpu.memory_space<semaphore_mem>>)
    %dma_start3A_82 = arith.constant 0 : i32
    %dma_start3A_83 = arith.constant 32 : i32
    %dma_start3A_84 = tpu.memref_slice %arg8[%dma_start3A_82, %dma_start3A_83] : memref<78x128xi32, #tpu.memory_space<vmem>> -> memref<1x32xi32, #tpu.memory_space<vmem>>
    %dma_start3A_85 = tpu.memref_squeeze %dma_start3A_84 : memref<1x32xi32, #tpu.memory_space<vmem>> -> memref<32xi32, #tpu.memory_space<vmem>>
    %dma_start3A_86 = arith.constant 0 : i32
    %dma_start3A_87 = arith.constant 0 : i32
    %dma_start3A_88 = tpu.memref_slice %arg6[%dma_start3A_86, %dma_start3A_87] : memref<10000x128xf32, #tpu.memory_space<hbm>> -> memref<10000x128xf32, #tpu.memory_space<hbm>>
    tpu.enqueue_indirect_dma source(%dma_start3A_88 : memref<10000x128xf32, #tpu.memory_space<hbm>>) target(%arg10 : memref<32x128xf32, #tpu.memory_space<vmem>>) offsets(%dma_start3A_85 : memref<32xi32, #tpu.memory_space<vmem>>) semaphore(%arg16 : memref<!tpu.dma_semaphore, #tpu.memory_space<semaphore_mem>>)
    %dma_start3A_89 = arith.constant 0 : i32
    %dma_start3A_90 = arith.constant 64 : i32
    %dma_start3A_91 = tpu.memref_slice %arg8[%dma_start3A_89, %dma_start3A_90] : memref<78x128xi32, #tpu.memory_space<vmem>> -> memref<1x32xi32, #tpu.memory_space<vmem>>
    %dma_start3A_92 = tpu.memref_squeeze %dma_start3A_91 : memref<1x32xi32, #tpu.memory_space<vmem>> -> memref<32xi32, #tpu.memory_space<vmem>>
    %dma_start3A_93 = arith.constant 0 : i32
    %dma_start3A_94 = arith.constant 0 : i32
    %dma_start3A_95 = tpu.memref_slice %arg6[%dma_start3A_93, %dma_start3A_94] : memref<10000x128xf32, #tpu.memory_space<hbm>> -> memref<10000x128xf32, #tpu.memory_space<hbm>>
    tpu.enqueue_indirect_dma source(%dma_start3A_95 : memref<10000x128xf32, #tpu.memory_space<hbm>>) target(%arg11 : memref<32x128xf32, #tpu.memory_space<vmem>>) offsets(%dma_start3A_92 : memref<32xi32, #tpu.memory_space<vmem>>) semaphore(%arg17 : memref<!tpu.dma_semaphore, #tpu.memory_space<semaphore_mem>>)
    %dma_start3A_96 = arith.constant 0 : i32
    %dma_start3A_97 = arith.constant 96 : i32
    %dma_start3A_98 = tpu.memref_slice %arg8[%dma_start3A_96, %dma_start3A_97] : memref<78x128xi32, #tpu.memory_space<vmem>> -> memref<1x32xi32, #tpu.memory_space<vmem>>
    %dma_start3A_99 = tpu.memref_squeeze %dma_start3A_98 : memref<1x32xi32, #tpu.memory_space<vmem>> -> memref<32xi32, #tpu.memory_space<vmem>>
    %dma_start3A_100 = arith.constant 0 : i32
    %dma_start3A_101 = arith.constant 0 : i32
    %dma_start3A_102 = tpu.memref_slice %arg6[%dma_start3A_100, %dma_start3A_101] : memref<10000x128xf32, #tpu.memory_space<hbm>> -> memref<10000x128xf32, #tpu.memory_space<hbm>>
    tpu.enqueue_indirect_dma source(%dma_start3A_102 : memref<10000x128xf32, #tpu.memory_space<hbm>>) target(%arg12 : memref<32x128xf32, #tpu.memory_space<vmem>>) offsets(%dma_start3A_99 : memref<32xi32, #tpu.memory_space<vmem>>) semaphore(%arg18 : memref<!tpu.dma_semaphore, #tpu.memory_space<semaphore_mem>>)
    %dma_start3A_103 = arith.constant 1 : i32
    %dma_start3A_104 = arith.constant 0 : i32
    %dma_start3A_105 = tpu.memref_slice %arg8[%dma_start3A_103, %dma_start3A_104] : memref<78x128xi32, #tpu.memory_space<vmem>> -> memref<1x32xi32, #tpu.memory_space<vmem>>
    %dma_start3A_106 = tpu.memref_squeeze %dma_start3A_105 : memref<1x32xi32, #tpu.memory_space<vmem>> -> memref<32xi32, #tpu.memory_space<vmem>>
    %dma_start3A_107 = arith.constant 0 : i32
    %dma_start3A_108 = arith.constant 0 : i32
    %dma_start3A_109 = tpu.memref_slice %arg6[%dma_start3A_107, %dma_start3A_108] : memref<10000x128xf32, #tpu.memory_space<hbm>> -> memref<10000x128xf32, #tpu.memory_space<hbm>>
    tpu.enqueue_indirect_dma source(%dma_start3A_109 : memref<10000x128xf32, #tpu.memory_space<hbm>>) target(%arg13 : memref<32x128xf32, #tpu.memory_space<vmem>>) offsets(%dma_start3A_106 : memref<32xi32, #tpu.memory_space<vmem>>) semaphore(%arg19 : memref<!tpu.dma_semaphore, #tpu.memory_space<semaphore_mem>>)
    %dma_start3A_110 = arith.constant 1 : i32
    %dma_start3A_111 = arith.constant 32 : i32
    %dma_start3A_112 = tpu.memref_slice %arg8[%dma_start3A_110, %dma_start3A_111] : memref<78x128xi32, #tpu.memory_space<vmem>> -> memref<1x32xi32, #tpu.memory_space<vmem>>
    %dma_start3A_113 = tpu.memref_squeeze %dma_start3A_112 : memref<1x32xi32, #tpu.memory_space<vmem>> -> memref<32xi32, #tpu.memory_space<vmem>>
    %dma_start3A_114 = arith.constant 0 : i32
    %dma_start3A_115 = arith.constant 0 : i32
    %dma_start3A_116 = tpu.memref_slice %arg6[%dma_start3A_114, %dma_start3A_115] : memref<10000x128xf32, #tpu.memory_space<hbm>> -> memref<10000x128xf32, #tpu.memory_space<hbm>>
    tpu.enqueue_indirect_dma source(%dma_start3A_116 : memref<10000x128xf32, #tpu.memory_space<hbm>>) target(%arg14 : memref<32x128xf32, #tpu.memory_space<vmem>>) offsets(%dma_start3A_113 : memref<32xi32, #tpu.memory_space<vmem>>) semaphore(%arg20 : memref<!tpu.dma_semaphore, #tpu.memory_space<semaphore_mem>>)
    %barrier3A = arith.constant 0 : index
    tpu.barrier barrier_id(%barrier3A)
    %scan3A_117 = arith.constant 0 : i32
    %scan3A_118 = arith.constant 0 : i32
    %scan3A_119 = arith.constant 52 : i32
    %scan3A_120 = arith.addi %scan3A_118, %scan3A_119 : i32
    %scan3A_121 = arith.constant 1 : i32
    scf.for %scan3A_139 = %scan3A_118 to %scan3A_120 step %scan3A_121  : i32 {
      %mul3A_140 = arith.constant 6 : i32
      %mul3A_141 = arith.muli %scan3A_139, %mul3A_140 : i32
      %add3A_142 = arith.constant 0 : i32
      %add3A_143 = arith.addi %mul3A_141, %add3A_142 : i32
      %div3A = arith.constant 4 : i32
      %div3A_144 = arith.divsi %add3A_143, %div3A : i32
      %rem3A = arith.constant 4 : i32
      %rem3A_145 = arith.remsi %add3A_143, %rem3A : i32
      %mul3A_146 = arith.constant 32 : i32
      %mul3A_147 = arith.muli %rem3A_145, %mul3A_146 : i32
      %dma_wait3A_148 = tpu.memref_slice %arg8[%div3A_144, %mul3A_147] : memref<78x128xi32, #tpu.memory_space<vmem>> -> memref<1x32xi32, #tpu.memory_space<vmem>>
      %dma_wait3A_149 = tpu.memref_squeeze %dma_wait3A_148 : memref<1x32xi32, #tpu.memory_space<vmem>> -> memref<32xi32, #tpu.memory_space<vmem>>
      %dma_wait3A_150 = arith.constant 0 : i32
      %dma_wait3A_151 = arith.constant 0 : i32
      %dma_wait3A_152 = tpu.memref_slice %arg6[%dma_wait3A_150, %dma_wait3A_151] : memref<10000x128xf32, #tpu.memory_space<hbm>> -> memref<10000x128xf32, #tpu.memory_space<hbm>>
      tpu.wait_indirect_dma semaphore(%arg15 : memref<!tpu.dma_semaphore, #tpu.memory_space<semaphore_mem>>) src(%dma_wait3A_152 : memref<10000x128xf32, #tpu.memory_space<hbm>>) dst(%arg28 : memref<32x128xf32, #tpu.memory_space<vmem>>)
      %add3A_153 = arith.constant 0 : i32
      %add3A_154 = arith.addi %mul3A_141, %add3A_153 : i32
      %div3A_155 = arith.constant 4 : i32
      %div3A_156 = arith.divsi %add3A_154, %div3A_155 : i32
      %rem3A_157 = arith.constant 4 : i32
      %rem3A_158 = arith.remsi %add3A_154, %rem3A_157 : i32
      %mul3A_159 = arith.constant 32 : i32
      %mul3A_160 = arith.muli %rem3A_158, %mul3A_159 : i32
      %dma_start3A_161 = tpu.memref_slice %arg26[%div3A_156, %mul3A_160] : memref<78x128xi32, #tpu.memory_space<vmem>> -> memref<1x32xi32, #tpu.memory_space<vmem>>
      %dma_start3A_162 = tpu.memref_squeeze %dma_start3A_161 : memref<1x32xi32, #tpu.memory_space<vmem>> -> memref<32xi32, #tpu.memory_space<vmem>>
      %dma_start3A_163 = arith.constant 0 : i32
      %dma_start3A_164 = arith.constant 0 : i32
      %dma_start3A_165 = tpu.memref_slice %arg29[%dma_start3A_163, %dma_start3A_164] : memref<10240x128xf32, #tpu.memory_space<vmem_shared>> -> memref<10240x128xf32, #tpu.memory_space<vmem_shared>>
      tpu.enqueue_indirect_dma source(%arg28 : memref<32x128xf32, #tpu.memory_space<vmem>>) target(%dma_start3A_165 : memref<10240x128xf32, #tpu.memory_space<vmem_shared>>) offsets(%dma_start3A_162 : memref<32xi32, #tpu.memory_space<vmem>>) semaphore(%arg30 : memref<!tpu.dma_semaphore, #tpu.memory_space<semaphore_mem>>) {add = true}
      %add3A_166 = arith.constant 1 : i32
      %add3A_167 = arith.addi %mul3A_141, %add3A_166 : i32
      %div3A_168 = arith.constant 4 : i32
      %div3A_169 = arith.divsi %add3A_167, %div3A_168 : i32
      %rem3A_170 = arith.constant 4 : i32
      %rem3A_171 = arith.remsi %add3A_167, %rem3A_170 : i32
      %mul3A_172 = arith.constant 32 : i32
      %mul3A_173 = arith.muli %rem3A_171, %mul3A_172 : i32
      %dma_wait3A_174 = tpu.memref_slice %arg8[%div3A_169, %mul3A_173] : memref<78x128xi32, #tpu.memory_space<vmem>> -> memref<1x32xi32, #tpu.memory_space<vmem>>
      %dma_wait3A_175 = tpu.memref_squeeze %dma_wait3A_174 : memref<1x32xi32, #tpu.memory_space<vmem>> -> memref<32xi32, #tpu.memory_space<vmem>>
      %dma_wait3A_176 = arith.constant 0 : i32
      %dma_wait3A_177 = arith.constant 0 : i32
      %dma_wait3A_178 = tpu.memref_slice %arg6[%dma_wait3A_176, %dma_wait3A_177] : memref<10000x128xf32, #tpu.memory_space<hbm>> -> memref<10000x128xf32, #tpu.memory_space<hbm>>
      tpu.wait_indirect_dma semaphore(%arg16 : memref<!tpu.dma_semaphore, #tpu.memory_space<semaphore_mem>>) src(%dma_wait3A_178 : memref<10000x128xf32, #tpu.memory_space<hbm>>) dst(%arg10 : memref<32x128xf32, #tpu.memory_space<vmem>>)
      %add3A_179 = arith.constant 1 : i32
      %add3A_180 = arith.addi %mul3A_141, %add3A_179 : i32
      %div3A_181 = arith.constant 4 : i32
      %div3A_182 = arith.divsi %add3A_180, %div3A_181 : i32
      %rem3A_183 = arith.constant 4 : i32
      %rem3A_184 = arith.remsi %add3A_180, %rem3A_183 : i32
      %mul3A_185 = arith.constant 32 : i32
      %mul3A_186 = arith.muli %rem3A_184, %mul3A_185 : i32
      %dma_start3A_187 = tpu.memref_slice %arg26[%div3A_182, %mul3A_186] : memref<78x128xi32, #tpu.memory_space<vmem>> -> memref<1x32xi32, #tpu.memory_space<vmem>>
      %dma_start3A_188 = tpu.memref_squeeze %dma_start3A_187 : memref<1x32xi32, #tpu.memory_space<vmem>> -> memref<32xi32, #tpu.memory_space<vmem>>
      %dma_start3A_189 = arith.constant 0 : i32
      %dma_start3A_190 = arith.constant 0 : i32
      %dma_start3A_191 = tpu.memref_slice %arg29[%dma_start3A_189, %dma_start3A_190] : memref<10240x128xf32, #tpu.memory_space<vmem_shared>> -> memref<10240x128xf32, #tpu.memory_space<vmem_shared>>
      tpu.enqueue_indirect_dma source(%arg10 : memref<32x128xf32, #tpu.memory_space<vmem>>) target(%dma_start3A_191 : memref<10240x128xf32, #tpu.memory_space<vmem_shared>>) offsets(%dma_start3A_188 : memref<32xi32, #tpu.memory_space<vmem>>) semaphore(%arg21 : memref<!tpu.dma_semaphore, #tpu.memory_space<semaphore_mem>>) {add = true}
      %add3A_192 = arith.constant 2 : i32
      %add3A_193 = arith.addi %mul3A_141, %add3A_192 : i32
      %div3A_194 = arith.constant 4 : i32
      %div3A_195 = arith.divsi %add3A_193, %div3A_194 : i32
      %rem3A_196 = arith.constant 4 : i32
      %rem3A_197 = arith.remsi %add3A_193, %rem3A_196 : i32
      %mul3A_198 = arith.constant 32 : i32
      %mul3A_199 = arith.muli %rem3A_197, %mul3A_198 : i32
      %dma_wait3A_200 = tpu.memref_slice %arg8[%div3A_195, %mul3A_199] : memref<78x128xi32, #tpu.memory_space<vmem>> -> memref<1x32xi32, #tpu.memory_space<vmem>>
      %dma_wait3A_201 = tpu.memref_squeeze %dma_wait3A_200 : memref<1x32xi32, #tpu.memory_space<vmem>> -> memref<32xi32, #tpu.memory_space<vmem>>
      %dma_wait3A_202 = arith.constant 0 : i32
      %dma_wait3A_203 = arith.constant 0 : i32
      %dma_wait3A_204 = tpu.memref_slice %arg6[%dma_wait3A_202, %dma_wait3A_203] : memref<10000x128xf32, #tpu.memory_space<hbm>> -> memref<10000x128xf32, #tpu.memory_space<hbm>>
      tpu.wait_indirect_dma semaphore(%arg17 : memref<!tpu.dma_semaphore, #tpu.memory_space<semaphore_mem>>) src(%dma_wait3A_204 : memref<10000x128xf32, #tpu.memory_space<hbm>>) dst(%arg11 : memref<32x128xf32, #tpu.memory_space<vmem>>)
      %add3A_205 = arith.constant 2 : i32
      %add3A_206 = arith.addi %mul3A_141, %add3A_205 : i32
      %div3A_207 = arith.constant 4 : i32
      %div3A_208 = arith.divsi %add3A_206, %div3A_207 : i32
      %rem3A_209 = arith.constant 4 : i32
      %rem3A_210 = arith.remsi %add3A_206, %rem3A_209 : i32
      %mul3A_211 = arith.constant 32 : i32
      %mul3A_212 = arith.muli %rem3A_210, %mul3A_211 : i32
      %dma_start3A_213 = tpu.memref_slice %arg26[%div3A_208, %mul3A_212] : memref<78x128xi32, #tpu.memory_space<vmem>> -> memref<1x32xi32, #tpu.memory_space<vmem>>
      %dma_start3A_214 = tpu.memref_squeeze %dma_start3A_213 : memref<1x32xi32, #tpu.memory_space<vmem>> -> memref<32xi32, #tpu.memory_space<vmem>>
      %dma_start3A_215 = arith.constant 0 : i32
      %dma_start3A_216 = arith.constant 0 : i32
      %dma_start3A_217 = tpu.memref_slice %arg29[%dma_start3A_215, %dma_start3A_216] : memref<10240x128xf32, #tpu.memory_space<vmem_shared>> -> memref<10240x128xf32, #tpu.memory_space<vmem_shared>>
      tpu.enqueue_indirect_dma source(%arg11 : memref<32x128xf32, #tpu.memory_space<vmem>>) target(%dma_start3A_217 : memref<10240x128xf32, #tpu.memory_space<vmem_shared>>) offsets(%dma_start3A_214 : memref<32xi32, #tpu.memory_space<vmem>>) semaphore(%arg22 : memref<!tpu.dma_semaphore, #tpu.memory_space<semaphore_mem>>) {add = true}
      %add3A_218 = arith.constant 3 : i32
      %add3A_219 = arith.addi %mul3A_141, %add3A_218 : i32
      %div3A_220 = arith.constant 4 : i32
      %div3A_221 = arith.divsi %add3A_219, %div3A_220 : i32
      %rem3A_222 = arith.constant 4 : i32
      %rem3A_223 = arith.remsi %add3A_219, %rem3A_222 : i32
      %mul3A_224 = arith.constant 32 : i32
      %mul3A_225 = arith.muli %rem3A_223, %mul3A_224 : i32
      %dma_wait3A_226 = tpu.memref_slice %arg8[%div3A_221, %mul3A_225] : memref<78x128xi32, #tpu.memory_space<vmem>> -> memref<1x32xi32, #tpu.memory_space<vmem>>
      %dma_wait3A_227 = tpu.memref_squeeze %dma_wait3A_226 : memref<1x32xi32, #tpu.memory_space<vmem>> -> memref<32xi32, #tpu.memory_space<vmem>>
      %dma_wait3A_228 = arith.constant 0 : i32
      %dma_wait3A_229 = arith.constant 0 : i32
      %dma_wait3A_230 = tpu.memref_slice %arg6[%dma_wait3A_228, %dma_wait3A_229] : memref<10000x128xf32, #tpu.memory_space<hbm>> -> memref<10000x128xf32, #tpu.memory_space<hbm>>
      tpu.wait_indirect_dma semaphore(%arg18 : memref<!tpu.dma_semaphore, #tpu.memory_space<semaphore_mem>>) src(%dma_wait3A_230 : memref<10000x128xf32, #tpu.memory_space<hbm>>) dst(%arg12 : memref<32x128xf32, #tpu.memory_space<vmem>>)
      %add3A_231 = arith.constant 3 : i32
      %add3A_232 = arith.addi %mul3A_141, %add3A_231 : i32
      %div3A_233 = arith.constant 4 : i32
      %div3A_234 = arith.divsi %add3A_232, %div3A_233 : i32
      %rem3A_235 = arith.constant 4 : i32
      %rem3A_236 = arith.remsi %add3A_232, %rem3A_235 : i32
      %mul3A_237 = arith.constant 32 : i32
      %mul3A_238 = arith.muli %rem3A_236, %mul3A_237 : i32
      %dma_start3A_239 = tpu.memref_slice %arg26[%div3A_234, %mul3A_238] : memref<78x128xi32, #tpu.memory_space<vmem>> -> memref<1x32xi32, #tpu.memory_space<vmem>>
      %dma_start3A_240 = tpu.memref_squeeze %dma_start3A_239 : memref<1x32xi32, #tpu.memory_space<vmem>> -> memref<32xi32, #tpu.memory_space<vmem>>
      %dma_start3A_241 = arith.constant 0 : i32
      %dma_start3A_242 = arith.constant 0 : i32
      %dma_start3A_243 = tpu.memref_slice %arg29[%dma_start3A_241, %dma_start3A_242] : memref<10240x128xf32, #tpu.memory_space<vmem_shared>> -> memref<10240x128xf32, #tpu.memory_space<vmem_shared>>
      tpu.enqueue_indirect_dma source(%arg12 : memref<32x128xf32, #tpu.memory_space<vmem>>) target(%dma_start3A_243 : memref<10240x128xf32, #tpu.memory_space<vmem_shared>>) offsets(%dma_start3A_240 : memref<32xi32, #tpu.memory_space<vmem>>) semaphore(%arg23 : memref<!tpu.dma_semaphore, #tpu.memory_space<semaphore_mem>>) {add = true}
      %add3A_244 = arith.constant 4 : i32
      %add3A_245 = arith.addi %mul3A_141, %add3A_244 : i32
      %div3A_246 = arith.constant 4 : i32
      %div3A_247 = arith.divsi %add3A_245, %div3A_246 : i32
      %rem3A_248 = arith.constant 4 : i32
      %rem3A_249 = arith.remsi %add3A_245, %rem3A_248 : i32
      %mul3A_250 = arith.constant 32 : i32
      %mul3A_251 = arith.muli %rem3A_249, %mul3A_250 : i32
      %dma_wait3A_252 = tpu.memref_slice %arg8[%div3A_247, %mul3A_251] : memref<78x128xi32, #tpu.memory_space<vmem>> -> memref<1x32xi32, #tpu.memory_space<vmem>>
      %dma_wait3A_253 = tpu.memref_squeeze %dma_wait3A_252 : memref<1x32xi32, #tpu.memory_space<vmem>> -> memref<32xi32, #tpu.memory_space<vmem>>
      %dma_wait3A_254 = arith.constant 0 : i32
      %dma_wait3A_255 = arith.constant 0 : i32
      %dma_wait3A_256 = tpu.memref_slice %arg6[%dma_wait3A_254, %dma_wait3A_255] : memref<10000x128xf32, #tpu.memory_space<hbm>> -> memref<10000x128xf32, #tpu.memory_space<hbm>>
      tpu.wait_indirect_dma semaphore(%arg19 : memref<!tpu.dma_semaphore, #tpu.memory_space<semaphore_mem>>) src(%dma_wait3A_256 : memref<10000x128xf32, #tpu.memory_space<hbm>>) dst(%arg13 : memref<32x128xf32, #tpu.memory_space<vmem>>)
      %add3A_257 = arith.constant 4 : i32
      %add3A_258 = arith.addi %mul3A_141, %add3A_257 : i32
      %div3A_259 = arith.constant 4 : i32
      %div3A_260 = arith.divsi %add3A_258, %div3A_259 : i32
      %rem3A_261 = arith.constant 4 : i32
      %rem3A_262 = arith.remsi %add3A_258, %rem3A_261 : i32
      %mul3A_263 = arith.constant 32 : i32
      %mul3A_264 = arith.muli %rem3A_262, %mul3A_263 : i32
      %dma_start3A_265 = tpu.memref_slice %arg26[%div3A_260, %mul3A_264] : memref<78x128xi32, #tpu.memory_space<vmem>> -> memref<1x32xi32, #tpu.memory_space<vmem>>
      %dma_start3A_266 = tpu.memref_squeeze %dma_start3A_265 : memref<1x32xi32, #tpu.memory_space<vmem>> -> memref<32xi32, #tpu.memory_space<vmem>>
      %dma_start3A_267 = arith.constant 0 : i32
      %dma_start3A_268 = arith.constant 0 : i32
      %dma_start3A_269 = tpu.memref_slice %arg29[%dma_start3A_267, %dma_start3A_268] : memref<10240x128xf32, #tpu.memory_space<vmem_shared>> -> memref<10240x128xf32, #tpu.memory_space<vmem_shared>>
      tpu.enqueue_indirect_dma source(%arg13 : memref<32x128xf32, #tpu.memory_space<vmem>>) target(%dma_start3A_269 : memref<10240x128xf32, #tpu.memory_space<vmem_shared>>) offsets(%dma_start3A_266 : memref<32xi32, #tpu.memory_space<vmem>>) semaphore(%arg24 : memref<!tpu.dma_semaphore, #tpu.memory_space<semaphore_mem>>) {add = true}
      %add3A_270 = arith.constant 5 : i32
      %add3A_271 = arith.addi %mul3A_141, %add3A_270 : i32
      %div3A_272 = arith.constant 4 : i32
      %div3A_273 = arith.divsi %add3A_271, %div3A_272 : i32
      %rem3A_274 = arith.constant 4 : i32
      %rem3A_275 = arith.remsi %add3A_271, %rem3A_274 : i32
      %mul3A_276 = arith.constant 32 : i32
      %mul3A_277 = arith.muli %rem3A_275, %mul3A_276 : i32
      %dma_wait3A_278 = tpu.memref_slice %arg8[%div3A_273, %mul3A_277] : memref<78x128xi32, #tpu.memory_space<vmem>> -> memref<1x32xi32, #tpu.memory_space<vmem>>
      %dma_wait3A_279 = tpu.memref_squeeze %dma_wait3A_278 : memref<1x32xi32, #tpu.memory_space<vmem>> -> memref<32xi32, #tpu.memory_space<vmem>>
      %dma_wait3A_280 = arith.constant 0 : i32
      %dma_wait3A_281 = arith.constant 0 : i32
      %dma_wait3A_282 = tpu.memref_slice %arg6[%dma_wait3A_280, %dma_wait3A_281] : memref<10000x128xf32, #tpu.memory_space<hbm>> -> memref<10000x128xf32, #tpu.memory_space<hbm>>
      tpu.wait_indirect_dma semaphore(%arg20 : memref<!tpu.dma_semaphore, #tpu.memory_space<semaphore_mem>>) src(%dma_wait3A_282 : memref<10000x128xf32, #tpu.memory_space<hbm>>) dst(%arg14 : memref<32x128xf32, #tpu.memory_space<vmem>>)
      %add3A_283 = arith.constant 5 : i32
      %add3A_284 = arith.addi %mul3A_141, %add3A_283 : i32
      %div3A_285 = arith.constant 4 : i32
      %div3A_286 = arith.divsi %add3A_284, %div3A_285 : i32
      %rem3A_287 = arith.constant 4 : i32
      %rem3A_288 = arith.remsi %add3A_284, %rem3A_287 : i32
      %mul3A_289 = arith.constant 32 : i32
      %mul3A_290 = arith.muli %rem3A_288, %mul3A_289 : i32
      %dma_start3A_291 = tpu.memref_slice %arg26[%div3A_286, %mul3A_290] : memref<78x128xi32, #tpu.memory_space<vmem>> -> memref<1x32xi32, #tpu.memory_space<vmem>>
      %dma_start3A_292 = tpu.memref_squeeze %dma_start3A_291 : memref<1x32xi32, #tpu.memory_space<vmem>> -> memref<32xi32, #tpu.memory_space<vmem>>
      %dma_start3A_293 = arith.constant 0 : i32
      %dma_start3A_294 = arith.constant 0 : i32
      %dma_start3A_295 = tpu.memref_slice %arg29[%dma_start3A_293, %dma_start3A_294] : memref<10240x128xf32, #tpu.memory_space<vmem_shared>> -> memref<10240x128xf32, #tpu.memory_space<vmem_shared>>
      tpu.enqueue_indirect_dma source(%arg14 : memref<32x128xf32, #tpu.memory_space<vmem>>) target(%dma_start3A_295 : memref<10240x128xf32, #tpu.memory_space<vmem_shared>>) offsets(%dma_start3A_292 : memref<32xi32, #tpu.memory_space<vmem>>) semaphore(%arg25 : memref<!tpu.dma_semaphore, #tpu.memory_space<semaphore_mem>>) {add = true}
      %add3A_296 = arith.constant 0 : i32
      %add3A_297 = arith.addi %mul3A_141, %add3A_296 : i32
      %div3A_298 = arith.constant 4 : i32
      %div3A_299 = arith.divsi %add3A_297, %div3A_298 : i32
      %rem3A_300 = arith.constant 4 : i32
      %rem3A_301 = arith.remsi %add3A_297, %rem3A_300 : i32
      %mul3A_302 = arith.constant 32 : i32
      %mul3A_303 = arith.muli %rem3A_301, %mul3A_302 : i32
      %dma_wait3A_304 = tpu.memref_slice %arg26[%div3A_299, %mul3A_303] : memref<78x128xi32, #tpu.memory_space<vmem>> -> memref<1x32xi32, #tpu.memory_space<vmem>>
      %dma_wait3A_305 = tpu.memref_squeeze %dma_wait3A_304 : memref<1x32xi32, #tpu.memory_space<vmem>> -> memref<32xi32, #tpu.memory_space<vmem>>
      %dma_wait3A_306 = arith.constant 0 : i32
      %dma_wait3A_307 = arith.constant 0 : i32
      %dma_wait3A_308 = tpu.memref_slice %arg29[%dma_wait3A_306, %dma_wait3A_307] : memref<10240x128xf32, #tpu.memory_space<vmem_shared>> -> memref<10240x128xf32, #tpu.memory_space<vmem_shared>>
      tpu.wait_indirect_dma semaphore(%arg30 : memref<!tpu.dma_semaphore, #tpu.memory_space<semaphore_mem>>) src(%arg28 : memref<32x128xf32, #tpu.memory_space<vmem>>) dst(%dma_wait3A_308 : memref<10240x128xf32, #tpu.memory_space<vmem_shared>>)
      %add3A_309 = arith.constant 1 : i32
      %add3A_310 = arith.addi %scan3A_139, %add3A_309 : i32
      %lt3A = arith.constant 52 : i32
      %lt3A_311 = arith.cmpi slt, %add3A_310, %lt3A : i32
      %convert_element_type3A = arith.extui %lt3A_311 : i1 to i32
      %cond3A = arith.constant 0 : i32
      %cond3A_312 = arith.cmpi ne, %convert_element_type3A, %cond3A : i32
      scf.if %cond3A_312 {
        %add3A_413 = arith.constant 6 : i32
        %add3A_414 = arith.addi %mul3A_141, %add3A_413 : i32
        %add3A_415 = arith.constant 0 : i32
        %add3A_416 = arith.addi %add3A_414, %add3A_415 : i32
        %div3A_417 = arith.constant 4 : i32
        %div3A_418 = arith.divsi %add3A_416, %div3A_417 : i32
        %rem3A_419 = arith.constant 4 : i32
        %rem3A_420 = arith.remsi %add3A_416, %rem3A_419 : i32
        %mul3A_421 = arith.constant 32 : i32
        %mul3A_422 = arith.muli %rem3A_420, %mul3A_421 : i32
        %dma_start3A_423 = tpu.memref_slice %arg8[%div3A_418, %mul3A_422] : memref<78x128xi32, #tpu.memory_space<vmem>> -> memref<1x32xi32, #tpu.memory_space<vmem>>
        %dma_start3A_424 = tpu.memref_squeeze %dma_start3A_423 : memref<1x32xi32, #tpu.memory_space<vmem>> -> memref<32xi32, #tpu.memory_space<vmem>>
        %dma_start3A_425 = arith.constant 0 : i32
        %dma_start3A_426 = arith.constant 0 : i32
        %dma_start3A_427 = tpu.memref_slice %arg6[%dma_start3A_425, %dma_start3A_426] : memref<10000x128xf32, #tpu.memory_space<hbm>> -> memref<10000x128xf32, #tpu.memory_space<hbm>>
        tpu.enqueue_indirect_dma source(%dma_start3A_427 : memref<10000x128xf32, #tpu.memory_space<hbm>>) target(%arg28 : memref<32x128xf32, #tpu.memory_space<vmem>>) offsets(%dma_start3A_424 : memref<32xi32, #tpu.memory_space<vmem>>) semaphore(%arg15 : memref<!tpu.dma_semaphore, #tpu.memory_space<semaphore_mem>>)
      } else {
      }
      %add3A_313 = arith.constant 1 : i32
      %add3A_314 = arith.addi %mul3A_141, %add3A_313 : i32
      %div3A_315 = arith.constant 4 : i32
      %div3A_316 = arith.divsi %add3A_314, %div3A_315 : i32
      %rem3A_317 = arith.constant 4 : i32
      %rem3A_318 = arith.remsi %add3A_314, %rem3A_317 : i32
      %mul3A_319 = arith.constant 32 : i32
      %mul3A_320 = arith.muli %rem3A_318, %mul3A_319 : i32
      %dma_wait3A_321 = tpu.memref_slice %arg26[%div3A_316, %mul3A_320] : memref<78x128xi32, #tpu.memory_space<vmem>> -> memref<1x32xi32, #tpu.memory_space<vmem>>
      %dma_wait3A_322 = tpu.memref_squeeze %dma_wait3A_321 : memref<1x32xi32, #tpu.memory_space<vmem>> -> memref<32xi32, #tpu.memory_space<vmem>>
      %dma_wait3A_323 = arith.constant 0 : i32
      %dma_wait3A_324 = arith.constant 0 : i32
      %dma_wait3A_325 = tpu.memref_slice %arg29[%dma_wait3A_323, %dma_wait3A_324] : memref<10240x128xf32, #tpu.memory_space<vmem_shared>> -> memref<10240x128xf32, #tpu.memory_space<vmem_shared>>
      tpu.wait_indirect_dma semaphore(%arg21 : memref<!tpu.dma_semaphore, #tpu.memory_space<semaphore_mem>>) src(%arg10 : memref<32x128xf32, #tpu.memory_space<vmem>>) dst(%dma_wait3A_325 : memref<10240x128xf32, #tpu.memory_space<vmem_shared>>)
      %add3A_326 = arith.constant 1 : i32
      %add3A_327 = arith.addi %scan3A_139, %add3A_326 : i32
      %lt3A_328 = arith.constant 52 : i32
      %lt3A_329 = arith.cmpi slt, %add3A_327, %lt3A_328 : i32
      %convert_element_type3A_330 = arith.extui %lt3A_329 : i1 to i32
      %cond3A_331 = arith.constant 0 : i32
      %cond3A_332 = arith.cmpi ne, %convert_element_type3A_330, %cond3A_331 : i32
      scf.if %cond3A_332 {
        %add3A_413 = arith.constant 6 : i32
        %add3A_414 = arith.addi %mul3A_141, %add3A_413 : i32
        %add3A_415 = arith.constant 1 : i32
        %add3A_416 = arith.addi %add3A_414, %add3A_415 : i32
        %div3A_417 = arith.constant 4 : i32
        %div3A_418 = arith.divsi %add3A_416, %div3A_417 : i32
        %rem3A_419 = arith.constant 4 : i32
        %rem3A_420 = arith.remsi %add3A_416, %rem3A_419 : i32
        %mul3A_421 = arith.constant 32 : i32
        %mul3A_422 = arith.muli %rem3A_420, %mul3A_421 : i32
        %dma_start3A_423 = tpu.memref_slice %arg8[%div3A_418, %mul3A_422] : memref<78x128xi32, #tpu.memory_space<vmem>> -> memref<1x32xi32, #tpu.memory_space<vmem>>
        %dma_start3A_424 = tpu.memref_squeeze %dma_start3A_423 : memref<1x32xi32, #tpu.memory_space<vmem>> -> memref<32xi32, #tpu.memory_space<vmem>>
        %dma_start3A_425 = arith.constant 0 : i32
        %dma_start3A_426 = arith.constant 0 : i32
        %dma_start3A_427 = tpu.memref_slice %arg6[%dma_start3A_425, %dma_start3A_426] : memref<10000x128xf32, #tpu.memory_space<hbm>> -> memref<10000x128xf32, #tpu.memory_space<hbm>>
        tpu.enqueue_indirect_dma source(%dma_start3A_427 : memref<10000x128xf32, #tpu.memory_space<hbm>>) target(%arg10 : memref<32x128xf32, #tpu.memory_space<vmem>>) offsets(%dma_start3A_424 : memref<32xi32, #tpu.memory_space<vmem>>) semaphore(%arg16 : memref<!tpu.dma_semaphore, #tpu.memory_space<semaphore_mem>>)
      } else {
      }
      %add3A_333 = arith.constant 2 : i32
      %add3A_334 = arith.addi %mul3A_141, %add3A_333 : i32
      %div3A_335 = arith.constant 4 : i32
      %div3A_336 = arith.divsi %add3A_334, %div3A_335 : i32
      %rem3A_337 = arith.constant 4 : i32
      %rem3A_338 = arith.remsi %add3A_334, %rem3A_337 : i32
      %mul3A_339 = arith.constant 32 : i32
      %mul3A_340 = arith.muli %rem3A_338, %mul3A_339 : i32
      %dma_wait3A_341 = tpu.memref_slice %arg26[%div3A_336, %mul3A_340] : memref<78x128xi32, #tpu.memory_space<vmem>> -> memref<1x32xi32, #tpu.memory_space<vmem>>
      %dma_wait3A_342 = tpu.memref_squeeze %dma_wait3A_341 : memref<1x32xi32, #tpu.memory_space<vmem>> -> memref<32xi32, #tpu.memory_space<vmem>>
      %dma_wait3A_343 = arith.constant 0 : i32
      %dma_wait3A_344 = arith.constant 0 : i32
      %dma_wait3A_345 = tpu.memref_slice %arg29[%dma_wait3A_343, %dma_wait3A_344] : memref<10240x128xf32, #tpu.memory_space<vmem_shared>> -> memref<10240x128xf32, #tpu.memory_space<vmem_shared>>
      tpu.wait_indirect_dma semaphore(%arg22 : memref<!tpu.dma_semaphore, #tpu.memory_space<semaphore_mem>>) src(%arg11 : memref<32x128xf32, #tpu.memory_space<vmem>>) dst(%dma_wait3A_345 : memref<10240x128xf32, #tpu.memory_space<vmem_shared>>)
      %add3A_346 = arith.constant 1 : i32
      %add3A_347 = arith.addi %scan3A_139, %add3A_346 : i32
      %lt3A_348 = arith.constant 52 : i32
      %lt3A_349 = arith.cmpi slt, %add3A_347, %lt3A_348 : i32
      %convert_element_type3A_350 = arith.extui %lt3A_349 : i1 to i32
      %cond3A_351 = arith.constant 0 : i32
      %cond3A_352 = arith.cmpi ne, %convert_element_type3A_350, %cond3A_351 : i32
      scf.if %cond3A_352 {
        %add3A_413 = arith.constant 6 : i32
        %add3A_414 = arith.addi %mul3A_141, %add3A_413 : i32
        %add3A_415 = arith.constant 2 : i32
        %add3A_416 = arith.addi %add3A_414, %add3A_415 : i32
        %div3A_417 = arith.constant 4 : i32
        %div3A_418 = arith.divsi %add3A_416, %div3A_417 : i32
        %rem3A_419 = arith.constant 4 : i32
        %rem3A_420 = arith.remsi %add3A_416, %rem3A_419 : i32
        %mul3A_421 = arith.constant 32 : i32
        %mul3A_422 = arith.muli %rem3A_420, %mul3A_421 : i32
        %dma_start3A_423 = tpu.memref_slice %arg8[%div3A_418, %mul3A_422] : memref<78x128xi32, #tpu.memory_space<vmem>> -> memref<1x32xi32, #tpu.memory_space<vmem>>
        %dma_start3A_424 = tpu.memref_squeeze %dma_start3A_423 : memref<1x32xi32, #tpu.memory_space<vmem>> -> memref<32xi32, #tpu.memory_space<vmem>>
        %dma_start3A_425 = arith.constant 0 : i32
        %dma_start3A_426 = arith.constant 0 : i32
        %dma_start3A_427 = tpu.memref_slice %arg6[%dma_start3A_425, %dma_start3A_426] : memref<10000x128xf32, #tpu.memory_space<hbm>> -> memref<10000x128xf32, #tpu.memory_space<hbm>>
        tpu.enqueue_indirect_dma source(%dma_start3A_427 : memref<10000x128xf32, #tpu.memory_space<hbm>>) target(%arg11 : memref<32x128xf32, #tpu.memory_space<vmem>>) offsets(%dma_start3A_424 : memref<32xi32, #tpu.memory_space<vmem>>) semaphore(%arg17 : memref<!tpu.dma_semaphore, #tpu.memory_space<semaphore_mem>>)
      } else {
      }
      %add3A_353 = arith.constant 3 : i32
      %add3A_354 = arith.addi %mul3A_141, %add3A_353 : i32
      %div3A_355 = arith.constant 4 : i32
      %div3A_356 = arith.divsi %add3A_354, %div3A_355 : i32
      %rem3A_357 = arith.constant 4 : i32
      %rem3A_358 = arith.remsi %add3A_354, %rem3A_357 : i32
      %mul3A_359 = arith.constant 32 : i32
      %mul3A_360 = arith.muli %rem3A_358, %mul3A_359 : i32
      %dma_wait3A_361 = tpu.memref_slice %arg26[%div3A_356, %mul3A_360] : memref<78x128xi32, #tpu.memory_space<vmem>> -> memref<1x32xi32, #tpu.memory_space<vmem>>
      %dma_wait3A_362 = tpu.memref_squeeze %dma_wait3A_361 : memref<1x32xi32, #tpu.memory_space<vmem>> -> memref<32xi32, #tpu.memory_space<vmem>>
      %dma_wait3A_363 = arith.constant 0 : i32
      %dma_wait3A_364 = arith.constant 0 : i32
      %dma_wait3A_365 = tpu.memref_slice %arg29[%dma_wait3A_363, %dma_wait3A_364] : memref<10240x128xf32, #tpu.memory_space<vmem_shared>> -> memref<10240x128xf32, #tpu.memory_space<vmem_shared>>
      tpu.wait_indirect_dma semaphore(%arg23 : memref<!tpu.dma_semaphore, #tpu.memory_space<semaphore_mem>>) src(%arg12 : memref<32x128xf32, #tpu.memory_space<vmem>>) dst(%dma_wait3A_365 : memref<10240x128xf32, #tpu.memory_space<vmem_shared>>)
      %add3A_366 = arith.constant 1 : i32
      %add3A_367 = arith.addi %scan3A_139, %add3A_366 : i32
      %lt3A_368 = arith.constant 52 : i32
      %lt3A_369 = arith.cmpi slt, %add3A_367, %lt3A_368 : i32
      %convert_element_type3A_370 = arith.extui %lt3A_369 : i1 to i32
      %cond3A_371 = arith.constant 0 : i32
      %cond3A_372 = arith.cmpi ne, %convert_element_type3A_370, %cond3A_371 : i32
      scf.if %cond3A_372 {
        %add3A_413 = arith.constant 6 : i32
        %add3A_414 = arith.addi %mul3A_141, %add3A_413 : i32
        %add3A_415 = arith.constant 3 : i32
        %add3A_416 = arith.addi %add3A_414, %add3A_415 : i32
        %div3A_417 = arith.constant 4 : i32
        %div3A_418 = arith.divsi %add3A_416, %div3A_417 : i32
        %rem3A_419 = arith.constant 4 : i32
        %rem3A_420 = arith.remsi %add3A_416, %rem3A_419 : i32
        %mul3A_421 = arith.constant 32 : i32
        %mul3A_422 = arith.muli %rem3A_420, %mul3A_421 : i32
        %dma_start3A_423 = tpu.memref_slice %arg8[%div3A_418, %mul3A_422] : memref<78x128xi32, #tpu.memory_space<vmem>> -> memref<1x32xi32, #tpu.memory_space<vmem>>
        %dma_start3A_424 = tpu.memref_squeeze %dma_start3A_423 : memref<1x32xi32, #tpu.memory_space<vmem>> -> memref<32xi32, #tpu.memory_space<vmem>>
        %dma_start3A_425 = arith.constant 0 : i32
        %dma_start3A_426 = arith.constant 0 : i32
        %dma_start3A_427 = tpu.memref_slice %arg6[%dma_start3A_425, %dma_start3A_426] : memref<10000x128xf32, #tpu.memory_space<hbm>> -> memref<10000x128xf32, #tpu.memory_space<hbm>>
        tpu.enqueue_indirect_dma source(%dma_start3A_427 : memref<10000x128xf32, #tpu.memory_space<hbm>>) target(%arg12 : memref<32x128xf32, #tpu.memory_space<vmem>>) offsets(%dma_start3A_424 : memref<32xi32, #tpu.memory_space<vmem>>) semaphore(%arg18 : memref<!tpu.dma_semaphore, #tpu.memory_space<semaphore_mem>>)
      } else {
      }
      %add3A_373 = arith.constant 4 : i32
      %add3A_374 = arith.addi %mul3A_141, %add3A_373 : i32
      %div3A_375 = arith.constant 4 : i32
      %div3A_376 = arith.divsi %add3A_374, %div3A_375 : i32
      %rem3A_377 = arith.constant 4 : i32
      %rem3A_378 = arith.remsi %add3A_374, %rem3A_377 : i32
      %mul3A_379 = arith.constant 32 : i32
      %mul3A_380 = arith.muli %rem3A_378, %mul3A_379 : i32
      %dma_wait3A_381 = tpu.memref_slice %arg26[%div3A_376, %mul3A_380] : memref<78x128xi32, #tpu.memory_space<vmem>> -> memref<1x32xi32, #tpu.memory_space<vmem>>
      %dma_wait3A_382 = tpu.memref_squeeze %dma_wait3A_381 : memref<1x32xi32, #tpu.memory_space<vmem>> -> memref<32xi32, #tpu.memory_space<vmem>>
      %dma_wait3A_383 = arith.constant 0 : i32
      %dma_wait3A_384 = arith.constant 0 : i32
      %dma_wait3A_385 = tpu.memref_slice %arg29[%dma_wait3A_383, %dma_wait3A_384] : memref<10240x128xf32, #tpu.memory_space<vmem_shared>> -> memref<10240x128xf32, #tpu.memory_space<vmem_shared>>
      tpu.wait_indirect_dma semaphore(%arg24 : memref<!tpu.dma_semaphore, #tpu.memory_space<semaphore_mem>>) src(%arg13 : memref<32x128xf32, #tpu.memory_space<vmem>>) dst(%dma_wait3A_385 : memref<10240x128xf32, #tpu.memory_space<vmem_shared>>)
      %add3A_386 = arith.constant 1 : i32
      %add3A_387 = arith.addi %scan3A_139, %add3A_386 : i32
      %lt3A_388 = arith.constant 52 : i32
      %lt3A_389 = arith.cmpi slt, %add3A_387, %lt3A_388 : i32
      %convert_element_type3A_390 = arith.extui %lt3A_389 : i1 to i32
      %cond3A_391 = arith.constant 0 : i32
      %cond3A_392 = arith.cmpi ne, %convert_element_type3A_390, %cond3A_391 : i32
      scf.if %cond3A_392 {
        %add3A_413 = arith.constant 6 : i32
        %add3A_414 = arith.addi %mul3A_141, %add3A_413 : i32
        %add3A_415 = arith.constant 4 : i32
        %add3A_416 = arith.addi %add3A_414, %add3A_415 : i32
        %div3A_417 = arith.constant 4 : i32
        %div3A_418 = arith.divsi %add3A_416, %div3A_417 : i32
        %rem3A_419 = arith.constant 4 : i32
        %rem3A_420 = arith.remsi %add3A_416, %rem3A_419 : i32
        %mul3A_421 = arith.constant 32 : i32
        %mul3A_422 = arith.muli %rem3A_420, %mul3A_421 : i32
        %dma_start3A_423 = tpu.memref_slice %arg8[%div3A_418, %mul3A_422] : memref<78x128xi32, #tpu.memory_space<vmem>> -> memref<1x32xi32, #tpu.memory_space<vmem>>
        %dma_start3A_424 = tpu.memref_squeeze %dma_start3A_423 : memref<1x32xi32, #tpu.memory_space<vmem>> -> memref<32xi32, #tpu.memory_space<vmem>>
        %dma_start3A_425 = arith.constant 0 : i32
        %dma_start3A_426 = arith.constant 0 : i32
        %dma_start3A_427 = tpu.memref_slice %arg6[%dma_start3A_425, %dma_start3A_426] : memref<10000x128xf32, #tpu.memory_space<hbm>> -> memref<10000x128xf32, #tpu.memory_space<hbm>>
        tpu.enqueue_indirect_dma source(%dma_start3A_427 : memref<10000x128xf32, #tpu.memory_space<hbm>>) target(%arg13 : memref<32x128xf32, #tpu.memory_space<vmem>>) offsets(%dma_start3A_424 : memref<32xi32, #tpu.memory_space<vmem>>) semaphore(%arg19 : memref<!tpu.dma_semaphore, #tpu.memory_space<semaphore_mem>>)
      } else {
      }
      %add3A_393 = arith.constant 5 : i32
      %add3A_394 = arith.addi %mul3A_141, %add3A_393 : i32
      %div3A_395 = arith.constant 4 : i32
      %div3A_396 = arith.divsi %add3A_394, %div3A_395 : i32
      %rem3A_397 = arith.constant 4 : i32
      %rem3A_398 = arith.remsi %add3A_394, %rem3A_397 : i32
      %mul3A_399 = arith.constant 32 : i32
      %mul3A_400 = arith.muli %rem3A_398, %mul3A_399 : i32
      %dma_wait3A_401 = tpu.memref_slice %arg26[%div3A_396, %mul3A_400] : memref<78x128xi32, #tpu.memory_space<vmem>> -> memref<1x32xi32, #tpu.memory_space<vmem>>
      %dma_wait3A_402 = tpu.memref_squeeze %dma_wait3A_401 : memref<1x32xi32, #tpu.memory_space<vmem>> -> memref<32xi32, #tpu.memory_space<vmem>>
      %dma_wait3A_403 = arith.constant 0 : i32
      %dma_wait3A_404 = arith.constant 0 : i32
      %dma_wait3A_405 = tpu.memref_slice %arg29[%dma_wait3A_403, %dma_wait3A_404] : memref<10240x128xf32, #tpu.memory_space<vmem_shared>> -> memref<10240x128xf32, #tpu.memory_space<vmem_shared>>
      tpu.wait_indirect_dma semaphore(%arg25 : memref<!tpu.dma_semaphore, #tpu.memory_space<semaphore_mem>>) src(%arg14 : memref<32x128xf32, #tpu.memory_space<vmem>>) dst(%dma_wait3A_405 : memref<10240x128xf32, #tpu.memory_space<vmem_shared>>)
      %add3A_406 = arith.constant 1 : i32
      %add3A_407 = arith.addi %scan3A_139, %add3A_406 : i32
      %lt3A_408 = arith.constant 52 : i32
      %lt3A_409 = arith.cmpi slt, %add3A_407, %lt3A_408 : i32
      %convert_element_type3A_410 = arith.extui %lt3A_409 : i1 to i32
      %cond3A_411 = arith.constant 0 : i32
      %cond3A_412 = arith.cmpi ne, %convert_element_type3A_410, %cond3A_411 : i32
      scf.if %cond3A_412 {
        %add3A_413 = arith.constant 6 : i32
        %add3A_414 = arith.addi %mul3A_141, %add3A_413 : i32
        %add3A_415 = arith.constant 5 : i32
        %add3A_416 = arith.addi %add3A_414, %add3A_415 : i32
        %div3A_417 = arith.constant 4 : i32
        %div3A_418 = arith.divsi %add3A_416, %div3A_417 : i32
        %rem3A_419 = arith.constant 4 : i32
        %rem3A_420 = arith.remsi %add3A_416, %rem3A_419 : i32
        %mul3A_421 = arith.constant 32 : i32
        %mul3A_422 = arith.muli %rem3A_420, %mul3A_421 : i32
        %dma_start3A_423 = tpu.memref_slice %arg8[%div3A_418, %mul3A_422] : memref<78x128xi32, #tpu.memory_space<vmem>> -> memref<1x32xi32, #tpu.memory_space<vmem>>
        %dma_start3A_424 = tpu.memref_squeeze %dma_start3A_423 : memref<1x32xi32, #tpu.memory_space<vmem>> -> memref<32xi32, #tpu.memory_space<vmem>>
        %dma_start3A_425 = arith.constant 0 : i32
        %dma_start3A_426 = arith.constant 0 : i32
        %dma_start3A_427 = tpu.memref_slice %arg6[%dma_start3A_425, %dma_start3A_426] : memref<10000x128xf32, #tpu.memory_space<hbm>> -> memref<10000x128xf32, #tpu.memory_space<hbm>>
        tpu.enqueue_indirect_dma source(%dma_start3A_427 : memref<10000x128xf32, #tpu.memory_space<hbm>>) target(%arg14 : memref<32x128xf32, #tpu.memory_space<vmem>>) offsets(%dma_start3A_424 : memref<32xi32, #tpu.memory_space<vmem>>) semaphore(%arg20 : memref<!tpu.dma_semaphore, #tpu.memory_space<semaphore_mem>>)
      } else {
      }
    }
    %scan3A_122 = arith.constant 52 : i32
    "tpu.region"() ({
      %run_scoped3A = tpu.sem_alloc : memref<!tpu.dma_semaphore, #tpu.memory_space<semaphore_mem>>
      %dma_start3A_139 = arith.constant 0 : i32
      %dma_start3A_140 = arith.constant 0 : i32
      %dma_start3A_141 = tpu.memref_slice %arg28[%dma_start3A_139, %dma_start3A_140] : memref<32x128xf32, #tpu.memory_space<vmem>> -> memref<16x128xf32, #tpu.memory_space<vmem>>
      %dma_start3A_142 = arith.constant 0 : i32
      %dma_start3A_143 = arith.constant 0 : i32
      %dma_start3A_144 = tpu.memref_slice %arg6[%dma_start3A_142, %dma_start3A_143] : memref<10000x128xf32, #tpu.memory_space<hbm>> -> memref<10000x128xf32, #tpu.memory_space<hbm>>
      tpu.enqueue_indirect_dma source(%dma_start3A_144 : memref<10000x128xf32, #tpu.memory_space<hbm>>) target(%dma_start3A_141 : memref<16x128xf32, #tpu.memory_space<vmem>>) offsets(%arg9 : memref<16xi32, #tpu.memory_space<vmem>>) semaphore(%run_scoped3A : memref<!tpu.dma_semaphore, #tpu.memory_space<semaphore_mem>>)
      %dma_wait3A_145 = arith.constant 0 : i32
      %dma_wait3A_146 = arith.constant 0 : i32
      %dma_wait3A_147 = tpu.memref_slice %arg28[%dma_wait3A_145, %dma_wait3A_146] : memref<32x128xf32, #tpu.memory_space<vmem>> -> memref<16x128xf32, #tpu.memory_space<vmem>>
      %dma_wait3A_148 = arith.constant 0 : i32
      %dma_wait3A_149 = arith.constant 0 : i32
      %dma_wait3A_150 = tpu.memref_slice %arg6[%dma_wait3A_148, %dma_wait3A_149] : memref<10000x128xf32, #tpu.memory_space<hbm>> -> memref<10000x128xf32, #tpu.memory_space<hbm>>
      tpu.wait_indirect_dma semaphore(%run_scoped3A : memref<!tpu.dma_semaphore, #tpu.memory_space<semaphore_mem>>) src(%dma_wait3A_150 : memref<10000x128xf32, #tpu.memory_space<hbm>>) dst(%dma_wait3A_147 : memref<16x128xf32, #tpu.memory_space<vmem>>)
      tpu.yield
    }) : () -> ()
    "tpu.region"() ({
      %run_scoped3A = tpu.sem_alloc : memref<!tpu.dma_semaphore, #tpu.memory_space<semaphore_mem>>
      %dma_start3A_139 = arith.constant 0 : i32
      %dma_start3A_140 = arith.constant 0 : i32
      %dma_start3A_141 = tpu.memref_slice %arg28[%dma_start3A_139, %dma_start3A_140] : memref<32x128xf32, #tpu.memory_space<vmem>> -> memref<16x128xf32, #tpu.memory_space<vmem>>
      %dma_start3A_142 = arith.constant 0 : i32
      %dma_start3A_143 = arith.constant 0 : i32
      %dma_start3A_144 = tpu.memref_slice %arg29[%dma_start3A_142, %dma_start3A_143] : memref<10240x128xf32, #tpu.memory_space<vmem_shared>> -> memref<10240x128xf32, #tpu.memory_space<vmem_shared>>
      tpu.enqueue_indirect_dma source(%dma_start3A_141 : memref<16x128xf32, #tpu.memory_space<vmem>>) target(%dma_start3A_144 : memref<10240x128xf32, #tpu.memory_space<vmem_shared>>) offsets(%arg27 : memref<16xi32, #tpu.memory_space<vmem>>) semaphore(%run_scoped3A : memref<!tpu.dma_semaphore, #tpu.memory_space<semaphore_mem>>) {add = true}
      %dma_wait3A_145 = arith.constant 0 : i32
      %dma_wait3A_146 = arith.constant 0 : i32
      %dma_wait3A_147 = tpu.memref_slice %arg28[%dma_wait3A_145, %dma_wait3A_146] : memref<32x128xf32, #tpu.memory_space<vmem>> -> memref<16x128xf32, #tpu.memory_space<vmem>>
      %dma_wait3A_148 = arith.constant 0 : i32
      %dma_wait3A_149 = arith.constant 0 : i32
      %dma_wait3A_150 = tpu.memref_slice %arg29[%dma_wait3A_148, %dma_wait3A_149] : memref<10240x128xf32, #tpu.memory_space<vmem_shared>> -> memref<10240x128xf32, #tpu.memory_space<vmem_shared>>
      tpu.wait_indirect_dma semaphore(%run_scoped3A : memref<!tpu.dma_semaphore, #tpu.memory_space<semaphore_mem>>) src(%dma_wait3A_147 : memref<16x128xf32, #tpu.memory_space<vmem>>) dst(%dma_wait3A_150 : memref<10240x128xf32, #tpu.memory_space<vmem_shared>>)
      tpu.yield
    }) : () -> ()
    %barrier3A_123 = arith.constant 0 : index
    tpu.barrier barrier_id(%barrier3A_123)
    %scan3A_124 = arith.constant 0 : i32
    %scan3A_125 = arith.constant 0 : i32
    %scan3A_126 = arith.constant 20 : i32
    %scan3A_127 = arith.addi %scan3A_125, %scan3A_126 : i32
    %scan3A_128 = arith.constant 1 : i32
    scf.for %scan3A_139 = %scan3A_125 to %scan3A_127 step %scan3A_128  : i32 {
      %mul3A_140 = arith.constant 32 : i32
      %mul3A_141 = arith.muli %scan3A_139, %mul3A_140 : i32
      %add3A_142 = arith.addi %mul3A_2, %mul3A_141 : i32
      %mul3A_143 = arith.constant 32 : i32
      %mul3A_144 = arith.muli %scan3A_139, %mul3A_143 : i32
      %add3A_145 = arith.addi %mul3A_2, %mul3A_144 : i32
      %dma_start3A_146 = arith.constant 0 : i32
      %dma_start3A_147 = tpu.memref_slice %arg7[%arg0, %add3A_145, %dma_start3A_146] : memref<2x10240x128xf32, #tpu.memory_space<hbm>> -> memref<1x32x128xf32, #tpu.memory_space<hbm>>
      %dma_start3A_148 = tpu.memref_squeeze %dma_start3A_147 : memref<1x32x128xf32, #tpu.memory_space<hbm>> -> memref<32x128xf32, #tpu.memory_space<hbm>>
      %dma_start3A_149 = arith.constant 0 : i32
      %dma_start3A_150 = tpu.memref_slice %arg29[%add3A_142, %dma_start3A_149] : memref<10240x128xf32, #tpu.memory_space<vmem_shared>> -> memref<32x128xf32, #tpu.memory_space<vmem_shared>>
      tpu.enqueue_dma source(%dma_start3A_150 : memref<32x128xf32, #tpu.memory_space<vmem_shared>>) target(%dma_start3A_148 : memref<32x128xf32, #tpu.memory_space<hbm>>) target_semaphore(%arg31 : memref<!tpu.dma_semaphore, #tpu.memory_space<semaphore_mem>>)
      %gt3A = arith.constant 0 : i32
      %gt3A_151 = arith.cmpi sgt, %scan3A_139, %gt3A : i32
      %convert_element_type3A = arith.extui %gt3A_151 : i1 to i32
      %cond3A = arith.constant 0 : i32
      %cond3A_152 = arith.cmpi ne, %convert_element_type3A, %cond3A : i32
      scf.if %cond3A_152 {
        %sub3A = arith.constant 1 : i32
        %sub3A_153 = arith.subi %scan3A_139, %sub3A : i32
        %mul3A_154 = arith.constant 32 : i32
        %mul3A_155 = arith.muli %sub3A_153, %mul3A_154 : i32
        %add3A_156 = arith.addi %mul3A_2, %mul3A_155 : i32
        %sub3A_157 = arith.constant 1 : i32
        %sub3A_158 = arith.subi %scan3A_139, %sub3A_157 : i32
        %mul3A_159 = arith.constant 32 : i32
        %mul3A_160 = arith.muli %sub3A_158, %mul3A_159 : i32
        %add3A_161 = arith.addi %mul3A_2, %mul3A_160 : i32
        %dma_wait3A_162 = arith.constant 0 : i32
        %dma_wait3A_163 = tpu.memref_slice %arg7[%arg0, %add3A_161, %dma_wait3A_162] : memref<2x10240x128xf32, #tpu.memory_space<hbm>> -> memref<1x32x128xf32, #tpu.memory_space<hbm>>
        %dma_wait3A_164 = tpu.memref_squeeze %dma_wait3A_163 : memref<1x32x128xf32, #tpu.memory_space<hbm>> -> memref<32x128xf32, #tpu.memory_space<hbm>>
        %dma_wait3A_165 = arith.constant 0 : i32
        %dma_wait3A_166 = tpu.memref_slice %arg29[%add3A_156, %dma_wait3A_165] : memref<10240x128xf32, #tpu.memory_space<vmem_shared>> -> memref<32x128xf32, #tpu.memory_space<vmem_shared>>
        tpu.wait_dma2 semaphore(%arg31 : memref<!tpu.dma_semaphore, #tpu.memory_space<semaphore_mem>>) src(%dma_wait3A_166 : memref<32x128xf32, #tpu.memory_space<vmem_shared>>) dst(%dma_wait3A_164 : memref<32x128xf32, #tpu.memory_space<hbm>>)
      } else {
      }
    }
    %scan3A_129 = arith.constant 20 : i32
    %add3A_130 = arith.constant 608 : i32
    %add3A_131 = arith.addi %mul3A_2, %add3A_130 : i32
    %add3A_132 = arith.constant 608 : i32
    %add3A_133 = arith.addi %mul3A_2, %add3A_132 : i32
    %dma_wait3A_134 = arith.constant 0 : i32
    %dma_wait3A_135 = tpu.memref_slice %arg7[%arg0, %add3A_133, %dma_wait3A_134] : memref<2x10240x128xf32, #tpu.memory_space<hbm>> -> memref<1x32x128xf32, #tpu.memory_space<hbm>>
    %dma_wait3A_136 = tpu.memref_squeeze %dma_wait3A_135 : memref<1x32x128xf32, #tpu.memory_space<hbm>> -> memref<32x128xf32, #tpu.memory_space<hbm>>
    %dma_wait3A_137 = arith.constant 0 : i32
    %dma_wait3A_138 = tpu.memref_slice %arg29[%add3A_131, %dma_wait3A_137] : memref<10240x128xf32, #tpu.memory_space<vmem_shared>> -> memref<32x128xf32, #tpu.memory_space<vmem_shared>>
    tpu.wait_dma2 semaphore(%arg31 : memref<!tpu.dma_semaphore, #tpu.memory_space<semaphore_mem>>) src(%dma_wait3A_138 : memref<32x128xf32, #tpu.memory_space<vmem_shared>>) dst(%dma_wait3A_136 : memref<32x128xf32, #tpu.memory_space<hbm>>)
    return
  }
}

#map = affine_map<(d0, d1) -> (0, 0, 0)>
#map1 = affine_map<(d0, d1) -> (0, 0)>
module attributes {stable_mosaic.version = 14 : i64} {
  func.func @body(%arg0: i32, %arg1: i32, %arg2: memref<32x78x128xi32, #tpu.memory_space<hbm>>, %arg3: memref<32x16xi32, #tpu.memory_space<hbm>>, %arg4: memref<32x78x128xi32, #tpu.memory_space<hbm>>, %arg5: memref<32x16xi32, #tpu.memory_space<hbm>>, %arg6: memref<10000x128xf32, #tpu.memory_space<hbm>>, %arg7: memref<2x10240x128xf32, #tpu.memory_space<hbm>>, %arg8: memref<78x128xi32, #tpu.memory_space<vmem>>, %arg9: memref<16xi32, #tpu.memory_space<vmem>>, %arg10: memref<32x128xf32, #tpu.memory_space<vmem>>, %arg11: memref<32x128xf32, #tpu.memory_space<vmem>>, %arg12: memref<32x128xf32, #tpu.memory_space<vmem>>, %arg13: memref<32x128xf32, #tpu.memory_space<vmem>>, %arg14: memref<32x128xf32, #tpu.memory_space<vmem>>, %arg15: memref<!tpu.dma_semaphore, #tpu.memory_space<semaphore_mem>>, %arg16: memref<!tpu.dma_semaphore, #tpu.memory_space<semaphore_mem>>, %arg17: memref<!tpu.dma_semaphore, #tpu.memory_space<semaphore_mem>>, %arg18: memref<!tpu.dma_semaphore, #tpu.memory_space<semaphore_mem>>, %arg19: memref<!tpu.dma_semaphore, #tpu.memory_space<semaphore_mem>>, %arg20: memref<!tpu.dma_semaphore, #tpu.memory_space<semaphore_mem>>, %arg21: memref<!tpu.dma_semaphore, #tpu.memory_space<semaphore_mem>>, %arg22: memref<!tpu.dma_semaphore, #tpu.memory_space<semaphore_mem>>, %arg23: memref<!tpu.dma_semaphore, #tpu.memory_space<semaphore_mem>>, %arg24: memref<!tpu.dma_semaphore, #tpu.memory_space<semaphore_mem>>, %arg25: memref<!tpu.dma_semaphore, #tpu.memory_space<semaphore_mem>>, %arg26: memref<78x128xi32, #tpu.memory_space<vmem>>, %arg27: memref<16xi32, #tpu.memory_space<vmem>>, %arg28: memref<32x128xf32, #tpu.memory_space<vmem>>, %arg29: memref<10240x128xf32, #tpu.memory_space<vmem_shared>>, %arg30: memref<!tpu.dma_semaphore, #tpu.memory_space<semaphore_mem>>, %arg31: memref<!tpu.dma_semaphore, #tpu.memory_space<semaphore_mem>>) attributes {dimension_semantics = [#tpu.dimension_semantics<core_parallel>, #tpu.dimension_semantics<subcore_parallel>], iteration_bounds = array<i64: 2, 16>, scalar_prefetch = 0 : i64, scratch_operands = 24 : i64, tpu.core_type = #tpu.core_type<sc_vector_subcore>, window_params = [{transform_indices = #map}, {transform_indices = #map1}, {transform_indices = #map}, {transform_indices = #map1}, {transform_indices = #map1}, {transform_indices = #map}]} {
    %mul3A = arith.constant 16 : i32
    %mul3A_0 = arith.muli %arg0, %mul3A : i32
    %add3A = arith.addi %mul3A_0, %arg1 : i32
    %mul3A_1 = arith.constant 640 : i32
    %mul3A_2 = arith.muli %arg1, %mul3A_1 : i32
    %broadcast_in_dim3A = arith.constant 0.000000e+00 : f32
    %broadcast_in_dim3A_3 = vector.broadcast %broadcast_in_dim3A : f32 to vector<16xf32>
    %scan3A = arith.constant 0 : i32
    %scan3A_4 = arith.constant 0 : i32
    %scan3A_5 = arith.constant 32 : i32
    %scan3A_6 = arith.addi %scan3A_4, %scan3A_5 : i32
    %scan3A_7 = arith.constant 1 : i32
    scf.for %scan3A_139 = %scan3A_4 to %scan3A_6 step %scan3A_7  : i32 {
      %swap3A = arith.index_cast %scan3A_139 : i32 to index
      %swap3A_140 = arith.constant 0 : index
      %swap3A_141 = tpu.vector_load %arg28[%swap3A, %swap3A_140] {strides = array<i32>} : memref<32x128xf32, #tpu.memory_space<vmem>>, vector<1x16xf32>,
      %swap3A_142 = vector.shape_cast %swap3A_141 : vector<1x16xf32> to vector<16xf32>
      %swap3A_143 = vector.shape_cast %broadcast_in_dim3A_3 : vector<16xf32> to vector<1x16xf32>
      tpu.vector_store %arg28[%swap3A, %swap3A_140], %swap3A_143 {strides = array<i32>} : memref<32x128xf32, #tpu.memory_space<vmem>>, vector<1x16xf32>,
      %swap3A_144 = arith.index_cast %scan3A_139 : i32 to index
      %swap3A_145 = arith.constant 16 : index
      %swap3A_146 = tpu.vector_load %arg28[%swap3A_144, %swap3A_145] {strides = array<i32>} : memref<32x128xf32, #tpu.memory_space<vmem>>, vector<1x16xf32>,
      %swap3A_147 = vector.shape_cast %swap3A_146 : vector<1x16xf32> to vector<16xf32>
      %swap3A_148 = vector.shape_cast %broadcast_in_dim3A_3 : vector<16xf32> to vector<1x16xf32>
      tpu.vector_store %arg28[%swap3A_144, %swap3A_145], %swap3A_148 {strides = array<i32>} : memref<32x128xf32, #tpu.memory_space<vmem>>, vector<1x16xf32>,
      %swap3A_149 = arith.index_cast %scan3A_139 : i32 to index
      %swap3A_150 = arith.constant 32 : index
      %swap3A_151 = tpu.vector_load %arg28[%swap3A_149, %swap3A_150] {strides = array<i32>} : memref<32x128xf32, #tpu.memory_space<vmem>>, vector<1x16xf32>,
      %swap3A_152 = vector.shape_cast %swap3A_151 : vector<1x16xf32> to vector<16xf32>
      %swap3A_153 = vector.shape_cast %broadcast_in_dim3A_3 : vector<16xf32> to vector<1x16xf32>
      tpu.vector_store %arg28[%swap3A_149, %swap3A_150], %swap3A_153 {strides = array<i32>} : memref<32x128xf32, #tpu.memory_space<vmem>>, vector<1x16xf32>,
      %swap3A_154 = arith.index_cast %scan3A_139 : i32 to index
      %swap3A_155 = arith.constant 48 : index
      %swap3A_156 = tpu.vector_load %arg28[%swap3A_154, %swap3A_155] {strides = array<i32>} : memref<32x128xf32, #tpu.memory_space<vmem>>, vector<1x16xf32>,
      %swap3A_157 = vector.shape_cast %swap3A_156 : vector<1x16xf32> to vector<16xf32>
      %swap3A_158 = vector.shape_cast %broadcast_in_dim3A_3 : vector<16xf32> to vector<1x16xf32>
      tpu.vector_store %arg28[%swap3A_154, %swap3A_155], %swap3A_158 {strides = array<i32>} : memref<32x128xf32, #tpu.memory_space<vmem>>, vector<1x16xf32>,
      %swap3A_159 = arith.index_cast %scan3A_139 : i32 to index
      %swap3A_160 = arith.constant 64 : index
      %swap3A_161 = tpu.vector_load %arg28[%swap3A_159, %swap3A_160] {strides = array<i32>} : memref<32x128xf32, #tpu.memory_space<vmem>>, vector<1x16xf32>,
      %swap3A_162 = vector.shape_cast %swap3A_161 : vector<1x16xf32> to vector<16xf32>
      %swap3A_163 = vector.shape_cast %broadcast_in_dim3A_3 : vector<16xf32> to vector<1x16xf32>
      tpu.vector_store %arg28[%swap3A_159, %swap3A_160], %swap3A_163 {strides = array<i32>} : memref<32x128xf32, #tpu.memory_space<vmem>>, vector<1x16xf32>,
      %swap3A_164 = arith.index_cast %scan3A_139 : i32 to index
      %swap3A_165 = arith.constant 80 : index
      %swap3A_166 = tpu.vector_load %arg28[%swap3A_164, %swap3A_165] {strides = array<i32>} : memref<32x128xf32, #tpu.memory_space<vmem>>, vector<1x16xf32>,
      %swap3A_167 = vector.shape_cast %swap3A_166 : vector<1x16xf32> to vector<16xf32>
      %swap3A_168 = vector.shape_cast %broadcast_in_dim3A_3 : vector<16xf32> to vector<1x16xf32>
      tpu.vector_store %arg28[%swap3A_164, %swap3A_165], %swap3A_168 {strides = array<i32>} : memref<32x128xf32, #tpu.memory_space<vmem>>, vector<1x16xf32>,
      %swap3A_169 = arith.index_cast %scan3A_139 : i32 to index
      %swap3A_170 = arith.constant 96 : index
      %swap3A_171 = tpu.vector_load %arg28[%swap3A_169, %swap3A_170] {strides = array<i32>} : memref<32x128xf32, #tpu.memory_space<vmem>>, vector<1x16xf32>,
      %swap3A_172 = vector.shape_cast %swap3A_171 : vector<1x16xf32> to vector<16xf32>
      %swap3A_173 = vector.shape_cast %broadcast_in_dim3A_3 : vector<16xf32> to vector<1x16xf32>
      tpu.vector_store %arg28[%swap3A_169, %swap3A_170], %swap3A_173 {strides = array<i32>} : memref<32x128xf32, #tpu.memory_space<vmem>>, vector<1x16xf32>,
      %swap3A_174 = arith.index_cast %scan3A_139 : i32 to index
      %swap3A_175 = arith.constant 112 : index
      %swap3A_176 = tpu.vector_load %arg28[%swap3A_174, %swap3A_175] {strides = array<i32>} : memref<32x128xf32, #tpu.memory_space<vmem>>, vector<1x16xf32>,
      %swap3A_177 = vector.shape_cast %swap3A_176 : vector<1x16xf32> to vector<16xf32>
      %swap3A_178 = vector.shape_cast %broadcast_in_dim3A_3 : vector<16xf32> to vector<1x16xf32>
      tpu.vector_store %arg28[%swap3A_174, %swap3A_175], %swap3A_178 {strides = array<i32>} : memref<32x128xf32, #tpu.memory_space<vmem>>, vector<1x16xf32>,
    }
    %scan3A_8 = arith.constant 32 : i32
    %scan3A_9 = arith.constant 0 : i32
    %scan3A_10 = arith.constant 0 : i32
    %scan3A_11 = arith.constant 20 : i32
    %scan3A_12 = arith.addi %scan3A_10, %scan3A_11 : i32
    %scan3A_13 = arith.constant 1 : i32
    scf.for %scan3A_139 = %scan3A_10 to %scan3A_12 step %scan3A_13  : i32 {
      %mul3A_140 = arith.constant 32 : i32
      %mul3A_141 = arith.muli %scan3A_139, %mul3A_140 : i32
      %add3A_142 = arith.addi %mul3A_2, %mul3A_141 : i32
      %dma_start3A_143 = arith.constant 0 : i32
      %dma_start3A_144 = tpu.memref_slice %arg29[%add3A_142, %dma_start3A_143] : memref<10240x128xf32, #tpu.memory_space<vmem_shared>> -> memref<32x128xf32, #tpu.memory_space<vmem_shared>>
      %dma_start3A_145 = arith.constant 0 : i32
      %dma_start3A_146 = tpu.memref_slice %arg29[%add3A_142, %dma_start3A_145] : memref<10240x128xf32, #tpu.memory_space<vmem_shared>> -> memref<32x128xf32, #tpu.memory_space<vmem_shared>>
      tpu.enqueue_dma source(%arg28 : memref<32x128xf32, #tpu.memory_space<vmem>>) target(%dma_start3A_146 : memref<32x128xf32, #tpu.memory_space<vmem_shared>>) target_semaphore(%arg31 : memref<!tpu.dma_semaphore, #tpu.memory_space<semaphore_mem>>)
      %gt3A = arith.constant 0 : i32
      %gt3A_147 = arith.cmpi sgt, %scan3A_139, %gt3A : i32
      %convert_element_type3A = arith.extui %gt3A_147 : i1 to i32
      %cond3A = arith.constant 0 : i32
      %cond3A_148 = arith.cmpi ne, %convert_element_type3A, %cond3A : i32
      scf.if %cond3A_148 {
        %sub3A = arith.constant 1 : i32
        %sub3A_149 = arith.subi %scan3A_139, %sub3A : i32
        %mul3A_150 = arith.constant 32 : i32
        %mul3A_151 = arith.muli %sub3A_149, %mul3A_150 : i32
        %add3A_152 = arith.addi %mul3A_2, %mul3A_151 : i32
        %dma_wait3A_153 = arith.constant 0 : i32
        %dma_wait3A_154 = tpu.memref_slice %arg29[%add3A_152, %dma_wait3A_153] : memref<10240x128xf32, #tpu.memory_space<vmem_shared>> -> memref<32x128xf32, #tpu.memory_space<vmem_shared>>
        %dma_wait3A_155 = arith.constant 0 : i32
        %dma_wait3A_156 = tpu.memref_slice %arg29[%add3A_152, %dma_wait3A_155] : memref<10240x128xf32, #tpu.memory_space<vmem_shared>> -> memref<32x128xf32, #tpu.memory_space<vmem_shared>>
        tpu.wait_dma2 semaphore(%arg31 : memref<!tpu.dma_semaphore, #tpu.memory_space<semaphore_mem>>) src(%arg28 : memref<32x128xf32, #tpu.memory_space<vmem>>) dst(%dma_wait3A_156 : memref<32x128xf32, #tpu.memory_space<vmem_shared>>)
      } else {
      }
    }
    %scan3A_14 = arith.constant 20 : i32
    %dma_start3A = arith.constant 0 : i32
    %dma_start3A_15 = arith.constant 0 : i32
    %dma_start3A_16 = tpu.memref_slice %arg4[%add3A, %dma_start3A, %dma_start3A_15] : memref<32x78x128xi32, #tpu.memory_space<hbm>> -> memref<1x78x128xi32, #tpu.memory_space<hbm>>
    %dma_start3A_17 = tpu.memref_squeeze %dma_start3A_16 : memref<1x78x128xi32, #tpu.memory_space<hbm>> -> memref<78x128xi32, #tpu.memory_space<hbm>>
    %dma_start3A_18 = arith.constant 0 : i32
    %dma_start3A_19 = arith.constant 0 : i32
    %dma_start3A_20 = tpu.memref_slice %arg4[%add3A, %dma_start3A_18, %dma_start3A_19] : memref<32x78x128xi32, #tpu.memory_space<hbm>> -> memref<1x78x128xi32, #tpu.memory_space<hbm>>
    %dma_start3A_21 = tpu.memref_squeeze %dma_start3A_20 : memref<1x78x128xi32, #tpu.memory_space<hbm>> -> memref<78x128xi32, #tpu.memory_space<hbm>>
    tpu.enqueue_dma source(%dma_start3A_21 : memref<78x128xi32, #tpu.memory_space<hbm>>) target(%arg26 : memref<78x128xi32, #tpu.memory_space<vmem>>) target_semaphore(%arg30 : memref<!tpu.dma_semaphore, #tpu.memory_space<semaphore_mem>>)
    %dma_start3A_22 = arith.constant 0 : i32
    %dma_start3A_23 = tpu.memref_slice %arg5[%add3A, %dma_start3A_22] : memref<32x16xi32, #tpu.memory_space<hbm>> -> memref<1x16xi32, #tpu.memory_space<hbm>>
    %dma_start3A_24 = tpu.memref_squeeze %dma_start3A_23 : memref<1x16xi32, #tpu.memory_space<hbm>> -> memref<16xi32, #tpu.memory_space<hbm>>
    %dma_start3A_25 = arith.constant 0 : i32
    %dma_start3A_26 = tpu.memref_slice %arg5[%add3A, %dma_start3A_25] : memref<32x16xi32, #tpu.memory_space<hbm>> -> memref<1x16xi32, #tpu.memory_space<hbm>>
    %dma_start3A_27 = tpu.memref_squeeze %dma_start3A_26 : memref<1x16xi32, #tpu.memory_space<hbm>> -> memref<16xi32, #tpu.memory_space<hbm>>
    tpu.enqueue_dma source(%dma_start3A_27 : memref<16xi32, #tpu.memory_space<hbm>>) target(%arg27 : memref<16xi32, #tpu.memory_space<vmem>>) target_semaphore(%arg21 : memref<!tpu.dma_semaphore, #tpu.memory_space<semaphore_mem>>)
    %dma_start3A_28 = arith.constant 0 : i32
    %dma_start3A_29 = arith.constant 0 : i32
    %dma_start3A_30 = tpu.memref_slice %arg2[%add3A, %dma_start3A_28, %dma_start3A_29] : memref<32x78x128xi32, #tpu.memory_space<hbm>> -> memref<1x78x128xi32, #tpu.memory_space<hbm>>
    %dma_start3A_31 = tpu.memref_squeeze %dma_start3A_30 : memref<1x78x128xi32, #tpu.memory_space<hbm>> -> memref<78x128xi32, #tpu.memory_space<hbm>>
    %dma_start3A_32 = arith.constant 0 : i32
    %dma_start3A_33 = arith.constant 0 : i32
    %dma_start3A_34 = tpu.memref_slice %arg2[%add3A, %dma_start3A_32, %dma_start3A_33] : memref<32x78x128xi32, #tpu.memory_space<hbm>> -> memref<1x78x128xi32, #tpu.memory_space<hbm>>
    %dma_start3A_35 = tpu.memref_squeeze %dma_start3A_34 : memref<1x78x128xi32, #tpu.memory_space<hbm>> -> memref<78x128xi32, #tpu.memory_space<hbm>>
    tpu.enqueue_dma source(%dma_start3A_35 : memref<78x128xi32, #tpu.memory_space<hbm>>) target(%arg8 : memref<78x128xi32, #tpu.memory_space<vmem>>) target_semaphore(%arg15 : memref<!tpu.dma_semaphore, #tpu.memory_space<semaphore_mem>>)
    %dma_start3A_36 = arith.constant 0 : i32
    %dma_start3A_37 = tpu.memref_slice %arg3[%add3A, %dma_start3A_36] : memref<32x16xi32, #tpu.memory_space<hbm>> -> memref<1x16xi32, #tpu.memory_space<hbm>>
    %dma_start3A_38 = tpu.memref_squeeze %dma_start3A_37 : memref<1x16xi32, #tpu.memory_space<hbm>> -> memref<16xi32, #tpu.memory_space<hbm>>
    %dma_start3A_39 = arith.constant 0 : i32
    %dma_start3A_40 = tpu.memref_slice %arg3[%add3A, %dma_start3A_39] : memref<32x16xi32, #tpu.memory_space<hbm>> -> memref<1x16xi32, #tpu.memory_space<hbm>>
    %dma_start3A_41 = tpu.memref_squeeze %dma_start3A_40 : memref<1x16xi32, #tpu.memory_space<hbm>> -> memref<16xi32, #tpu.memory_space<hbm>>
    tpu.enqueue_dma source(%dma_start3A_41 : memref<16xi32, #tpu.memory_space<hbm>>) target(%arg9 : memref<16xi32, #tpu.memory_space<vmem>>) target_semaphore(%arg16 : memref<!tpu.dma_semaphore, #tpu.memory_space<semaphore_mem>>)
    %dma_wait3A = arith.constant 0 : i32
    %dma_wait3A_42 = arith.constant 0 : i32
    %dma_wait3A_43 = tpu.memref_slice %arg2[%add3A, %dma_wait3A, %dma_wait3A_42] : memref<32x78x128xi32, #tpu.memory_space<hbm>> -> memref<1x78x128xi32, #tpu.memory_space<hbm>>
    %dma_wait3A_44 = tpu.memref_squeeze %dma_wait3A_43 : memref<1x78x128xi32, #tpu.memory_space<hbm>> -> memref<78x128xi32, #tpu.memory_space<hbm>>
    %dma_wait3A_45 = arith.constant 0 : i32
    %dma_wait3A_46 = arith.constant 0 : i32
    %dma_wait3A_47 = tpu.memref_slice %arg2[%add3A, %dma_wait3A_45, %dma_wait3A_46] : memref<32x78x128xi32, #tpu.memory_space<hbm>> -> memref<1x78x128xi32, #tpu.memory_space<hbm>>
    %dma_wait3A_48 = tpu.memref_squeeze %dma_wait3A_47 : memref<1x78x128xi32, #tpu.memory_space<hbm>> -> memref<78x128xi32, #tpu.memory_space<hbm>>
    tpu.wait_dma2 semaphore(%arg15 : memref<!tpu.dma_semaphore, #tpu.memory_space<semaphore_mem>>) src(%dma_wait3A_48 : memref<78x128xi32, #tpu.memory_space<hbm>>) dst(%arg8 : memref<78x128xi32, #tpu.memory_space<vmem>>)
    %dma_wait3A_49 = arith.constant 0 : i32
    %dma_wait3A_50 = tpu.memref_slice %arg3[%add3A, %dma_wait3A_49] : memref<32x16xi32, #tpu.memory_space<hbm>> -> memref<1x16xi32, #tpu.memory_space<hbm>>
    %dma_wait3A_51 = tpu.memref_squeeze %dma_wait3A_50 : memref<1x16xi32, #tpu.memory_space<hbm>> -> memref<16xi32, #tpu.memory_space<hbm>>
    %dma_wait3A_52 = arith.constant 0 : i32
    %dma_wait3A_53 = tpu.memref_slice %arg3[%add3A, %dma_wait3A_52] : memref<32x16xi32, #tpu.memory_space<hbm>> -> memref<1x16xi32, #tpu.memory_space<hbm>>
    %dma_wait3A_54 = tpu.memref_squeeze %dma_wait3A_53 : memref<1x16xi32, #tpu.memory_space<hbm>> -> memref<16xi32, #tpu.memory_space<hbm>>
    tpu.wait_dma2 semaphore(%arg16 : memref<!tpu.dma_semaphore, #tpu.memory_space<semaphore_mem>>) src(%dma_wait3A_54 : memref<16xi32, #tpu.memory_space<hbm>>) dst(%arg9 : memref<16xi32, #tpu.memory_space<vmem>>)
    %dma_wait3A_55 = arith.constant 0 : i32
    %dma_wait3A_56 = tpu.memref_slice %arg5[%add3A, %dma_wait3A_55] : memref<32x16xi32, #tpu.memory_space<hbm>> -> memref<1x16xi32, #tpu.memory_space<hbm>>
    %dma_wait3A_57 = tpu.memref_squeeze %dma_wait3A_56 : memref<1x16xi32, #tpu.memory_space<hbm>> -> memref<16xi32, #tpu.memory_space<hbm>>
    %dma_wait3A_58 = arith.constant 0 : i32
    %dma_wait3A_59 = tpu.memref_slice %arg5[%add3A, %dma_wait3A_58] : memref<32x16xi32, #tpu.memory_space<hbm>> -> memref<1x16xi32, #tpu.memory_space<hbm>>
    %dma_wait3A_60 = tpu.memref_squeeze %dma_wait3A_59 : memref<1x16xi32, #tpu.memory_space<hbm>> -> memref<16xi32, #tpu.memory_space<hbm>>
    tpu.wait_dma2 semaphore(%arg21 : memref<!tpu.dma_semaphore, #tpu.memory_space<semaphore_mem>>) src(%dma_wait3A_60 : memref<16xi32, #tpu.memory_space<hbm>>) dst(%arg27 : memref<16xi32, #tpu.memory_space<vmem>>)
    %dma_wait3A_61 = arith.constant 0 : i32
    %dma_wait3A_62 = arith.constant 0 : i32
    %dma_wait3A_63 = tpu.memref_slice %arg4[%add3A, %dma_wait3A_61, %dma_wait3A_62] : memref<32x78x128xi32, #tpu.memory_space<hbm>> -> memref<1x78x128xi32, #tpu.memory_space<hbm>>
    %dma_wait3A_64 = tpu.memref_squeeze %dma_wait3A_63 : memref<1x78x128xi32, #tpu.memory_space<hbm>> -> memref<78x128xi32, #tpu.memory_space<hbm>>
    %dma_wait3A_65 = arith.constant 0 : i32
    %dma_wait3A_66 = arith.constant 0 : i32
    %dma_wait3A_67 = tpu.memref_slice %arg4[%add3A, %dma_wait3A_65, %dma_wait3A_66] : memref<32x78x128xi32, #tpu.memory_space<hbm>> -> memref<1x78x128xi32, #tpu.memory_space<hbm>>
    %dma_wait3A_68 = tpu.memref_squeeze %dma_wait3A_67 : memref<1x78x128xi32, #tpu.memory_space<hbm>> -> memref<78x128xi32, #tpu.memory_space<hbm>>
    tpu.wait_dma2 semaphore(%arg30 : memref<!tpu.dma_semaphore, #tpu.memory_space<semaphore_mem>>) src(%dma_wait3A_68 : memref<78x128xi32, #tpu.memory_space<hbm>>) dst(%arg26 : memref<78x128xi32, #tpu.memory_space<vmem>>)
    %add3A_69 = arith.constant 608 : i32
    %add3A_70 = arith.addi %mul3A_2, %add3A_69 : i32
    %dma_wait3A_71 = arith.constant 0 : i32
    %dma_wait3A_72 = tpu.memref_slice %arg29[%add3A_70, %dma_wait3A_71] : memref<10240x128xf32, #tpu.memory_space<vmem_shared>> -> memref<32x128xf32, #tpu.memory_space<vmem_shared>>
    %dma_wait3A_73 = arith.constant 0 : i32
    %dma_wait3A_74 = tpu.memref_slice %arg29[%add3A_70, %dma_wait3A_73] : memref<10240x128xf32, #tpu.memory_space<vmem_shared>> -> memref<32x128xf32, #tpu.memory_space<vmem_shared>>
    tpu.wait_dma2 semaphore(%arg31 : memref<!tpu.dma_semaphore, #tpu.memory_space<semaphore_mem>>) src(%arg28 : memref<32x128xf32, #tpu.memory_space<vmem>>) dst(%dma_wait3A_74 : memref<32x128xf32, #tpu.memory_space<vmem_shared>>)
    %dma_start3A_75 = arith.constant 0 : i32
    %dma_start3A_76 = arith.constant 0 : i32
    %dma_start3A_77 = tpu.memref_slice %arg8[%dma_start3A_75, %dma_start3A_76] : memref<78x128xi32, #tpu.memory_space<vmem>> -> memref<1x32xi32, #tpu.memory_space<vmem>>
    %dma_start3A_78 = tpu.memref_squeeze %dma_start3A_77 : memref<1x32xi32, #tpu.memory_space<vmem>> -> memref<32xi32, #tpu.memory_space<vmem>>
    %dma_start3A_79 = arith.constant 0 : i32
    %dma_start3A_80 = arith.constant 0 : i32
    %dma_start3A_81 = tpu.memref_slice %arg6[%dma_start3A_79, %dma_start3A_80] : memref<10000x128xf32, #tpu.memory_space<hbm>> -> memref<10000x128xf32, #tpu.memory_space<hbm>>
    tpu.enqueue_indirect_dma source(%dma_start3A_81 : memref<10000x128xf32, #tpu.memory_space<hbm>>) target(%arg28 : memref<32x128xf32, #tpu.memory_space<vmem>>) offsets(%dma_start3A_78 : memref<32xi32, #tpu.memory_space<vmem>>) semaphore(%arg15 : memref<!tpu.dma_semaphore, #tpu.memory_space<semaphore_mem>>)
    %dma_start3A_82 = arith.constant 0 : i32
    %dma_start3A_83 = arith.constant 32 : i32
    %dma_start3A_84 = tpu.memref_slice %arg8[%dma_start3A_82, %dma_start3A_83] : memref<78x128xi32, #tpu.memory_space<vmem>> -> memref<1x32xi32, #tpu.memory_space<vmem>>
    %dma_start3A_85 = tpu.memref_squeeze %dma_start3A_84 : memref<1x32xi32, #tpu.memory_space<vmem>> -> memref<32xi32, #tpu.memory_space<vmem>>
    %dma_start3A_86 = arith.constant 0 : i32
    %dma_start3A_87 = arith.constant 0 : i32
    %dma_start3A_88 = tpu.memref_slice %arg6[%dma_start3A_86, %dma_start3A_87] : memref<10000x128xf32, #tpu.memory_space<hbm>> -> memref<10000x128xf32, #tpu.memory_space<hbm>>
    tpu.enqueue_indirect_dma source(%dma_start3A_88 : memref<10000x128xf32, #tpu.memory_space<hbm>>) target(%arg10 : memref<32x128xf32, #tpu.memory_space<vmem>>) offsets(%dma_start3A_85 : memref<32xi32, #tpu.memory_space<vmem>>) semaphore(%arg16 : memref<!tpu.dma_semaphore, #tpu.memory_space<semaphore_mem>>)
    %dma_start3A_89 = arith.constant 0 : i32
    %dma_start3A_90 = arith.constant 64 : i32
    %dma_start3A_91 = tpu.memref_slice %arg8[%dma_start3A_89, %dma_start3A_90] : memref<78x128xi32, #tpu.memory_space<vmem>> -> memref<1x32xi32, #tpu.memory_space<vmem>>
    %dma_start3A_92 = tpu.memref_squeeze %dma_start3A_91 : memref<1x32xi32, #tpu.memory_space<vmem>> -> memref<32xi32, #tpu.memory_space<vmem>>
    %dma_start3A_93 = arith.constant 0 : i32
    %dma_start3A_94 = arith.constant 0 : i32
    %dma_start3A_95 = tpu.memref_slice %arg6[%dma_start3A_93, %dma_start3A_94] : memref<10000x128xf32, #tpu.memory_space<hbm>> -> memref<10000x128xf32, #tpu.memory_space<hbm>>
    tpu.enqueue_indirect_dma source(%dma_start3A_95 : memref<10000x128xf32, #tpu.memory_space<hbm>>) target(%arg11 : memref<32x128xf32, #tpu.memory_space<vmem>>) offsets(%dma_start3A_92 : memref<32xi32, #tpu.memory_space<vmem>>) semaphore(%arg17 : memref<!tpu.dma_semaphore, #tpu.memory_space<semaphore_mem>>)
    %dma_start3A_96 = arith.constant 0 : i32
    %dma_start3A_97 = arith.constant 96 : i32
    %dma_start3A_98 = tpu.memref_slice %arg8[%dma_start3A_96, %dma_start3A_97] : memref<78x128xi32, #tpu.memory_space<vmem>> -> memref<1x32xi32, #tpu.memory_space<vmem>>
    %dma_start3A_99 = tpu.memref_squeeze %dma_start3A_98 : memref<1x32xi32, #tpu.memory_space<vmem>> -> memref<32xi32, #tpu.memory_space<vmem>>
    %dma_start3A_100 = arith.constant 0 : i32
    %dma_start3A_101 = arith.constant 0 : i32
    %dma_start3A_102 = tpu.memref_slice %arg6[%dma_start3A_100, %dma_start3A_101] : memref<10000x128xf32, #tpu.memory_space<hbm>> -> memref<10000x128xf32, #tpu.memory_space<hbm>>
    tpu.enqueue_indirect_dma source(%dma_start3A_102 : memref<10000x128xf32, #tpu.memory_space<hbm>>) target(%arg12 : memref<32x128xf32, #tpu.memory_space<vmem>>) offsets(%dma_start3A_99 : memref<32xi32, #tpu.memory_space<vmem>>) semaphore(%arg18 : memref<!tpu.dma_semaphore, #tpu.memory_space<semaphore_mem>>)
    %dma_start3A_103 = arith.constant 1 : i32
    %dma_start3A_104 = arith.constant 0 : i32
    %dma_start3A_105 = tpu.memref_slice %arg8[%dma_start3A_103, %dma_start3A_104] : memref<78x128xi32, #tpu.memory_space<vmem>> -> memref<1x32xi32, #tpu.memory_space<vmem>>
    %dma_start3A_106 = tpu.memref_squeeze %dma_start3A_105 : memref<1x32xi32, #tpu.memory_space<vmem>> -> memref<32xi32, #tpu.memory_space<vmem>>
    %dma_start3A_107 = arith.constant 0 : i32
    %dma_start3A_108 = arith.constant 0 : i32
    %dma_start3A_109 = tpu.memref_slice %arg6[%dma_start3A_107, %dma_start3A_108] : memref<10000x128xf32, #tpu.memory_space<hbm>> -> memref<10000x128xf32, #tpu.memory_space<hbm>>
    tpu.enqueue_indirect_dma source(%dma_start3A_109 : memref<10000x128xf32, #tpu.memory_space<hbm>>) target(%arg13 : memref<32x128xf32, #tpu.memory_space<vmem>>) offsets(%dma_start3A_106 : memref<32xi32, #tpu.memory_space<vmem>>) semaphore(%arg19 : memref<!tpu.dma_semaphore, #tpu.memory_space<semaphore_mem>>)
    %dma_start3A_110 = arith.constant 1 : i32
    %dma_start3A_111 = arith.constant 32 : i32
    %dma_start3A_112 = tpu.memref_slice %arg8[%dma_start3A_110, %dma_start3A_111] : memref<78x128xi32, #tpu.memory_space<vmem>> -> memref<1x32xi32, #tpu.memory_space<vmem>>
    %dma_start3A_113 = tpu.memref_squeeze %dma_start3A_112 : memref<1x32xi32, #tpu.memory_space<vmem>> -> memref<32xi32, #tpu.memory_space<vmem>>
    %dma_start3A_114 = arith.constant 0 : i32
    %dma_start3A_115 = arith.constant 0 : i32
    %dma_start3A_116 = tpu.memref_slice %arg6[%dma_start3A_114, %dma_start3A_115] : memref<10000x128xf32, #tpu.memory_space<hbm>> -> memref<10000x128xf32, #tpu.memory_space<hbm>>
    tpu.enqueue_indirect_dma source(%dma_start3A_116 : memref<10000x128xf32, #tpu.memory_space<hbm>>) target(%arg14 : memref<32x128xf32, #tpu.memory_space<vmem>>) offsets(%dma_start3A_113 : memref<32xi32, #tpu.memory_space<vmem>>) semaphore(%arg20 : memref<!tpu.dma_semaphore, #tpu.memory_space<semaphore_mem>>)
    %barrier3A = arith.constant 0 : index
    tpu.barrier barrier_id(%barrier3A)
    %scan3A_117 = arith.constant 0 : i32
    %scan3A_118 = arith.constant 0 : i32
    %scan3A_119 = arith.constant 52 : i32
    %scan3A_120 = arith.addi %scan3A_118, %scan3A_119 : i32
    %scan3A_121 = arith.constant 1 : i32
    scf.for %scan3A_139 = %scan3A_118 to %scan3A_120 step %scan3A_121  : i32 {
      %mul3A_140 = arith.constant 6 : i32
      %mul3A_141 = arith.muli %scan3A_139, %mul3A_140 : i32
      %add3A_142 = arith.constant 0 : i32
      %add3A_143 = arith.addi %mul3A_141, %add3A_142 : i32
      %div3A = arith.constant 4 : i32
      %div3A_144 = arith.divsi %add3A_143, %div3A : i32
      %rem3A = arith.constant 4 : i32
      %rem3A_145 = arith.remsi %add3A_143, %rem3A : i32
      %mul3A_146 = arith.constant 32 : i32
      %mul3A_147 = arith.muli %rem3A_145, %mul3A_146 : i32
      %dma_wait3A_148 = tpu.memref_slice %arg8[%div3A_144, %mul3A_147] : memref<78x128xi32, #tpu.memory_space<vmem>> -> memref<1x32xi32, #tpu.memory_space<vmem>>
      %dma_wait3A_149 = tpu.memref_squeeze %dma_wait3A_148 : memref<1x32xi32, #tpu.memory_space<vmem>> -> memref<32xi32, #tpu.memory_space<vmem>>
      %dma_wait3A_150 = arith.constant 0 : i32
      %dma_wait3A_151 = arith.constant 0 : i32
      %dma_wait3A_152 = tpu.memref_slice %arg6[%dma_wait3A_150, %dma_wait3A_151] : memref<10000x128xf32, #tpu.memory_space<hbm>> -> memref<10000x128xf32, #tpu.memory_space<hbm>>
      tpu.wait_indirect_dma semaphore(%arg15 : memref<!tpu.dma_semaphore, #tpu.memory_space<semaphore_mem>>) src(%dma_wait3A_152 : memref<10000x128xf32, #tpu.memory_space<hbm>>) dst(%arg28 : memref<32x128xf32, #tpu.memory_space<vmem>>)
      %add3A_153 = arith.constant 0 : i32
      %add3A_154 = arith.addi %mul3A_141, %add3A_153 : i32
      %div3A_155 = arith.constant 4 : i32
      %div3A_156 = arith.divsi %add3A_154, %div3A_155 : i32
      %rem3A_157 = arith.constant 4 : i32
      %rem3A_158 = arith.remsi %add3A_154, %rem3A_157 : i32
      %mul3A_159 = arith.constant 32 : i32
      %mul3A_160 = arith.muli %rem3A_158, %mul3A_159 : i32
      %dma_start3A_161 = tpu.memref_slice %arg26[%div3A_156, %mul3A_160] : memref<78x128xi32, #tpu.memory_space<vmem>> -> memref<1x32xi32, #tpu.memory_space<vmem>>
      %dma_start3A_162 = tpu.memref_squeeze %dma_start3A_161 : memref<1x32xi32, #tpu.memory_space<vmem>> -> memref<32xi32, #tpu.memory_space<vmem>>
      %dma_start3A_163 = arith.constant 0 : i32
      %dma_start3A_164 = arith.constant 0 : i32
      %dma_start3A_165 = tpu.memref_slice %arg29[%dma_start3A_163, %dma_start3A_164] : memref<10240x128xf32, #tpu.memory_space<vmem_shared>> -> memref<10240x128xf32, #tpu.memory_space<vmem_shared>>
      tpu.enqueue_indirect_dma source(%arg28 : memref<32x128xf32, #tpu.memory_space<vmem>>) target(%dma_start3A_165 : memref<10240x128xf32, #tpu.memory_space<vmem_shared>>) offsets(%dma_start3A_162 : memref<32xi32, #tpu.memory_space<vmem>>) semaphore(%arg30 : memref<!tpu.dma_semaphore, #tpu.memory_space<semaphore_mem>>) {add = true}
      %add3A_166 = arith.constant 1 : i32
      %add3A_167 = arith.addi %mul3A_141, %add3A_166 : i32
      %div3A_168 = arith.constant 4 : i32
      %div3A_169 = arith.divsi %add3A_167, %div3A_168 : i32
      %rem3A_170 = arith.constant 4 : i32
      %rem3A_171 = arith.remsi %add3A_167, %rem3A_170 : i32
      %mul3A_172 = arith.constant 32 : i32
      %mul3A_173 = arith.muli %rem3A_171, %mul3A_172 : i32
      %dma_wait3A_174 = tpu.memref_slice %arg8[%div3A_169, %mul3A_173] : memref<78x128xi32, #tpu.memory_space<vmem>> -> memref<1x32xi32, #tpu.memory_space<vmem>>
      %dma_wait3A_175 = tpu.memref_squeeze %dma_wait3A_174 : memref<1x32xi32, #tpu.memory_space<vmem>> -> memref<32xi32, #tpu.memory_space<vmem>>
      %dma_wait3A_176 = arith.constant 0 : i32
      %dma_wait3A_177 = arith.constant 0 : i32
      %dma_wait3A_178 = tpu.memref_slice %arg6[%dma_wait3A_176, %dma_wait3A_177] : memref<10000x128xf32, #tpu.memory_space<hbm>> -> memref<10000x128xf32, #tpu.memory_space<hbm>>
      tpu.wait_indirect_dma semaphore(%arg16 : memref<!tpu.dma_semaphore, #tpu.memory_space<semaphore_mem>>) src(%dma_wait3A_178 : memref<10000x128xf32, #tpu.memory_space<hbm>>) dst(%arg10 : memref<32x128xf32, #tpu.memory_space<vmem>>)
      %add3A_179 = arith.constant 1 : i32
      %add3A_180 = arith.addi %mul3A_141, %add3A_179 : i32
      %div3A_181 = arith.constant 4 : i32
      %div3A_182 = arith.divsi %add3A_180, %div3A_181 : i32
      %rem3A_183 = arith.constant 4 : i32
      %rem3A_184 = arith.remsi %add3A_180, %rem3A_183 : i32
      %mul3A_185 = arith.constant 32 : i32
      %mul3A_186 = arith.muli %rem3A_184, %mul3A_185 : i32
      %dma_start3A_187 = tpu.memref_slice %arg26[%div3A_182, %mul3A_186] : memref<78x128xi32, #tpu.memory_space<vmem>> -> memref<1x32xi32, #tpu.memory_space<vmem>>
      %dma_start3A_188 = tpu.memref_squeeze %dma_start3A_187 : memref<1x32xi32, #tpu.memory_space<vmem>> -> memref<32xi32, #tpu.memory_space<vmem>>
      %dma_start3A_189 = arith.constant 0 : i32
      %dma_start3A_190 = arith.constant 0 : i32
      %dma_start3A_191 = tpu.memref_slice %arg29[%dma_start3A_189, %dma_start3A_190] : memref<10240x128xf32, #tpu.memory_space<vmem_shared>> -> memref<10240x128xf32, #tpu.memory_space<vmem_shared>>
      tpu.enqueue_indirect_dma source(%arg10 : memref<32x128xf32, #tpu.memory_space<vmem>>) target(%dma_start3A_191 : memref<10240x128xf32, #tpu.memory_space<vmem_shared>>) offsets(%dma_start3A_188 : memref<32xi32, #tpu.memory_space<vmem>>) semaphore(%arg21 : memref<!tpu.dma_semaphore, #tpu.memory_space<semaphore_mem>>) {add = true}
      %add3A_192 = arith.constant 2 : i32
      %add3A_193 = arith.addi %mul3A_141, %add3A_192 : i32
      %div3A_194 = arith.constant 4 : i32
      %div3A_195 = arith.divsi %add3A_193, %div3A_194 : i32
      %rem3A_196 = arith.constant 4 : i32
      %rem3A_197 = arith.remsi %add3A_193, %rem3A_196 : i32
      %mul3A_198 = arith.constant 32 : i32
      %mul3A_199 = arith.muli %rem3A_197, %mul3A_198 : i32
      %dma_wait3A_200 = tpu.memref_slice %arg8[%div3A_195, %mul3A_199] : memref<78x128xi32, #tpu.memory_space<vmem>> -> memref<1x32xi32, #tpu.memory_space<vmem>>
      %dma_wait3A_201 = tpu.memref_squeeze %dma_wait3A_200 : memref<1x32xi32, #tpu.memory_space<vmem>> -> memref<32xi32, #tpu.memory_space<vmem>>
      %dma_wait3A_202 = arith.constant 0 : i32
      %dma_wait3A_203 = arith.constant 0 : i32
      %dma_wait3A_204 = tpu.memref_slice %arg6[%dma_wait3A_202, %dma_wait3A_203] : memref<10000x128xf32, #tpu.memory_space<hbm>> -> memref<10000x128xf32, #tpu.memory_space<hbm>>
      tpu.wait_indirect_dma semaphore(%arg17 : memref<!tpu.dma_semaphore, #tpu.memory_space<semaphore_mem>>) src(%dma_wait3A_204 : memref<10000x128xf32, #tpu.memory_space<hbm>>) dst(%arg11 : memref<32x128xf32, #tpu.memory_space<vmem>>)
      %add3A_205 = arith.constant 2 : i32
      %add3A_206 = arith.addi %mul3A_141, %add3A_205 : i32
      %div3A_207 = arith.constant 4 : i32
      %div3A_208 = arith.divsi %add3A_206, %div3A_207 : i32
      %rem3A_209 = arith.constant 4 : i32
      %rem3A_210 = arith.remsi %add3A_206, %rem3A_209 : i32
      %mul3A_211 = arith.constant 32 : i32
      %mul3A_212 = arith.muli %rem3A_210, %mul3A_211 : i32
      %dma_start3A_213 = tpu.memref_slice %arg26[%div3A_208, %mul3A_212] : memref<78x128xi32, #tpu.memory_space<vmem>> -> memref<1x32xi32, #tpu.memory_space<vmem>>
      %dma_start3A_214 = tpu.memref_squeeze %dma_start3A_213 : memref<1x32xi32, #tpu.memory_space<vmem>> -> memref<32xi32, #tpu.memory_space<vmem>>
      %dma_start3A_215 = arith.constant 0 : i32
      %dma_start3A_216 = arith.constant 0 : i32
      %dma_start3A_217 = tpu.memref_slice %arg29[%dma_start3A_215, %dma_start3A_216] : memref<10240x128xf32, #tpu.memory_space<vmem_shared>> -> memref<10240x128xf32, #tpu.memory_space<vmem_shared>>
      tpu.enqueue_indirect_dma source(%arg11 : memref<32x128xf32, #tpu.memory_space<vmem>>) target(%dma_start3A_217 : memref<10240x128xf32, #tpu.memory_space<vmem_shared>>) offsets(%dma_start3A_214 : memref<32xi32, #tpu.memory_space<vmem>>) semaphore(%arg22 : memref<!tpu.dma_semaphore, #tpu.memory_space<semaphore_mem>>) {add = true}
      %add3A_218 = arith.constant 3 : i32
      %add3A_219 = arith.addi %mul3A_141, %add3A_218 : i32
      %div3A_220 = arith.constant 4 : i32
      %div3A_221 = arith.divsi %add3A_219, %div3A_220 : i32
      %rem3A_222 = arith.constant 4 : i32
      %rem3A_223 = arith.remsi %add3A_219, %rem3A_222 : i32
      %mul3A_224 = arith.constant 32 : i32
      %mul3A_225 = arith.muli %rem3A_223, %mul3A_224 : i32
      %dma_wait3A_226 = tpu.memref_slice %arg8[%div3A_221, %mul3A_225] : memref<78x128xi32, #tpu.memory_space<vmem>> -> memref<1x32xi32, #tpu.memory_space<vmem>>
      %dma_wait3A_227 = tpu.memref_squeeze %dma_wait3A_226 : memref<1x32xi32, #tpu.memory_space<vmem>> -> memref<32xi32, #tpu.memory_space<vmem>>
      %dma_wait3A_228 = arith.constant 0 : i32
      %dma_wait3A_229 = arith.constant 0 : i32
      %dma_wait3A_230 = tpu.memref_slice %arg6[%dma_wait3A_228, %dma_wait3A_229] : memref<10000x128xf32, #tpu.memory_space<hbm>> -> memref<10000x128xf32, #tpu.memory_space<hbm>>
      tpu.wait_indirect_dma semaphore(%arg18 : memref<!tpu.dma_semaphore, #tpu.memory_space<semaphore_mem>>) src(%dma_wait3A_230 : memref<10000x128xf32, #tpu.memory_space<hbm>>) dst(%arg12 : memref<32x128xf32, #tpu.memory_space<vmem>>)
      %add3A_231 = arith.constant 3 : i32
      %add3A_232 = arith.addi %mul3A_141, %add3A_231 : i32
      %div3A_233 = arith.constant 4 : i32
      %div3A_234 = arith.divsi %add3A_232, %div3A_233 : i32
      %rem3A_235 = arith.constant 4 : i32
      %rem3A_236 = arith.remsi %add3A_232, %rem3A_235 : i32
      %mul3A_237 = arith.constant 32 : i32
      %mul3A_238 = arith.muli %rem3A_236, %mul3A_237 : i32
      %dma_start3A_239 = tpu.memref_slice %arg26[%div3A_234, %mul3A_238] : memref<78x128xi32, #tpu.memory_space<vmem>> -> memref<1x32xi32, #tpu.memory_space<vmem>>
      %dma_start3A_240 = tpu.memref_squeeze %dma_start3A_239 : memref<1x32xi32, #tpu.memory_space<vmem>> -> memref<32xi32, #tpu.memory_space<vmem>>
      %dma_start3A_241 = arith.constant 0 : i32
      %dma_start3A_242 = arith.constant 0 : i32
      %dma_start3A_243 = tpu.memref_slice %arg29[%dma_start3A_241, %dma_start3A_242] : memref<10240x128xf32, #tpu.memory_space<vmem_shared>> -> memref<10240x128xf32, #tpu.memory_space<vmem_shared>>
      tpu.enqueue_indirect_dma source(%arg12 : memref<32x128xf32, #tpu.memory_space<vmem>>) target(%dma_start3A_243 : memref<10240x128xf32, #tpu.memory_space<vmem_shared>>) offsets(%dma_start3A_240 : memref<32xi32, #tpu.memory_space<vmem>>) semaphore(%arg23 : memref<!tpu.dma_semaphore, #tpu.memory_space<semaphore_mem>>) {add = true}
      %add3A_244 = arith.constant 4 : i32
      %add3A_245 = arith.addi %mul3A_141, %add3A_244 : i32
      %div3A_246 = arith.constant 4 : i32
      %div3A_247 = arith.divsi %add3A_245, %div3A_246 : i32
      %rem3A_248 = arith.constant 4 : i32
      %rem3A_249 = arith.remsi %add3A_245, %rem3A_248 : i32
      %mul3A_250 = arith.constant 32 : i32
      %mul3A_251 = arith.muli %rem3A_249, %mul3A_250 : i32
      %dma_wait3A_252 = tpu.memref_slice %arg8[%div3A_247, %mul3A_251] : memref<78x128xi32, #tpu.memory_space<vmem>> -> memref<1x32xi32, #tpu.memory_space<vmem>>
      %dma_wait3A_253 = tpu.memref_squeeze %dma_wait3A_252 : memref<1x32xi32, #tpu.memory_space<vmem>> -> memref<32xi32, #tpu.memory_space<vmem>>
      %dma_wait3A_254 = arith.constant 0 : i32
      %dma_wait3A_255 = arith.constant 0 : i32
      %dma_wait3A_256 = tpu.memref_slice %arg6[%dma_wait3A_254, %dma_wait3A_255] : memref<10000x128xf32, #tpu.memory_space<hbm>> -> memref<10000x128xf32, #tpu.memory_space<hbm>>
      tpu.wait_indirect_dma semaphore(%arg19 : memref<!tpu.dma_semaphore, #tpu.memory_space<semaphore_mem>>) src(%dma_wait3A_256 : memref<10000x128xf32, #tpu.memory_space<hbm>>) dst(%arg13 : memref<32x128xf32, #tpu.memory_space<vmem>>)
      %add3A_257 = arith.constant 4 : i32
      %add3A_258 = arith.addi %mul3A_141, %add3A_257 : i32
      %div3A_259 = arith.constant 4 : i32
      %div3A_260 = arith.divsi %add3A_258, %div3A_259 : i32
      %rem3A_261 = arith.constant 4 : i32
      %rem3A_262 = arith.remsi %add3A_258, %rem3A_261 : i32
      %mul3A_263 = arith.constant 32 : i32
      %mul3A_264 = arith.muli %rem3A_262, %mul3A_263 : i32
      %dma_start3A_265 = tpu.memref_slice %arg26[%div3A_260, %mul3A_264] : memref<78x128xi32, #tpu.memory_space<vmem>> -> memref<1x32xi32, #tpu.memory_space<vmem>>
      %dma_start3A_266 = tpu.memref_squeeze %dma_start3A_265 : memref<1x32xi32, #tpu.memory_space<vmem>> -> memref<32xi32, #tpu.memory_space<vmem>>
      %dma_start3A_267 = arith.constant 0 : i32
      %dma_start3A_268 = arith.constant 0 : i32
      %dma_start3A_269 = tpu.memref_slice %arg29[%dma_start3A_267, %dma_start3A_268] : memref<10240x128xf32, #tpu.memory_space<vmem_shared>> -> memref<10240x128xf32, #tpu.memory_space<vmem_shared>>
      tpu.enqueue_indirect_dma source(%arg13 : memref<32x128xf32, #tpu.memory_space<vmem>>) target(%dma_start3A_269 : memref<10240x128xf32, #tpu.memory_space<vmem_shared>>) offsets(%dma_start3A_266 : memref<32xi32, #tpu.memory_space<vmem>>) semaphore(%arg24 : memref<!tpu.dma_semaphore, #tpu.memory_space<semaphore_mem>>) {add = true}
      %add3A_270 = arith.constant 5 : i32
      %add3A_271 = arith.addi %mul3A_141, %add3A_270 : i32
      %div3A_272 = arith.constant 4 : i32
      %div3A_273 = arith.divsi %add3A_271, %div3A_272 : i32
      %rem3A_274 = arith.constant 4 : i32
      %rem3A_275 = arith.remsi %add3A_271, %rem3A_274 : i32
      %mul3A_276 = arith.constant 32 : i32
      %mul3A_277 = arith.muli %rem3A_275, %mul3A_276 : i32
      %dma_wait3A_278 = tpu.memref_slice %arg8[%div3A_273, %mul3A_277] : memref<78x128xi32, #tpu.memory_space<vmem>> -> memref<1x32xi32, #tpu.memory_space<vmem>>
      %dma_wait3A_279 = tpu.memref_squeeze %dma_wait3A_278 : memref<1x32xi32, #tpu.memory_space<vmem>> -> memref<32xi32, #tpu.memory_space<vmem>>
      %dma_wait3A_280 = arith.constant 0 : i32
      %dma_wait3A_281 = arith.constant 0 : i32
      %dma_wait3A_282 = tpu.memref_slice %arg6[%dma_wait3A_280, %dma_wait3A_281] : memref<10000x128xf32, #tpu.memory_space<hbm>> -> memref<10000x128xf32, #tpu.memory_space<hbm>>
      tpu.wait_indirect_dma semaphore(%arg20 : memref<!tpu.dma_semaphore, #tpu.memory_space<semaphore_mem>>) src(%dma_wait3A_282 : memref<10000x128xf32, #tpu.memory_space<hbm>>) dst(%arg14 : memref<32x128xf32, #tpu.memory_space<vmem>>)
      %add3A_283 = arith.constant 5 : i32
      %add3A_284 = arith.addi %mul3A_141, %add3A_283 : i32
      %div3A_285 = arith.constant 4 : i32
      %div3A_286 = arith.divsi %add3A_284, %div3A_285 : i32
      %rem3A_287 = arith.constant 4 : i32
      %rem3A_288 = arith.remsi %add3A_284, %rem3A_287 : i32
      %mul3A_289 = arith.constant 32 : i32
      %mul3A_290 = arith.muli %rem3A_288, %mul3A_289 : i32
      %dma_start3A_291 = tpu.memref_slice %arg26[%div3A_286, %mul3A_290] : memref<78x128xi32, #tpu.memory_space<vmem>> -> memref<1x32xi32, #tpu.memory_space<vmem>>
      %dma_start3A_292 = tpu.memref_squeeze %dma_start3A_291 : memref<1x32xi32, #tpu.memory_space<vmem>> -> memref<32xi32, #tpu.memory_space<vmem>>
      %dma_start3A_293 = arith.constant 0 : i32
      %dma_start3A_294 = arith.constant 0 : i32
      %dma_start3A_295 = tpu.memref_slice %arg29[%dma_start3A_293, %dma_start3A_294] : memref<10240x128xf32, #tpu.memory_space<vmem_shared>> -> memref<10240x128xf32, #tpu.memory_space<vmem_shared>>
      tpu.enqueue_indirect_dma source(%arg14 : memref<32x128xf32, #tpu.memory_space<vmem>>) target(%dma_start3A_295 : memref<10240x128xf32, #tpu.memory_space<vmem_shared>>) offsets(%dma_start3A_292 : memref<32xi32, #tpu.memory_space<vmem>>) semaphore(%arg25 : memref<!tpu.dma_semaphore, #tpu.memory_space<semaphore_mem>>) {add = true}
      %add3A_296 = arith.constant 0 : i32
      %add3A_297 = arith.addi %mul3A_141, %add3A_296 : i32
      %div3A_298 = arith.constant 4 : i32
      %div3A_299 = arith.divsi %add3A_297, %div3A_298 : i32
      %rem3A_300 = arith.constant 4 : i32
      %rem3A_301 = arith.remsi %add3A_297, %rem3A_300 : i32
      %mul3A_302 = arith.constant 32 : i32
      %mul3A_303 = arith.muli %rem3A_301, %mul3A_302 : i32
      %dma_wait3A_304 = tpu.memref_slice %arg26[%div3A_299, %mul3A_303] : memref<78x128xi32, #tpu.memory_space<vmem>> -> memref<1x32xi32, #tpu.memory_space<vmem>>
      %dma_wait3A_305 = tpu.memref_squeeze %dma_wait3A_304 : memref<1x32xi32, #tpu.memory_space<vmem>> -> memref<32xi32, #tpu.memory_space<vmem>>
      %dma_wait3A_306 = arith.constant 0 : i32
      %dma_wait3A_307 = arith.constant 0 : i32
      %dma_wait3A_308 = tpu.memref_slice %arg29[%dma_wait3A_306, %dma_wait3A_307] : memref<10240x128xf32, #tpu.memory_space<vmem_shared>> -> memref<10240x128xf32, #tpu.memory_space<vmem_shared>>
      tpu.wait_indirect_dma semaphore(%arg30 : memref<!tpu.dma_semaphore, #tpu.memory_space<semaphore_mem>>) src(%arg28 : memref<32x128xf32, #tpu.memory_space<vmem>>) dst(%dma_wait3A_308 : memref<10240x128xf32, #tpu.memory_space<vmem_shared>>)
      %add3A_309 = arith.constant 1 : i32
      %add3A_310 = arith.addi %scan3A_139, %add3A_309 : i32
      %lt3A = arith.constant 52 : i32
      %lt3A_311 = arith.cmpi slt, %add3A_310, %lt3A : i32
      %convert_element_type3A = arith.extui %lt3A_311 : i1 to i32
      %cond3A = arith.constant 0 : i32
      %cond3A_312 = arith.cmpi ne, %convert_element_type3A, %cond3A : i32
      scf.if %cond3A_312 {
        %add3A_413 = arith.constant 6 : i32
        %add3A_414 = arith.addi %mul3A_141, %add3A_413 : i32
        %add3A_415 = arith.constant 0 : i32
        %add3A_416 = arith.addi %add3A_414, %add3A_415 : i32
        %div3A_417 = arith.constant 4 : i32
        %div3A_418 = arith.divsi %add3A_416, %div3A_417 : i32
        %rem3A_419 = arith.constant 4 : i32
        %rem3A_420 = arith.remsi %add3A_416, %rem3A_419 : i32
        %mul3A_421 = arith.constant 32 : i32
        %mul3A_422 = arith.muli %rem3A_420, %mul3A_421 : i32
        %dma_start3A_423 = tpu.memref_slice %arg8[%div3A_418, %mul3A_422] : memref<78x128xi32, #tpu.memory_space<vmem>> -> memref<1x32xi32, #tpu.memory_space<vmem>>
        %dma_start3A_424 = tpu.memref_squeeze %dma_start3A_423 : memref<1x32xi32, #tpu.memory_space<vmem>> -> memref<32xi32, #tpu.memory_space<vmem>>
        %dma_start3A_425 = arith.constant 0 : i32
        %dma_start3A_426 = arith.constant 0 : i32
        %dma_start3A_427 = tpu.memref_slice %arg6[%dma_start3A_425, %dma_start3A_426] : memref<10000x128xf32, #tpu.memory_space<hbm>> -> memref<10000x128xf32, #tpu.memory_space<hbm>>
        tpu.enqueue_indirect_dma source(%dma_start3A_427 : memref<10000x128xf32, #tpu.memory_space<hbm>>) target(%arg28 : memref<32x128xf32, #tpu.memory_space<vmem>>) offsets(%dma_start3A_424 : memref<32xi32, #tpu.memory_space<vmem>>) semaphore(%arg15 : memref<!tpu.dma_semaphore, #tpu.memory_space<semaphore_mem>>)
      } else {
      }
      %add3A_313 = arith.constant 1 : i32
      %add3A_314 = arith.addi %mul3A_141, %add3A_313 : i32
      %div3A_315 = arith.constant 4 : i32
      %div3A_316 = arith.divsi %add3A_314, %div3A_315 : i32
      %rem3A_317 = arith.constant 4 : i32
      %rem3A_318 = arith.remsi %add3A_314, %rem3A_317 : i32
      %mul3A_319 = arith.constant 32 : i32
      %mul3A_320 = arith.muli %rem3A_318, %mul3A_319 : i32
      %dma_wait3A_321 = tpu.memref_slice %arg26[%div3A_316, %mul3A_320] : memref<78x128xi32, #tpu.memory_space<vmem>> -> memref<1x32xi32, #tpu.memory_space<vmem>>
      %dma_wait3A_322 = tpu.memref_squeeze %dma_wait3A_321 : memref<1x32xi32, #tpu.memory_space<vmem>> -> memref<32xi32, #tpu.memory_space<vmem>>
      %dma_wait3A_323 = arith.constant 0 : i32
      %dma_wait3A_324 = arith.constant 0 : i32
      %dma_wait3A_325 = tpu.memref_slice %arg29[%dma_wait3A_323, %dma_wait3A_324] : memref<10240x128xf32, #tpu.memory_space<vmem_shared>> -> memref<10240x128xf32, #tpu.memory_space<vmem_shared>>
      tpu.wait_indirect_dma semaphore(%arg21 : memref<!tpu.dma_semaphore, #tpu.memory_space<semaphore_mem>>) src(%arg10 : memref<32x128xf32, #tpu.memory_space<vmem>>) dst(%dma_wait3A_325 : memref<10240x128xf32, #tpu.memory_space<vmem_shared>>)
      %add3A_326 = arith.constant 1 : i32
      %add3A_327 = arith.addi %scan3A_139, %add3A_326 : i32
      %lt3A_328 = arith.constant 52 : i32
      %lt3A_329 = arith.cmpi slt, %add3A_327, %lt3A_328 : i32
      %convert_element_type3A_330 = arith.extui %lt3A_329 : i1 to i32
      %cond3A_331 = arith.constant 0 : i32
      %cond3A_332 = arith.cmpi ne, %convert_element_type3A_330, %cond3A_331 : i32
      scf.if %cond3A_332 {
        %add3A_413 = arith.constant 6 : i32
        %add3A_414 = arith.addi %mul3A_141, %add3A_413 : i32
        %add3A_415 = arith.constant 1 : i32
        %add3A_416 = arith.addi %add3A_414, %add3A_415 : i32
        %div3A_417 = arith.constant 4 : i32
        %div3A_418 = arith.divsi %add3A_416, %div3A_417 : i32
        %rem3A_419 = arith.constant 4 : i32
        %rem3A_420 = arith.remsi %add3A_416, %rem3A_419 : i32
        %mul3A_421 = arith.constant 32 : i32
        %mul3A_422 = arith.muli %rem3A_420, %mul3A_421 : i32
        %dma_start3A_423 = tpu.memref_slice %arg8[%div3A_418, %mul3A_422] : memref<78x128xi32, #tpu.memory_space<vmem>> -> memref<1x32xi32, #tpu.memory_space<vmem>>
        %dma_start3A_424 = tpu.memref_squeeze %dma_start3A_423 : memref<1x32xi32, #tpu.memory_space<vmem>> -> memref<32xi32, #tpu.memory_space<vmem>>
        %dma_start3A_425 = arith.constant 0 : i32
        %dma_start3A_426 = arith.constant 0 : i32
        %dma_start3A_427 = tpu.memref_slice %arg6[%dma_start3A_425, %dma_start3A_426] : memref<10000x128xf32, #tpu.memory_space<hbm>> -> memref<10000x128xf32, #tpu.memory_space<hbm>>
        tpu.enqueue_indirect_dma source(%dma_start3A_427 : memref<10000x128xf32, #tpu.memory_space<hbm>>) target(%arg10 : memref<32x128xf32, #tpu.memory_space<vmem>>) offsets(%dma_start3A_424 : memref<32xi32, #tpu.memory_space<vmem>>) semaphore(%arg16 : memref<!tpu.dma_semaphore, #tpu.memory_space<semaphore_mem>>)
      } else {
      }
      %add3A_333 = arith.constant 2 : i32
      %add3A_334 = arith.addi %mul3A_141, %add3A_333 : i32
      %div3A_335 = arith.constant 4 : i32
      %div3A_336 = arith.divsi %add3A_334, %div3A_335 : i32
      %rem3A_337 = arith.constant 4 : i32
      %rem3A_338 = arith.remsi %add3A_334, %rem3A_337 : i32
      %mul3A_339 = arith.constant 32 : i32
      %mul3A_340 = arith.muli %rem3A_338, %mul3A_339 : i32
      %dma_wait3A_341 = tpu.memref_slice %arg26[%div3A_336, %mul3A_340] : memref<78x128xi32, #tpu.memory_space<vmem>> -> memref<1x32xi32, #tpu.memory_space<vmem>>
      %dma_wait3A_342 = tpu.memref_squeeze %dma_wait3A_341 : memref<1x32xi32, #tpu.memory_space<vmem>> -> memref<32xi32, #tpu.memory_space<vmem>>
      %dma_wait3A_343 = arith.constant 0 : i32
      %dma_wait3A_344 = arith.constant 0 : i32
      %dma_wait3A_345 = tpu.memref_slice %arg29[%dma_wait3A_343, %dma_wait3A_344] : memref<10240x128xf32, #tpu.memory_space<vmem_shared>> -> memref<10240x128xf32, #tpu.memory_space<vmem_shared>>
      tpu.wait_indirect_dma semaphore(%arg22 : memref<!tpu.dma_semaphore, #tpu.memory_space<semaphore_mem>>) src(%arg11 : memref<32x128xf32, #tpu.memory_space<vmem>>) dst(%dma_wait3A_345 : memref<10240x128xf32, #tpu.memory_space<vmem_shared>>)
      %add3A_346 = arith.constant 1 : i32
      %add3A_347 = arith.addi %scan3A_139, %add3A_346 : i32
      %lt3A_348 = arith.constant 52 : i32
      %lt3A_349 = arith.cmpi slt, %add3A_347, %lt3A_348 : i32
      %convert_element_type3A_350 = arith.extui %lt3A_349 : i1 to i32
      %cond3A_351 = arith.constant 0 : i32
      %cond3A_352 = arith.cmpi ne, %convert_element_type3A_350, %cond3A_351 : i32
      scf.if %cond3A_352 {
        %add3A_413 = arith.constant 6 : i32
        %add3A_414 = arith.addi %mul3A_141, %add3A_413 : i32
        %add3A_415 = arith.constant 2 : i32
        %add3A_416 = arith.addi %add3A_414, %add3A_415 : i32
        %div3A_417 = arith.constant 4 : i32
        %div3A_418 = arith.divsi %add3A_416, %div3A_417 : i32
        %rem3A_419 = arith.constant 4 : i32
        %rem3A_420 = arith.remsi %add3A_416, %rem3A_419 : i32
        %mul3A_421 = arith.constant 32 : i32
        %mul3A_422 = arith.muli %rem3A_420, %mul3A_421 : i32
        %dma_start3A_423 = tpu.memref_slice %arg8[%div3A_418, %mul3A_422] : memref<78x128xi32, #tpu.memory_space<vmem>> -> memref<1x32xi32, #tpu.memory_space<vmem>>
        %dma_start3A_424 = tpu.memref_squeeze %dma_start3A_423 : memref<1x32xi32, #tpu.memory_space<vmem>> -> memref<32xi32, #tpu.memory_space<vmem>>
        %dma_start3A_425 = arith.constant 0 : i32
        %dma_start3A_426 = arith.constant 0 : i32
        %dma_start3A_427 = tpu.memref_slice %arg6[%dma_start3A_425, %dma_start3A_426] : memref<10000x128xf32, #tpu.memory_space<hbm>> -> memref<10000x128xf32, #tpu.memory_space<hbm>>
        tpu.enqueue_indirect_dma source(%dma_start3A_427 : memref<10000x128xf32, #tpu.memory_space<hbm>>) target(%arg11 : memref<32x128xf32, #tpu.memory_space<vmem>>) offsets(%dma_start3A_424 : memref<32xi32, #tpu.memory_space<vmem>>) semaphore(%arg17 : memref<!tpu.dma_semaphore, #tpu.memory_space<semaphore_mem>>)
      } else {
      }
      %add3A_353 = arith.constant 3 : i32
      %add3A_354 = arith.addi %mul3A_141, %add3A_353 : i32
      %div3A_355 = arith.constant 4 : i32
      %div3A_356 = arith.divsi %add3A_354, %div3A_355 : i32
      %rem3A_357 = arith.constant 4 : i32
      %rem3A_358 = arith.remsi %add3A_354, %rem3A_357 : i32
      %mul3A_359 = arith.constant 32 : i32
      %mul3A_360 = arith.muli %rem3A_358, %mul3A_359 : i32
      %dma_wait3A_361 = tpu.memref_slice %arg26[%div3A_356, %mul3A_360] : memref<78x128xi32, #tpu.memory_space<vmem>> -> memref<1x32xi32, #tpu.memory_space<vmem>>
      %dma_wait3A_362 = tpu.memref_squeeze %dma_wait3A_361 : memref<1x32xi32, #tpu.memory_space<vmem>> -> memref<32xi32, #tpu.memory_space<vmem>>
      %dma_wait3A_363 = arith.constant 0 : i32
      %dma_wait3A_364 = arith.constant 0 : i32
      %dma_wait3A_365 = tpu.memref_slice %arg29[%dma_wait3A_363, %dma_wait3A_364] : memref<10240x128xf32, #tpu.memory_space<vmem_shared>> -> memref<10240x128xf32, #tpu.memory_space<vmem_shared>>
      tpu.wait_indirect_dma semaphore(%arg23 : memref<!tpu.dma_semaphore, #tpu.memory_space<semaphore_mem>>) src(%arg12 : memref<32x128xf32, #tpu.memory_space<vmem>>) dst(%dma_wait3A_365 : memref<10240x128xf32, #tpu.memory_space<vmem_shared>>)
      %add3A_366 = arith.constant 1 : i32
      %add3A_367 = arith.addi %scan3A_139, %add3A_366 : i32
      %lt3A_368 = arith.constant 52 : i32
      %lt3A_369 = arith.cmpi slt, %add3A_367, %lt3A_368 : i32
      %convert_element_type3A_370 = arith.extui %lt3A_369 : i1 to i32
      %cond3A_371 = arith.constant 0 : i32
      %cond3A_372 = arith.cmpi ne, %convert_element_type3A_370, %cond3A_371 : i32
      scf.if %cond3A_372 {
        %add3A_413 = arith.constant 6 : i32
        %add3A_414 = arith.addi %mul3A_141, %add3A_413 : i32
        %add3A_415 = arith.constant 3 : i32
        %add3A_416 = arith.addi %add3A_414, %add3A_415 : i32
        %div3A_417 = arith.constant 4 : i32
        %div3A_418 = arith.divsi %add3A_416, %div3A_417 : i32
        %rem3A_419 = arith.constant 4 : i32
        %rem3A_420 = arith.remsi %add3A_416, %rem3A_419 : i32
        %mul3A_421 = arith.constant 32 : i32
        %mul3A_422 = arith.muli %rem3A_420, %mul3A_421 : i32
        %dma_start3A_423 = tpu.memref_slice %arg8[%div3A_418, %mul3A_422] : memref<78x128xi32, #tpu.memory_space<vmem>> -> memref<1x32xi32, #tpu.memory_space<vmem>>
        %dma_start3A_424 = tpu.memref_squeeze %dma_start3A_423 : memref<1x32xi32, #tpu.memory_space<vmem>> -> memref<32xi32, #tpu.memory_space<vmem>>
        %dma_start3A_425 = arith.constant 0 : i32
        %dma_start3A_426 = arith.constant 0 : i32
        %dma_start3A_427 = tpu.memref_slice %arg6[%dma_start3A_425, %dma_start3A_426] : memref<10000x128xf32, #tpu.memory_space<hbm>> -> memref<10000x128xf32, #tpu.memory_space<hbm>>
        tpu.enqueue_indirect_dma source(%dma_start3A_427 : memref<10000x128xf32, #tpu.memory_space<hbm>>) target(%arg12 : memref<32x128xf32, #tpu.memory_space<vmem>>) offsets(%dma_start3A_424 : memref<32xi32, #tpu.memory_space<vmem>>) semaphore(%arg18 : memref<!tpu.dma_semaphore, #tpu.memory_space<semaphore_mem>>)
      } else {
      }
      %add3A_373 = arith.constant 4 : i32
      %add3A_374 = arith.addi %mul3A_141, %add3A_373 : i32
      %div3A_375 = arith.constant 4 : i32
      %div3A_376 = arith.divsi %add3A_374, %div3A_375 : i32
      %rem3A_377 = arith.constant 4 : i32
      %rem3A_378 = arith.remsi %add3A_374, %rem3A_377 : i32
      %mul3A_379 = arith.constant 32 : i32
      %mul3A_380 = arith.muli %rem3A_378, %mul3A_379 : i32
      %dma_wait3A_381 = tpu.memref_slice %arg26[%div3A_376, %mul3A_380] : memref<78x128xi32, #tpu.memory_space<vmem>> -> memref<1x32xi32, #tpu.memory_space<vmem>>
      %dma_wait3A_382 = tpu.memref_squeeze %dma_wait3A_381 : memref<1x32xi32, #tpu.memory_space<vmem>> -> memref<32xi32, #tpu.memory_space<vmem>>
      %dma_wait3A_383 = arith.constant 0 : i32
      %dma_wait3A_384 = arith.constant 0 : i32
      %dma_wait3A_385 = tpu.memref_slice %arg29[%dma_wait3A_383, %dma_wait3A_384] : memref<10240x128xf32, #tpu.memory_space<vmem_shared>> -> memref<10240x128xf32, #tpu.memory_space<vmem_shared>>
      tpu.wait_indirect_dma semaphore(%arg24 : memref<!tpu.dma_semaphore, #tpu.memory_space<semaphore_mem>>) src(%arg13 : memref<32x128xf32, #tpu.memory_space<vmem>>) dst(%dma_wait3A_385 : memref<10240x128xf32, #tpu.memory_space<vmem_shared>>)
      %add3A_386 = arith.constant 1 : i32
      %add3A_387 = arith.addi %scan3A_139, %add3A_386 : i32
      %lt3A_388 = arith.constant 52 : i32
      %lt3A_389 = arith.cmpi slt, %add3A_387, %lt3A_388 : i32
      %convert_element_type3A_390 = arith.extui %lt3A_389 : i1 to i32
      %cond3A_391 = arith.constant 0 : i32
      %cond3A_392 = arith.cmpi ne, %convert_element_type3A_390, %cond3A_391 : i32
      scf.if %cond3A_392 {
        %add3A_413 = arith.constant 6 : i32
        %add3A_414 = arith.addi %mul3A_141, %add3A_413 : i32
        %add3A_415 = arith.constant 4 : i32
        %add3A_416 = arith.addi %add3A_414, %add3A_415 : i32
        %div3A_417 = arith.constant 4 : i32
        %div3A_418 = arith.divsi %add3A_416, %div3A_417 : i32
        %rem3A_419 = arith.constant 4 : i32
        %rem3A_420 = arith.remsi %add3A_416, %rem3A_419 : i32
        %mul3A_421 = arith.constant 32 : i32
        %mul3A_422 = arith.muli %rem3A_420, %mul3A_421 : i32
        %dma_start3A_423 = tpu.memref_slice %arg8[%div3A_418, %mul3A_422] : memref<78x128xi32, #tpu.memory_space<vmem>> -> memref<1x32xi32, #tpu.memory_space<vmem>>
        %dma_start3A_424 = tpu.memref_squeeze %dma_start3A_423 : memref<1x32xi32, #tpu.memory_space<vmem>> -> memref<32xi32, #tpu.memory_space<vmem>>
        %dma_start3A_425 = arith.constant 0 : i32
        %dma_start3A_426 = arith.constant 0 : i32
        %dma_start3A_427 = tpu.memref_slice %arg6[%dma_start3A_425, %dma_start3A_426] : memref<10000x128xf32, #tpu.memory_space<hbm>> -> memref<10000x128xf32, #tpu.memory_space<hbm>>
        tpu.enqueue_indirect_dma source(%dma_start3A_427 : memref<10000x128xf32, #tpu.memory_space<hbm>>) target(%arg13 : memref<32x128xf32, #tpu.memory_space<vmem>>) offsets(%dma_start3A_424 : memref<32xi32, #tpu.memory_space<vmem>>) semaphore(%arg19 : memref<!tpu.dma_semaphore, #tpu.memory_space<semaphore_mem>>)
      } else {
      }
      %add3A_393 = arith.constant 5 : i32
      %add3A_394 = arith.addi %mul3A_141, %add3A_393 : i32
      %div3A_395 = arith.constant 4 : i32
      %div3A_396 = arith.divsi %add3A_394, %div3A_395 : i32
      %rem3A_397 = arith.constant 4 : i32
      %rem3A_398 = arith.remsi %add3A_394, %rem3A_397 : i32
      %mul3A_399 = arith.constant 32 : i32
      %mul3A_400 = arith.muli %rem3A_398, %mul3A_399 : i32
      %dma_wait3A_401 = tpu.memref_slice %arg26[%div3A_396, %mul3A_400] : memref<78x128xi32, #tpu.memory_space<vmem>> -> memref<1x32xi32, #tpu.memory_space<vmem>>
      %dma_wait3A_402 = tpu.memref_squeeze %dma_wait3A_401 : memref<1x32xi32, #tpu.memory_space<vmem>> -> memref<32xi32, #tpu.memory_space<vmem>>
      %dma_wait3A_403 = arith.constant 0 : i32
      %dma_wait3A_404 = arith.constant 0 : i32
      %dma_wait3A_405 = tpu.memref_slice %arg29[%dma_wait3A_403, %dma_wait3A_404] : memref<10240x128xf32, #tpu.memory_space<vmem_shared>> -> memref<10240x128xf32, #tpu.memory_space<vmem_shared>>
      tpu.wait_indirect_dma semaphore(%arg25 : memref<!tpu.dma_semaphore, #tpu.memory_space<semaphore_mem>>) src(%arg14 : memref<32x128xf32, #tpu.memory_space<vmem>>) dst(%dma_wait3A_405 : memref<10240x128xf32, #tpu.memory_space<vmem_shared>>)
      %add3A_406 = arith.constant 1 : i32
      %add3A_407 = arith.addi %scan3A_139, %add3A_406 : i32
      %lt3A_408 = arith.constant 52 : i32
      %lt3A_409 = arith.cmpi slt, %add3A_407, %lt3A_408 : i32
      %convert_element_type3A_410 = arith.extui %lt3A_409 : i1 to i32
      %cond3A_411 = arith.constant 0 : i32
      %cond3A_412 = arith.cmpi ne, %convert_element_type3A_410, %cond3A_411 : i32
      scf.if %cond3A_412 {
        %add3A_413 = arith.constant 6 : i32
        %add3A_414 = arith.addi %mul3A_141, %add3A_413 : i32
        %add3A_415 = arith.constant 5 : i32
        %add3A_416 = arith.addi %add3A_414, %add3A_415 : i32
        %div3A_417 = arith.constant 4 : i32
        %div3A_418 = arith.divsi %add3A_416, %div3A_417 : i32
        %rem3A_419 = arith.constant 4 : i32
        %rem3A_420 = arith.remsi %add3A_416, %rem3A_419 : i32
        %mul3A_421 = arith.constant 32 : i32
        %mul3A_422 = arith.muli %rem3A_420, %mul3A_421 : i32
        %dma_start3A_423 = tpu.memref_slice %arg8[%div3A_418, %mul3A_422] : memref<78x128xi32, #tpu.memory_space<vmem>> -> memref<1x32xi32, #tpu.memory_space<vmem>>
        %dma_start3A_424 = tpu.memref_squeeze %dma_start3A_423 : memref<1x32xi32, #tpu.memory_space<vmem>> -> memref<32xi32, #tpu.memory_space<vmem>>
        %dma_start3A_425 = arith.constant 0 : i32
        %dma_start3A_426 = arith.constant 0 : i32
        %dma_start3A_427 = tpu.memref_slice %arg6[%dma_start3A_425, %dma_start3A_426] : memref<10000x128xf32, #tpu.memory_space<hbm>> -> memref<10000x128xf32, #tpu.memory_space<hbm>>
        tpu.enqueue_indirect_dma source(%dma_start3A_427 : memref<10000x128xf32, #tpu.memory_space<hbm>>) target(%arg14 : memref<32x128xf32, #tpu.memory_space<vmem>>) offsets(%dma_start3A_424 : memref<32xi32, #tpu.memory_space<vmem>>) semaphore(%arg20 : memref<!tpu.dma_semaphore, #tpu.memory_space<semaphore_mem>>)
      } else {
      }
    }
    %scan3A_122 = arith.constant 52 : i32
    "tpu.region"() ({
      %run_scoped3A = tpu.sem_alloc : memref<!tpu.dma_semaphore, #tpu.memory_space<semaphore_mem>>
      %dma_start3A_139 = arith.constant 0 : i32
      %dma_start3A_140 = arith.constant 0 : i32
      %dma_start3A_141 = tpu.memref_slice %arg28[%dma_start3A_139, %dma_start3A_140] : memref<32x128xf32, #tpu.memory_space<vmem>> -> memref<16x128xf32, #tpu.memory_space<vmem>>
      %dma_start3A_142 = arith.constant 0 : i32
      %dma_start3A_143 = arith.constant 0 : i32
      %dma_start3A_144 = tpu.memref_slice %arg6[%dma_start3A_142, %dma_start3A_143] : memref<10000x128xf32, #tpu.memory_space<hbm>> -> memref<10000x128xf32, #tpu.memory_space<hbm>>
      tpu.enqueue_indirect_dma source(%dma_start3A_144 : memref<10000x128xf32, #tpu.memory_space<hbm>>) target(%dma_start3A_141 : memref<16x128xf32, #tpu.memory_space<vmem>>) offsets(%arg9 : memref<16xi32, #tpu.memory_space<vmem>>) semaphore(%run_scoped3A : memref<!tpu.dma_semaphore, #tpu.memory_space<semaphore_mem>>)
      %dma_wait3A_145 = arith.constant 0 : i32
      %dma_wait3A_146 = arith.constant 0 : i32
      %dma_wait3A_147 = tpu.memref_slice %arg28[%dma_wait3A_145, %dma_wait3A_146] : memref<32x128xf32, #tpu.memory_space<vmem>> -> memref<16x128xf32, #tpu.memory_space<vmem>>
      %dma_wait3A_148 = arith.constant 0 : i32
      %dma_wait3A_149 = arith.constant 0 : i32
      %dma_wait3A_150 = tpu.memref_slice %arg6[%dma_wait3A_148, %dma_wait3A_149] : memref<10000x128xf32, #tpu.memory_space<hbm>> -> memref<10000x128xf32, #tpu.memory_space<hbm>>
      tpu.wait_indirect_dma semaphore(%run_scoped3A : memref<!tpu.dma_semaphore, #tpu.memory_space<semaphore_mem>>) src(%dma_wait3A_150 : memref<10000x128xf32, #tpu.memory_space<hbm>>) dst(%dma_wait3A_147 : memref<16x128xf32, #tpu.memory_space<vmem>>)
      tpu.yield
    }) : () -> ()
    "tpu.region"() ({
      %run_scoped3A = tpu.sem_alloc : memref<!tpu.dma_semaphore, #tpu.memory_space<semaphore_mem>>
      %dma_start3A_139 = arith.constant 0 : i32
      %dma_start3A_140 = arith.constant 0 : i32
      %dma_start3A_141 = tpu.memref_slice %arg28[%dma_start3A_139, %dma_start3A_140] : memref<32x128xf32, #tpu.memory_space<vmem>> -> memref<16x128xf32, #tpu.memory_space<vmem>>
      %dma_start3A_142 = arith.constant 0 : i32
      %dma_start3A_143 = arith.constant 0 : i32
      %dma_start3A_144 = tpu.memref_slice %arg29[%dma_start3A_142, %dma_start3A_143] : memref<10240x128xf32, #tpu.memory_space<vmem_shared>> -> memref<10240x128xf32, #tpu.memory_space<vmem_shared>>
      tpu.enqueue_indirect_dma source(%dma_start3A_141 : memref<16x128xf32, #tpu.memory_space<vmem>>) target(%dma_start3A_144 : memref<10240x128xf32, #tpu.memory_space<vmem_shared>>) offsets(%arg27 : memref<16xi32, #tpu.memory_space<vmem>>) semaphore(%run_scoped3A : memref<!tpu.dma_semaphore, #tpu.memory_space<semaphore_mem>>) {add = true}
      %dma_wait3A_145 = arith.constant 0 : i32
      %dma_wait3A_146 = arith.constant 0 : i32
      %dma_wait3A_147 = tpu.memref_slice %arg28[%dma_wait3A_145, %dma_wait3A_146] : memref<32x128xf32, #tpu.memory_space<vmem>> -> memref<16x128xf32, #tpu.memory_space<vmem>>
      %dma_wait3A_148 = arith.constant 0 : i32
      %dma_wait3A_149 = arith.constant 0 : i32
      %dma_wait3A_150 = tpu.memref_slice %arg29[%dma_wait3A_148, %dma_wait3A_149] : memref<10240x128xf32, #tpu.memory_space<vmem_shared>> -> memref<10240x128xf32, #tpu.memory_space<vmem_shared>>
      tpu.wait_indirect_dma semaphore(%run_scoped3A : memref<!tpu.dma_semaphore, #tpu.memory_space<semaphore_mem>>) src(%dma_wait3A_147 : memref<16x128xf32, #tpu.memory_space<vmem>>) dst(%dma_wait3A_150 : memref<10240x128xf32, #tpu.memory_space<vmem_shared>>)
      tpu.yield
    }) : () -> ()
    %barrier3A_123 = arith.constant 0 : index
    tpu.barrier barrier_id(%barrier3A_123)
    %scan3A_124 = arith.constant 0 : i32
    %scan3A_125 = arith.constant 0 : i32
    %scan3A_126 = arith.constant 20 : i32
    %scan3A_127 = arith.addi %scan3A_125, %scan3A_126 : i32
    %scan3A_128 = arith.constant 1 : i32
    scf.for %scan3A_139 = %scan3A_125 to %scan3A_127 step %scan3A_128  : i32 {
      %mul3A_140 = arith.constant 32 : i32
      %mul3A_141 = arith.muli %scan3A_139, %mul3A_140 : i32
      %add3A_142 = arith.addi %mul3A_2, %mul3A_141 : i32
      %mul3A_143 = arith.constant 32 : i32
      %mul3A_144 = arith.muli %scan3A_139, %mul3A_143 : i32
      %add3A_145 = arith.addi %mul3A_2, %mul3A_144 : i32
      %dma_start3A_146 = arith.constant 0 : i32
      %dma_start3A_147 = tpu.memref_slice %arg7[%arg0, %add3A_145, %dma_start3A_146] : memref<2x10240x128xf32, #tpu.memory_space<hbm>> -> memref<1x32x128xf32, #tpu.memory_space<hbm>>
      %dma_start3A_148 = tpu.memref_squeeze %dma_start3A_147 : memref<1x32x128xf32, #tpu.memory_space<hbm>> -> memref<32x128xf32, #tpu.memory_space<hbm>>
      %dma_start3A_149 = arith.constant 0 : i32
      %dma_start3A_150 = tpu.memref_slice %arg29[%add3A_142, %dma_start3A_149] : memref<10240x128xf32, #tpu.memory_space<vmem_shared>> -> memref<32x128xf32, #tpu.memory_space<vmem_shared>>
      tpu.enqueue_dma source(%dma_start3A_150 : memref<32x128xf32, #tpu.memory_space<vmem_shared>>) target(%dma_start3A_148 : memref<32x128xf32, #tpu.memory_space<hbm>>) target_semaphore(%arg31 : memref<!tpu.dma_semaphore, #tpu.memory_space<semaphore_mem>>)
      %gt3A = arith.constant 0 : i32
      %gt3A_151 = arith.cmpi sgt, %scan3A_139, %gt3A : i32
      %convert_element_type3A = arith.extui %gt3A_151 : i1 to i32
      %cond3A = arith.constant 0 : i32
      %cond3A_152 = arith.cmpi ne, %convert_element_type3A, %cond3A : i32
      scf.if %cond3A_152 {
        %sub3A = arith.constant 1 : i32
        %sub3A_153 = arith.subi %scan3A_139, %sub3A : i32
        %mul3A_154 = arith.constant 32 : i32
        %mul3A_155 = arith.muli %sub3A_153, %mul3A_154 : i32
        %add3A_156 = arith.addi %mul3A_2, %mul3A_155 : i32
        %sub3A_157 = arith.constant 1 : i32
        %sub3A_158 = arith.subi %scan3A_139, %sub3A_157 : i32
        %mul3A_159 = arith.constant 32 : i32
        %mul3A_160 = arith.muli %sub3A_158, %mul3A_159 : i32
        %add3A_161 = arith.addi %mul3A_2, %mul3A_160 : i32
        %dma_wait3A_162 = arith.constant 0 : i32
        %dma_wait3A_163 = tpu.memref_slice %arg7[%arg0, %add3A_161, %dma_wait3A_162] : memref<2x10240x128xf32, #tpu.memory_space<hbm>> -> memref<1x32x128xf32, #tpu.memory_space<hbm>>
        %dma_wait3A_164 = tpu.memref_squeeze %dma_wait3A_163 : memref<1x32x128xf32, #tpu.memory_space<hbm>> -> memref<32x128xf32, #tpu.memory_space<hbm>>
        %dma_wait3A_165 = arith.constant 0 : i32
        %dma_wait3A_166 = tpu.memref_slice %arg29[%add3A_156, %dma_wait3A_165] : memref<10240x128xf32, #tpu.memory_space<vmem_shared>> -> memref<32x128xf32, #tpu.memory_space<vmem_shared>>
        tpu.wait_dma2 semaphore(%arg31 : memref<!tpu.dma_semaphore, #tpu.memory_space<semaphore_mem>>) src(%dma_wait3A_166 : memref<32x128xf32, #tpu.memory_space<vmem_shared>>) dst(%dma_wait3A_164 : memref<32x128xf32, #tpu.memory_space<hbm>>)
      } else {
      }
    }
    %scan3A_129 = arith.constant 20 : i32
    %add3A_130 = arith.constant 608 : i32
    %add3A_131 = arith.addi %mul3A_2, %add3A_130 : i32
    %add3A_132 = arith.constant 608 : i32
    %add3A_133 = arith.addi %mul3A_2, %add3A_132 : i32
    %dma_wait3A_134 = arith.constant 0 : i32
    %dma_wait3A_135 = tpu.memref_slice %arg7[%arg0, %add3A_133, %dma_wait3A_134] : memref<2x10240x128xf32, #tpu.memory_space<hbm>> -> memref<1x32x128xf32, #tpu.memory_space<hbm>>
    %dma_wait3A_136 = tpu.memref_squeeze %dma_wait3A_135 : memref<1x32x128xf32, #tpu.memory_space<hbm>> -> memref<32x128xf32, #tpu.memory_space<hbm>>
    %dma_wait3A_137 = arith.constant 0 : i32
    %dma_wait3A_138 = tpu.memref_slice %arg29[%add3A_131, %dma_wait3A_137] : memref<10240x128xf32, #tpu.memory_space<vmem_shared>> -> memref<32x128xf32, #tpu.memory_space<vmem_shared>>
    tpu.wait_dma2 semaphore(%arg31 : memref<!tpu.dma_semaphore, #tpu.memory_space<semaphore_mem>>) src(%dma_wait3A_138 : memref<32x128xf32, #tpu.memory_space<vmem_shared>>) dst(%dma_wait3A_136 : memref<32x128xf32, #tpu.memory_space<hbm>>)
    return
  }
}

module attributes {stable_mosaic.version = 14 : i64} {
  func.func @body(%arg0: i32, %arg1: memref<1000x128xf32, #tpu.memory_space<vmem>>, %arg2: memref<128x128xf32, #tpu.memory_space<vmem>>, %arg3: memref<2x1000x128xf32, #tpu.memory_space<vmem>>, %arg4: memref<1000x128xf32, #tpu.memory_space<vmem>>, %arg5: memref<1000x128xf32, #tpu.memory_space<vmem>>, %arg6: memref<1000x128xf32, #tpu.memory_space<vmem>>) attributes {dimension_semantics = [#tpu.dimension_semantics<arbitrary>], iteration_bounds = array<i64: 10>, scalar_prefetch = 0 : i64, scratch_operands = 0 : i64, tpu.core_type = #tpu.core_type<tc>, window_params = [{transform_indices = @transform_0, window_bounds = array<i64: 1000, 128>}, {pipeline_mode = #tpu.pipeline_mode<synchronous>, transform_indices = @transform_1, window_bounds = array<i64: 128, 128>}, {transform_indices = @transform_2, window_bounds = array<i64: 2, 1000, 128>}, {transform_indices = @transform_3, window_bounds = array<i64: 1000, 128>}, {transform_indices = @transform_4, window_bounds = array<i64: 1000, 128>}, {transform_indices = @transform_5, window_bounds = array<i64: 1000, 128>}]} {
    %get3A = arith.constant 0 : index
    %get3A_0 = arith.constant 0 : index
    %get3A_1 = vector.load %arg1[%get3A, %get3A_0] : memref<1000x128xf32, #tpu.memory_space<vmem>>, vector<1000x128xf32>
    %get3A_2 = arith.constant 0 : index
    %get3A_3 = arith.constant 0 : index
    %get3A_4 = vector.load %arg2[%get3A_2, %get3A_3] : memref<128x128xf32, #tpu.memory_space<vmem>>, vector<128x128xf32>
    %dot_general3A = arith.constant dense<0.000000e+00> : vector<1000x128xf32>
    %dot_general3A_5 = tpu.matmul %get3A_1, %get3A_4, %dot_general3A {dimension_numbers = #tpu.dot_dimension_numbers<[1], [0], [0], [1], [0, 0, 1, 1], [], []>, transpose_lhs_hint = false} : vector<1000x128xf32>, vector<128x128xf32>, vector<1000x128xf32> -> vector<1000x128xf32>
    %get3A_6 = arith.constant 0 : index
    %get3A_7 = arith.constant 0 : index
    %get3A_8 = arith.constant 0 : index
    %get3A_9 = vector.load %arg3[%get3A_6, %get3A_7, %get3A_8] : memref<2x1000x128xf32, #tpu.memory_space<vmem>>, vector<1x1000x1xf32>
    %get3A_10 = vector.shape_cast %get3A_9 : vector<1x1000x1xf32> to vector<1000x1xf32>
    %get3A_11 = arith.constant 1 : index
    %get3A_12 = arith.constant 0 : index
    %get3A_13 = arith.constant 0 : index
    %get3A_14 = vector.load %arg3[%get3A_11, %get3A_12, %get3A_13] : memref<2x1000x128xf32, #tpu.memory_space<vmem>>, vector<1x1000x1xf32>
    %get3A_15 = vector.shape_cast %get3A_14 : vector<1x1000x1xf32> to vector<1000x1xf32>
    %add3A = arith.addf %get3A_10, %get3A_15 : vector<1000x1xf32>
    %add3A_16 = arith.constant 1.000000e+00 : f32
    %add3A_17 = vector.broadcast %add3A_16 : f32 to vector<1000x1xf32>
    %add3A_18 = arith.addf %add3A, %add3A_17 : vector<1000x1xf32>
    %rsqrt3A = math.rsqrt %add3A_18 : vector<1000x1xf32>
    %swap3A = arith.constant 0 : index
    %swap3A_19 = arith.constant 0 : index
    %swap3A_20 = vector.load %arg4[%swap3A, %swap3A_19] : memref<1000x128xf32, #tpu.memory_space<vmem>>, vector<1000x128xf32>
    tpu.vector_store %arg4[%swap3A, %swap3A_19], %dot_general3A_5 {strides = array<i32>} : memref<1000x128xf32, #tpu.memory_space<vmem>>, vector<1000x128xf32>,
    %mul3A = vector.broadcast %rsqrt3A : vector<1000x1xf32> to vector<1000x128xf32>
    %mul3A_21 = arith.mulf %dot_general3A_5, %mul3A : vector<1000x128xf32>
    %swap3A_22 = arith.constant 0 : index
    %swap3A_23 = arith.constant 0 : index
    %swap3A_24 = vector.load %arg5[%swap3A_22, %swap3A_23] : memref<1000x128xf32, #tpu.memory_space<vmem>>, vector<1000x128xf32>
    tpu.vector_store %arg5[%swap3A_22, %swap3A_23], %mul3A_21 {strides = array<i32>} : memref<1000x128xf32, #tpu.memory_space<vmem>>, vector<1000x128xf32>,
    %broadcast_in_dim3A = vector.shape_cast %rsqrt3A : vector<1000x1xf32> to vector<1000x1xf32>
    %broadcast_in_dim3A_25 = vector.broadcast %broadcast_in_dim3A : vector<1000x1xf32> to vector<1000x128xf32>
    %swap3A_26 = arith.constant 0 : index
    %swap3A_27 = arith.constant 0 : index
    %swap3A_28 = vector.load %arg6[%swap3A_26, %swap3A_27] : memref<1000x128xf32, #tpu.memory_space<vmem>>, vector<1000x128xf32>
    tpu.vector_store %arg6[%swap3A_26, %swap3A_27], %broadcast_in_dim3A_25 {strides = array<i32>} : memref<1000x128xf32, #tpu.memory_space<vmem>>, vector<1000x128xf32>,
    return
  }
  func.func @transform_0(%arg0: i32) -> (i32, i32) {
    %c0_i32 = arith.constant 0 : i32
    %c0_i32_0 = arith.constant 0 : i32
    return %arg0, %c0_i32 : i32, i32
  }
  func.func @transform_1(%arg0: i32) -> (i32, i32) {
    %c0_i32 = arith.constant 0 : i32
    %c0_i32_0 = arith.constant 0 : i32
    %c0_i32_1 = arith.constant 0 : i32
    return %c0_i32, %c0_i32_0 : i32, i32
  }
  func.func @transform_2(%arg0: i32) -> (i32, i32, i32) {
    %c0_i32 = arith.constant 0 : i32
    %c0_i32_0 = arith.constant 0 : i32
    %c0_i32_1 = arith.constant 0 : i32
    return %c0_i32, %arg0, %c0_i32_0 : i32, i32, i32
  }
  func.func @transform_3(%arg0: i32) -> (i32, i32) {
    %c0_i32 = arith.constant 0 : i32
    %c0_i32_0 = arith.constant 0 : i32
    return %arg0, %c0_i32 : i32, i32
  }
  func.func @transform_4(%arg0: i32) -> (i32, i32) {
    %c0_i32 = arith.constant 0 : i32
    %c0_i32_0 = arith.constant 0 : i32
    return %arg0, %c0_i32 : i32, i32
  }
  func.func @transform_5(%arg0: i32) -> (i32, i32) {
    %c0_i32 = arith.constant 0 : i32
    %c0_i32_0 = arith.constant 0 : i32
    return %arg0, %c0_i32 : i32, i32
  }
}

module attributes {stable_mosaic.version = 14 : i64} {
  func.func @body(%arg0: i32, %arg1: memref<2x1000x128xf32, #tpu.memory_space<vmem>>, %arg2: memref<1000x128xf32, #tpu.memory_space<vmem>>, %arg3: memref<1000x128xf32, #tpu.memory_space<vmem>>, %arg4: memref<1x128xf32, #tpu.memory_space<vmem>>, %arg5: memref<128x128xf32, #tpu.memory_space<vmem>>, %arg6: memref<1000x128xf32, #tpu.memory_space<vmem>>, %arg7: memref<1000x128xf32, #tpu.memory_space<vmem>>) attributes {dimension_semantics = [#tpu.dimension_semantics<arbitrary>], iteration_bounds = array<i64: 10>, scalar_prefetch = 0 : i64, scratch_operands = 0 : i64, tpu.core_type = #tpu.core_type<tc>, window_params = [{transform_indices = @transform_0, window_bounds = array<i64: 2, 1000, 128>}, {transform_indices = @transform_1, window_bounds = array<i64: 1000, 128>}, {transform_indices = @transform_2, window_bounds = array<i64: 1000, 128>}, {pipeline_mode = #tpu.pipeline_mode<synchronous>, transform_indices = @transform_3, window_bounds = array<i64: 1, 128>}, {pipeline_mode = #tpu.pipeline_mode<synchronous>, transform_indices = @transform_4, window_bounds = array<i64: 128, 128>}, {transform_indices = @transform_5, window_bounds = array<i64: 1000, 128>}, {transform_indices = @transform_6, window_bounds = array<i64: 1000, 128>}]} {
    %get3A = arith.constant 0 : index
    %get3A_0 = arith.constant 0 : index
    %get3A_1 = vector.load %arg3[%get3A, %get3A_0] : memref<1000x128xf32, #tpu.memory_space<vmem>>, vector<1000x128xf32>
    %get3A_2 = arith.constant 0 : index
    %get3A_3 = arith.constant 0 : index
    %get3A_4 = arith.constant 0 : index
    %get3A_5 = vector.load %arg1[%get3A_2, %get3A_3, %get3A_4] : memref<2x1000x128xf32, #tpu.memory_space<vmem>>, vector<1x1000x128xf32>
    %get3A_6 = vector.shape_cast %get3A_5 : vector<1x1000x128xf32> to vector<1000x128xf32>
    %get3A_7 = arith.constant 1 : index
    %get3A_8 = arith.constant 0 : index
    %get3A_9 = arith.constant 0 : index
    %get3A_10 = vector.load %arg1[%get3A_7, %get3A_8, %get3A_9] : memref<2x1000x128xf32, #tpu.memory_space<vmem>>, vector<1x1000x128xf32>
    %get3A_11 = vector.shape_cast %get3A_10 : vector<1x1000x128xf32> to vector<1000x128xf32>
    %add3A = arith.addf %get3A_6, %get3A_11 : vector<1000x128xf32>
    %mul3A = arith.mulf %get3A_1, %add3A : vector<1000x128xf32>
    %mul3A_12 = arith.mulf %get3A_1, %get3A_1 : vector<1000x128xf32>
    %get3A_13 = arith.constant 0 : index
    %get3A_14 = arith.constant 0 : index
    %get3A_15 = vector.load %arg2[%get3A_13, %get3A_14] : memref<1000x128xf32, #tpu.memory_space<vmem>>, vector<1000x128xf32>
    %mul3A_16 = arith.mulf %mul3A_12, %get3A_15 : vector<1000x128xf32>
    %add3A_17 = arith.addf %mul3A, %mul3A_16 : vector<1000x128xf32>
    %get3A_18 = arith.constant 0 : index
    %get3A_19 = arith.constant 0 : index
    %get3A_20 = vector.load %arg4[%get3A_18, %get3A_19] : memref<1x128xf32, #tpu.memory_space<vmem>>, vector<1x128xf32>
    %add3A_21 = vector.broadcast %get3A_20 : vector<1x128xf32> to vector<1000x128xf32>
    %add3A_22 = arith.addf %add3A_17, %add3A_21 : vector<1000x128xf32>
    %max3A = arith.constant 0.000000e+00 : f32
    %max3A_23 = vector.broadcast %max3A : f32 to vector<1000x128xf32>
    %max3A_24 = arith.maximumf %add3A_22, %max3A_23 : vector<1000x128xf32>
    %get3A_25 = arith.constant 0 : index
    %get3A_26 = arith.constant 0 : index
    %get3A_27 = vector.load %arg5[%get3A_25, %get3A_26] : memref<128x128xf32, #tpu.memory_space<vmem>>, vector<128x128xf32>
    %dot_general3A = arith.constant dense<0.000000e+00> : vector<1000x128xf32>
    %dot_general3A_28 = tpu.matmul %max3A_24, %get3A_27, %dot_general3A {dimension_numbers = #tpu.dot_dimension_numbers<[1], [0], [0], [1], [0, 0, 1, 1], [], []>, transpose_lhs_hint = false} : vector<1000x128xf32>, vector<128x128xf32>, vector<1000x128xf32> -> vector<1000x128xf32>
    %swap3A = arith.constant 0 : index
    %swap3A_29 = arith.constant 0 : index
    %swap3A_30 = vector.load %arg6[%swap3A, %swap3A_29] : memref<1000x128xf32, #tpu.memory_space<vmem>>, vector<1000x128xf32>
    tpu.vector_store %arg6[%swap3A, %swap3A_29], %dot_general3A_28 {strides = array<i32>} : memref<1000x128xf32, #tpu.memory_space<vmem>>, vector<1000x128xf32>,
    %mul3A_31 = arith.mulf %get3A_1, %dot_general3A_28 : vector<1000x128xf32>
    %swap3A_32 = arith.constant 0 : index
    %swap3A_33 = arith.constant 0 : index
    %swap3A_34 = vector.load %arg7[%swap3A_32, %swap3A_33] : memref<1000x128xf32, #tpu.memory_space<vmem>>, vector<1000x128xf32>
    tpu.vector_store %arg7[%swap3A_32, %swap3A_33], %mul3A_31 {strides = array<i32>} : memref<1000x128xf32, #tpu.memory_space<vmem>>, vector<1000x128xf32>,
    return
  }
  func.func @transform_0(%arg0: i32) -> (i32, i32, i32) {
    %c0_i32 = arith.constant 0 : i32
    %c0_i32_0 = arith.constant 0 : i32
    %c0_i32_1 = arith.constant 0 : i32
    return %c0_i32, %arg0, %c0_i32_0 : i32, i32, i32
  }
  func.func @transform_1(%arg0: i32) -> (i32, i32) {
    %c0_i32 = arith.constant 0 : i32
    %c0_i32_0 = arith.constant 0 : i32
    return %arg0, %c0_i32 : i32, i32
  }
  func.func @transform_2(%arg0: i32) -> (i32, i32) {
    %c0_i32 = arith.constant 0 : i32
    %c0_i32_0 = arith.constant 0 : i32
    return %arg0, %c0_i32 : i32, i32
  }
  func.func @transform_3(%arg0: i32) -> (i32, i32) {
    %c0_i32 = arith.constant 0 : i32
    %c0_i32_0 = arith.constant 0 : i32
    %c0_i32_1 = arith.constant 0 : i32
    return %c0_i32, %c0_i32_0 : i32, i32
  }
  func.func @transform_4(%arg0: i32) -> (i32, i32) {
    %c0_i32 = arith.constant 0 : i32
    %c0_i32_0 = arith.constant 0 : i32
    %c0_i32_1 = arith.constant 0 : i32
    return %c0_i32, %c0_i32_0 : i32, i32
  }
  func.func @transform_5(%arg0: i32) -> (i32, i32) {
    %c0_i32 = arith.constant 0 : i32
    %c0_i32_0 = arith.constant 0 : i32
    return %arg0, %c0_i32 : i32, i32
  }
  func.func @transform_6(%arg0: i32) -> (i32, i32) {
    %c0_i32 = arith.constant 0 : i32
    %c0_i32_0 = arith.constant 0 : i32
    return %arg0, %c0_i32 : i32, i32
  }
}

module attributes {stable_mosaic.version = 14 : i64} {
  func.func @body(%arg0: i32, %arg1: memref<2x1000x128xf32, #tpu.memory_space<vmem>>, %arg2: memref<1000x128xf32, #tpu.memory_space<vmem>>, %arg3: memref<1000x128xf32, #tpu.memory_space<vmem>>, %arg4: memref<1x128xf32, #tpu.memory_space<vmem>>, %arg5: memref<1x128xf32, #tpu.memory_space<vmem>>, %arg6: memref<1x128xf32, #tpu.memory_space<vmem>>) attributes {dimension_semantics = [#tpu.dimension_semantics<arbitrary>], iteration_bounds = array<i64: 10>, scalar_prefetch = 0 : i64, scratch_operands = 1 : i64, tpu.core_type = #tpu.core_type<tc>, window_params = [{transform_indices = @transform_0, window_bounds = array<i64: 2, 1000, 128>}, {transform_indices = @transform_1, window_bounds = array<i64: 1000, 128>}, {transform_indices = @transform_2, window_bounds = array<i64: 1000, 128>}, {pipeline_mode = #tpu.pipeline_mode<synchronous>, transform_indices = @transform_3, window_bounds = array<i64: 1, 128>}, {pipeline_mode = #tpu.pipeline_mode<synchronous>, transform_indices = @transform_4, window_bounds = array<i64: 1, 128>}]} {
    %get3A = arith.constant 0 : index
    %get3A_0 = arith.constant 0 : index
    %get3A_1 = vector.load %arg3[%get3A, %get3A_0] : memref<1000x128xf32, #tpu.memory_space<vmem>>, vector<1000x128xf32>
    %get3A_2 = arith.constant 0 : index
    %get3A_3 = arith.constant 0 : index
    %get3A_4 = arith.constant 0 : index
    %get3A_5 = vector.load %arg1[%get3A_2, %get3A_3, %get3A_4] : memref<2x1000x128xf32, #tpu.memory_space<vmem>>, vector<1x1000x128xf32>
    %get3A_6 = vector.shape_cast %get3A_5 : vector<1x1000x128xf32> to vector<1000x128xf32>
    %get3A_7 = arith.constant 1 : index
    %get3A_8 = arith.constant 0 : index
    %get3A_9 = arith.constant 0 : index
    %get3A_10 = vector.load %arg1[%get3A_7, %get3A_8, %get3A_9] : memref<2x1000x128xf32, #tpu.memory_space<vmem>>, vector<1x1000x128xf32>
    %get3A_11 = vector.shape_cast %get3A_10 : vector<1x1000x128xf32> to vector<1000x128xf32>
    %add3A = arith.addf %get3A_6, %get3A_11 : vector<1000x128xf32>
    %mul3A = arith.mulf %get3A_1, %add3A : vector<1000x128xf32>
    %mul3A_12 = arith.mulf %get3A_1, %get3A_1 : vector<1000x128xf32>
    %get3A_13 = arith.constant 0 : index
    %get3A_14 = arith.constant 0 : index
    %get3A_15 = vector.load %arg2[%get3A_13, %get3A_14] : memref<1000x128xf32, #tpu.memory_space<vmem>>, vector<1000x128xf32>
    %mul3A_16 = arith.mulf %mul3A_12, %get3A_15 : vector<1000x128xf32>
    %add3A_17 = arith.addf %mul3A, %mul3A_16 : vector<1000x128xf32>
    %reduce_sum3A = arith.constant dense<0.000000e+00> : vector<128xf32>
    %reduce_sum3A_18 = vector.multi_reduction <add>, %add3A_17, %reduce_sum3A [0] : vector<1000x128xf32> to vector<128xf32>
    %broadcast_in_dim3A = vector.shape_cast %reduce_sum3A_18 : vector<128xf32> to vector<1x128xf32>
    %eq3A = arith.constant 0 : i32
    %eq3A_19 = arith.cmpi eq, %arg0, %eq3A : i32
    %convert_element_type3A = arith.extui %eq3A_19 : i1 to i32
    %cond3A = arith.constant 0 : i32
    %cond3A_20 = arith.cmpi ne, %convert_element_type3A, %cond3A : i32
    scf.if %cond3A_20 {
      %broadcast_in_dim3A_32 = arith.constant 0.000000e+00 : f32
      %broadcast_in_dim3A_33 = vector.broadcast %broadcast_in_dim3A_32 : f32 to vector<1x128xf32>
      %swap3A_34 = arith.constant 0 : index
      %swap3A_35 = arith.constant 0 : index
      %swap3A_36 = vector.load %arg6[%swap3A_34, %swap3A_35] : memref<1x128xf32, #tpu.memory_space<vmem>>, vector<1x128xf32>
      tpu.vector_store %arg6[%swap3A_34, %swap3A_35], %broadcast_in_dim3A_33 {strides = array<i32>} : memref<1x128xf32, #tpu.memory_space<vmem>>, vector<1x128xf32>,
    } else {
    }
    %get3A_21 = arith.constant 0 : index
    %get3A_22 = arith.constant 0 : index
    %get3A_23 = vector.load %arg6[%get3A_21, %get3A_22] : memref<1x128xf32, #tpu.memory_space<vmem>>, vector<1x128xf32>
    %add3A_24 = arith.addf %get3A_23, %broadcast_in_dim3A : vector<1x128xf32>
    %swap3A = arith.constant 0 : index
    %swap3A_25 = arith.constant 0 : index
    %swap3A_26 = vector.load %arg6[%swap3A, %swap3A_25] : memref<1x128xf32, #tpu.memory_space<vmem>>, vector<1x128xf32>
    tpu.vector_store %arg6[%swap3A, %swap3A_25], %add3A_24 {strides = array<i32>} : memref<1x128xf32, #tpu.memory_space<vmem>>, vector<1x128xf32>,
    %eq3A_27 = arith.constant 9 : i32
    %eq3A_28 = arith.cmpi eq, %arg0, %eq3A_27 : i32
    %convert_element_type3A_29 = arith.extui %eq3A_28 : i1 to i32
    %cond3A_30 = arith.constant 0 : i32
    %cond3A_31 = arith.cmpi ne, %convert_element_type3A_29, %cond3A_30 : i32
    scf.if %cond3A_31 {
      %get3A_32 = arith.constant 0 : index
      %get3A_33 = arith.constant 0 : index
      %get3A_34 = vector.load %arg6[%get3A_32, %get3A_33] : memref<1x128xf32, #tpu.memory_space<vmem>>, vector<1x128xf32>
      %mul3A_35 = arith.constant 9.99999974E-5 : f32
      %mul3A_36 = vector.broadcast %mul3A_35 : f32 to vector<1x128xf32>
      %mul3A_37 = arith.mulf %get3A_34, %mul3A_36 : vector<1x128xf32>
      %get3A_38 = arith.constant 0 : index
      %get3A_39 = arith.constant 0 : index
      %get3A_40 = vector.load %arg4[%get3A_38, %get3A_39] : memref<1x128xf32, #tpu.memory_space<vmem>>, vector<1x128xf32>
      %add3A_41 = arith.addf %mul3A_37, %get3A_40 : vector<1x128xf32>
      %swap3A_42 = arith.constant 0 : index
      %swap3A_43 = arith.constant 0 : index
      %swap3A_44 = vector.load %arg5[%swap3A_42, %swap3A_43] : memref<1x128xf32, #tpu.memory_space<vmem>>, vector<1x128xf32>
      tpu.vector_store %arg5[%swap3A_42, %swap3A_43], %add3A_41 {strides = array<i32>} : memref<1x128xf32, #tpu.memory_space<vmem>>, vector<1x128xf32>,
    } else {
    }
    return
  }
  func.func @transform_0(%arg0: i32) -> (i32, i32, i32) {
    %c0_i32 = arith.constant 0 : i32
    %c0_i32_0 = arith.constant 0 : i32
    %c0_i32_1 = arith.constant 0 : i32
    return %c0_i32, %arg0, %c0_i32_0 : i32, i32, i32
  }
  func.func @transform_1(%arg0: i32) -> (i32, i32) {
    %c0_i32 = arith.constant 0 : i32
    %c0_i32_0 = arith.constant 0 : i32
    return %arg0, %c0_i32 : i32, i32
  }
  func.func @transform_2(%arg0: i32) -> (i32, i32) {
    %c0_i32 = arith.constant 0 : i32
    %c0_i32_0 = arith.constant 0 : i32
    return %arg0, %c0_i32 : i32, i32
  }
  func.func @transform_3(%arg0: i32) -> (i32, i32) {
    %c0_i32 = arith.constant 0 : i32
    %c0_i32_0 = arith.constant 0 : i32
    %c0_i32_1 = arith.constant 0 : i32
    return %c0_i32, %c0_i32_0 : i32, i32
  }
  func.func @transform_4(%arg0: i32) -> (i32, i32) {
    %c0_i32 = arith.constant 0 : i32
    %c0_i32_0 = arith.constant 0 : i32
    %c0_i32_1 = arith.constant 0 : i32
    return %c0_i32, %c0_i32_0 : i32, i32
  }
}

</mosaic_0001>

<sc_bundles>
// kernel: kernel.10.cloned.1.call-start
scs
__scs_entry_jumppad:
0x0: {  	(pc) =	sbr.rel $0x88, $3  }
0x1: {  	(tag) =	ssettag $0x0;
	lr =	simm.s32 $0x1  }
0x2: {  	[smem:$0x3F99] =	sst lr;
	_ =	strace $0xD0000000  }
0x3: {  	_ = 	snop  }
0x4: {  	_ = 	snop  }
0x5: {  	_ = 	snop  }
0x6: {  	_ = 	snop  }
0x7: {  	_ = 	snop  }
__scs_overlays_trampoline_lowered:
0x8: {  	[smem:$0x3FA8] =	sst s0  }
0x9: {  	[smem:$0x3FA9] =	sst s1  }
0xa: {  	[smem:$0x3FAA] =	sst s2  }
0xb: {  	[smem:$0x3FAB] =	sst s3  }
0xc: {  	[smem:$0x3FAC] =	sst s4  }
0xd: {  	[smem:$0x3FAD] =	sst s5  }
0xe: {  	[smem:$0x3FAE] =	sst s6  }
0xf: {  	[smem:$0x3FAF] =	sst s7  }
0x10: {  	[smem:$0x3FB0] =	sst s8  }
0x11: {  	[smem:$0x3FB1] =	sst s9;
	s0 =	simm.s32 @!p0 $0x0  }
0x12: {  	s1 =	sld [smem:$0x3F97];
	s0 =	simm.s32 @p0 $0x1  }
0x13: {  	[smem:$0x3FB2] =	sst s0;
	s0 =	simm.s32 @!p1 $0x0  }
0x14: {  	s2 =	sld [smem:$0x3F96];
	s0 =	simm.s32 @p1 $0x1  }
0x15: {  	[smem:$0x3FB3] =	sst s0;
	s0 =	simm.s32 @!p2 $0x0  }
0x16: {  	s3 =	sld [smem:$0x3FDB];
	s0 =	simm.s32 @p2 $0x1  }
0x17: {  	s4 =	simm.s32 $0x1BF5;
	[smem:$0x3FB5] =	sst s0  }
0x18: {  	s0 =	sld [smem:$0x3F98];
	_ =	swait.ge [sflag:s4], $0x0  }
0x19: {  	s7 =	sld [smem:$0x3F99]  }
0x1a: {  	s8 =	sadd.s32 $0xFFFFE003, lr  }
0x1b: {  	s9 =	sadd.s32 $0xFFFFFEF7, lr;
	s5 =	simm.s32 $0xFFFFFFFF;
	p2 =	slt.u32 s8, $0xFFFFF086  }
0x1c: {  	p1 =	slt.u32 s9, $0xF7A;
	s5 =	simm.s32 @!p2 $0x0  }
0x1d: {  	s5 =	simm.s32 @p1 $0x1;
	p0 =	seq.s32 s7, s2  }
0x1e: {  	s7 =	smul.u32 @!p0 $0xF7A, s2;
	p2 =	seq.s32 @!p0 s5, $0x0  }
0x1f: {  	s9 =	smul.u32 $0xF7A, s1;
	s8 =	simm.s32 @!p0 $0x1BF5;
	p2 =	por !p2, p0  }
0x20: {  	[sflag:s8] =	ssyncset.s32 @!p0 $0xFFFFF086;
	s6 =	sadd.s32 @!p0 s3, s7;
	s7 =	simm.s32 @!p0 $0x108  }
0x21: {  	s3 =	sadd.s32 s3, s9;
	s6 =	sadd.s32 @!p0 $0x88, s6;
	s7 =	simm.s32 @p2 $0x1082  }
0x22: {  	[simem:s7], [sflag:s8] =	dma.local @!p0 [hbm:s6], $0xF7A  }
0x23: {  	s9 =	sor.u32 $0xD0000000, s2;
	s6 =	simm.s32 $0x108;
	_ =	swait.ge @!p0 [sflag:s8], $0x0  }
0x24: {  	s3 =	sadd.s32 $0x88, s3;
	s6 =	simm.s32 @!p1 $0x1082;
	[sflag:s4] =	ssyncset.s32 $0xFFFFF086  }
0x25: {  	[simem:s6], [sflag:s4] =	dma.local [hbm:s3], $0xF7A  }
0x26: {  	[smem:$0x3F99] =	sst s1;
	(tag) =	ssettag s2;
	_ =	strace s9  }
0x27: {  	s1 =	sld [smem:$0x3FA9]  }
0x28: {  	s2 =	sld [smem:$0x3FAA]  }
0x29: {  	s4 =	sld [smem:$0x3FAC]  }
0x2a: {  	p0 =	seq.s32 s5, $0x0;
	s5 =	sld [smem:$0x3FAD]  }
0x2b: {  	s6 =	sld [smem:$0x3FAE]  }
0x2c: {  	s7 =	sld [smem:$0x3FAF]  }
0x2d: {  	s3 =	simm.s32 $0x108;
	s8 =	sld [smem:$0x3FB0]  }
0x2e: {  	s3 =	simm.s32 @!p0 $0x1082;
	s9 =	sld [smem:$0x3FB1]  }
0x2f: {  	lr =	sadd.s32 s0, s3;
	s0 =	sld [smem:$0x3FA8]  }
0x30: {  	s3 =	sld [smem:$0x3FAB]  }
0x31: {  	[smem:$0x3FB4] =	sst s10  }
0x32: {  	s10 =	sld [smem:$0x3FB2];
	_ =	sdelay $0x3  }
0x33: {  	p0 =	seq.s32 s10, $0x1;
	s10 =	sld [smem:$0x3FB4];
	_ =	sdelay $0x3  }
0x34: {  	[smem:$0x3FB4] =	sst s10  }
0x35: {  	s10 =	sld [smem:$0x3FB3];
	_ =	sdelay $0x3  }
0x36: {  	p1 =	seq.s32 s10, $0x1;
	s10 =	sld [smem:$0x3FB4];
	_ =	sdelay $0x3  }
0x37: {  	[smem:$0x3FB4] =	sst s10  }
0x38: {  	s10 =	sld [smem:$0x3FB5]  }
0x39: {  	_ = 	snop;
	(pc) =	sbr.ind lr, $3  }
0x3a: {  	_ = 	snop  }
0x3b: {  	_ = 	snop  }
0x3c: {  	p2 =	seq.s32 s10, $0x1;
	s10 =	sld [smem:$0x3FB4]  }
0x3d: {  	_ =	shalt  }
0x3e: {  	_ =	shalt  }
0x3f: {  	_ =	shalt  }
0x40: {  	_ =	shalt  }
0x41: {  	_ =	shalt  }
0x42: {  	_ =	shalt  }
0x43: {  	_ =	shalt  }
0x44: {  	_ =	shalt  }
0x45: {  	_ =	shalt  }
0x46: {  	_ =	shalt  }
0x47: {  	_ =	shalt  }
0x48: {  	_ =	shalt  }
0x49: {  	_ =	shalt  }
0x4a: {  	_ =	shalt  }
0x4b: {  	_ =	shalt  }
0x4c: {  	_ =	shalt  }
0x4d: {  	_ =	shalt  }
0x4e: {  	_ =	shalt  }
0x4f: {  	_ =	shalt  }
0x50: {  	_ =	shalt  }
0x51: {  	_ =	shalt  }
0x52: {  	_ =	shalt  }
0x53: {  	_ =	shalt  }
0x54: {  	_ =	shalt  }
0x55: {  	_ =	shalt  }
0x56: {  	_ =	shalt  }
0x57: {  	_ =	shalt  }
0x58: {  	_ =	shalt  }
0x59: {  	_ =	shalt  }
0x5a: {  	_ =	shalt  }
0x5b: {  	_ =	shalt  }
0x5c: {  	_ =	shalt  }
0x5d: {  	_ =	shalt  }
0x5e: {  	_ =	shalt  }
0x5f: {  	_ =	shalt  }
0x60: {  	_ =	shalt  }
0x61: {  	_ =	shalt  }
0x62: {  	_ =	shalt  }
0x63: {  	_ =	shalt  }
0x64: {  	_ =	shalt  }
0x65: {  	_ =	shalt  }
0x66: {  	_ =	shalt  }
0x67: {  	_ =	shalt  }
0x68: {  	_ =	shalt  }
0x69: {  	_ =	shalt  }
0x6a: {  	_ =	shalt  }
0x6b: {  	_ =	shalt  }
0x6c: {  	_ =	shalt  }
0x6d: {  	_ =	shalt  }
0x6e: {  	_ =	shalt  }
0x6f: {  	_ =	shalt  }
0x70: {  	_ =	shalt  }
0x71: {  	_ =	shalt  }
0x72: {  	_ =	shalt  }
0x73: {  	_ =	shalt  }
0x74: {  	_ =	shalt  }
0x75: {  	_ =	shalt  }
0x76: {  	_ =	shalt  }
0x77: {  	_ =	shalt  }
0x78: {  	_ =	shalt  }
0x79: {  	_ =	shalt  }
0x7a: {  	_ =	shalt  }
0x7b: {  	_ =	shalt  }
0x7c: {  	_ =	shalt  }
0x7d: {  	_ =	shalt  }
0x7e: {  	_ =	shalt  }
0x7f: {  	_ =	shalt  }
0x80: {  	_ =	shalt  }
0x81: {  	_ =	shalt  }
0x82: {  	_ =	shalt  }
0x83: {  	_ =	shalt  }
0x84: {  	_ =	shalt  }
0x85: {  	_ =	shalt  }
0x86: {  	_ =	shalt  }
0x87: {  	_ =	shalt  }
.Lfunc_end0:
.L_simem_size_0:
called_computation_lowered:
.L_overlay_start_0:
0x88: {  	s2 =	sld [smem:$0x3FD9]  }
0x89: {  	s3 =	sld [smem:$0x3FFE];
	_ =	sdelay $0x1  }
0x8a: {  	s1 =	srdreg.scid  }
0x8b: {  	s0 =	sand.u32 $0x1, s1  }
0x8c: {  	s16 =	sshll.u32 s0, $0xA;
	s2 =	sadd.s32 s3, s2  }
0x8d: {  	s2 =	sadd.s32 s2, s16  }
0x8e: {  	[smem:$0x3FC0] =	sst s2  }
0x8f: {  	_ = 	snop  }
0x90: {  	(tm) =	ssettm $0x1  }
0x91: {  	s17 =	sld [smem:$0x3FFB];
	_ =	sdelay $0x3  }
0x92: {  	_ =	strace s17  }
0x93: {  	s2 =	sld [smem:$0x3FFC];
	_ =	sdelay $0x3  }
0x94: {  	_ =	strace s2  }
0x95: {  	s2 =	sld [smem:$0x3FFD];
	_ =	sdelay $0x3  }
0x96: {  	_ =	strace s2  }
0x97: {  	_ =	strace $0x8FFFFFFF  }
0x98: {  	s18 =	sld [smem:$0x3FDB];
	_ =	sdelay $0x1  }
0x99: {  	s19 =	simm.s32 $_scs_section_size  }
0x9a: {  	s4 =	simm.s32 $_size__tile_overlayer_lowered;
	s5 =	simm.s32 $_tile_overlayer_lowered  }
0x9b: {  	s22 =	simm.s32 $0x1BFF;
	s21 =	sshll.u32 s5, $0x1;
	s2 =	sadd.s32 s19, s18  }
0x9c: {  	s6 =	simm.s32 $0x0;
	s20 =	sshll.u32 s4, $0x1;
	s4 =	sadd.s32 s21, s2  }
0x9d: {  	[timem:s6], [sflag:s22] =	dma.local [hbm:s4], s20  }
0x9e: {  	_ =	swait.ge [sflag:s22], s20  }
0x9f: {  	s3 =	ssub.s32 $0x0, s20;
	[sflag:s22] =	ssyncset.done $0x0  }
0xa0: {  	[sflag:s22] =	ssyncadd.s32 s3;
	_ =	sdelay $0x1  }
0xa1: {  	s23 =	simm.s32 $0x1B8B  }
0xa2: {  	_ =	swait.ge [sflag:s23], $0x1  }
0xa3: {  	[sflag:s23] =	ssyncset.done $0x0  }
0xa4: {  	s25 =	simm.s32 $0x1B8E;
	s24 =	sld [smem:$0x3FFE];
	[sflag:s23] =	ssyncadd.s32 $0xFFFFFFFF  }
0xa5: {  	s26 =	simm.s32 $execute0_lowered;
	[smem:$0x3FD2] =	sst s25  }
0xa6: {  	s4 =	sshll.u32 s26, $0x1;
	_ =	strace $0x80000046;
	[dreg:$0x1] =	wrdreg $0xFFFFFFFF  }
0xa7: {  	s28 =	simm.s32 $_size_execute0_lowered;
	s2 =	sadd.s32 s2, s4;
	[dreg:$0x0] =	wrdreg $0x0  }
0xa8: {  	s4 =	sshll.u32 s28, $0x1;
	[dreg:$0x2] =	wrdreg s2  }
0xa9: {  	[dreg:$0x3] =	wrdreg s4  }
0xaa: {  	[dreg:$0x4] =	wrdreg $0xC0  }
0xab: {  	_ =	task [dreg:s6], $0x5FFFF  }
0xac: {  	[dreg:$0x1] =	wrdreg $0xFFFFFFFF  }
0xad: {  	[dreg:$0x0] =	wrdreg $0x60  }
0xae: {  	[dreg:$0x2] =	wrdreg s24  }
0xaf: {  	[dreg:$0x3] =	wrdreg $0x68800  }
0xb0: {  	[dreg:$0x4] =	wrdreg $0x9  }
0xb1: {  	_ =	task.clear_ibuf [dreg:s6], $0x5FFFF;
	_ =	strace $0x90000046  }
0xb2: {  	s29 =	simm.s32 $0x9;
	_ =	strace $0x80000048  }
0xb3: {  	_ =	swait.ge [sflag:s29], $0x1  }
0xb4: {  	[sflag:s29] =	ssyncadd.s32 $0xFFFFFFFF  }
0xb5: {  	_ =	strace $0x90000048  }
0xb6: {  	_ =	sfence  }
0xb7: {  	s30 =	sld [smem:$0x0];
	_ =	sdelay $0x2  }
0xb8: {  	s31 =	sshll.u32 s1, $0xD;
	s1 =	sshrl.u32 s1, $0x2  }
0xb9: {  	s3 =	sand.u32 $0x4000, s31;
	s1 =	sadd.s32 s1, s30  }
0xba: {  	s0 =	sor.u32 s3, s0;
	s1 =	sshll.u32 s1, $0x11  }
0xbb: {  	s0 =	sor.u32 s1, s0  }
0xbc: {  	s0 =	sadd.s32 $0x8F2B, s0  }
0xbd: {  	[sflag:s0] =	ssyncadd.remote.s32 $0x1  }
0xbe: {  	_ =	sfence.sel $0xFFFF  }
0xbf: {  	[dreg:$0x0] =	wrdreg $0xFFFFFFFF;
	(pc) =	sbr.abs _section_cstart, $3  }
0xc0: {  	[dreg:$0x1] =	wrdreg $0xFFFFFFFF  }
0xc1: {  	_ =	task.clear_ibuf [dreg:s6], $0x2FFFF;
	_ =	strace $0x9FFFFFFF  }
0xc2: {  	(tm) =	ssettm $0x7FFFFFFF  }
0xc3: {  	_ =	shalt  }
tec
execute0_lowered:
.L_overlay_start_1:
0x0: {  	(tag) =	ssettag $0x1  }
0x1: {  	s0 =	srdreg.scid;
	s1 =	rddreg [dreg:$0x0]  }
0x2: {  	s2 =	rddreg [dreg:$0x1];
	s12 =	stileid.u32;
	s3 =	simm.s32 $0x0  }
0x3: {  	s28 =	simm.s32 $0x80;
	s29 =	simm.s32 $0x380;
	s30 =	simm.s32 $0x10  }
0x4: {  	s31 =	simm.s32 $0x0;
	s0 =	sand.u32 $0x1, s0;
	s21 =	smul.u32 $0x50000, s12  }
0x5: {  	[smem:$0x7FF] =	sst s3;
	s6 =	sshll.u32 s12, $0x4;
	s15 =	smul.u32 $0x14000, s12  }
0x6: {  	s4 =	sshll.u32 s0, $0x4;
	_ =	strace $0x80000047;
	s6 =	sand.u32 $0x70, s6  }
0x7: {  	s9 =	ssub.s32 $0x2, s0;
	s0 =	smul.u32 $0x140000, s0;
	s5 =	sor.u32 s12, s4  }
0x8: {  	s8 =	sadd.s32 s6, s1;
	s10 =	sshrl.u32 s9, $0x1;
	s6 =	sshrl.u32 s21, $0x2  }
0x9: {  	s16 =	sadd.s32 $0x4000, s15;
	s17 =	sadd.s32 $0x8000, s15;
	s18 =	sadd.s32 $0xC000, s15  }
0xa: {  	s20 =	sadd.s32 $0x10000, s15;
	s21 =	simm.s32 $0x1;
	s4 =	smul.u32 $0x500, s5  }
0xb: {  	s11 =	sshll.u32 s5, $0x4;
	s9 =	ssub.s32 s9, s10;
	s5 =	sadd.s32 s6, s2  }
0xc: {  	s13 =	sadd.s32 s0, s15;
	s14 =	sadd.s32 s0, s16;
	s24 =	sadd.s32 s0, s17  }
0xd: {  	s19 =	sadd.s32 s0, s18;
	s0 =	sadd.s32 s0, s20;
	s26 =	sadd.s32 s20, s2  }
0xe: {  	s20 =	simm.s32 $0x2800;
	s22 =	sand.u32 $0x180, s11;
	s10 =	sadd.s32 $0x8000, s5  }
0xf: {  	s11 =	sadd.s32 $0xC000, s5;
	s12 =	sadd.s32 $0x10000, s5;
	s13 =	sshrl.u32 s13, $0x3  }
0x10: {  	s14 =	sshrl.u32 s14, $0x3;
	s25 =	sshrl.u32 s19, $0x3;
	s0 =	sshrl.u32 s0, $0x3  }
0x11: {  	s19 =	simm.s32 $0x2;
	s7 =	sadd.s32 s4, s1;
	s4 =	sadd.s32 $0xCC00, s1  }
0x12: {  	s1 =	sadd.s32 $0xD400, s1;
	s23 =	sadd.s32 s22, s8;
	s8 =	smax.u32 s9, $0x1  }
0x13: {  	s9 =	sadd.s32 $0x4000, s5;
	s22 =	sadd.s32 s16, s2;
	s16 =	sshrl.u32 s24, $0x3  }
0x14: {  	s24 =	sadd.s32 s18, s2;
	s18 =	simm.s32 $0x2880;
	s6 =	sadd.s32 $0x2C00, s7  }
0x15: {  	s7 =	sadd.s32 $0x2A00, s23;
	s13 =	sadd.s32 s1, s13;
	s14 =	sadd.s32 s1, s14  }
0x16: {  	s15 =	sadd.s32 s1, s16;
	s23 =	sadd.s32 s17, s2;
	s16 =	sadd.s32 s1, s25  }
0x17: {  	s17 =	sadd.s32 s1, s0;
	s22 =	sshrl.u32 s22, $0x3;
	s24 =	sshrl.u32 s24, $0x3  }
0x18: {  	v0 =	vimm.f32 $0.0e+00;
	s25 =	sshrl.u32 s26, $0x3;
	s26 =	simm.s32 $0x3;
	s23 =	sshrl.u32 s23, $0x3  }
.LBB2_1:
0x19: {  	s0 =	simm.s32 $0x0;
	s1 =	simm.s32 $0x200  }
.LBB2_2:
0x1a: {  	p0 =	sne.s32 s1, $0xFE00;
	[tilespmem:s0+$0x28F0] =	vst v0  }
0x1b: {  	[tilespmem:s0+$0x2880] =	vst v0  }
0x1c: {  	[tilespmem:s0+$0x2890] =	vst v0  }
.Ltmp0:
0x1d: {  	[tilespmem:s0+$0x28A0] =	vst v0;
	(pc) =	sbr.rel @p0 .LBB2_2-.Ltmp0, $4  }
0x1e: {  	[tilespmem:s0+$0x28B0] =	vst v0  }
0x1f: {  	[tilespmem:s0+$0x28C0] =	vst v0  }
0x20: {  	[tilespmem:s0+$0x28D0] =	vst v0  }
0x21: {  	[tilespmem:s0+$0x28E0] =	vst v0;
	s0 =	sshra.s32 s1, $0x2;
	s1 =	sadd.s32 $0x200, s1  }
0x22: {  	[tilespmem:s0+$0x28F0] =	vst v0  }
0x23: {  	[tilespmem:s0+$0x2880] =	vst v0  }
0x24: {  	[tilespmem:s0+$0x2890] =	vst v0  }
0x25: {  	[tilespmem:s0+$0x28A0] =	vst v0  }
0x26: {  	[tilespmem:s0+$0x28B0] =	vst v0  }
0x27: {  	[tilespmem:s0+$0x28C0] =	vst v0  }
0x28: {  	[tilespmem:s0+$0x28D0] =	vst v0  }
0x29: {  	[tilespmem:s0+$0x28E0] =	vst v0  }
0x2a: {  	[spmem:s5] =	stream.linear.scatter [tilespmem:s18], [sflag:$0x2], $0x4000, $0x38;
	[tilespmem:$0x1A880] =	vst v63  }
0x2b: {  	_ = 	snop  }
0x2c: {  	[spmem:s9] =	stream.linear.scatter [tilespmem:s18], [sflag:$0x2], $0x4000, $0x38;
	[tilespmem:$0x1A880] =	vst v63  }
0x2d: {  	_ =	swait.ge [sflag:s19], $0x4000  }
0x2e: {  	[sflag:s19] =	ssyncset.done $0x0  }
0x2f: {  	[sflag:s19] =	ssyncadd.s32 $0xFFFFC000  }
0x30: {  	[spmem:s10] =	stream.linear.scatter [tilespmem:s18], [sflag:$0x2], $0x4000, $0x38;
	[tilespmem:$0x1A880] =	vst v63  }
0x31: {  	_ =	swait.ge [sflag:s19], $0x4000  }
0x32: {  	[sflag:s19] =	ssyncset.done $0x0  }
0x33: {  	[sflag:s19] =	ssyncadd.s32 $0xFFFFC000  }
0x34: {  	[spmem:s11] =	stream.linear.scatter [tilespmem:s18], [sflag:$0x2], $0x4000, $0x38;
	[tilespmem:$0x1A880] =	vst v63  }
0x35: {  	_ =	swait.ge [sflag:s19], $0x4000  }
0x36: {  	[sflag:s19] =	ssyncset.done $0x0  }
0x37: {  	[sflag:s19] =	ssyncadd.s32 $0xFFFFC000  }
0x38: {  	[spmem:s12] =	stream.linear.scatter [tilespmem:s18], [sflag:$0x2], $0x4000, $0x38;
	[tilespmem:$0x1A880] =	vst v63  }
0x39: {  	_ =	swait.ge [sflag:s19], $0x4000  }
0x3a: {  	[sflag:s19] =	ssyncset.done $0x0  }
0x3b: {  	[sflag:s19] =	ssyncadd.s32 $0xFFFFC000  }
0x3c: {  	[tilespmem:s3], [sflag:$0x1] =	stream.linear.gather [hbm4b:s6+s3], $0x2700, $0x38;
	[tilespmem:$0x1A880] =	vst v63  }
0x3d: {  	_ = 	snop  }
0x3e: {  	[tilespmem:s20], [sflag:$0x1] =	stream.linear.gather [hbm4b:s7+s3], $0x80, $0x38;
	[tilespmem:$0x1A880] =	vst v63  }
0x3f: {  	_ =	swait.ge [sflag:s21], $0x80  }
0x40: {  	[sflag:s21] =	ssyncset.done $0x0  }
0x41: {  	[sflag:s21] =	ssyncadd.s32 $0xFFFFFF80  }
0x42: {  	_ =	swait.ge [sflag:s21], $0x2700  }
0x43: {  	[sflag:s21] =	ssyncset.done $0x0  }
0x44: {  	[sflag:s21] =	ssyncadd.s32 $0xFFFFD900  }
0x45: {  	_ =	swait.ge [sflag:s19], $0x4000  }
0x46: {  	[sflag:s19] =	ssyncset.done $0x0  }
0x47: {  	[sflag:s19] =	ssyncadd.s32 $0xFFFFC000  }
0x48: {  	[tilespmem:s18], [sflag:$0x3] =	stream.linear.gather [hbm4b:s4+s3], $0x4000, $0x38;
	[tilespmem:$0x1A880] =	vst v63  }
0x49: {  	_ =	swait.ge [sflag:s26], $0x4000  }
0x4a: {  	[sflag:s26] =	ssyncset.done $0x0  }
0x4b: {  	[sflag:s26] =	ssyncadd.s32 $0xFFFFC000  }
0x4c: {  	[bflag:$0x0] =	sbarrier.arrive $0xFFFF  }
0x4d: {  	[spmem:s2] =	stream.indirect.scatter.add.f32 [tilespmem:s18], [sflag:$0x1], $0x80, s3, s28, $0xb8;
	[tilespmem:$0x1A880] =	vst v63  }
0x4e: {  	_ = 	snop  }
0x4f: {  	[spmem:s2] =	stream.indirect.scatter.add.f32 [tilespmem:s18], [sflag:$0x1], $0x80, s28, s28, $0xb8;
	[tilespmem:$0x1A880] =	vst v63  }
0x50: {  	s1 =	simm.s32 $0x100  }
0x51: {  	[spmem:s2] =	stream.indirect.scatter.add.f32 [tilespmem:s18], [sflag:$0x1], $0x80, s1, s28, $0xb8;
	[tilespmem:$0x1A880] =	vst v63  }
0x52: {  	s1 =	simm.s32 $0x180  }
0x53: {  	[spmem:s2] =	stream.indirect.scatter.add.f32 [tilespmem:s18], [sflag:$0x1], $0x80, s1, s28, $0xb8;
	[tilespmem:$0x1A880] =	vst v63  }
0x54: {  	s1 =	simm.s32 $0x200  }
0x55: {  	[spmem:s2] =	stream.indirect.scatter.add.f32 [tilespmem:s18], [sflag:$0x1], $0x80, s1, s28, $0xb8;
	[tilespmem:$0x1A880] =	vst v63  }
0x56: {  	s1 =	simm.s32 $0x280  }
0x57: {  	[spmem:s2] =	stream.indirect.scatter.add.f32 [tilespmem:s18], [sflag:$0x1], $0x80, s1, s28, $0xb8;
	[tilespmem:$0x1A880] =	vst v63  }
0x58: {  	s1 =	simm.s32 $0x300  }
0x59: {  	[spmem:s2] =	stream.indirect.scatter.add.f32 [tilespmem:s18], [sflag:$0x1], $0x80, s1, s28, $0xb8;
	[tilespmem:$0x1A880] =	vst v63  }
0x5a: {  	_ = 	snop  }
0x5b: {  	[spmem:s2] =	stream.indirect.scatter.add.f32 [tilespmem:s18], [sflag:$0x1], $0x80, s29, s28, $0xb8;
	[tilespmem:$0x1A880] =	vst v63  }
0x5c: {  	_ =	swait.ge [sflag:s21], $0x4000  }
0x5d: {  	[sflag:s21] =	ssyncset.done $0x0  }
0x5e: {  	s0 =	simm.s32 $0x1200;
	s1 =	simm.s32 $0x400;
	[sflag:s21] =	ssyncadd.s32 $0xFFFFC000  }
.LBB2_4:
0x5f: {  	[spmem:s2] =	stream.indirect.scatter.add.f32 [tilespmem:s18], [sflag:$0x1], $0x80, s1, s28, $0xb8;
	[tilespmem:$0x1A880] =	vst v63  }
0x60: {  	s1 =	smov.u32 s0;
	p0 =	sne.s32 s0, $0x9A00  }
.Ltmp1:
0x61: {  	s0 =	sadd.s32 $0x200, s0;
	(pc) =	sbr.rel @p0 .LBB2_4-.Ltmp1, $4  }
0x62: {  	_ = 	snop  }
0x63: {  	_ =	swait.ge [sflag:s21], $0x4000  }
0x64: {  	[sflag:s21] =	ssyncset.done $0x0  }
0x65: {  	s1 =	sshra.s32 s1, $0x2;
	[sflag:s21] =	ssyncadd.s32 $0xFFFFC000  }
0x66: {  	[spmem:s2] =	stream.indirect.scatter.add.f32 [tilespmem:s18], [sflag:$0x1], $0x80, s1, s28, $0xb8;
	[tilespmem:$0x1A880] =	vst v63  }
0x67: {  	_ =	swait.ge [sflag:s21], $0x4000  }
0x68: {  	[sflag:s21] =	ssyncset.done $0x0  }
0x69: {  	[sflag:s21] =	ssyncadd.s32 $0xFFFFC000  }
0x6a: {  	_ =	swait.ge [sflag:s21], $0x4000  }
0x6b: {  	[sflag:s21] =	ssyncset.done $0x0  }
0x6c: {  	[sflag:s21] =	ssyncadd.s32 $0xFFFFC000  }
0x6d: {  	_ =	swait.ge [sflag:s21], $0x4000  }
0x6e: {  	[sflag:s21] =	ssyncset.done $0x0  }
0x6f: {  	[sflag:s21] =	ssyncadd.s32 $0xFFFFC000  }
0x70: {  	_ =	swait.ge [sflag:s21], $0x4000  }
0x71: {  	[sflag:s21] =	ssyncset.done $0x0  }
0x72: {  	[sflag:s21] =	ssyncadd.s32 $0xFFFFC000  }
0x73: {  	_ =	swait.ge [sflag:s21], $0x4000  }
0x74: {  	[sflag:s21] =	ssyncset.done $0x0  }
0x75: {  	[sflag:s21] =	ssyncadd.s32 $0xFFFFC000  }
0x76: {  	_ =	swait.ge [sflag:s21], $0x4000  }
0x77: {  	[sflag:s21] =	ssyncset.done $0x0  }
0x78: {  	[sflag:s21] =	ssyncadd.s32 $0xFFFFC000  }
0x79: {  	_ =	swait.ge [sflag:s21], $0x4000  }
0x7a: {  	[sflag:s21] =	ssyncset.done $0x0  }
0x7b: {  	[sflag:s21] =	ssyncadd.s32 $0xFFFFC000  }
0x7c: {  	_ =	swait.ge [sflag:s21], $0x4000  }
0x7d: {  	[sflag:s21] =	ssyncset.done $0x0  }
0x7e: {  	[sflag:s21] =	ssyncadd.s32 $0xFFFFC000  }
0x7f: {  	[spmem:s2] =	stream.indirect.scatter.add.f32 [tilespmem:s18], [sflag:$0x3], $0x80, s20, s30, $0xb8;
	[tilespmem:$0x1A880] =	vst v63  }
0x80: {  	_ =	swait.ge [sflag:s26], $0x800  }
0x81: {  	s0 =	stileid.u32;
	[sflag:s26] =	ssyncset.done $0x0  }
0x82: {  	s0 =	sshll.u32 s0, $0x6;
	[sflag:s26] =	ssyncadd.s32 $0xFFFFF800  }
0x83: {  	s1 =	sshrl.u32 s5, $0x3;
	s0 =	sor.u32 $0x1C02, s0;
	[bflag:$0x0] =	sbarrier.arrive $0xFFFF  }
0x84: {  	[hbm:s13], [sflag:s0] =	dma.local [spmem:s1], $0x800  }
0x85: {  	[hbm:s14], [sflag:s0] =	dma.local [spmem:s22], $0x800  }
0x86: {  	_ =	swait.ge [sflag:s19], $0x800  }
0x87: {  	[sflag:s19] =	ssyncset.done $0x0  }
0x88: {  	[sflag:s19] =	ssyncadd.s32 $0xFFFFF800  }
0x89: {  	[hbm:s15], [sflag:s0] =	dma.local [spmem:s23], $0x800  }
0x8a: {  	_ =	swait.ge [sflag:s19], $0x800  }
0x8b: {  	[sflag:s19] =	ssyncset.done $0x0  }
0x8c: {  	[sflag:s19] =	ssyncadd.s32 $0xFFFFF800  }
0x8d: {  	[hbm:s16], [sflag:s0] =	dma.local [spmem:s24], $0x800  }
0x8e: {  	_ =	swait.ge [sflag:s19], $0x800  }
0x8f: {  	[sflag:s19] =	ssyncset.done $0x0  }
0x90: {  	s31 =	sadd.s32 $0x1, s31;
	[sflag:s19] =	ssyncadd.s32 $0xFFFFF800  }
0x91: {  	[hbm:s17], [sflag:s0] =	dma.local [spmem:s25], $0x800  }
0x92: {  	p0 =	sne.s32 s31, s8;
	_ =	swait.ge [sflag:s19], $0x800  }
.Ltmp2:
0x93: {  	[sflag:s19] =	ssyncset.done $0x0;
	(pc) =	sbr.rel @p0 .LBB2_1-.Ltmp2, $4  }
0x94: {  	[sflag:s19] =	ssyncadd.s32 $0xFFFFF800  }
0x95: {  	_ =	swait.ge [sflag:s19], $0x800  }
0x96: {  	[sflag:s19] =	ssyncset.done $0x0  }
0x97: {  	[sflag:s19] =	ssyncadd.s32 $0xFFFFF800  }
0x98: {  	_ =	sfence.sel $0x180000  }
0x99: {  	[bflag:$0x0] =	sbarrier.arrive $0xFFFF  }
0x9a: {  	_ =	strace $0x90000047  }
0x9b: {  	s0 =	stileid.u32;
	[bflag:$0x2] =	sbarrier.arrive $0xFFFF  }
0x9c: {  	p0 =	sne.s32 s0, $0x0;
	s0 =	rddreg [dreg:$0x2]  }
0x9d: {  	s0 =	sadd.s32 @!p0 $0x100000, s0  }
0x9e: {  	[sflag:s0] =	ssyncadd.tile.s32 @!p0 $0x1;
	_ =	shalt  }
.Lfunc_end2:
_tile_overlayer_lowered:
.L_overlay_start_2:
0x9f: {  	(tag) =	ssettag $0x2  }
0xa0: {  	s0 =	rddreg [dreg:$0x0];
	s2 =	stileid.u32  }
0xa1: {  	s1 =	rddreg [dreg:$0x1];
	p0 =	sne.s32 s2, $0x0  }
0xa2: {  	s3 =	rddreg [dreg:$0x2];
	[bflag:$0x3] =	sbarrier.arrive $0xFFFF;
	s2 =	simm.s32 @!p0 $0x1C03  }
0xa3: {  	[timem:s3], [sflag:s2] =	dma.local @!p0 [hbm:s0], s1  }
0xa4: {  	s0 =	simm.s32 @!p0 $0x3  }
0xa5: {  	_ =	swait.ge @!p0 [sflag:s0], s1  }
0xa6: {  	s1 =	ssub.s32 @!p0 $0x0, s1;
	[sflag:s0] =	ssyncset.done @!p0 $0x0  }
0xa7: {  	[sflag:s0] =	ssyncadd.s32 @!p0 s1  }
0xa8: {  	[bflag:$0x3] =	sbarrier.arrive $0xFFFF  }
0xa9: {  	_ =	shalt  }

// kernel: kernel.13.cloned.1.call-start
scs
__scs_entry_jumppad:
0x0: {  	(pc) =	sbr.rel $0x88, $3  }
0x1: {  	(tag) =	ssettag $0x0;
	lr =	simm.s32 $0x1  }
0x2: {  	[smem:$0x3F99] =	sst lr;
	_ =	strace $0xD0000000  }
0x3: {  	_ = 	snop  }
0x4: {  	_ = 	snop  }
0x5: {  	_ = 	snop  }
0x6: {  	_ = 	snop  }
0x7: {  	_ = 	snop  }
__scs_overlays_trampoline_lowered:
0x8: {  	[smem:$0x3FA8] =	sst s0  }
0x9: {  	[smem:$0x3FA9] =	sst s1  }
0xa: {  	[smem:$0x3FAA] =	sst s2  }
0xb: {  	[smem:$0x3FAB] =	sst s3  }
0xc: {  	[smem:$0x3FAC] =	sst s4  }
0xd: {  	[smem:$0x3FAD] =	sst s5  }
0xe: {  	[smem:$0x3FAE] =	sst s6  }
0xf: {  	[smem:$0x3FAF] =	sst s7  }
0x10: {  	[smem:$0x3FB0] =	sst s8  }
0x11: {  	[smem:$0x3FB1] =	sst s9;
	s0 =	simm.s32 @!p0 $0x0  }
0x12: {  	s1 =	sld [smem:$0x3F97];
	s0 =	simm.s32 @p0 $0x1  }
0x13: {  	[smem:$0x3FB2] =	sst s0;
	s0 =	simm.s32 @!p1 $0x0  }
0x14: {  	s2 =	sld [smem:$0x3F96];
	s0 =	simm.s32 @p1 $0x1  }
0x15: {  	[smem:$0x3FB3] =	sst s0;
	s0 =	simm.s32 @!p2 $0x0  }
0x16: {  	s3 =	sld [smem:$0x3FDB];
	s0 =	simm.s32 @p2 $0x1  }
0x17: {  	s4 =	simm.s32 $0x1BF5;
	[smem:$0x3FB5] =	sst s0  }
0x18: {  	s0 =	sld [smem:$0x3F98];
	_ =	swait.ge [sflag:s4], $0x0  }
0x19: {  	s7 =	sld [smem:$0x3F99]  }
0x1a: {  	s8 =	sadd.s32 $0xFFFFE003, lr  }
0x1b: {  	s9 =	sadd.s32 $0xFFFFFEF7, lr;
	s5 =	simm.s32 $0xFFFFFFFF;
	p2 =	slt.u32 s8, $0xFFFFF086  }
0x1c: {  	p1 =	slt.u32 s9, $0xF7A;
	s5 =	simm.s32 @!p2 $0x0  }
0x1d: {  	s5 =	simm.s32 @p1 $0x1;
	p0 =	seq.s32 s7, s2  }
0x1e: {  	s7 =	smul.u32 @!p0 $0xF7A, s2;
	p2 =	seq.s32 @!p0 s5, $0x0  }
0x1f: {  	s9 =	smul.u32 $0xF7A, s1;
	s8 =	simm.s32 @!p0 $0x1BF5;
	p2 =	por !p2, p0  }
0x20: {  	[sflag:s8] =	ssyncset.s32 @!p0 $0xFFFFF086;
	s6 =	sadd.s32 @!p0 s3, s7;
	s7 =	simm.s32 @!p0 $0x108  }
0x21: {  	s3 =	sadd.s32 s3, s9;
	s6 =	sadd.s32 @!p0 $0x88, s6;
	s7 =	simm.s32 @p2 $0x1082  }
0x22: {  	[simem:s7], [sflag:s8] =	dma.local @!p0 [hbm:s6], $0xF7A  }
0x23: {  	s9 =	sor.u32 $0xD0000000, s2;
	s6 =	simm.s32 $0x108;
	_ =	swait.ge @!p0 [sflag:s8], $0x0  }
0x24: {  	s3 =	sadd.s32 $0x88, s3;
	s6 =	simm.s32 @!p1 $0x1082;
	[sflag:s4] =	ssyncset.s32 $0xFFFFF086  }
0x25: {  	[simem:s6], [sflag:s4] =	dma.local [hbm:s3], $0xF7A  }
0x26: {  	[smem:$0x3F99] =	sst s1;
	(tag) =	ssettag s2;
	_ =	strace s9  }
0x27: {  	s1 =	sld [smem:$0x3FA9]  }
0x28: {  	s2 =	sld [smem:$0x3FAA]  }
0x29: {  	s4 =	sld [smem:$0x3FAC]  }
0x2a: {  	p0 =	seq.s32 s5, $0x0;
	s5 =	sld [smem:$0x3FAD]  }
0x2b: {  	s6 =	sld [smem:$0x3FAE]  }
0x2c: {  	s7 =	sld [smem:$0x3FAF]  }
0x2d: {  	s3 =	simm.s32 $0x108;
	s8 =	sld [smem:$0x3FB0]  }
0x2e: {  	s3 =	simm.s32 @!p0 $0x1082;
	s9 =	sld [smem:$0x3FB1]  }
0x2f: {  	lr =	sadd.s32 s0, s3;
	s0 =	sld [smem:$0x3FA8]  }
0x30: {  	s3 =	sld [smem:$0x3FAB]  }
0x31: {  	[smem:$0x3FB4] =	sst s10  }
0x32: {  	s10 =	sld [smem:$0x3FB2];
	_ =	sdelay $0x3  }
0x33: {  	p0 =	seq.s32 s10, $0x1;
	s10 =	sld [smem:$0x3FB4];
	_ =	sdelay $0x3  }
0x34: {  	[smem:$0x3FB4] =	sst s10  }
0x35: {  	s10 =	sld [smem:$0x3FB3];
	_ =	sdelay $0x3  }
0x36: {  	p1 =	seq.s32 s10, $0x1;
	s10 =	sld [smem:$0x3FB4];
	_ =	sdelay $0x3  }
0x37: {  	[smem:$0x3FB4] =	sst s10  }
0x38: {  	s10 =	sld [smem:$0x3FB5]  }
0x39: {  	_ = 	snop;
	(pc) =	sbr.ind lr, $3  }
0x3a: {  	_ = 	snop  }
0x3b: {  	_ = 	snop  }
0x3c: {  	p2 =	seq.s32 s10, $0x1;
	s10 =	sld [smem:$0x3FB4]  }
0x3d: {  	_ =	shalt  }
0x3e: {  	_ =	shalt  }
0x3f: {  	_ =	shalt  }
0x40: {  	_ =	shalt  }
0x41: {  	_ =	shalt  }
0x42: {  	_ =	shalt  }
0x43: {  	_ =	shalt  }
0x44: {  	_ =	shalt  }
0x45: {  	_ =	shalt  }
0x46: {  	_ =	shalt  }
0x47: {  	_ =	shalt  }
0x48: {  	_ =	shalt  }
0x49: {  	_ =	shalt  }
0x4a: {  	_ =	shalt  }
0x4b: {  	_ =	shalt  }
0x4c: {  	_ =	shalt  }
0x4d: {  	_ =	shalt  }
0x4e: {  	_ =	shalt  }
0x4f: {  	_ =	shalt  }
0x50: {  	_ =	shalt  }
0x51: {  	_ =	shalt  }
0x52: {  	_ =	shalt  }
0x53: {  	_ =	shalt  }
0x54: {  	_ =	shalt  }
0x55: {  	_ =	shalt  }
0x56: {  	_ =	shalt  }
0x57: {  	_ =	shalt  }
0x58: {  	_ =	shalt  }
0x59: {  	_ =	shalt  }
0x5a: {  	_ =	shalt  }
0x5b: {  	_ =	shalt  }
0x5c: {  	_ =	shalt  }
0x5d: {  	_ =	shalt  }
0x5e: {  	_ =	shalt  }
0x5f: {  	_ =	shalt  }
0x60: {  	_ =	shalt  }
0x61: {  	_ =	shalt  }
0x62: {  	_ =	shalt  }
0x63: {  	_ =	shalt  }
0x64: {  	_ =	shalt  }
0x65: {  	_ =	shalt  }
0x66: {  	_ =	shalt  }
0x67: {  	_ =	shalt  }
0x68: {  	_ =	shalt  }
0x69: {  	_ =	shalt  }
0x6a: {  	_ =	shalt  }
0x6b: {  	_ =	shalt  }
0x6c: {  	_ =	shalt  }
0x6d: {  	_ =	shalt  }
0x6e: {  	_ =	shalt  }
0x6f: {  	_ =	shalt  }
0x70: {  	_ =	shalt  }
0x71: {  	_ =	shalt  }
0x72: {  	_ =	shalt  }
0x73: {  	_ =	shalt  }
0x74: {  	_ =	shalt  }
0x75: {  	_ =	shalt  }
0x76: {  	_ =	shalt  }
0x77: {  	_ =	shalt  }
0x78: {  	_ =	shalt  }
0x79: {  	_ =	shalt  }
0x7a: {  	_ =	shalt  }
0x7b: {  	_ =	shalt  }
0x7c: {  	_ =	shalt  }
0x7d: {  	_ =	shalt  }
0x7e: {  	_ =	shalt  }
0x7f: {  	_ =	shalt  }
0x80: {  	_ =	shalt  }
0x81: {  	_ =	shalt  }
0x82: {  	_ =	shalt  }
0x83: {  	_ =	shalt  }
0x84: {  	_ =	shalt  }
0x85: {  	_ =	shalt  }
0x86: {  	_ =	shalt  }
0x87: {  	_ =	shalt  }
.Lfunc_end0:
.L_simem_size_0:
called_computation.1_lowered:
.L_overlay_start_0:
0x88: {  	s2 =	sld [smem:$0x3FD9]  }
0x89: {  	s3 =	sld [smem:$0x3FFE];
	_ =	sdelay $0x1  }
0x8a: {  	s1 =	srdreg.scid  }
0x8b: {  	s0 =	sand.u32 $0x1, s1  }
0x8c: {  	s16 =	sshll.u32 s0, $0xA;
	s2 =	sadd.s32 s3, s2  }
0x8d: {  	s2 =	sadd.s32 s2, s16  }
0x8e: {  	[smem:$0x3FC0] =	sst s2  }
0x8f: {  	_ = 	snop  }
0x90: {  	(tm) =	ssettm $0x1  }
0x91: {  	s17 =	sld [smem:$0x3FFB];
	_ =	sdelay $0x3  }
0x92: {  	_ =	strace s17  }
0x93: {  	s2 =	sld [smem:$0x3FFC];
	_ =	sdelay $0x3  }
0x94: {  	_ =	strace s2  }
0x95: {  	s2 =	sld [smem:$0x3FFD];
	_ =	sdelay $0x3  }
0x96: {  	_ =	strace s2  }
0x97: {  	_ =	strace $0x8FFFFFFF  }
0x98: {  	s18 =	sld [smem:$0x3FDB];
	_ =	sdelay $0x1  }
0x99: {  	s19 =	simm.s32 $_scs_section_size  }
0x9a: {  	s4 =	simm.s32 $_size__tile_overlayer_lowered;
	s5 =	simm.s32 $_tile_overlayer_lowered  }
0x9b: {  	s22 =	simm.s32 $0x1BFF;
	s21 =	sshll.u32 s5, $0x1;
	s2 =	sadd.s32 s19, s18  }
0x9c: {  	s6 =	simm.s32 $0x0;
	s20 =	sshll.u32 s4, $0x1;
	s4 =	sadd.s32 s21, s2  }
0x9d: {  	[timem:s6], [sflag:s22] =	dma.local [hbm:s4], s20  }
0x9e: {  	_ =	swait.ge [sflag:s22], s20  }
0x9f: {  	s3 =	ssub.s32 $0x0, s20;
	[sflag:s22] =	ssyncset.done $0x0  }
0xa0: {  	[sflag:s22] =	ssyncadd.s32 s3;
	_ =	sdelay $0x1  }
0xa1: {  	s23 =	simm.s32 $0x1B8B  }
0xa2: {  	_ =	swait.ge [sflag:s23], $0x1  }
0xa3: {  	[sflag:s23] =	ssyncset.done $0x0  }
0xa4: {  	s25 =	simm.s32 $0x1B8E;
	s24 =	sld [smem:$0x3FFE];
	[sflag:s23] =	ssyncadd.s32 $0xFFFFFFFF  }
0xa5: {  	s26 =	simm.s32 $execute0_lowered;
	[smem:$0x3FD2] =	sst s25  }
0xa6: {  	s4 =	sshll.u32 s26, $0x1;
	_ =	strace $0x80000049;
	[dreg:$0x1] =	wrdreg $0xFFFFFFFF  }
0xa7: {  	s28 =	simm.s32 $_size_execute0_lowered;
	s2 =	sadd.s32 s2, s4;
	[dreg:$0x0] =	wrdreg $0x0  }
0xa8: {  	s4 =	sshll.u32 s28, $0x1;
	[dreg:$0x2] =	wrdreg s2  }
0xa9: {  	[dreg:$0x3] =	wrdreg s4  }
0xaa: {  	[dreg:$0x4] =	wrdreg $0xC0  }
0xab: {  	_ =	task [dreg:s6], $0x5FFFF  }
0xac: {  	[dreg:$0x1] =	wrdreg $0xFFFFFFFF  }
0xad: {  	[dreg:$0x0] =	wrdreg $0x60  }
0xae: {  	[dreg:$0x2] =	wrdreg s24  }
0xaf: {  	[dreg:$0x3] =	wrdreg $0xB1000  }
0xb0: {  	[dreg:$0x4] =	wrdreg $0x9  }
0xb1: {  	_ =	task.clear_ibuf [dreg:s6], $0x5FFFF;
	_ =	strace $0x90000049  }
0xb2: {  	s29 =	simm.s32 $0x9;
	_ =	strace $0x8000004B  }
0xb3: {  	_ =	swait.ge [sflag:s29], $0x1  }
0xb4: {  	[sflag:s29] =	ssyncadd.s32 $0xFFFFFFFF  }
0xb5: {  	_ =	strace $0x9000004B  }
0xb6: {  	_ =	sfence  }
0xb7: {  	s30 =	sld [smem:$0x0];
	_ =	sdelay $0x2  }
0xb8: {  	s31 =	sshll.u32 s1, $0xD;
	s1 =	sshrl.u32 s1, $0x2  }
0xb9: {  	s3 =	sand.u32 $0x4000, s31;
	s1 =	sadd.s32 s1, s30  }
0xba: {  	s0 =	sor.u32 s3, s0;
	s1 =	sshll.u32 s1, $0x11  }
0xbb: {  	s0 =	sor.u32 s1, s0  }
0xbc: {  	s0 =	sadd.s32 $0x8F2B, s0  }
0xbd: {  	[sflag:s0] =	ssyncadd.remote.s32 $0x1  }
0xbe: {  	_ =	sfence.sel $0xFFFF  }
0xbf: {  	[dreg:$0x0] =	wrdreg $0xFFFFFFFF;
	(pc) =	sbr.abs _section_cstart, $3  }
0xc0: {  	[dreg:$0x1] =	wrdreg $0xFFFFFFFF  }
0xc1: {  	_ =	task.clear_ibuf [dreg:s6], $0x2FFFF;
	_ =	strace $0x9FFFFFFF  }
0xc2: {  	(tm) =	ssettm $0x7FFFFFFF  }
0xc3: {  	_ =	shalt  }
tec
execute0_lowered:
.L_overlay_start_1:
0x0: {  	(tag) =	ssettag $0x1  }
0x1: {  	s0 =	rddreg [dreg:$0x0]  }
0x2: {  	s1 =	rddreg [dreg:$0x1];
	s2 =	srdreg.scid;
	s3 =	simm.s32 $0x0  }
0x3: {  	s10 =	stileid.u32;
	s2 =	sand.u32 $0x1, s2;
	[smem:$0x7FF] =	sst s3  }
0x4: {  	s6 =	sshll.u32 s10, $0x4;
	s22 =	smul.u32 $0x50000, s10;
	s4 =	sshll.u32 s2, $0x4  }
0x5: {  	s8 =	ssub.s32 $0x2, s2;
	s2 =	smul.u32 $0x140000, s2;
	s4 =	sor.u32 s10, s4  }
0x6: {  	_ =	strace $0x8000004A;
	s6 =	sand.u32 $0x70, s6;
	s5 =	smul.u32 $0x500, s4  }
0x7: {  	s9 =	sshrl.u32 s8, $0x1;
	s10 =	smul.u32 $0x14000, s10;
	s4 =	sshll.u32 s4, $0x4  }
0x8: {  	s8 =	ssub.s32 s8, s9;
	s4 =	sand.u32 $0x180, s4;
	s7 =	sadd.s32 s5, s0  }
0x9: {  	s2 =	sadd.s32 s2, s10;
	s4 =	sor.u32 s6, s4;
	s23 =	sadd.s32 $0x2C00, s7  }
0xa: {  	s5 =	sshrl.u32 s22, $0x2;
	s25 =	sadd.s32 $0x5D600, s7;
	[dreg:$0x4] =	wrdreg s23  }
0xb: {  	s6 =	sadd.s32 s4, s0;
	s31 =	sadd.s32 s5, s1;
	[dreg:$0x6] =	wrdreg s25  }
0xc: {  	s26 =	sshrl.u32 s2, $0x3;
	s24 =	sadd.s32 $0x2A00, s6;
	[dreg:$0x3] =	wrdreg s31  }
0xd: {  	s4 =	sadd.s32 $0xCC00, s0;
	s30 =	sadd.s32 $0x5D400, s6;
	[dreg:$0x5] =	wrdreg s24  }
0xe: {  	s0 =	sadd.s32 $0x67600, s0;
	s6 =	smax.u32 s8, $0x1;
	[dreg:$0x7] =	wrdreg s30  }
0xf: {  	s7 =	sadd.s32 s0, s26;
	[dreg:$0x8] =	wrdreg s6  }
0x10: {  	s8 =	sadd.s32 $0x1000, s31;
	[dreg:$0x9] =	wrdreg s7  }
0x11: {  	s9 =	sadd.s32 $0x2000, s31;
	[dreg:$0xa] =	wrdreg s8  }
0x12: {  	s10 =	sadd.s32 $0x3000, s31;
	[dreg:$0xb] =	wrdreg s9  }
0x13: {  	s11 =	sadd.s32 $0x4000, s31;
	[dreg:$0xc] =	wrdreg s10  }
0x14: {  	s12 =	sadd.s32 $0x5000, s31;
	[dreg:$0xd] =	wrdreg s11  }
0x15: {  	s13 =	sadd.s32 $0x6000, s31;
	[dreg:$0xe] =	wrdreg s12  }
0x16: {  	s14 =	sadd.s32 $0x7000, s31;
	[dreg:$0xf] =	wrdreg s13  }
0x17: {  	s15 =	sadd.s32 $0x8000, s31;
	[dreg:$0x10] =	wrdreg s14  }
0x18: {  	s16 =	sadd.s32 $0x9000, s31;
	[dreg:$0x11] =	wrdreg s15  }
0x19: {  	s17 =	sadd.s32 $0xA000, s31;
	[dreg:$0x12] =	wrdreg s16  }
0x1a: {  	s18 =	sadd.s32 $0xB000, s31;
	[dreg:$0x13] =	wrdreg s17  }
0x1b: {  	s19 =	sadd.s32 $0xC000, s31;
	[dreg:$0x14] =	wrdreg s18  }
0x1c: {  	s20 =	sadd.s32 $0xD000, s31;
	[dreg:$0x15] =	wrdreg s19  }
0x1d: {  	s21 =	sadd.s32 $0xE000, s31;
	[dreg:$0x16] =	wrdreg s20  }
0x1e: {  	s22 =	sadd.s32 $0xF000, s31;
	[dreg:$0x17] =	wrdreg s21  }
0x1f: {  	s28 =	simm.s32 $0xA;
	s23 =	sadd.s32 $0x10000, s31;
	[dreg:$0x18] =	wrdreg s22  }
0x20: {  	s2 =	sor.u32 $0x1000, s2;
	s25 =	sadd.s32 $0x11000, s31;
	[dreg:$0x19] =	wrdreg s23  }
0x21: {  	s2 =	sshrl.u32 s2, $0x3;
	s26 =	sadd.s32 $0x12000, s31;
	[dreg:$0x1a] =	wrdreg s25  }
0x22: {  	s29 =	simm.s32 $0xB;
	s24 =	sadd.s32 s2, s0;
	[dreg:$0x1b] =	wrdreg s26  }
0x23: {  	s30 =	sadd.s32 $0x13000, s31;
	s2 =	simm.s32 $0xA100;
	s6 =	simm.s32 $0xD  }
0x24: {  	s9 =	simm.s32 $0x1;
	s10 =	simm.s32 $0x2;
	s11 =	simm.s32 $0x7  }
0x25: {  	s13 =	simm.s32 $0xC;
	s14 =	simm.s32 $0x20;
	s15 =	simm.s32 $0x2880  }
0x26: {  	s16 =	simm.s32 $0x3880;
	s17 =	simm.s32 $0x4880;
	s18 =	simm.s32 $0x5880  }
0x27: {  	s19 =	simm.s32 $0x6880;
	s20 =	simm.s32 $0x3;
	s21 =	simm.s32 $0x4  }
0x28: {  	s22 =	simm.s32 $0x5;
	s23 =	simm.s32 $0x6;
	s25 =	simm.s32 $0x8  }
0x29: {  	v0 =	vimm.f32 $0.0e+00;
	s26 =	simm.s32 $0x9;
	s7 =	simm.s32 $0xE;
	[dreg:$0x1c] =	wrdreg s30  }
.LBB2_1:
0x2a: {  	s0 =	simm.s32 $0x0;
	s8 =	simm.s32 $0x200  }
.LBB2_2:
0x2b: {  	p0 =	sne.s32 s8, $0x3E00;
	[tilespmem:s0+$0xA170] =	vst v0  }
0x2c: {  	[tilespmem:s0+$0xA100] =	vst v0  }
0x2d: {  	[tilespmem:s0+$0xA110] =	vst v0  }
.Ltmp0:
0x2e: {  	[tilespmem:s0+$0xA120] =	vst v0;
	(pc) =	sbr.rel @p0 .LBB2_2-.Ltmp0, $4  }
0x2f: {  	[tilespmem:s0+$0xA130] =	vst v0  }
0x30: {  	[tilespmem:s0+$0xA140] =	vst v0  }
0x31: {  	[tilespmem:s0+$0xA150] =	vst v0  }
0x32: {  	[tilespmem:s0+$0xA160] =	vst v0;
	s0 =	sshra.s32 s8, $0x2;
	s8 =	sadd.s32 $0x200, s8  }
0x33: {  	[tilespmem:s0+$0xA170] =	vst v0  }
0x34: {  	[tilespmem:s0+$0xA100] =	vst v0  }
0x35: {  	[tilespmem:s0+$0xA110] =	vst v0  }
0x36: {  	[tilespmem:s0+$0xA120] =	vst v0  }
0x37: {  	[tilespmem:s0+$0xA130] =	vst v0  }
0x38: {  	[tilespmem:s0+$0xA140] =	vst v0  }
0x39: {  	[tilespmem:s0+$0xA150] =	vst v0  }
0x3a: {  	[tilespmem:s0+$0xA160] =	vst v0  }
0x3b: {  	[spmem:s31] =	stream.linear.scatter [tilespmem:s2], [sflag:$0xD], $0x1000, $0x38;
	[tilespmem:$0x1F100] =	vst v63  }
0x3c: {  	s12 =	rddreg [dreg:$0xa]  }
0x3d: {  	[spmem:s12] =	stream.linear.scatter [tilespmem:s2], [sflag:$0xD], $0x1000, $0x38;
	[tilespmem:$0x1F100] =	vst v63  }
0x3e: {  	_ =	swait.ge [sflag:s6], $0x1000  }
0x3f: {  	[sflag:s6] =	ssyncset.done $0x0  }
0x40: {  	s30 =	rddreg [dreg:$0xb];
	[sflag:s6] =	ssyncadd.s32 $0xFFFFF000  }
0x41: {  	[spmem:s30] =	stream.linear.scatter [tilespmem:s2], [sflag:$0xD], $0x1000, $0x38;
	[tilespmem:$0x1F100] =	vst v63  }
0x42: {  	_ =	swait.ge [sflag:s6], $0x1000  }
0x43: {  	[sflag:s6] =	ssyncset.done $0x0  }
0x44: {  	s5 =	rddreg [dreg:$0xc];
	[sflag:s6] =	ssyncadd.s32 $0xFFFFF000  }
0x45: {  	[spmem:s5] =	stream.linear.scatter [tilespmem:s2], [sflag:$0xD], $0x1000, $0x38;
	[tilespmem:$0x1F100] =	vst v63  }
0x46: {  	_ =	swait.ge [sflag:s6], $0x1000  }
0x47: {  	[sflag:s6] =	ssyncset.done $0x0  }
0x48: {  	s8 =	rddreg [dreg:$0xd];
	[sflag:s6] =	ssyncadd.s32 $0xFFFFF000  }
0x49: {  	[spmem:s8] =	stream.linear.scatter [tilespmem:s2], [sflag:$0xD], $0x1000, $0x38;
	[tilespmem:$0x1F100] =	vst v63  }
0x4a: {  	_ =	swait.ge [sflag:s6], $0x1000  }
0x4b: {  	[sflag:s6] =	ssyncset.done $0x0  }
0x4c: {  	s12 =	rddreg [dreg:$0xe];
	[sflag:s6] =	ssyncadd.s32 $0xFFFFF000  }
0x4d: {  	[spmem:s12] =	stream.linear.scatter [tilespmem:s2], [sflag:$0xD], $0x1000, $0x38;
	[tilespmem:$0x1F100] =	vst v63  }
0x4e: {  	_ =	swait.ge [sflag:s6], $0x1000  }
0x4f: {  	[sflag:s6] =	ssyncset.done $0x0  }
0x50: {  	s30 =	rddreg [dreg:$0xf];
	[sflag:s6] =	ssyncadd.s32 $0xFFFFF000  }
0x51: {  	[spmem:s30] =	stream.linear.scatter [tilespmem:s2], [sflag:$0xD], $0x1000, $0x38;
	[tilespmem:$0x1F100] =	vst v63  }
0x52: {  	_ =	swait.ge [sflag:s6], $0x1000  }
0x53: {  	[sflag:s6] =	ssyncset.done $0x0  }
0x54: {  	s5 =	rddreg [dreg:$0x10];
	[sflag:s6] =	ssyncadd.s32 $0xFFFFF000  }
0x55: {  	[spmem:s5] =	stream.linear.scatter [tilespmem:s2], [sflag:$0xD], $0x1000, $0x38;
	[tilespmem:$0x1F100] =	vst v63  }
0x56: {  	_ =	swait.ge [sflag:s6], $0x1000  }
0x57: {  	[sflag:s6] =	ssyncset.done $0x0  }
0x58: {  	s8 =	rddreg [dreg:$0x11];
	[sflag:s6] =	ssyncadd.s32 $0xFFFFF000  }
0x59: {  	[spmem:s8] =	stream.linear.scatter [tilespmem:s2], [sflag:$0xD], $0x1000, $0x38;
	[tilespmem:$0x1F100] =	vst v63  }
0x5a: {  	_ =	swait.ge [sflag:s6], $0x1000  }
0x5b: {  	[sflag:s6] =	ssyncset.done $0x0  }
0x5c: {  	s12 =	rddreg [dreg:$0x12];
	[sflag:s6] =	ssyncadd.s32 $0xFFFFF000  }
0x5d: {  	[spmem:s12] =	stream.linear.scatter [tilespmem:s2], [sflag:$0xD], $0x1000, $0x38;
	[tilespmem:$0x1F100] =	vst v63  }
0x5e: {  	_ =	swait.ge [sflag:s6], $0x1000  }
0x5f: {  	[sflag:s6] =	ssyncset.done $0x0  }
0x60: {  	s30 =	rddreg [dreg:$0x13];
	[sflag:s6] =	ssyncadd.s32 $0xFFFFF000  }
0x61: {  	[spmem:s30] =	stream.linear.scatter [tilespmem:s2], [sflag:$0xD], $0x1000, $0x38;
	[tilespmem:$0x1F100] =	vst v63  }
0x62: {  	_ =	swait.ge [sflag:s6], $0x1000  }
0x63: {  	[sflag:s6] =	ssyncset.done $0x0  }
0x64: {  	s5 =	rddreg [dreg:$0x14];
	[sflag:s6] =	ssyncadd.s32 $0xFFFFF000  }
0x65: {  	[spmem:s5] =	stream.linear.scatter [tilespmem:s2], [sflag:$0xD], $0x1000, $0x38;
	[tilespmem:$0x1F100] =	vst v63  }
0x66: {  	_ =	swait.ge [sflag:s6], $0x1000  }
0x67: {  	[sflag:s6] =	ssyncset.done $0x0  }
0x68: {  	s8 =	rddreg [dreg:$0x15];
	[sflag:s6] =	ssyncadd.s32 $0xFFFFF000  }
0x69: {  	[spmem:s8] =	stream.linear.scatter [tilespmem:s2], [sflag:$0xD], $0x1000, $0x38;
	[tilespmem:$0x1F100] =	vst v63  }
0x6a: {  	_ =	swait.ge [sflag:s6], $0x1000  }
0x6b: {  	[sflag:s6] =	ssyncset.done $0x0  }
0x6c: {  	s12 =	rddreg [dreg:$0x16];
	[sflag:s6] =	ssyncadd.s32 $0xFFFFF000  }
0x6d: {  	[spmem:s12] =	stream.linear.scatter [tilespmem:s2], [sflag:$0xD], $0x1000, $0x38;
	[tilespmem:$0x1F100] =	vst v63  }
0x6e: {  	_ =	swait.ge [sflag:s6], $0x1000  }
0x6f: {  	[sflag:s6] =	ssyncset.done $0x0  }
0x70: {  	s30 =	rddreg [dreg:$0x17];
	[sflag:s6] =	ssyncadd.s32 $0xFFFFF000  }
0x71: {  	[spmem:s30] =	stream.linear.scatter [tilespmem:s2], [sflag:$0xD], $0x1000, $0x38;
	[tilespmem:$0x1F100] =	vst v63  }
0x72: {  	_ =	swait.ge [sflag:s6], $0x1000  }
0x73: {  	[sflag:s6] =	ssyncset.done $0x0  }
0x74: {  	s5 =	rddreg [dreg:$0x18];
	[sflag:s6] =	ssyncadd.s32 $0xFFFFF000  }
0x75: {  	[spmem:s5] =	stream.linear.scatter [tilespmem:s2], [sflag:$0xD], $0x1000, $0x38;
	[tilespmem:$0x1F100] =	vst v63  }
0x76: {  	_ =	swait.ge [sflag:s6], $0x1000  }
0x77: {  	[sflag:s6] =	ssyncset.done $0x0  }
0x78: {  	s8 =	rddreg [dreg:$0x19];
	[sflag:s6] =	ssyncadd.s32 $0xFFFFF000  }
0x79: {  	[spmem:s8] =	stream.linear.scatter [tilespmem:s2], [sflag:$0xD], $0x1000, $0x38;
	[tilespmem:$0x1F100] =	vst v63  }
0x7a: {  	_ =	swait.ge [sflag:s6], $0x1000  }
0x7b: {  	[sflag:s6] =	ssyncset.done $0x0  }
0x7c: {  	s12 =	rddreg [dreg:$0x1a];
	[sflag:s6] =	ssyncadd.s32 $0xFFFFF000  }
0x7d: {  	[spmem:s12] =	stream.linear.scatter [tilespmem:s2], [sflag:$0xD], $0x1000, $0x38;
	[tilespmem:$0x1F100] =	vst v63  }
0x7e: {  	_ =	swait.ge [sflag:s6], $0x1000  }
0x7f: {  	[sflag:s6] =	ssyncset.done $0x0  }
0x80: {  	s30 =	rddreg [dreg:$0x1b];
	[sflag:s6] =	ssyncadd.s32 $0xFFFFF000  }
0x81: {  	[spmem:s30] =	stream.linear.scatter [tilespmem:s2], [sflag:$0xD], $0x1000, $0x38;
	[tilespmem:$0x1F100] =	vst v63  }
0x82: {  	_ =	swait.ge [sflag:s6], $0x1000  }
0x83: {  	[sflag:s6] =	ssyncset.done $0x0  }
0x84: {  	s5 =	rddreg [dreg:$0x1c];
	[sflag:s6] =	ssyncadd.s32 $0xFFFFF000  }
0x85: {  	[spmem:s5] =	stream.linear.scatter [tilespmem:s2], [sflag:$0xD], $0x1000, $0x38;
	[tilespmem:$0x1F100] =	vst v63  }
0x86: {  	_ =	swait.ge [sflag:s6], $0x1000  }
0x87: {  	s31 =	simm.s32 $0x0;
	[sflag:s6] =	ssyncset.done $0x0  }
0x88: {  	s5 =	simm.s32 $0x7880;
	s8 =	rddreg [dreg:$0x4];
	[sflag:s6] =	ssyncadd.s32 $0xFFFFF000  }
0x89: {  	[tilespmem:s5], [sflag:$0xC] =	stream.linear.gather [hbm4b:s8+s31], $0x2700, $0x38;
	[tilespmem:$0x1F100] =	vst v63  }
0x8a: {  	s30 =	simm.s32 $0xA080;
	s12 =	rddreg [dreg:$0x5]  }
0x8b: {  	[tilespmem:s30], [sflag:$0x7] =	stream.linear.gather [hbm4b:s12+s31], $0x80, $0x38;
	[tilespmem:$0x1F100] =	vst v63  }
0x8c: {  	s8 =	rddreg [dreg:$0x6]  }
0x8d: {  	[tilespmem:s31], [sflag:$0x1] =	stream.linear.gather [hbm4b:s8+s31], $0x2700, $0x38;
	[tilespmem:$0x1F100] =	vst v63  }
0x8e: {  	s12 =	rddreg [dreg:$0x7];
	s30 =	simm.s32 $0x2800  }
0x8f: {  	[tilespmem:s30], [sflag:$0x2] =	stream.linear.gather [hbm4b:s12+s31], $0x80, $0x38;
	[tilespmem:$0x1F100] =	vst v63  }
0x90: {  	_ =	swait.ge [sflag:s9], $0x2700  }
0x91: {  	[sflag:s9] =	ssyncset.done $0x0  }
0x92: {  	[sflag:s9] =	ssyncadd.s32 $0xFFFFD900  }
0x93: {  	_ =	swait.ge [sflag:s10], $0x80  }
0x94: {  	[sflag:s10] =	ssyncset.done $0x0  }
0x95: {  	[sflag:s10] =	ssyncadd.s32 $0xFFFFFF80  }
0x96: {  	_ =	swait.ge [sflag:s11], $0x80  }
0x97: {  	[sflag:s11] =	ssyncset.done $0x0  }
0x98: {  	[sflag:s11] =	ssyncadd.s32 $0xFFFFFF80  }
0x99: {  	_ =	swait.ge [sflag:s13], $0x2700  }
0x9a: {  	[sflag:s13] =	ssyncset.done $0x0  }
0x9b: {  	[sflag:s13] =	ssyncadd.s32 $0xFFFFD900  }
0x9c: {  	_ =	swait.ge [sflag:s6], $0x1000  }
0x9d: {  	[sflag:s6] =	ssyncset.done $0x0  }
0x9e: {  	[sflag:s6] =	ssyncadd.s32 $0xFFFFF000  }
0x9f: {  	[tilespmem:s2], [sflag:$0x1] =	stream.indirect.gather [hbm4b:s4+s14], $0x80, s31, s14, $0xb8;
	[tilespmem:$0x1F100] =	vst v63  }
0xa0: {  	_ = 	snop  }
0xa1: {  	[tilespmem:s15], [sflag:$0x2] =	stream.indirect.gather [hbm4b:s4+s14], $0x80, s14, s14, $0xb8;
	[tilespmem:$0x1F100] =	vst v63  }
0xa2: {  	s5 =	simm.s32 $0x40  }
0xa3: {  	[tilespmem:s16], [sflag:$0x3] =	stream.indirect.gather [hbm4b:s4+s14], $0x80, s5, s14, $0xb8;
	[tilespmem:$0x1F100] =	vst v63  }
0xa4: {  	s8 =	simm.s32 $0x60  }
0xa5: {  	[tilespmem:s17], [sflag:$0x4] =	stream.indirect.gather [hbm4b:s4+s14], $0x80, s8, s14, $0xb8;
	[tilespmem:$0x1F100] =	vst v63  }
0xa6: {  	s12 =	simm.s32 $0x80  }
0xa7: {  	[tilespmem:s18], [sflag:$0x5] =	stream.indirect.gather [hbm4b:s4+s14], $0x80, s12, s14, $0xb8;
	[tilespmem:$0x1F100] =	vst v63  }
0xa8: {  	s30 =	simm.s32 $0xA0  }
0xa9: {  	[tilespmem:s19], [sflag:$0x6] =	stream.indirect.gather [hbm4b:s4+s14], $0x80, s30, s14, $0xb8;
	[tilespmem:$0x1F100] =	vst v63  }
0xaa: {  	s0 =	simm.s32 $0x160;
	s8 =	simm.s32 $0x580;
	[bflag:$0x0] =	sbarrier.arrive $0xFFFF  }
.LBB2_4:
0xab: {  	s30 =	sadd.s32 $0xFFFFFA80, s8  }
0xac: {  	s5 =	sand.u32 $0xFE00, s30  }
0xad: {  	_ =	swait.ge [sflag:s9], $0x1000;
	s30 =	sand.u32 $0x40, s31;
	s5 =	sshrl.u32 s5, $0x2  }
0xae: {  	[sflag:s9] =	ssyncset.done $0x0;
	s5 =	sor.u32 s30, s5  }
0xaf: {  	[sflag:s9] =	ssyncadd.s32 $0xFFFFF000;
	s12 =	sadd.s32 $0x7880, s5  }
0xb0: {  	[spmem:s1] =	stream.indirect.scatter.add.f32 [tilespmem:s2], [sflag:$0xC], $0x80, s12, s14, $0xb8;
	[tilespmem:$0x1F100] =	vst v63  }
0xb1: {  	_ =	swait.ge [sflag:s10], $0x1000  }
0xb2: {  	[sflag:s10] =	ssyncset.done $0x0  }
0xb3: {  	s5 =	sadd.s32 $0x78A0, s5;
	[sflag:s10] =	ssyncadd.s32 $0xFFFFF000  }
0xb4: {  	[spmem:s1] =	stream.indirect.scatter.add.f32 [tilespmem:s15], [sflag:$0x7], $0x80, s5, s14, $0xb8;
	[tilespmem:$0x1F100] =	vst v63  }
0xb5: {  	s5 =	sadd.s32 $0xFFFFFB80, s8  }
0xb6: {  	s12 =	sadd.s32 $0xFFFFFEE0, s0;
	s5 =	sand.u32 $0x1FE00, s5  }
0xb7: {  	s12 =	sand.u32 $0x40, s12;
	_ =	swait.ge [sflag:s20], $0x1000;
	s5 =	sshrl.u32 s5, $0x2  }
0xb8: {  	[sflag:s20] =	ssyncset.done $0x0;
	s5 =	sor.u32 s12, s5  }
0xb9: {  	[sflag:s20] =	ssyncadd.s32 $0xFFFFF000;
	s5 =	sadd.s32 $0x7880, s5  }
0xba: {  	[spmem:s1] =	stream.indirect.scatter.add.f32 [tilespmem:s16], [sflag:$0x8], $0x80, s5, s14, $0xb8;
	[tilespmem:$0x1F100] =	vst v63  }
0xbb: {  	s5 =	sadd.s32 $0xFFFFFC00, s8  }
0xbc: {  	s12 =	sadd.s32 $0xFFFFFF00, s0;
	s5 =	sand.u32 $0x1FE00, s5  }
0xbd: {  	s12 =	sand.u32 $0x60, s12;
	_ =	swait.ge [sflag:s21], $0x1000;
	s5 =	sshrl.u32 s5, $0x2  }
0xbe: {  	[sflag:s21] =	ssyncset.done $0x0;
	s5 =	sor.u32 s12, s5  }
0xbf: {  	[sflag:s21] =	ssyncadd.s32 $0xFFFFF000;
	s12 =	sadd.s32 $0xFFFFFC80, s8;
	s5 =	sadd.s32 $0x7880, s5  }
0xc0: {  	[spmem:s1] =	stream.indirect.scatter.add.f32 [tilespmem:s17], [sflag:$0x9], $0x80, s5, s14, $0xb8;
	[tilespmem:$0x1F100] =	vst v63  }
0xc1: {  	s5 =	sand.u32 $0x1FE00, s12  }
0xc2: {  	_ =	swait.ge [sflag:s22], $0x1000;
	s5 =	sshrl.u32 s5, $0x2  }
0xc3: {  	[sflag:s22] =	ssyncset.done $0x0;
	s5 =	sor.u32 s30, s5  }
0xc4: {  	[sflag:s22] =	ssyncadd.s32 $0xFFFFF000;
	s5 =	sadd.s32 $0x7880, s5  }
0xc5: {  	[spmem:s1] =	stream.indirect.scatter.add.f32 [tilespmem:s18], [sflag:$0xA], $0x80, s5, s14, $0xb8;
	[tilespmem:$0x1F100] =	vst v63  }
0xc6: {  	s5 =	sadd.s32 $0xFFFFFD00, s8  }
0xc7: {  	s12 =	sadd.s32 $0xFFFFFF40, s0;
	s5 =	sand.u32 $0x1FE00, s5  }
0xc8: {  	s12 =	sand.u32 $0x60, s12;
	_ =	swait.ge [sflag:s23], $0x1000;
	s5 =	sshrl.u32 s5, $0x2  }
0xc9: {  	p0 =	sne.s32 s8, $0x9E80;
	[sflag:s23] =	ssyncset.done $0x0;
	s5 =	sor.u32 s12, s5  }
.Ltmp1:
0xca: {  	[sflag:s23] =	ssyncadd.s32 $0xFFFFF000;
	s5 =	sadd.s32 $0x7880, s5;
	(pc) =	sbr.rel @!p0 .LBB2_5-.Ltmp1, $4  }
0xcb: {  	[spmem:s1] =	stream.indirect.scatter.add.f32 [tilespmem:s19], [sflag:$0xB], $0x80, s5, s14, $0xb8;
	[tilespmem:$0x1F100] =	vst v63  }
0xcc: {  	_ =	swait.ge [sflag:s13], $0x1000  }
0xcd: {  	[sflag:s13] =	ssyncset.done $0x0  }
0xce: {  	[sflag:s13] =	ssyncadd.s32 $0xFFFFF000  }
0xcf: {  	s5 =	sadd.s32 $0xFFFFFD80, s8  }
0xd0: {  	s12 =	sadd.s32 $0xFFFFFF60, s0;
	s5 =	sand.u32 $0x1FE00, s5  }
0xd1: {  	s12 =	sand.u32 $0x40, s12;
	s5 =	sshrl.u32 s5, $0x2  }
0xd2: {  	s5 =	sor.u32 s12, s5  }
0xd3: {  	[tilespmem:s2], [sflag:$0x1] =	stream.indirect.gather [hbm4b:s4+s14], $0x80, s5, s14, $0xb8;
	[tilespmem:$0x1F100] =	vst v63  }
0xd4: {  	s5 =	sadd.s32 $0xFFFFFE00, s8  }
0xd5: {  	s12 =	sadd.s32 $0xFFFFFF80, s0;
	_ =	swait.ge [sflag:s11], $0x1000;
	s5 =	sand.u32 $0x1FE00, s5  }
0xd6: {  	s12 =	sand.u32 $0x60, s12;
	[sflag:s11] =	ssyncset.done $0x0;
	s5 =	sshrl.u32 s5, $0x2  }
0xd7: {  	[sflag:s11] =	ssyncadd.s32 $0xFFFFF000;
	s5 =	sor.u32 s12, s5;
	s12 =	sadd.s32 $0xFFFFFE80, s8  }
0xd8: {  	[tilespmem:s15], [sflag:$0x2] =	stream.indirect.gather [hbm4b:s4+s14], $0x80, s5, s14, $0xb8;
	[tilespmem:$0x1F100] =	vst v63  }
0xd9: {  	s5 =	sand.u32 $0x1FE00, s12;
	_ =	swait.ge [sflag:s25], $0x1000  }
0xda: {  	s5 =	sshrl.u32 s5, $0x2;
	[sflag:s25] =	ssyncset.done $0x0  }
0xdb: {  	s12 =	sadd.s32 $0xFFFFFF00, s8;
	s5 =	sor.u32 s30, s5;
	[sflag:s25] =	ssyncadd.s32 $0xFFFFF000  }
0xdc: {  	[tilespmem:s16], [sflag:$0x3] =	stream.indirect.gather [hbm4b:s4+s14], $0x80, s5, s14, $0xb8;
	[tilespmem:$0x1F100] =	vst v63  }
0xdd: {  	s30 =	sadd.s32 $0xFFFFFFC0, s0;
	s5 =	sand.u32 $0x1FE00, s12;
	_ =	swait.ge [sflag:s26], $0x1000  }
0xde: {  	s12 =	sand.u32 $0x60, s30;
	s5 =	sshrl.u32 s5, $0x2;
	[sflag:s26] =	ssyncset.done $0x0  }
0xdf: {  	s5 =	sor.u32 s12, s5;
	s12 =	sadd.s32 $0xFFFFFF80, s8;
	[sflag:s26] =	ssyncadd.s32 $0xFFFFF000  }
0xe0: {  	[tilespmem:s17], [sflag:$0x4] =	stream.indirect.gather [hbm4b:s4+s14], $0x80, s5, s14, $0xb8;
	[tilespmem:$0x1F100] =	vst v63  }
0xe1: {  	s30 =	sadd.s32 $0xFFFFFFE0, s0;
	s5 =	sand.u32 $0x1FE00, s12;
	_ =	swait.ge [sflag:s28], $0x1000  }
0xe2: {  	s12 =	sand.u32 $0x40, s30;
	s5 =	sshrl.u32 s5, $0x2;
	[sflag:s28] =	ssyncset.done $0x0  }
0xe3: {  	s5 =	sor.u32 s12, s5;
	s12 =	sand.u32 $0x1FE00, s8;
	s8 =	sadd.s32 $0x300, s8  }
0xe4: {  	[sflag:s28] =	ssyncadd.s32 $0xFFFFF000;
	p0 =	sne.s32 s8, $0xA180  }
0xe5: {  	[tilespmem:s18], [sflag:$0x5] =	stream.indirect.gather [hbm4b:s4+s14], $0x80, s5, s14, $0xb8;
	[tilespmem:$0x1F100] =	vst v63  }
.Ltmp2:
0xe6: {  	_ = 	snop;
	(pc) =	sbr.rel @p0 .LBB2_4-.Ltmp2, $4  }
.Ltmp3:
0xe7: {  	s31 =	sadd.s32 $0x40, s31;
	_ =	swait.ge [sflag:s29], $0x1000;
	(pc) =	sbr.rel @!p0 .LBB2_7-.Ltmp3, $4  }
0xe8: {  	s30 =	sand.u32 $0x60, s0;
	s5 =	sshrl.u32 s12, $0x2;
	[sflag:s29] =	ssyncset.done $0x0  }
0xe9: {  	s0 =	sadd.s32 $0xC0, s0;
	s5 =	sor.u32 s30, s5;
	[sflag:s29] =	ssyncadd.s32 $0xFFFFF000  }
0xea: {  	[tilespmem:s19], [sflag:$0x6] =	stream.indirect.gather [hbm4b:s4+s14], $0x80, s5, s14, $0xb8;
	[tilespmem:$0x1F100] =	vst v63  }
0xeb: {  	_ = 	snop  }
.LBB2_5:
0xec: {  	_ =	swait.ge [sflag:s11], $0x1000  }
0xed: {  	[sflag:s11] =	ssyncset.done $0x0  }
0xee: {  	[sflag:s11] =	ssyncadd.s32 $0xFFFFF000  }
0xef: {  	_ =	swait.ge [sflag:s25], $0x1000  }
0xf0: {  	[sflag:s25] =	ssyncset.done $0x0  }
0xf1: {  	[sflag:s25] =	ssyncadd.s32 $0xFFFFF000  }
0xf2: {  	_ =	swait.ge [sflag:s26], $0x1000  }
0xf3: {  	[sflag:s26] =	ssyncset.done $0x0  }
0xf4: {  	[sflag:s26] =	ssyncadd.s32 $0xFFFFF000  }
0xf5: {  	_ =	swait.ge [sflag:s28], $0x1000  }
0xf6: {  	[sflag:s28] =	ssyncset.done $0x0  }
0xf7: {  	[sflag:s28] =	ssyncadd.s32 $0xFFFFF000  }
0xf8: {  	_ =	swait.ge [sflag:s29], $0x1000  }
0xf9: {  	[sflag:s29] =	ssyncset.done $0x0  }
0xfa: {  	[sflag:s29] =	ssyncadd.s32 $0xFFFFF000  }
.LBB2_7:
0xfb: {  	s0 =	simm.s32 $0x2800;
	s5 =	simm.s32 $0x10  }
0xfc: {  	[tilespmem:s2], [sflag:$0xE] =	stream.indirect.gather [hbm4b:s4+s5], $0x80, s0, s5, $0xb8;
	[tilespmem:$0x1F100] =	vst v63  }
0xfd: {  	_ =	swait.ge [sflag:s7], $0x800  }
0xfe: {  	[sflag:s7] =	ssyncset.done $0x0  }
0xff: {  	s12 =	simm.s32 $0xA080;
	[sflag:s7] =	ssyncadd.s32 $0xFFFFF800  }
0x100: {  	[spmem:s1] =	stream.indirect.scatter.add.f32 [tilespmem:s2], [sflag:$0xE], $0x80, s12, s5, $0xb8;
	[tilespmem:$0x1F100] =	vst v63  }
0x101: {  	_ =	swait.ge [sflag:s7], $0x800  }
0x102: {  	[sflag:s7] =	ssyncset.done $0x0  }
0x103: {  	[sflag:s7] =	ssyncadd.s32 $0xFFFFF800  }
0x104: {  	s8 =	stileid.u32;
	[bflag:$0x0] =	sbarrier.arrive $0xFFFF  }
0x105: {  	s0 =	sshll.u32 s8, $0x6;
	s31 =	rddreg [dreg:$0x3]  }
0x106: {  	s0 =	sor.u32 $0x1C0D, s0;
	s8 =	rddreg [dreg:$0x9];
	s12 =	sshrl.u32 s31, $0x3  }
0x107: {  	[hbm:s8], [sflag:s0] =	dma.local [spmem:s12], $0x200  }
0x108: {  	s12 =	rddreg [dreg:$0xa]  }
0x109: {  	s5 =	sadd.s32 $0x0, s24;
	s8 =	sshrl.u32 s12, $0x3  }
0x10a: {  	[hbm:s5], [sflag:s0] =	dma.local [spmem:s8], $0x200  }
0x10b: {  	_ =	swait.ge [sflag:s6], $0x200  }
0x10c: {  	s30 =	sadd.s32 $0x1000, s12;
	s8 =	simm.s32 $0x200;
	[sflag:s6] =	ssyncset.done $0x0  }
.LBB2_8:
0x10d: {  	s5 =	sadd.s32 s8, s24  }
0x10e: {  	s12 =	sshrl.u32 s30, $0x3;
	[sflag:s6] =	ssyncadd.s32 $0xFFFFFE00;
	p0 =	sne.s32 s8, $0x2400  }
0x10f: {  	[hbm:s5], [sflag:s0] =	dma.local [spmem:s12], $0x200  }
.Ltmp4:
0x110: {  	_ = 	snop;
	(pc) =	sbr.rel @p0 .LBB2_8-.Ltmp4, $4  }
0x111: {  	_ = 	snop  }
0x112: {  	s8 =	sadd.s32 $0x200, s8  }
0x113: {  	_ =	swait.ge [sflag:s6], $0x200  }
0x114: {  	s30 =	sadd.s32 $0x1000, s30;
	[sflag:s6] =	ssyncset.done $0x0  }
0x115: {  	[sflag:s6] =	ssyncadd.s32 $0xFFFFFE00  }
0x116: {  	_ =	swait.ge [sflag:s6], $0x200  }
0x117: {  	s3 =	sadd.s32 $0x1, s3;
	s0 =	rddreg [dreg:$0x8]  }
0x118: {  	p0 =	sne.s32 s3, s0  }
.Ltmp5:
0x119: {  	_ = 	snop;
	(pc) =	sbr.rel @p0 .LBB2_1-.Ltmp5, $3  }
0x11a: {  	_ =	sdelay $0x1  }
0x11b: {  	[sflag:s6] =	ssyncset.done $0x0  }
0x11c: {  	[sflag:s6] =	ssyncadd.s32 $0xFFFFFE00  }
0x11d: {  	_ =	sfence.sel $0x180000  }
0x11e: {  	[bflag:$0x0] =	sbarrier.arrive $0xFFFF  }
0x11f: {  	_ =	strace $0x9000004A  }
0x120: {  	s0 =	stileid.u32;
	[bflag:$0x2] =	sbarrier.arrive $0xFFFF  }
0x121: {  	p0 =	sne.s32 s0, $0x0;
	s0 =	rddreg [dreg:$0x2]  }
0x122: {  	s0 =	sadd.s32 @!p0 $0x100000, s0  }
0x123: {  	[sflag:s0] =	ssyncadd.tile.s32 @!p0 $0x1;
	_ =	shalt  }
.Lfunc_end2:
_tile_overlayer_lowered:
.L_overlay_start_2:
0x124: {  	(tag) =	ssettag $0x2  }
0x125: {  	s0 =	rddreg [dreg:$0x0];
	s2 =	stileid.u32  }
0x126: {  	s1 =	rddreg [dreg:$0x1];
	p0 =	sne.s32 s2, $0x0  }
0x127: {  	s3 =	rddreg [dreg:$0x2];
	[bflag:$0x3] =	sbarrier.arrive $0xFFFF;
	s2 =	simm.s32 @!p0 $0x1C0E  }
0x128: {  	[timem:s3], [sflag:s2] =	dma.local @!p0 [hbm:s0], s1  }
0x129: {  	s0 =	simm.s32 @!p0 $0xE  }
0x12a: {  	_ =	swait.ge @!p0 [sflag:s0], s1  }
0x12b: {  	s1 =	ssub.s32 @!p0 $0x0, s1;
	[sflag:s0] =	ssyncset.done @!p0 $0x0  }
0x12c: {  	[sflag:s0] =	ssyncadd.s32 @!p0 s1  }
0x12d: {  	[bflag:$0x3] =	sbarrier.arrive $0xFFFF  }
0x12e: {  	_ =	shalt  }

// kernel: kernel.16.cloned.1.call-start
scs
__scs_entry_jumppad:
0x0: {  	(pc) =	sbr.rel $0x88, $3  }
0x1: {  	(tag) =	ssettag $0x0;
	lr =	simm.s32 $0x1  }
0x2: {  	[smem:$0x3F99] =	sst lr;
	_ =	strace $0xD0000000  }
0x3: {  	_ = 	snop  }
0x4: {  	_ = 	snop  }
0x5: {  	_ = 	snop  }
0x6: {  	_ = 	snop  }
0x7: {  	_ = 	snop  }
__scs_overlays_trampoline_lowered:
0x8: {  	[smem:$0x3FA8] =	sst s0  }
0x9: {  	[smem:$0x3FA9] =	sst s1  }
0xa: {  	[smem:$0x3FAA] =	sst s2  }
0xb: {  	[smem:$0x3FAB] =	sst s3  }
0xc: {  	[smem:$0x3FAC] =	sst s4  }
0xd: {  	[smem:$0x3FAD] =	sst s5  }
0xe: {  	[smem:$0x3FAE] =	sst s6  }
0xf: {  	[smem:$0x3FAF] =	sst s7  }
0x10: {  	[smem:$0x3FB0] =	sst s8  }
0x11: {  	[smem:$0x3FB1] =	sst s9;
	s0 =	simm.s32 @!p0 $0x0  }
0x12: {  	s1 =	sld [smem:$0x3F97];
	s0 =	simm.s32 @p0 $0x1  }
0x13: {  	[smem:$0x3FB2] =	sst s0;
	s0 =	simm.s32 @!p1 $0x0  }
0x14: {  	s2 =	sld [smem:$0x3F96];
	s0 =	simm.s32 @p1 $0x1  }
0x15: {  	[smem:$0x3FB3] =	sst s0;
	s0 =	simm.s32 @!p2 $0x0  }
0x16: {  	s3 =	sld [smem:$0x3FDB];
	s0 =	simm.s32 @p2 $0x1  }
0x17: {  	s4 =	simm.s32 $0x1BF5;
	[smem:$0x3FB5] =	sst s0  }
0x18: {  	s0 =	sld [smem:$0x3F98];
	_ =	swait.ge [sflag:s4], $0x0  }
0x19: {  	s7 =	sld [smem:$0x3F99]  }
0x1a: {  	s8 =	sadd.s32 $0xFFFFE003, lr  }
0x1b: {  	s9 =	sadd.s32 $0xFFFFFEF7, lr;
	s5 =	simm.s32 $0xFFFFFFFF;
	p2 =	slt.u32 s8, $0xFFFFF086  }
0x1c: {  	p1 =	slt.u32 s9, $0xF7A;
	s5 =	simm.s32 @!p2 $0x0  }
0x1d: {  	s5 =	simm.s32 @p1 $0x1;
	p0 =	seq.s32 s7, s2  }
0x1e: {  	s7 =	smul.u32 @!p0 $0xF7A, s2;
	p2 =	seq.s32 @!p0 s5, $0x0  }
0x1f: {  	s9 =	smul.u32 $0xF7A, s1;
	s8 =	simm.s32 @!p0 $0x1BF5;
	p2 =	por !p2, p0  }
0x20: {  	[sflag:s8] =	ssyncset.s32 @!p0 $0xFFFFF086;
	s6 =	sadd.s32 @!p0 s3, s7;
	s7 =	simm.s32 @!p0 $0x108  }
0x21: {  	s3 =	sadd.s32 s3, s9;
	s6 =	sadd.s32 @!p0 $0x88, s6;
	s7 =	simm.s32 @p2 $0x1082  }
0x22: {  	[simem:s7], [sflag:s8] =	dma.local @!p0 [hbm:s6], $0xF7A  }
0x23: {  	s9 =	sor.u32 $0xD0000000, s2;
	s6 =	simm.s32 $0x108;
	_ =	swait.ge @!p0 [sflag:s8], $0x0  }
0x24: {  	s3 =	sadd.s32 $0x88, s3;
	s6 =	simm.s32 @!p1 $0x1082;
	[sflag:s4] =	ssyncset.s32 $0xFFFFF086  }
0x25: {  	[simem:s6], [sflag:s4] =	dma.local [hbm:s3], $0xF7A  }
0x26: {  	[smem:$0x3F99] =	sst s1;
	(tag) =	ssettag s2;
	_ =	strace s9  }
0x27: {  	s1 =	sld [smem:$0x3FA9]  }
0x28: {  	s2 =	sld [smem:$0x3FAA]  }
0x29: {  	s4 =	sld [smem:$0x3FAC]  }
0x2a: {  	p0 =	seq.s32 s5, $0x0;
	s5 =	sld [smem:$0x3FAD]  }
0x2b: {  	s6 =	sld [smem:$0x3FAE]  }
0x2c: {  	s7 =	sld [smem:$0x3FAF]  }
0x2d: {  	s3 =	simm.s32 $0x108;
	s8 =	sld [smem:$0x3FB0]  }
0x2e: {  	s3 =	simm.s32 @!p0 $0x1082;
	s9 =	sld [smem:$0x3FB1]  }
0x2f: {  	lr =	sadd.s32 s0, s3;
	s0 =	sld [smem:$0x3FA8]  }
0x30: {  	s3 =	sld [smem:$0x3FAB]  }
0x31: {  	[smem:$0x3FB4] =	sst s10  }
0x32: {  	s10 =	sld [smem:$0x3FB2];
	_ =	sdelay $0x3  }
0x33: {  	p0 =	seq.s32 s10, $0x1;
	s10 =	sld [smem:$0x3FB4];
	_ =	sdelay $0x3  }
0x34: {  	[smem:$0x3FB4] =	sst s10  }
0x35: {  	s10 =	sld [smem:$0x3FB3];
	_ =	sdelay $0x3  }
0x36: {  	p1 =	seq.s32 s10, $0x1;
	s10 =	sld [smem:$0x3FB4];
	_ =	sdelay $0x3  }
0x37: {  	[smem:$0x3FB4] =	sst s10  }
0x38: {  	s10 =	sld [smem:$0x3FB5]  }
0x39: {  	_ = 	snop;
	(pc) =	sbr.ind lr, $3  }
0x3a: {  	_ = 	snop  }
0x3b: {  	_ = 	snop  }
0x3c: {  	p2 =	seq.s32 s10, $0x1;
	s10 =	sld [smem:$0x3FB4]  }
0x3d: {  	_ =	shalt  }
0x3e: {  	_ =	shalt  }
0x3f: {  	_ =	shalt  }
0x40: {  	_ =	shalt  }
0x41: {  	_ =	shalt  }
0x42: {  	_ =	shalt  }
0x43: {  	_ =	shalt  }
0x44: {  	_ =	shalt  }
0x45: {  	_ =	shalt  }
0x46: {  	_ =	shalt  }
0x47: {  	_ =	shalt  }
0x48: {  	_ =	shalt  }
0x49: {  	_ =	shalt  }
0x4a: {  	_ =	shalt  }
0x4b: {  	_ =	shalt  }
0x4c: {  	_ =	shalt  }
0x4d: {  	_ =	shalt  }
0x4e: {  	_ =	shalt  }
0x4f: {  	_ =	shalt  }
0x50: {  	_ =	shalt  }
0x51: {  	_ =	shalt  }
0x52: {  	_ =	shalt  }
0x53: {  	_ =	shalt  }
0x54: {  	_ =	shalt  }
0x55: {  	_ =	shalt  }
0x56: {  	_ =	shalt  }
0x57: {  	_ =	shalt  }
0x58: {  	_ =	shalt  }
0x59: {  	_ =	shalt  }
0x5a: {  	_ =	shalt  }
0x5b: {  	_ =	shalt  }
0x5c: {  	_ =	shalt  }
0x5d: {  	_ =	shalt  }
0x5e: {  	_ =	shalt  }
0x5f: {  	_ =	shalt  }
0x60: {  	_ =	shalt  }
0x61: {  	_ =	shalt  }
0x62: {  	_ =	shalt  }
0x63: {  	_ =	shalt  }
0x64: {  	_ =	shalt  }
0x65: {  	_ =	shalt  }
0x66: {  	_ =	shalt  }
0x67: {  	_ =	shalt  }
0x68: {  	_ =	shalt  }
0x69: {  	_ =	shalt  }
0x6a: {  	_ =	shalt  }
0x6b: {  	_ =	shalt  }
0x6c: {  	_ =	shalt  }
0x6d: {  	_ =	shalt  }
0x6e: {  	_ =	shalt  }
0x6f: {  	_ =	shalt  }
0x70: {  	_ =	shalt  }
0x71: {  	_ =	shalt  }
0x72: {  	_ =	shalt  }
0x73: {  	_ =	shalt  }
0x74: {  	_ =	shalt  }
0x75: {  	_ =	shalt  }
0x76: {  	_ =	shalt  }
0x77: {  	_ =	shalt  }
0x78: {  	_ =	shalt  }
0x79: {  	_ =	shalt  }
0x7a: {  	_ =	shalt  }
0x7b: {  	_ =	shalt  }
0x7c: {  	_ =	shalt  }
0x7d: {  	_ =	shalt  }
0x7e: {  	_ =	shalt  }
0x7f: {  	_ =	shalt  }
0x80: {  	_ =	shalt  }
0x81: {  	_ =	shalt  }
0x82: {  	_ =	shalt  }
0x83: {  	_ =	shalt  }
0x84: {  	_ =	shalt  }
0x85: {  	_ =	shalt  }
0x86: {  	_ =	shalt  }
0x87: {  	_ =	shalt  }
.Lfunc_end0:
.L_simem_size_0:
called_computation.2_lowered:
.L_overlay_start_0:
0x88: {  	s2 =	sld [smem:$0x3FD9]  }
0x89: {  	s3 =	sld [smem:$0x3FFE];
	_ =	sdelay $0x1  }
0x8a: {  	s1 =	srdreg.scid  }
0x8b: {  	s0 =	sand.u32 $0x1, s1  }
0x8c: {  	s16 =	sshll.u32 s0, $0xA;
	s2 =	sadd.s32 s3, s2  }
0x8d: {  	s2 =	sadd.s32 s2, s16  }
0x8e: {  	[smem:$0x3FC0] =	sst s2  }
0x8f: {  	_ = 	snop  }
0x90: {  	(tm) =	ssettm $0x1  }
0x91: {  	s17 =	sld [smem:$0x3FFB];
	_ =	sdelay $0x3  }
0x92: {  	_ =	strace s17  }
0x93: {  	s2 =	sld [smem:$0x3FFC];
	_ =	sdelay $0x3  }
0x94: {  	_ =	strace s2  }
0x95: {  	s2 =	sld [smem:$0x3FFD];
	_ =	sdelay $0x3  }
0x96: {  	_ =	strace s2  }
0x97: {  	_ =	strace $0x8FFFFFFF  }
0x98: {  	s18 =	sld [smem:$0x3FDB];
	_ =	sdelay $0x1  }
0x99: {  	s19 =	simm.s32 $_scs_section_size  }
0x9a: {  	s4 =	simm.s32 $_size__tile_overlayer_lowered;
	s5 =	simm.s32 $_tile_overlayer_lowered  }
0x9b: {  	s22 =	simm.s32 $0x1BFF;
	s21 =	sshll.u32 s5, $0x1;
	s2 =	sadd.s32 s19, s18  }
0x9c: {  	s6 =	simm.s32 $0x0;
	s20 =	sshll.u32 s4, $0x1;
	s4 =	sadd.s32 s21, s2  }
0x9d: {  	[timem:s6], [sflag:s22] =	dma.local [hbm:s4], s20  }
0x9e: {  	_ =	swait.ge [sflag:s22], s20  }
0x9f: {  	s3 =	ssub.s32 $0x0, s20;
	[sflag:s22] =	ssyncset.done $0x0  }
0xa0: {  	[sflag:s22] =	ssyncadd.s32 s3;
	_ =	sdelay $0x1  }
0xa1: {  	s23 =	simm.s32 $0x1B8B  }
0xa2: {  	_ =	swait.ge [sflag:s23], $0x1  }
0xa3: {  	[sflag:s23] =	ssyncset.done $0x0  }
0xa4: {  	s25 =	simm.s32 $0x1B8E;
	s24 =	sld [smem:$0x3FFE];
	[sflag:s23] =	ssyncadd.s32 $0xFFFFFFFF  }
0xa5: {  	s26 =	simm.s32 $execute0_lowered;
	[smem:$0x3FD2] =	sst s25  }
0xa6: {  	s4 =	sshll.u32 s26, $0x1;
	_ =	strace $0x8000004C;
	[dreg:$0x1] =	wrdreg $0xFFFFFFFF  }
0xa7: {  	s28 =	simm.s32 $_size_execute0_lowered;
	s2 =	sadd.s32 s2, s4;
	[dreg:$0x0] =	wrdreg $0x0  }
0xa8: {  	s4 =	sshll.u32 s28, $0x1;
	[dreg:$0x2] =	wrdreg s2  }
0xa9: {  	[dreg:$0x3] =	wrdreg s4  }
0xaa: {  	[dreg:$0x4] =	wrdreg $0xC0  }
0xab: {  	_ =	task [dreg:s6], $0x5FFFF  }
0xac: {  	[dreg:$0x1] =	wrdreg $0xFFFFFFFF  }
0xad: {  	[dreg:$0x0] =	wrdreg $0x60  }
0xae: {  	[dreg:$0x2] =	wrdreg s24  }
0xaf: {  	[dreg:$0x3] =	wrdreg $0xB1000  }
0xb0: {  	[dreg:$0x4] =	wrdreg $0x9  }
0xb1: {  	_ =	task.clear_ibuf [dreg:s6], $0x5FFFF;
	_ =	strace $0x9000004C  }
0xb2: {  	s29 =	simm.s32 $0x9;
	_ =	strace $0x8000004E  }
0xb3: {  	_ =	swait.ge [sflag:s29], $0x1  }
0xb4: {  	[sflag:s29] =	ssyncadd.s32 $0xFFFFFFFF  }
0xb5: {  	_ =	strace $0x9000004E  }
0xb6: {  	_ =	sfence  }
0xb7: {  	s30 =	sld [smem:$0x0];
	_ =	sdelay $0x2  }
0xb8: {  	s31 =	sshll.u32 s1, $0xD;
	s1 =	sshrl.u32 s1, $0x2  }
0xb9: {  	s3 =	sand.u32 $0x4000, s31;
	s1 =	sadd.s32 s1, s30  }
0xba: {  	s0 =	sor.u32 s3, s0;
	s1 =	sshll.u32 s1, $0x11  }
0xbb: {  	s0 =	sor.u32 s1, s0  }
0xbc: {  	s0 =	sadd.s32 $0x8F2B, s0  }
0xbd: {  	[sflag:s0] =	ssyncadd.remote.s32 $0x1  }
0xbe: {  	_ =	sfence.sel $0xFFFF  }
0xbf: {  	[dreg:$0x0] =	wrdreg $0xFFFFFFFF;
	(pc) =	sbr.abs _section_cstart, $3  }
0xc0: {  	[dreg:$0x1] =	wrdreg $0xFFFFFFFF  }
0xc1: {  	_ =	task.clear_ibuf [dreg:s6], $0x2FFFF;
	_ =	strace $0x9FFFFFFF  }
0xc2: {  	(tm) =	ssettm $0x7FFFFFFF  }
0xc3: {  	_ =	shalt  }
tec
execute0_lowered:
.L_overlay_start_1:
0x0: {  	(tag) =	ssettag $0x1  }
0x1: {  	s0 =	rddreg [dreg:$0x0]  }
0x2: {  	s1 =	rddreg [dreg:$0x1];
	s2 =	srdreg.scid;
	s3 =	simm.s32 $0x0  }
0x3: {  	s10 =	stileid.u32;
	s2 =	sand.u32 $0x1, s2;
	[smem:$0x7FF] =	sst s3  }
0x4: {  	s6 =	sshll.u32 s10, $0x4;
	s22 =	smul.u32 $0x50000, s10;
	s4 =	sshll.u32 s2, $0x4  }
0x5: {  	s8 =	ssub.s32 $0x2, s2;
	s2 =	smul.u32 $0x140000, s2;
	s4 =	sor.u32 s10, s4  }
0x6: {  	_ =	strace $0x8000004D;
	s6 =	sand.u32 $0x70, s6;
	s5 =	smul.u32 $0x500, s4  }
0x7: {  	s9 =	sshrl.u32 s8, $0x1;
	s10 =	smul.u32 $0x14000, s10;
	s4 =	sshll.u32 s4, $0x4  }
0x8: {  	s8 =	ssub.s32 s8, s9;
	s4 =	sand.u32 $0x180, s4;
	s7 =	sadd.s32 s5, s0  }
0x9: {  	s2 =	sadd.s32 s2, s10;
	s4 =	sor.u32 s6, s4;
	s23 =	sadd.s32 $0x2C00, s7  }
0xa: {  	s5 =	sshrl.u32 s22, $0x2;
	s25 =	sadd.s32 $0x5D600, s7;
	[dreg:$0x4] =	wrdreg s23  }
0xb: {  	s6 =	sadd.s32 s4, s0;
	s31 =	sadd.s32 s5, s1;
	[dreg:$0x6] =	wrdreg s25  }
0xc: {  	s26 =	sshrl.u32 s2, $0x3;
	s24 =	sadd.s32 $0x2A00, s6;
	[dreg:$0x3] =	wrdreg s31  }
0xd: {  	s4 =	sadd.s32 $0xCC00, s0;
	s30 =	sadd.s32 $0x5D400, s6;
	[dreg:$0x5] =	wrdreg s24  }
0xe: {  	s0 =	sadd.s32 $0x67600, s0;
	s6 =	smax.u32 s8, $0x1;
	[dreg:$0x7] =	wrdreg s30  }
0xf: {  	s7 =	sadd.s32 s0, s26;
	[dreg:$0x8] =	wrdreg s6  }
0x10: {  	s8 =	sadd.s32 $0x1000, s31;
	[dreg:$0x9] =	wrdreg s7  }
0x11: {  	s9 =	sadd.s32 $0x2000, s31;
	[dreg:$0xa] =	wrdreg s8  }
0x12: {  	s10 =	sadd.s32 $0x3000, s31;
	[dreg:$0xb] =	wrdreg s9  }
0x13: {  	s11 =	sadd.s32 $0x4000, s31;
	[dreg:$0xc] =	wrdreg s10  }
0x14: {  	s12 =	sadd.s32 $0x5000, s31;
	[dreg:$0xd] =	wrdreg s11  }
0x15: {  	s13 =	sadd.s32 $0x6000, s31;
	[dreg:$0xe] =	wrdreg s12  }
0x16: {  	s14 =	sadd.s32 $0x7000, s31;
	[dreg:$0xf] =	wrdreg s13  }
0x17: {  	s15 =	sadd.s32 $0x8000, s31;
	[dreg:$0x10] =	wrdreg s14  }
0x18: {  	s16 =	sadd.s32 $0x9000, s31;
	[dreg:$0x11] =	wrdreg s15  }
0x19: {  	s17 =	sadd.s32 $0xA000, s31;
	[dreg:$0x12] =	wrdreg s16  }
0x1a: {  	s18 =	sadd.s32 $0xB000, s31;
	[dreg:$0x13] =	wrdreg s17  }
0x1b: {  	s19 =	sadd.s32 $0xC000, s31;
	[dreg:$0x14] =	wrdreg s18  }
0x1c: {  	s20 =	sadd.s32 $0xD000, s31;
	[dreg:$0x15] =	wrdreg s19  }
0x1d: {  	s21 =	sadd.s32 $0xE000, s31;
	[dreg:$0x16] =	wrdreg s20  }
0x1e: {  	s22 =	sadd.s32 $0xF000, s31;
	[dreg:$0x17] =	wrdreg s21  }
0x1f: {  	s28 =	simm.s32 $0xA;
	s23 =	sadd.s32 $0x10000, s31;
	[dreg:$0x18] =	wrdreg s22  }
0x20: {  	s2 =	sor.u32 $0x1000, s2;
	s25 =	sadd.s32 $0x11000, s31;
	[dreg:$0x19] =	wrdreg s23  }
0x21: {  	s2 =	sshrl.u32 s2, $0x3;
	s26 =	sadd.s32 $0x12000, s31;
	[dreg:$0x1a] =	wrdreg s25  }
0x22: {  	s29 =	simm.s32 $0xB;
	s24 =	sadd.s32 s2, s0;
	[dreg:$0x1b] =	wrdreg s26  }
0x23: {  	s30 =	sadd.s32 $0x13000, s31;
	s2 =	simm.s32 $0xA100;
	s6 =	simm.s32 $0xD  }
0x24: {  	s9 =	simm.s32 $0x1;
	s10 =	simm.s32 $0x2;
	s11 =	simm.s32 $0x7  }
0x25: {  	s13 =	simm.s32 $0xC;
	s14 =	simm.s32 $0x20;
	s15 =	simm.s32 $0x2880  }
0x26: {  	s16 =	simm.s32 $0x3880;
	s17 =	simm.s32 $0x4880;
	s18 =	simm.s32 $0x5880  }
0x27: {  	s19 =	simm.s32 $0x6880;
	s20 =	simm.s32 $0x3;
	s21 =	simm.s32 $0x4  }
0x28: {  	s22 =	simm.s32 $0x5;
	s23 =	simm.s32 $0x6;
	s25 =	simm.s32 $0x8  }
0x29: {  	v0 =	vimm.f32 $0.0e+00;
	s26 =	simm.s32 $0x9;
	s7 =	simm.s32 $0xE;
	[dreg:$0x1c] =	wrdreg s30  }
.LBB2_1:
0x2a: {  	s0 =	simm.s32 $0x0;
	s8 =	simm.s32 $0x200  }
.LBB2_2:
0x2b: {  	p0 =	sne.s32 s8, $0x3E00;
	[tilespmem:s0+$0xA170] =	vst v0  }
0x2c: {  	[tilespmem:s0+$0xA100] =	vst v0  }
0x2d: {  	[tilespmem:s0+$0xA110] =	vst v0  }
.Ltmp0:
0x2e: {  	[tilespmem:s0+$0xA120] =	vst v0;
	(pc) =	sbr.rel @p0 .LBB2_2-.Ltmp0, $4  }
0x2f: {  	[tilespmem:s0+$0xA130] =	vst v0  }
0x30: {  	[tilespmem:s0+$0xA140] =	vst v0  }
0x31: {  	[tilespmem:s0+$0xA150] =	vst v0  }
0x32: {  	[tilespmem:s0+$0xA160] =	vst v0;
	s0 =	sshra.s32 s8, $0x2;
	s8 =	sadd.s32 $0x200, s8  }
0x33: {  	[tilespmem:s0+$0xA170] =	vst v0  }
0x34: {  	[tilespmem:s0+$0xA100] =	vst v0  }
0x35: {  	[tilespmem:s0+$0xA110] =	vst v0  }
0x36: {  	[tilespmem:s0+$0xA120] =	vst v0  }
0x37: {  	[tilespmem:s0+$0xA130] =	vst v0  }
0x38: {  	[tilespmem:s0+$0xA140] =	vst v0  }
0x39: {  	[tilespmem:s0+$0xA150] =	vst v0  }
0x3a: {  	[tilespmem:s0+$0xA160] =	vst v0  }
0x3b: {  	[spmem:s31] =	stream.linear.scatter [tilespmem:s2], [sflag:$0xD], $0x1000, $0x38;
	[tilespmem:$0x1F100] =	vst v63  }
0x3c: {  	s12 =	rddreg [dreg:$0xa]  }
0x3d: {  	[spmem:s12] =	stream.linear.scatter [tilespmem:s2], [sflag:$0xD], $0x1000, $0x38;
	[tilespmem:$0x1F100] =	vst v63  }
0x3e: {  	_ =	swait.ge [sflag:s6], $0x1000  }
0x3f: {  	[sflag:s6] =	ssyncset.done $0x0  }
0x40: {  	s30 =	rddreg [dreg:$0xb];
	[sflag:s6] =	ssyncadd.s32 $0xFFFFF000  }
0x41: {  	[spmem:s30] =	stream.linear.scatter [tilespmem:s2], [sflag:$0xD], $0x1000, $0x38;
	[tilespmem:$0x1F100] =	vst v63  }
0x42: {  	_ =	swait.ge [sflag:s6], $0x1000  }
0x43: {  	[sflag:s6] =	ssyncset.done $0x0  }
0x44: {  	s5 =	rddreg [dreg:$0xc];
	[sflag:s6] =	ssyncadd.s32 $0xFFFFF000  }
0x45: {  	[spmem:s5] =	stream.linear.scatter [tilespmem:s2], [sflag:$0xD], $0x1000, $0x38;
	[tilespmem:$0x1F100] =	vst v63  }
0x46: {  	_ =	swait.ge [sflag:s6], $0x1000  }
0x47: {  	[sflag:s6] =	ssyncset.done $0x0  }
0x48: {  	s8 =	rddreg [dreg:$0xd];
	[sflag:s6] =	ssyncadd.s32 $0xFFFFF000  }
0x49: {  	[spmem:s8] =	stream.linear.scatter [tilespmem:s2], [sflag:$0xD], $0x1000, $0x38;
	[tilespmem:$0x1F100] =	vst v63  }
0x4a: {  	_ =	swait.ge [sflag:s6], $0x1000  }
0x4b: {  	[sflag:s6] =	ssyncset.done $0x0  }
0x4c: {  	s12 =	rddreg [dreg:$0xe];
	[sflag:s6] =	ssyncadd.s32 $0xFFFFF000  }
0x4d: {  	[spmem:s12] =	stream.linear.scatter [tilespmem:s2], [sflag:$0xD], $0x1000, $0x38;
	[tilespmem:$0x1F100] =	vst v63  }
0x4e: {  	_ =	swait.ge [sflag:s6], $0x1000  }
0x4f: {  	[sflag:s6] =	ssyncset.done $0x0  }
0x50: {  	s30 =	rddreg [dreg:$0xf];
	[sflag:s6] =	ssyncadd.s32 $0xFFFFF000  }
0x51: {  	[spmem:s30] =	stream.linear.scatter [tilespmem:s2], [sflag:$0xD], $0x1000, $0x38;
	[tilespmem:$0x1F100] =	vst v63  }
0x52: {  	_ =	swait.ge [sflag:s6], $0x1000  }
0x53: {  	[sflag:s6] =	ssyncset.done $0x0  }
0x54: {  	s5 =	rddreg [dreg:$0x10];
	[sflag:s6] =	ssyncadd.s32 $0xFFFFF000  }
0x55: {  	[spmem:s5] =	stream.linear.scatter [tilespmem:s2], [sflag:$0xD], $0x1000, $0x38;
	[tilespmem:$0x1F100] =	vst v63  }
0x56: {  	_ =	swait.ge [sflag:s6], $0x1000  }
0x57: {  	[sflag:s6] =	ssyncset.done $0x0  }
0x58: {  	s8 =	rddreg [dreg:$0x11];
	[sflag:s6] =	ssyncadd.s32 $0xFFFFF000  }
0x59: {  	[spmem:s8] =	stream.linear.scatter [tilespmem:s2], [sflag:$0xD], $0x1000, $0x38;
	[tilespmem:$0x1F100] =	vst v63  }
0x5a: {  	_ =	swait.ge [sflag:s6], $0x1000  }
0x5b: {  	[sflag:s6] =	ssyncset.done $0x0  }
0x5c: {  	s12 =	rddreg [dreg:$0x12];
	[sflag:s6] =	ssyncadd.s32 $0xFFFFF000  }
0x5d: {  	[spmem:s12] =	stream.linear.scatter [tilespmem:s2], [sflag:$0xD], $0x1000, $0x38;
	[tilespmem:$0x1F100] =	vst v63  }
0x5e: {  	_ =	swait.ge [sflag:s6], $0x1000  }
0x5f: {  	[sflag:s6] =	ssyncset.done $0x0  }
0x60: {  	s30 =	rddreg [dreg:$0x13];
	[sflag:s6] =	ssyncadd.s32 $0xFFFFF000  }
0x61: {  	[spmem:s30] =	stream.linear.scatter [tilespmem:s2], [sflag:$0xD], $0x1000, $0x38;
	[tilespmem:$0x1F100] =	vst v63  }
0x62: {  	_ =	swait.ge [sflag:s6], $0x1000  }
0x63: {  	[sflag:s6] =	ssyncset.done $0x0  }
0x64: {  	s5 =	rddreg [dreg:$0x14];
	[sflag:s6] =	ssyncadd.s32 $0xFFFFF000  }
0x65: {  	[spmem:s5] =	stream.linear.scatter [tilespmem:s2], [sflag:$0xD], $0x1000, $0x38;
	[tilespmem:$0x1F100] =	vst v63  }
0x66: {  	_ =	swait.ge [sflag:s6], $0x1000  }
0x67: {  	[sflag:s6] =	ssyncset.done $0x0  }
0x68: {  	s8 =	rddreg [dreg:$0x15];
	[sflag:s6] =	ssyncadd.s32 $0xFFFFF000  }
0x69: {  	[spmem:s8] =	stream.linear.scatter [tilespmem:s2], [sflag:$0xD], $0x1000, $0x38;
	[tilespmem:$0x1F100] =	vst v63  }
0x6a: {  	_ =	swait.ge [sflag:s6], $0x1000  }
0x6b: {  	[sflag:s6] =	ssyncset.done $0x0  }
0x6c: {  	s12 =	rddreg [dreg:$0x16];
	[sflag:s6] =	ssyncadd.s32 $0xFFFFF000  }
0x6d: {  	[spmem:s12] =	stream.linear.scatter [tilespmem:s2], [sflag:$0xD], $0x1000, $0x38;
	[tilespmem:$0x1F100] =	vst v63  }
0x6e: {  	_ =	swait.ge [sflag:s6], $0x1000  }
0x6f: {  	[sflag:s6] =	ssyncset.done $0x0  }
0x70: {  	s30 =	rddreg [dreg:$0x17];
	[sflag:s6] =	ssyncadd.s32 $0xFFFFF000  }
0x71: {  	[spmem:s30] =	stream.linear.scatter [tilespmem:s2], [sflag:$0xD], $0x1000, $0x38;
	[tilespmem:$0x1F100] =	vst v63  }
0x72: {  	_ =	swait.ge [sflag:s6], $0x1000  }
0x73: {  	[sflag:s6] =	ssyncset.done $0x0  }
0x74: {  	s5 =	rddreg [dreg:$0x18];
	[sflag:s6] =	ssyncadd.s32 $0xFFFFF000  }
0x75: {  	[spmem:s5] =	stream.linear.scatter [tilespmem:s2], [sflag:$0xD], $0x1000, $0x38;
	[tilespmem:$0x1F100] =	vst v63  }
0x76: {  	_ =	swait.ge [sflag:s6], $0x1000  }
0x77: {  	[sflag:s6] =	ssyncset.done $0x0  }
0x78: {  	s8 =	rddreg [dreg:$0x19];
	[sflag:s6] =	ssyncadd.s32 $0xFFFFF000  }
0x79: {  	[spmem:s8] =	stream.linear.scatter [tilespmem:s2], [sflag:$0xD], $0x1000, $0x38;
	[tilespmem:$0x1F100] =	vst v63  }
0x7a: {  	_ =	swait.ge [sflag:s6], $0x1000  }
0x7b: {  	[sflag:s6] =	ssyncset.done $0x0  }
0x7c: {  	s12 =	rddreg [dreg:$0x1a];
	[sflag:s6] =	ssyncadd.s32 $0xFFFFF000  }
0x7d: {  	[spmem:s12] =	stream.linear.scatter [tilespmem:s2], [sflag:$0xD], $0x1000, $0x38;
	[tilespmem:$0x1F100] =	vst v63  }
0x7e: {  	_ =	swait.ge [sflag:s6], $0x1000  }
0x7f: {  	[sflag:s6] =	ssyncset.done $0x0  }
0x80: {  	s30 =	rddreg [dreg:$0x1b];
	[sflag:s6] =	ssyncadd.s32 $0xFFFFF000  }
0x81: {  	[spmem:s30] =	stream.linear.scatter [tilespmem:s2], [sflag:$0xD], $0x1000, $0x38;
	[tilespmem:$0x1F100] =	vst v63  }
0x82: {  	_ =	swait.ge [sflag:s6], $0x1000  }
0x83: {  	[sflag:s6] =	ssyncset.done $0x0  }
0x84: {  	s5 =	rddreg [dreg:$0x1c];
	[sflag:s6] =	ssyncadd.s32 $0xFFFFF000  }
0x85: {  	[spmem:s5] =	stream.linear.scatter [tilespmem:s2], [sflag:$0xD], $0x1000, $0x38;
	[tilespmem:$0x1F100] =	vst v63  }
0x86: {  	_ =	swait.ge [sflag:s6], $0x1000  }
0x87: {  	s31 =	simm.s32 $0x0;
	[sflag:s6] =	ssyncset.done $0x0  }
0x88: {  	s5 =	simm.s32 $0x7880;
	s8 =	rddreg [dreg:$0x4];
	[sflag:s6] =	ssyncadd.s32 $0xFFFFF000  }
0x89: {  	[tilespmem:s5], [sflag:$0xC] =	stream.linear.gather [hbm4b:s8+s31], $0x2700, $0x38;
	[tilespmem:$0x1F100] =	vst v63  }
0x8a: {  	s30 =	simm.s32 $0xA080;
	s12 =	rddreg [dreg:$0x5]  }
0x8b: {  	[tilespmem:s30], [sflag:$0x7] =	stream.linear.gather [hbm4b:s12+s31], $0x80, $0x38;
	[tilespmem:$0x1F100] =	vst v63  }
0x8c: {  	s8 =	rddreg [dreg:$0x6]  }
0x8d: {  	[tilespmem:s31], [sflag:$0x1] =	stream.linear.gather [hbm4b:s8+s31], $0x2700, $0x38;
	[tilespmem:$0x1F100] =	vst v63  }
0x8e: {  	s12 =	rddreg [dreg:$0x7];
	s30 =	simm.s32 $0x2800  }
0x8f: {  	[tilespmem:s30], [sflag:$0x2] =	stream.linear.gather [hbm4b:s12+s31], $0x80, $0x38;
	[tilespmem:$0x1F100] =	vst v63  }
0x90: {  	_ =	swait.ge [sflag:s9], $0x2700  }
0x91: {  	[sflag:s9] =	ssyncset.done $0x0  }
0x92: {  	[sflag:s9] =	ssyncadd.s32 $0xFFFFD900  }
0x93: {  	_ =	swait.ge [sflag:s10], $0x80  }
0x94: {  	[sflag:s10] =	ssyncset.done $0x0  }
0x95: {  	[sflag:s10] =	ssyncadd.s32 $0xFFFFFF80  }
0x96: {  	_ =	swait.ge [sflag:s11], $0x80  }
0x97: {  	[sflag:s11] =	ssyncset.done $0x0  }
0x98: {  	[sflag:s11] =	ssyncadd.s32 $0xFFFFFF80  }
0x99: {  	_ =	swait.ge [sflag:s13], $0x2700  }
0x9a: {  	[sflag:s13] =	ssyncset.done $0x0  }
0x9b: {  	[sflag:s13] =	ssyncadd.s32 $0xFFFFD900  }
0x9c: {  	_ =	swait.ge [sflag:s6], $0x1000  }
0x9d: {  	[sflag:s6] =	ssyncset.done $0x0  }
0x9e: {  	[sflag:s6] =	ssyncadd.s32 $0xFFFFF000  }
0x9f: {  	[tilespmem:s2], [sflag:$0x1] =	stream.indirect.gather [hbm4b:s4+s14], $0x80, s31, s14, $0xb8;
	[tilespmem:$0x1F100] =	vst v63  }
0xa0: {  	_ = 	snop  }
0xa1: {  	[tilespmem:s15], [sflag:$0x2] =	stream.indirect.gather [hbm4b:s4+s14], $0x80, s14, s14, $0xb8;
	[tilespmem:$0x1F100] =	vst v63  }
0xa2: {  	s5 =	simm.s32 $0x40  }
0xa3: {  	[tilespmem:s16], [sflag:$0x3] =	stream.indirect.gather [hbm4b:s4+s14], $0x80, s5, s14, $0xb8;
	[tilespmem:$0x1F100] =	vst v63  }
0xa4: {  	s8 =	simm.s32 $0x60  }
0xa5: {  	[tilespmem:s17], [sflag:$0x4] =	stream.indirect.gather [hbm4b:s4+s14], $0x80, s8, s14, $0xb8;
	[tilespmem:$0x1F100] =	vst v63  }
0xa6: {  	s12 =	simm.s32 $0x80  }
0xa7: {  	[tilespmem:s18], [sflag:$0x5] =	stream.indirect.gather [hbm4b:s4+s14], $0x80, s12, s14, $0xb8;
	[tilespmem:$0x1F100] =	vst v63  }
0xa8: {  	s30 =	simm.s32 $0xA0  }
0xa9: {  	[tilespmem:s19], [sflag:$0x6] =	stream.indirect.gather [hbm4b:s4+s14], $0x80, s30, s14, $0xb8;
	[tilespmem:$0x1F100] =	vst v63  }
0xaa: {  	s0 =	simm.s32 $0x160;
	s8 =	simm.s32 $0x580;
	[bflag:$0x0] =	sbarrier.arrive $0xFFFF  }
.LBB2_4:
0xab: {  	s30 =	sadd.s32 $0xFFFFFA80, s8  }
0xac: {  	s5 =	sand.u32 $0xFE00, s30  }
0xad: {  	_ =	swait.ge [sflag:s9], $0x1000;
	s30 =	sand.u32 $0x40, s31;
	s5 =	sshrl.u32 s5, $0x2  }
0xae: {  	[sflag:s9] =	ssyncset.done $0x0;
	s5 =	sor.u32 s30, s5  }
0xaf: {  	[sflag:s9] =	ssyncadd.s32 $0xFFFFF000;
	s12 =	sadd.s32 $0x7880, s5  }
0xb0: {  	[spmem:s1] =	stream.indirect.scatter.add.f32 [tilespmem:s2], [sflag:$0xC], $0x80, s12, s14, $0xb8;
	[tilespmem:$0x1F100] =	vst v63  }
0xb1: {  	_ =	swait.ge [sflag:s10], $0x1000  }
0xb2: {  	[sflag:s10] =	ssyncset.done $0x0  }
0xb3: {  	s5 =	sadd.s32 $0x78A0, s5;
	[sflag:s10] =	ssyncadd.s32 $0xFFFFF000  }
0xb4: {  	[spmem:s1] =	stream.indirect.scatter.add.f32 [tilespmem:s15], [sflag:$0x7], $0x80, s5, s14, $0xb8;
	[tilespmem:$0x1F100] =	vst v63  }
0xb5: {  	s5 =	sadd.s32 $0xFFFFFB80, s8  }
0xb6: {  	s12 =	sadd.s32 $0xFFFFFEE0, s0;
	s5 =	sand.u32 $0x1FE00, s5  }
0xb7: {  	s12 =	sand.u32 $0x40, s12;
	_ =	swait.ge [sflag:s20], $0x1000;
	s5 =	sshrl.u32 s5, $0x2  }
0xb8: {  	[sflag:s20] =	ssyncset.done $0x0;
	s5 =	sor.u32 s12, s5  }
0xb9: {  	[sflag:s20] =	ssyncadd.s32 $0xFFFFF000;
	s5 =	sadd.s32 $0x7880, s5  }
0xba: {  	[spmem:s1] =	stream.indirect.scatter.add.f32 [tilespmem:s16], [sflag:$0x8], $0x80, s5, s14, $0xb8;
	[tilespmem:$0x1F100] =	vst v63  }
0xbb: {  	s5 =	sadd.s32 $0xFFFFFC00, s8  }
0xbc: {  	s12 =	sadd.s32 $0xFFFFFF00, s0;
	s5 =	sand.u32 $0x1FE00, s5  }
0xbd: {  	s12 =	sand.u32 $0x60, s12;
	_ =	swait.ge [sflag:s21], $0x1000;
	s5 =	sshrl.u32 s5, $0x2  }
0xbe: {  	[sflag:s21] =	ssyncset.done $0x0;
	s5 =	sor.u32 s12, s5  }
0xbf: {  	[sflag:s21] =	ssyncadd.s32 $0xFFFFF000;
	s12 =	sadd.s32 $0xFFFFFC80, s8;
	s5 =	sadd.s32 $0x7880, s5  }
0xc0: {  	[spmem:s1] =	stream.indirect.scatter.add.f32 [tilespmem:s17], [sflag:$0x9], $0x80, s5, s14, $0xb8;
	[tilespmem:$0x1F100] =	vst v63  }
0xc1: {  	s5 =	sand.u32 $0x1FE00, s12  }
0xc2: {  	_ =	swait.ge [sflag:s22], $0x1000;
	s5 =	sshrl.u32 s5, $0x2  }
0xc3: {  	[sflag:s22] =	ssyncset.done $0x0;
	s5 =	sor.u32 s30, s5  }
0xc4: {  	[sflag:s22] =	ssyncadd.s32 $0xFFFFF000;
	s5 =	sadd.s32 $0x7880, s5  }
0xc5: {  	[spmem:s1] =	stream.indirect.scatter.add.f32 [tilespmem:s18], [sflag:$0xA], $0x80, s5, s14, $0xb8;
	[tilespmem:$0x1F100] =	vst v63  }
0xc6: {  	s5 =	sadd.s32 $0xFFFFFD00, s8  }
0xc7: {  	s12 =	sadd.s32 $0xFFFFFF40, s0;
	s5 =	sand.u32 $0x1FE00, s5  }
0xc8: {  	s12 =	sand.u32 $0x60, s12;
	_ =	swait.ge [sflag:s23], $0x1000;
	s5 =	sshrl.u32 s5, $0x2  }
0xc9: {  	p0 =	sne.s32 s8, $0x9E80;
	[sflag:s23] =	ssyncset.done $0x0;
	s5 =	sor.u32 s12, s5  }
.Ltmp1:
0xca: {  	[sflag:s23] =	ssyncadd.s32 $0xFFFFF000;
	s5 =	sadd.s32 $0x7880, s5;
	(pc) =	sbr.rel @!p0 .LBB2_5-.Ltmp1, $4  }
0xcb: {  	[spmem:s1] =	stream.indirect.scatter.add.f32 [tilespmem:s19], [sflag:$0xB], $0x80, s5, s14, $0xb8;
	[tilespmem:$0x1F100] =	vst v63  }
0xcc: {  	_ =	swait.ge [sflag:s13], $0x1000  }
0xcd: {  	[sflag:s13] =	ssyncset.done $0x0  }
0xce: {  	[sflag:s13] =	ssyncadd.s32 $0xFFFFF000  }
0xcf: {  	s5 =	sadd.s32 $0xFFFFFD80, s8  }
0xd0: {  	s12 =	sadd.s32 $0xFFFFFF60, s0;
	s5 =	sand.u32 $0x1FE00, s5  }
0xd1: {  	s12 =	sand.u32 $0x40, s12;
	s5 =	sshrl.u32 s5, $0x2  }
0xd2: {  	s5 =	sor.u32 s12, s5  }
0xd3: {  	[tilespmem:s2], [sflag:$0x1] =	stream.indirect.gather [hbm4b:s4+s14], $0x80, s5, s14, $0xb8;
	[tilespmem:$0x1F100] =	vst v63  }
0xd4: {  	s5 =	sadd.s32 $0xFFFFFE00, s8  }
0xd5: {  	s12 =	sadd.s32 $0xFFFFFF80, s0;
	_ =	swait.ge [sflag:s11], $0x1000;
	s5 =	sand.u32 $0x1FE00, s5  }
0xd6: {  	s12 =	sand.u32 $0x60, s12;
	[sflag:s11] =	ssyncset.done $0x0;
	s5 =	sshrl.u32 s5, $0x2  }
0xd7: {  	[sflag:s11] =	ssyncadd.s32 $0xFFFFF000;
	s5 =	sor.u32 s12, s5;
	s12 =	sadd.s32 $0xFFFFFE80, s8  }
0xd8: {  	[tilespmem:s15], [sflag:$0x2] =	stream.indirect.gather [hbm4b:s4+s14], $0x80, s5, s14, $0xb8;
	[tilespmem:$0x1F100] =	vst v63  }
0xd9: {  	s5 =	sand.u32 $0x1FE00, s12;
	_ =	swait.ge [sflag:s25], $0x1000  }
0xda: {  	s5 =	sshrl.u32 s5, $0x2;
	[sflag:s25] =	ssyncset.done $0x0  }
0xdb: {  	s12 =	sadd.s32 $0xFFFFFF00, s8;
	s5 =	sor.u32 s30, s5;
	[sflag:s25] =	ssyncadd.s32 $0xFFFFF000  }
0xdc: {  	[tilespmem:s16], [sflag:$0x3] =	stream.indirect.gather [hbm4b:s4+s14], $0x80, s5, s14, $0xb8;
	[tilespmem:$0x1F100] =	vst v63  }
0xdd: {  	s30 =	sadd.s32 $0xFFFFFFC0, s0;
	s5 =	sand.u32 $0x1FE00, s12;
	_ =	swait.ge [sflag:s26], $0x1000  }
0xde: {  	s12 =	sand.u32 $0x60, s30;
	s5 =	sshrl.u32 s5, $0x2;
	[sflag:s26] =	ssyncset.done $0x0  }
0xdf: {  	s5 =	sor.u32 s12, s5;
	s12 =	sadd.s32 $0xFFFFFF80, s8;
	[sflag:s26] =	ssyncadd.s32 $0xFFFFF000  }
0xe0: {  	[tilespmem:s17], [sflag:$0x4] =	stream.indirect.gather [hbm4b:s4+s14], $0x80, s5, s14, $0xb8;
	[tilespmem:$0x1F100] =	vst v63  }
0xe1: {  	s30 =	sadd.s32 $0xFFFFFFE0, s0;
	s5 =	sand.u32 $0x1FE00, s12;
	_ =	swait.ge [sflag:s28], $0x1000  }
0xe2: {  	s12 =	sand.u32 $0x40, s30;
	s5 =	sshrl.u32 s5, $0x2;
	[sflag:s28] =	ssyncset.done $0x0  }
0xe3: {  	s5 =	sor.u32 s12, s5;
	s12 =	sand.u32 $0x1FE00, s8;
	s8 =	sadd.s32 $0x300, s8  }
0xe4: {  	[sflag:s28] =	ssyncadd.s32 $0xFFFFF000;
	p0 =	sne.s32 s8, $0xA180  }
0xe5: {  	[tilespmem:s18], [sflag:$0x5] =	stream.indirect.gather [hbm4b:s4+s14], $0x80, s5, s14, $0xb8;
	[tilespmem:$0x1F100] =	vst v63  }
.Ltmp2:
0xe6: {  	_ = 	snop;
	(pc) =	sbr.rel @p0 .LBB2_4-.Ltmp2, $4  }
.Ltmp3:
0xe7: {  	s31 =	sadd.s32 $0x40, s31;
	_ =	swait.ge [sflag:s29], $0x1000;
	(pc) =	sbr.rel @!p0 .LBB2_7-.Ltmp3, $4  }
0xe8: {  	s30 =	sand.u32 $0x60, s0;
	s5 =	sshrl.u32 s12, $0x2;
	[sflag:s29] =	ssyncset.done $0x0  }
0xe9: {  	s0 =	sadd.s32 $0xC0, s0;
	s5 =	sor.u32 s30, s5;
	[sflag:s29] =	ssyncadd.s32 $0xFFFFF000  }
0xea: {  	[tilespmem:s19], [sflag:$0x6] =	stream.indirect.gather [hbm4b:s4+s14], $0x80, s5, s14, $0xb8;
	[tilespmem:$0x1F100] =	vst v63  }
0xeb: {  	_ = 	snop  }
.LBB2_5:
0xec: {  	_ =	swait.ge [sflag:s11], $0x1000  }
0xed: {  	[sflag:s11] =	ssyncset.done $0x0  }
0xee: {  	[sflag:s11] =	ssyncadd.s32 $0xFFFFF000  }
0xef: {  	_ =	swait.ge [sflag:s25], $0x1000  }
0xf0: {  	[sflag:s25] =	ssyncset.done $0x0  }
0xf1: {  	[sflag:s25] =	ssyncadd.s32 $0xFFFFF000  }
0xf2: {  	_ =	swait.ge [sflag:s26], $0x1000  }
0xf3: {  	[sflag:s26] =	ssyncset.done $0x0  }
0xf4: {  	[sflag:s26] =	ssyncadd.s32 $0xFFFFF000  }
0xf5: {  	_ =	swait.ge [sflag:s28], $0x1000  }
0xf6: {  	[sflag:s28] =	ssyncset.done $0x0  }
0xf7: {  	[sflag:s28] =	ssyncadd.s32 $0xFFFFF000  }
0xf8: {  	_ =	swait.ge [sflag:s29], $0x1000  }
0xf9: {  	[sflag:s29] =	ssyncset.done $0x0  }
0xfa: {  	[sflag:s29] =	ssyncadd.s32 $0xFFFFF000  }
.LBB2_7:
0xfb: {  	s0 =	simm.s32 $0x2800;
	s5 =	simm.s32 $0x10  }
0xfc: {  	[tilespmem:s2], [sflag:$0xE] =	stream.indirect.gather [hbm4b:s4+s5], $0x80, s0, s5, $0xb8;
	[tilespmem:$0x1F100] =	vst v63  }
0xfd: {  	_ =	swait.ge [sflag:s7], $0x800  }
0xfe: {  	[sflag:s7] =	ssyncset.done $0x0  }
0xff: {  	s12 =	simm.s32 $0xA080;
	[sflag:s7] =	ssyncadd.s32 $0xFFFFF800  }
0x100: {  	[spmem:s1] =	stream.indirect.scatter.add.f32 [tilespmem:s2], [sflag:$0xE], $0x80, s12, s5, $0xb8;
	[tilespmem:$0x1F100] =	vst v63  }
0x101: {  	_ =	swait.ge [sflag:s7], $0x800  }
0x102: {  	[sflag:s7] =	ssyncset.done $0x0  }
0x103: {  	[sflag:s7] =	ssyncadd.s32 $0xFFFFF800  }
0x104: {  	s8 =	stileid.u32;
	[bflag:$0x0] =	sbarrier.arrive $0xFFFF  }
0x105: {  	s0 =	sshll.u32 s8, $0x6;
	s31 =	rddreg [dreg:$0x3]  }
0x106: {  	s0 =	sor.u32 $0x1C0D, s0;
	s8 =	rddreg [dreg:$0x9];
	s12 =	sshrl.u32 s31, $0x3  }
0x107: {  	[hbm:s8], [sflag:s0] =	dma.local [spmem:s12], $0x200  }
0x108: {  	s12 =	rddreg [dreg:$0xa]  }
0x109: {  	s5 =	sadd.s32 $0x0, s24;
	s8 =	sshrl.u32 s12, $0x3  }
0x10a: {  	[hbm:s5], [sflag:s0] =	dma.local [spmem:s8], $0x200  }
0x10b: {  	_ =	swait.ge [sflag:s6], $0x200  }
0x10c: {  	s30 =	sadd.s32 $0x1000, s12;
	s8 =	simm.s32 $0x200;
	[sflag:s6] =	ssyncset.done $0x0  }
.LBB2_8:
0x10d: {  	s5 =	sadd.s32 s8, s24  }
0x10e: {  	s12 =	sshrl.u32 s30, $0x3;
	[sflag:s6] =	ssyncadd.s32 $0xFFFFFE00;
	p0 =	sne.s32 s8, $0x2400  }
0x10f: {  	[hbm:s5], [sflag:s0] =	dma.local [spmem:s12], $0x200  }
.Ltmp4:
0x110: {  	_ = 	snop;
	(pc) =	sbr.rel @p0 .LBB2_8-.Ltmp4, $4  }
0x111: {  	_ = 	snop  }
0x112: {  	s8 =	sadd.s32 $0x200, s8  }
0x113: {  	_ =	swait.ge [sflag:s6], $0x200  }
0x114: {  	s30 =	sadd.s32 $0x1000, s30;
	[sflag:s6] =	ssyncset.done $0x0  }
0x115: {  	[sflag:s6] =	ssyncadd.s32 $0xFFFFFE00  }
0x116: {  	_ =	swait.ge [sflag:s6], $0x200  }
0x117: {  	s3 =	sadd.s32 $0x1, s3;
	s0 =	rddreg [dreg:$0x8]  }
0x118: {  	p0 =	sne.s32 s3, s0  }
.Ltmp5:
0x119: {  	_ = 	snop;
	(pc) =	sbr.rel @p0 .LBB2_1-.Ltmp5, $3  }
0x11a: {  	_ =	sdelay $0x1  }
0x11b: {  	[sflag:s6] =	ssyncset.done $0x0  }
0x11c: {  	[sflag:s6] =	ssyncadd.s32 $0xFFFFFE00  }
0x11d: {  	_ =	sfence.sel $0x180000  }
0x11e: {  	[bflag:$0x0] =	sbarrier.arrive $0xFFFF  }
0x11f: {  	_ =	strace $0x9000004D  }
0x120: {  	s0 =	stileid.u32;
	[bflag:$0x2] =	sbarrier.arrive $0xFFFF  }
0x121: {  	p0 =	sne.s32 s0, $0x0;
	s0 =	rddreg [dreg:$0x2]  }
0x122: {  	s0 =	sadd.s32 @!p0 $0x100000, s0  }
0x123: {  	[sflag:s0] =	ssyncadd.tile.s32 @!p0 $0x1;
	_ =	shalt  }
.Lfunc_end2:
_tile_overlayer_lowered:
.L_overlay_start_2:
0x124: {  	(tag) =	ssettag $0x2  }
0x125: {  	s0 =	rddreg [dreg:$0x0];
	s2 =	stileid.u32  }
0x126: {  	s1 =	rddreg [dreg:$0x1];
	p0 =	sne.s32 s2, $0x0  }
0x127: {  	s3 =	rddreg [dreg:$0x2];
	[bflag:$0x3] =	sbarrier.arrive $0xFFFF;
	s2 =	simm.s32 @!p0 $0x1C0E  }
0x128: {  	[timem:s3], [sflag:s2] =	dma.local @!p0 [hbm:s0], s1  }
0x129: {  	s0 =	simm.s32 @!p0 $0xE  }
0x12a: {  	_ =	swait.ge @!p0 [sflag:s0], s1  }
0x12b: {  	s1 =	ssub.s32 @!p0 $0x0, s1;
	[sflag:s0] =	ssyncset.done @!p0 $0x0  }
0x12c: {  	[sflag:s0] =	ssyncadd.s32 @!p0 s1  }
0x12d: {  	[bflag:$0x3] =	sbarrier.arrive $0xFFFF  }
0x12e: {  	_ =	shalt  }

// kernel: kernel.19.cloned.1.call-start
scs
__scs_entry_jumppad:
0x0: {  	(pc) =	sbr.rel $0x88, $3  }
0x1: {  	(tag) =	ssettag $0x0;
	lr =	simm.s32 $0x1  }
0x2: {  	[smem:$0x3F99] =	sst lr;
	_ =	strace $0xD0000000  }
0x3: {  	_ = 	snop  }
0x4: {  	_ = 	snop  }
0x5: {  	_ = 	snop  }
0x6: {  	_ = 	snop  }
0x7: {  	_ = 	snop  }
__scs_overlays_trampoline_lowered:
0x8: {  	[smem:$0x3FA8] =	sst s0  }
0x9: {  	[smem:$0x3FA9] =	sst s1  }
0xa: {  	[smem:$0x3FAA] =	sst s2  }
0xb: {  	[smem:$0x3FAB] =	sst s3  }
0xc: {  	[smem:$0x3FAC] =	sst s4  }
0xd: {  	[smem:$0x3FAD] =	sst s5  }
0xe: {  	[smem:$0x3FAE] =	sst s6  }
0xf: {  	[smem:$0x3FAF] =	sst s7  }
0x10: {  	[smem:$0x3FB0] =	sst s8  }
0x11: {  	[smem:$0x3FB1] =	sst s9;
	s0 =	simm.s32 @!p0 $0x0  }
0x12: {  	s1 =	sld [smem:$0x3F97];
	s0 =	simm.s32 @p0 $0x1  }
0x13: {  	[smem:$0x3FB2] =	sst s0;
	s0 =	simm.s32 @!p1 $0x0  }
0x14: {  	s2 =	sld [smem:$0x3F96];
	s0 =	simm.s32 @p1 $0x1  }
0x15: {  	[smem:$0x3FB3] =	sst s0;
	s0 =	simm.s32 @!p2 $0x0  }
0x16: {  	s3 =	sld [smem:$0x3FDB];
	s0 =	simm.s32 @p2 $0x1  }
0x17: {  	s4 =	simm.s32 $0x1BF5;
	[smem:$0x3FB5] =	sst s0  }
0x18: {  	s0 =	sld [smem:$0x3F98];
	_ =	swait.ge [sflag:s4], $0x0  }
0x19: {  	s7 =	sld [smem:$0x3F99]  }
0x1a: {  	s8 =	sadd.s32 $0xFFFFE003, lr  }
0x1b: {  	s9 =	sadd.s32 $0xFFFFFEF7, lr;
	s5 =	simm.s32 $0xFFFFFFFF;
	p2 =	slt.u32 s8, $0xFFFFF086  }
0x1c: {  	p1 =	slt.u32 s9, $0xF7A;
	s5 =	simm.s32 @!p2 $0x0  }
0x1d: {  	s5 =	simm.s32 @p1 $0x1;
	p0 =	seq.s32 s7, s2  }
0x1e: {  	s7 =	smul.u32 @!p0 $0xF7A, s2;
	p2 =	seq.s32 @!p0 s5, $0x0  }
0x1f: {  	s9 =	smul.u32 $0xF7A, s1;
	s8 =	simm.s32 @!p0 $0x1BF5;
	p2 =	por !p2, p0  }
0x20: {  	[sflag:s8] =	ssyncset.s32 @!p0 $0xFFFFF086;
	s6 =	sadd.s32 @!p0 s3, s7;
	s7 =	simm.s32 @!p0 $0x108  }
0x21: {  	s3 =	sadd.s32 s3, s9;
	s6 =	sadd.s32 @!p0 $0x88, s6;
	s7 =	simm.s32 @p2 $0x1082  }
0x22: {  	[simem:s7], [sflag:s8] =	dma.local @!p0 [hbm:s6], $0xF7A  }
0x23: {  	s9 =	sor.u32 $0xD0000000, s2;
	s6 =	simm.s32 $0x108;
	_ =	swait.ge @!p0 [sflag:s8], $0x0  }
0x24: {  	s3 =	sadd.s32 $0x88, s3;
	s6 =	simm.s32 @!p1 $0x1082;
	[sflag:s4] =	ssyncset.s32 $0xFFFFF086  }
0x25: {  	[simem:s6], [sflag:s4] =	dma.local [hbm:s3], $0xF7A  }
0x26: {  	[smem:$0x3F99] =	sst s1;
	(tag) =	ssettag s2;
	_ =	strace s9  }
0x27: {  	s1 =	sld [smem:$0x3FA9]  }
0x28: {  	s2 =	sld [smem:$0x3FAA]  }
0x29: {  	s4 =	sld [smem:$0x3FAC]  }
0x2a: {  	p0 =	seq.s32 s5, $0x0;
	s5 =	sld [smem:$0x3FAD]  }
0x2b: {  	s6 =	sld [smem:$0x3FAE]  }
0x2c: {  	s7 =	sld [smem:$0x3FAF]  }
0x2d: {  	s3 =	simm.s32 $0x108;
	s8 =	sld [smem:$0x3FB0]  }
0x2e: {  	s3 =	simm.s32 @!p0 $0x1082;
	s9 =	sld [smem:$0x3FB1]  }
0x2f: {  	lr =	sadd.s32 s0, s3;
	s0 =	sld [smem:$0x3FA8]  }
0x30: {  	s3 =	sld [smem:$0x3FAB]  }
0x31: {  	[smem:$0x3FB4] =	sst s10  }
0x32: {  	s10 =	sld [smem:$0x3FB2];
	_ =	sdelay $0x3  }
0x33: {  	p0 =	seq.s32 s10, $0x1;
	s10 =	sld [smem:$0x3FB4];
	_ =	sdelay $0x3  }
0x34: {  	[smem:$0x3FB4] =	sst s10  }
0x35: {  	s10 =	sld [smem:$0x3FB3];
	_ =	sdelay $0x3  }
0x36: {  	p1 =	seq.s32 s10, $0x1;
	s10 =	sld [smem:$0x3FB4];
	_ =	sdelay $0x3  }
0x37: {  	[smem:$0x3FB4] =	sst s10  }
0x38: {  	s10 =	sld [smem:$0x3FB5]  }
0x39: {  	_ = 	snop;
	(pc) =	sbr.ind lr, $3  }
0x3a: {  	_ = 	snop  }
0x3b: {  	_ = 	snop  }
0x3c: {  	p2 =	seq.s32 s10, $0x1;
	s10 =	sld [smem:$0x3FB4]  }
0x3d: {  	_ =	shalt  }
0x3e: {  	_ =	shalt  }
0x3f: {  	_ =	shalt  }
0x40: {  	_ =	shalt  }
0x41: {  	_ =	shalt  }
0x42: {  	_ =	shalt  }
0x43: {  	_ =	shalt  }
0x44: {  	_ =	shalt  }
0x45: {  	_ =	shalt  }
0x46: {  	_ =	shalt  }
0x47: {  	_ =	shalt  }
0x48: {  	_ =	shalt  }
0x49: {  	_ =	shalt  }
0x4a: {  	_ =	shalt  }
0x4b: {  	_ =	shalt  }
0x4c: {  	_ =	shalt  }
0x4d: {  	_ =	shalt  }
0x4e: {  	_ =	shalt  }
0x4f: {  	_ =	shalt  }
0x50: {  	_ =	shalt  }
0x51: {  	_ =	shalt  }
0x52: {  	_ =	shalt  }
0x53: {  	_ =	shalt  }
0x54: {  	_ =	shalt  }
0x55: {  	_ =	shalt  }
0x56: {  	_ =	shalt  }
0x57: {  	_ =	shalt  }
0x58: {  	_ =	shalt  }
0x59: {  	_ =	shalt  }
0x5a: {  	_ =	shalt  }
0x5b: {  	_ =	shalt  }
0x5c: {  	_ =	shalt  }
0x5d: {  	_ =	shalt  }
0x5e: {  	_ =	shalt  }
0x5f: {  	_ =	shalt  }
0x60: {  	_ =	shalt  }
0x61: {  	_ =	shalt  }
0x62: {  	_ =	shalt  }
0x63: {  	_ =	shalt  }
0x64: {  	_ =	shalt  }
0x65: {  	_ =	shalt  }
0x66: {  	_ =	shalt  }
0x67: {  	_ =	shalt  }
0x68: {  	_ =	shalt  }
0x69: {  	_ =	shalt  }
0x6a: {  	_ =	shalt  }
0x6b: {  	_ =	shalt  }
0x6c: {  	_ =	shalt  }
0x6d: {  	_ =	shalt  }
0x6e: {  	_ =	shalt  }
0x6f: {  	_ =	shalt  }
0x70: {  	_ =	shalt  }
0x71: {  	_ =	shalt  }
0x72: {  	_ =	shalt  }
0x73: {  	_ =	shalt  }
0x74: {  	_ =	shalt  }
0x75: {  	_ =	shalt  }
0x76: {  	_ =	shalt  }
0x77: {  	_ =	shalt  }
0x78: {  	_ =	shalt  }
0x79: {  	_ =	shalt  }
0x7a: {  	_ =	shalt  }
0x7b: {  	_ =	shalt  }
0x7c: {  	_ =	shalt  }
0x7d: {  	_ =	shalt  }
0x7e: {  	_ =	shalt  }
0x7f: {  	_ =	shalt  }
0x80: {  	_ =	shalt  }
0x81: {  	_ =	shalt  }
0x82: {  	_ =	shalt  }
0x83: {  	_ =	shalt  }
0x84: {  	_ =	shalt  }
0x85: {  	_ =	shalt  }
0x86: {  	_ =	shalt  }
0x87: {  	_ =	shalt  }
.Lfunc_end0:
.L_simem_size_0:
called_computation.3_lowered:
.L_overlay_start_0:
0x88: {  	s2 =	sld [smem:$0x3FD9]  }
0x89: {  	s3 =	sld [smem:$0x3FFE];
	_ =	sdelay $0x1  }
0x8a: {  	s1 =	srdreg.scid  }
0x8b: {  	s0 =	sand.u32 $0x1, s1  }
0x8c: {  	s16 =	sshll.u32 s0, $0xA;
	s2 =	sadd.s32 s3, s2  }
0x8d: {  	s2 =	sadd.s32 s2, s16  }
0x8e: {  	[smem:$0x3FC0] =	sst s2  }
0x8f: {  	_ = 	snop  }
0x90: {  	(tm) =	ssettm $0x1  }
0x91: {  	s17 =	sld [smem:$0x3FFB];
	_ =	sdelay $0x3  }
0x92: {  	_ =	strace s17  }
0x93: {  	s2 =	sld [smem:$0x3FFC];
	_ =	sdelay $0x3  }
0x94: {  	_ =	strace s2  }
0x95: {  	s2 =	sld [smem:$0x3FFD];
	_ =	sdelay $0x3  }
0x96: {  	_ =	strace s2  }
0x97: {  	_ =	strace $0x8FFFFFFF  }
0x98: {  	s18 =	sld [smem:$0x3FDB];
	_ =	sdelay $0x1  }
0x99: {  	s19 =	simm.s32 $_scs_section_size  }
0x9a: {  	s4 =	simm.s32 $_size__tile_overlayer_lowered;
	s5 =	simm.s32 $_tile_overlayer_lowered  }
0x9b: {  	s22 =	simm.s32 $0x1BFF;
	s21 =	sshll.u32 s5, $0x1;
	s2 =	sadd.s32 s19, s18  }
0x9c: {  	s6 =	simm.s32 $0x0;
	s20 =	sshll.u32 s4, $0x1;
	s4 =	sadd.s32 s21, s2  }
0x9d: {  	[timem:s6], [sflag:s22] =	dma.local [hbm:s4], s20  }
0x9e: {  	_ =	swait.ge [sflag:s22], s20  }
0x9f: {  	s3 =	ssub.s32 $0x0, s20;
	[sflag:s22] =	ssyncset.done $0x0  }
0xa0: {  	[sflag:s22] =	ssyncadd.s32 s3;
	_ =	sdelay $0x1  }
0xa1: {  	s23 =	simm.s32 $0x1B8B  }
0xa2: {  	_ =	swait.ge [sflag:s23], $0x1  }
0xa3: {  	[sflag:s23] =	ssyncset.done $0x0  }
0xa4: {  	s25 =	simm.s32 $0x1B8E;
	s24 =	sld [smem:$0x3FFE];
	[sflag:s23] =	ssyncadd.s32 $0xFFFFFFFF  }
0xa5: {  	s26 =	simm.s32 $execute0_lowered;
	[smem:$0x3FD2] =	sst s25  }
0xa6: {  	s4 =	sshll.u32 s26, $0x1;
	_ =	strace $0x8000004F;
	[dreg:$0x1] =	wrdreg $0xFFFFFFFF  }
0xa7: {  	s28 =	simm.s32 $_size_execute0_lowered;
	s2 =	sadd.s32 s2, s4;
	[dreg:$0x0] =	wrdreg $0x0  }
0xa8: {  	s4 =	sshll.u32 s28, $0x1;
	[dreg:$0x2] =	wrdreg s2  }
0xa9: {  	[dreg:$0x3] =	wrdreg s4  }
0xaa: {  	[dreg:$0x4] =	wrdreg $0xC0  }
0xab: {  	_ =	task [dreg:s6], $0x5FFFF  }
0xac: {  	[dreg:$0x1] =	wrdreg $0xFFFFFFFF  }
0xad: {  	[dreg:$0x0] =	wrdreg $0x60  }
0xae: {  	[dreg:$0x2] =	wrdreg s24  }
0xaf: {  	[dreg:$0x3] =	wrdreg $0xB1000  }
0xb0: {  	[dreg:$0x4] =	wrdreg $0x9  }
0xb1: {  	_ =	task.clear_ibuf [dreg:s6], $0x5FFFF;
	_ =	strace $0x9000004F  }
0xb2: {  	s29 =	simm.s32 $0x9;
	_ =	strace $0x80000051  }
0xb3: {  	_ =	swait.ge [sflag:s29], $0x1  }
0xb4: {  	[sflag:s29] =	ssyncadd.s32 $0xFFFFFFFF  }
0xb5: {  	_ =	strace $0x90000051  }
0xb6: {  	_ =	sfence  }
0xb7: {  	s30 =	sld [smem:$0x0];
	_ =	sdelay $0x2  }
0xb8: {  	s31 =	sshll.u32 s1, $0xD;
	s1 =	sshrl.u32 s1, $0x2  }
0xb9: {  	s3 =	sand.u32 $0x4000, s31;
	s1 =	sadd.s32 s1, s30  }
0xba: {  	s0 =	sor.u32 s3, s0;
	s1 =	sshll.u32 s1, $0x11  }
0xbb: {  	s0 =	sor.u32 s1, s0  }
0xbc: {  	s0 =	sadd.s32 $0x8F2B, s0  }
0xbd: {  	[sflag:s0] =	ssyncadd.remote.s32 $0x1  }
0xbe: {  	_ =	sfence.sel $0xFFFF  }
0xbf: {  	[dreg:$0x0] =	wrdreg $0xFFFFFFFF;
	(pc) =	sbr.abs _section_cstart, $3  }
0xc0: {  	[dreg:$0x1] =	wrdreg $0xFFFFFFFF  }
0xc1: {  	_ =	task.clear_ibuf [dreg:s6], $0x2FFFF;
	_ =	strace $0x9FFFFFFF  }
0xc2: {  	(tm) =	ssettm $0x7FFFFFFF  }
0xc3: {  	_ =	shalt  }
tec
execute0_lowered:
.L_overlay_start_1:
0x0: {  	(tag) =	ssettag $0x1  }
0x1: {  	s0 =	rddreg [dreg:$0x0]  }
0x2: {  	s1 =	rddreg [dreg:$0x1];
	s2 =	srdreg.scid;
	s3 =	simm.s32 $0x0  }
0x3: {  	s10 =	stileid.u32;
	s2 =	sand.u32 $0x1, s2;
	[smem:$0x7FF] =	sst s3  }
0x4: {  	s6 =	sshll.u32 s10, $0x4;
	s22 =	smul.u32 $0x50000, s10;
	s4 =	sshll.u32 s2, $0x4  }
0x5: {  	s8 =	ssub.s32 $0x2, s2;
	s2 =	smul.u32 $0x140000, s2;
	s4 =	sor.u32 s10, s4  }
0x6: {  	_ =	strace $0x80000050;
	s6 =	sand.u32 $0x70, s6;
	s5 =	smul.u32 $0x500, s4  }
0x7: {  	s9 =	sshrl.u32 s8, $0x1;
	s10 =	smul.u32 $0x14000, s10;
	s4 =	sshll.u32 s4, $0x4  }
0x8: {  	s8 =	ssub.s32 s8, s9;
	s4 =	sand.u32 $0x180, s4;
	s7 =	sadd.s32 s5, s0  }
0x9: {  	s2 =	sadd.s32 s2, s10;
	s4 =	sor.u32 s6, s4;
	s23 =	sadd.s32 $0x2C00, s7  }
0xa: {  	s5 =	sshrl.u32 s22, $0x2;
	s25 =	sadd.s32 $0x5D600, s7;
	[dreg:$0x4] =	wrdreg s23  }
0xb: {  	s6 =	sadd.s32 s4, s0;
	s31 =	sadd.s32 s5, s1;
	[dreg:$0x6] =	wrdreg s25  }
0xc: {  	s26 =	sshrl.u32 s2, $0x3;
	s24 =	sadd.s32 $0x2A00, s6;
	[dreg:$0x3] =	wrdreg s31  }
0xd: {  	s4 =	sadd.s32 $0xCC00, s0;
	s30 =	sadd.s32 $0x5D400, s6;
	[dreg:$0x5] =	wrdreg s24  }
0xe: {  	s0 =	sadd.s32 $0x67600, s0;
	s6 =	smax.u32 s8, $0x1;
	[dreg:$0x7] =	wrdreg s30  }
0xf: {  	s7 =	sadd.s32 s0, s26;
	[dreg:$0x8] =	wrdreg s6  }
0x10: {  	s8 =	sadd.s32 $0x1000, s31;
	[dreg:$0x9] =	wrdreg s7  }
0x11: {  	s9 =	sadd.s32 $0x2000, s31;
	[dreg:$0xa] =	wrdreg s8  }
0x12: {  	s10 =	sadd.s32 $0x3000, s31;
	[dreg:$0xb] =	wrdreg s9  }
0x13: {  	s11 =	sadd.s32 $0x4000, s31;
	[dreg:$0xc] =	wrdreg s10  }
0x14: {  	s12 =	sadd.s32 $0x5000, s31;
	[dreg:$0xd] =	wrdreg s11  }
0x15: {  	s13 =	sadd.s32 $0x6000, s31;
	[dreg:$0xe] =	wrdreg s12  }
0x16: {  	s14 =	sadd.s32 $0x7000, s31;
	[dreg:$0xf] =	wrdreg s13  }
0x17: {  	s15 =	sadd.s32 $0x8000, s31;
	[dreg:$0x10] =	wrdreg s14  }
0x18: {  	s16 =	sadd.s32 $0x9000, s31;
	[dreg:$0x11] =	wrdreg s15  }
0x19: {  	s17 =	sadd.s32 $0xA000, s31;
	[dreg:$0x12] =	wrdreg s16  }
0x1a: {  	s18 =	sadd.s32 $0xB000, s31;
	[dreg:$0x13] =	wrdreg s17  }
0x1b: {  	s19 =	sadd.s32 $0xC000, s31;
	[dreg:$0x14] =	wrdreg s18  }
0x1c: {  	s20 =	sadd.s32 $0xD000, s31;
	[dreg:$0x15] =	wrdreg s19  }
0x1d: {  	s21 =	sadd.s32 $0xE000, s31;
	[dreg:$0x16] =	wrdreg s20  }
0x1e: {  	s22 =	sadd.s32 $0xF000, s31;
	[dreg:$0x17] =	wrdreg s21  }
0x1f: {  	s28 =	simm.s32 $0xA;
	s23 =	sadd.s32 $0x10000, s31;
	[dreg:$0x18] =	wrdreg s22  }
0x20: {  	s2 =	sor.u32 $0x1000, s2;
	s25 =	sadd.s32 $0x11000, s31;
	[dreg:$0x19] =	wrdreg s23  }
0x21: {  	s2 =	sshrl.u32 s2, $0x3;
	s26 =	sadd.s32 $0x12000, s31;
	[dreg:$0x1a] =	wrdreg s25  }
0x22: {  	s29 =	simm.s32 $0xB;
	s24 =	sadd.s32 s2, s0;
	[dreg:$0x1b] =	wrdreg s26  }
0x23: {  	s30 =	sadd.s32 $0x13000, s31;
	s2 =	simm.s32 $0xA100;
	s6 =	simm.s32 $0xD  }
0x24: {  	s9 =	simm.s32 $0x1;
	s10 =	simm.s32 $0x2;
	s11 =	simm.s32 $0x7  }
0x25: {  	s13 =	simm.s32 $0xC;
	s14 =	simm.s32 $0x20;
	s15 =	simm.s32 $0x2880  }
0x26: {  	s16 =	simm.s32 $0x3880;
	s17 =	simm.s32 $0x4880;
	s18 =	simm.s32 $0x5880  }
0x27: {  	s19 =	simm.s32 $0x6880;
	s20 =	simm.s32 $0x3;
	s21 =	simm.s32 $0x4  }
0x28: {  	s22 =	simm.s32 $0x5;
	s23 =	simm.s32 $0x6;
	s25 =	simm.s32 $0x8  }
0x29: {  	v0 =	vimm.f32 $0.0e+00;
	s26 =	simm.s32 $0x9;
	s7 =	simm.s32 $0xE;
	[dreg:$0x1c] =	wrdreg s30  }
.LBB2_1:
0x2a: {  	s0 =	simm.s32 $0x0;
	s8 =	simm.s32 $0x200  }
.LBB2_2:
0x2b: {  	p0 =	sne.s32 s8, $0x3E00;
	[tilespmem:s0+$0xA170] =	vst v0  }
0x2c: {  	[tilespmem:s0+$0xA100] =	vst v0  }
0x2d: {  	[tilespmem:s0+$0xA110] =	vst v0  }
.Ltmp0:
0x2e: {  	[tilespmem:s0+$0xA120] =	vst v0;
	(pc) =	sbr.rel @p0 .LBB2_2-.Ltmp0, $4  }
0x2f: {  	[tilespmem:s0+$0xA130] =	vst v0  }
0x30: {  	[tilespmem:s0+$0xA140] =	vst v0  }
0x31: {  	[tilespmem:s0+$0xA150] =	vst v0  }
0x32: {  	[tilespmem:s0+$0xA160] =	vst v0;
	s0 =	sshra.s32 s8, $0x2;
	s8 =	sadd.s32 $0x200, s8  }
0x33: {  	[tilespmem:s0+$0xA170] =	vst v0  }
0x34: {  	[tilespmem:s0+$0xA100] =	vst v0  }
0x35: {  	[tilespmem:s0+$0xA110] =	vst v0  }
0x36: {  	[tilespmem:s0+$0xA120] =	vst v0  }
0x37: {  	[tilespmem:s0+$0xA130] =	vst v0  }
0x38: {  	[tilespmem:s0+$0xA140] =	vst v0  }
0x39: {  	[tilespmem:s0+$0xA150] =	vst v0  }
0x3a: {  	[tilespmem:s0+$0xA160] =	vst v0  }
0x3b: {  	[spmem:s31] =	stream.linear.scatter [tilespmem:s2], [sflag:$0xD], $0x1000, $0x38;
	[tilespmem:$0x1F100] =	vst v63  }
0x3c: {  	s12 =	rddreg [dreg:$0xa]  }
0x3d: {  	[spmem:s12] =	stream.linear.scatter [tilespmem:s2], [sflag:$0xD], $0x1000, $0x38;
	[tilespmem:$0x1F100] =	vst v63  }
0x3e: {  	_ =	swait.ge [sflag:s6], $0x1000  }
0x3f: {  	[sflag:s6] =	ssyncset.done $0x0  }
0x40: {  	s30 =	rddreg [dreg:$0xb];
	[sflag:s6] =	ssyncadd.s32 $0xFFFFF000  }
0x41: {  	[spmem:s30] =	stream.linear.scatter [tilespmem:s2], [sflag:$0xD], $0x1000, $0x38;
	[tilespmem:$0x1F100] =	vst v63  }
0x42: {  	_ =	swait.ge [sflag:s6], $0x1000  }
0x43: {  	[sflag:s6] =	ssyncset.done $0x0  }
0x44: {  	s5 =	rddreg [dreg:$0xc];
	[sflag:s6] =	ssyncadd.s32 $0xFFFFF000  }
0x45: {  	[spmem:s5] =	stream.linear.scatter [tilespmem:s2], [sflag:$0xD], $0x1000, $0x38;
	[tilespmem:$0x1F100] =	vst v63  }
0x46: {  	_ =	swait.ge [sflag:s6], $0x1000  }
0x47: {  	[sflag:s6] =	ssyncset.done $0x0  }
0x48: {  	s8 =	rddreg [dreg:$0xd];
	[sflag:s6] =	ssyncadd.s32 $0xFFFFF000  }
0x49: {  	[spmem:s8] =	stream.linear.scatter [tilespmem:s2], [sflag:$0xD], $0x1000, $0x38;
	[tilespmem:$0x1F100] =	vst v63  }
0x4a: {  	_ =	swait.ge [sflag:s6], $0x1000  }
0x4b: {  	[sflag:s6] =	ssyncset.done $0x0  }
0x4c: {  	s12 =	rddreg [dreg:$0xe];
	[sflag:s6] =	ssyncadd.s32 $0xFFFFF000  }
0x4d: {  	[spmem:s12] =	stream.linear.scatter [tilespmem:s2], [sflag:$0xD], $0x1000, $0x38;
	[tilespmem:$0x1F100] =	vst v63  }
0x4e: {  	_ =	swait.ge [sflag:s6], $0x1000  }
0x4f: {  	[sflag:s6] =	ssyncset.done $0x0  }
0x50: {  	s30 =	rddreg [dreg:$0xf];
	[sflag:s6] =	ssyncadd.s32 $0xFFFFF000  }
0x51: {  	[spmem:s30] =	stream.linear.scatter [tilespmem:s2], [sflag:$0xD], $0x1000, $0x38;
	[tilespmem:$0x1F100] =	vst v63  }
0x52: {  	_ =	swait.ge [sflag:s6], $0x1000  }
0x53: {  	[sflag:s6] =	ssyncset.done $0x0  }
0x54: {  	s5 =	rddreg [dreg:$0x10];
	[sflag:s6] =	ssyncadd.s32 $0xFFFFF000  }
0x55: {  	[spmem:s5] =	stream.linear.scatter [tilespmem:s2], [sflag:$0xD], $0x1000, $0x38;
	[tilespmem:$0x1F100] =	vst v63  }
0x56: {  	_ =	swait.ge [sflag:s6], $0x1000  }
0x57: {  	[sflag:s6] =	ssyncset.done $0x0  }
0x58: {  	s8 =	rddreg [dreg:$0x11];
	[sflag:s6] =	ssyncadd.s32 $0xFFFFF000  }
0x59: {  	[spmem:s8] =	stream.linear.scatter [tilespmem:s2], [sflag:$0xD], $0x1000, $0x38;
	[tilespmem:$0x1F100] =	vst v63  }
0x5a: {  	_ =	swait.ge [sflag:s6], $0x1000  }
0x5b: {  	[sflag:s6] =	ssyncset.done $0x0  }
0x5c: {  	s12 =	rddreg [dreg:$0x12];
	[sflag:s6] =	ssyncadd.s32 $0xFFFFF000  }
0x5d: {  	[spmem:s12] =	stream.linear.scatter [tilespmem:s2], [sflag:$0xD], $0x1000, $0x38;
	[tilespmem:$0x1F100] =	vst v63  }
0x5e: {  	_ =	swait.ge [sflag:s6], $0x1000  }
0x5f: {  	[sflag:s6] =	ssyncset.done $0x0  }
0x60: {  	s30 =	rddreg [dreg:$0x13];
	[sflag:s6] =	ssyncadd.s32 $0xFFFFF000  }
0x61: {  	[spmem:s30] =	stream.linear.scatter [tilespmem:s2], [sflag:$0xD], $0x1000, $0x38;
	[tilespmem:$0x1F100] =	vst v63  }
0x62: {  	_ =	swait.ge [sflag:s6], $0x1000  }
0x63: {  	[sflag:s6] =	ssyncset.done $0x0  }
0x64: {  	s5 =	rddreg [dreg:$0x14];
	[sflag:s6] =	ssyncadd.s32 $0xFFFFF000  }
0x65: {  	[spmem:s5] =	stream.linear.scatter [tilespmem:s2], [sflag:$0xD], $0x1000, $0x38;
	[tilespmem:$0x1F100] =	vst v63  }
0x66: {  	_ =	swait.ge [sflag:s6], $0x1000  }
0x67: {  	[sflag:s6] =	ssyncset.done $0x0  }
0x68: {  	s8 =	rddreg [dreg:$0x15];
	[sflag:s6] =	ssyncadd.s32 $0xFFFFF000  }
0x69: {  	[spmem:s8] =	stream.linear.scatter [tilespmem:s2], [sflag:$0xD], $0x1000, $0x38;
	[tilespmem:$0x1F100] =	vst v63  }
0x6a: {  	_ =	swait.ge [sflag:s6], $0x1000  }
0x6b: {  	[sflag:s6] =	ssyncset.done $0x0  }
0x6c: {  	s12 =	rddreg [dreg:$0x16];
	[sflag:s6] =	ssyncadd.s32 $0xFFFFF000  }
0x6d: {  	[spmem:s12] =	stream.linear.scatter [tilespmem:s2], [sflag:$0xD], $0x1000, $0x38;
	[tilespmem:$0x1F100] =	vst v63  }
0x6e: {  	_ =	swait.ge [sflag:s6], $0x1000  }
0x6f: {  	[sflag:s6] =	ssyncset.done $0x0  }
0x70: {  	s30 =	rddreg [dreg:$0x17];
	[sflag:s6] =	ssyncadd.s32 $0xFFFFF000  }
0x71: {  	[spmem:s30] =	stream.linear.scatter [tilespmem:s2], [sflag:$0xD], $0x1000, $0x38;
	[tilespmem:$0x1F100] =	vst v63  }
0x72: {  	_ =	swait.ge [sflag:s6], $0x1000  }
0x73: {  	[sflag:s6] =	ssyncset.done $0x0  }
0x74: {  	s5 =	rddreg [dreg:$0x18];
	[sflag:s6] =	ssyncadd.s32 $0xFFFFF000  }
0x75: {  	[spmem:s5] =	stream.linear.scatter [tilespmem:s2], [sflag:$0xD], $0x1000, $0x38;
	[tilespmem:$0x1F100] =	vst v63  }
0x76: {  	_ =	swait.ge [sflag:s6], $0x1000  }
0x77: {  	[sflag:s6] =	ssyncset.done $0x0  }
0x78: {  	s8 =	rddreg [dreg:$0x19];
	[sflag:s6] =	ssyncadd.s32 $0xFFFFF000  }
0x79: {  	[spmem:s8] =	stream.linear.scatter [tilespmem:s2], [sflag:$0xD], $0x1000, $0x38;
	[tilespmem:$0x1F100] =	vst v63  }
0x7a: {  	_ =	swait.ge [sflag:s6], $0x1000  }
0x7b: {  	[sflag:s6] =	ssyncset.done $0x0  }
0x7c: {  	s12 =	rddreg [dreg:$0x1a];
	[sflag:s6] =	ssyncadd.s32 $0xFFFFF000  }
0x7d: {  	[spmem:s12] =	stream.linear.scatter [tilespmem:s2], [sflag:$0xD], $0x1000, $0x38;
	[tilespmem:$0x1F100] =	vst v63  }
0x7e: {  	_ =	swait.ge [sflag:s6], $0x1000  }
0x7f: {  	[sflag:s6] =	ssyncset.done $0x0  }
0x80: {  	s30 =	rddreg [dreg:$0x1b];
	[sflag:s6] =	ssyncadd.s32 $0xFFFFF000  }
0x81: {  	[spmem:s30] =	stream.linear.scatter [tilespmem:s2], [sflag:$0xD], $0x1000, $0x38;
	[tilespmem:$0x1F100] =	vst v63  }
0x82: {  	_ =	swait.ge [sflag:s6], $0x1000  }
0x83: {  	[sflag:s6] =	ssyncset.done $0x0  }
0x84: {  	s5 =	rddreg [dreg:$0x1c];
	[sflag:s6] =	ssyncadd.s32 $0xFFFFF000  }
0x85: {  	[spmem:s5] =	stream.linear.scatter [tilespmem:s2], [sflag:$0xD], $0x1000, $0x38;
	[tilespmem:$0x1F100] =	vst v63  }
0x86: {  	_ =	swait.ge [sflag:s6], $0x1000  }
0x87: {  	s31 =	simm.s32 $0x0;
	[sflag:s6] =	ssyncset.done $0x0  }
0x88: {  	s5 =	simm.s32 $0x7880;
	s8 =	rddreg [dreg:$0x4];
	[sflag:s6] =	ssyncadd.s32 $0xFFFFF000  }
0x89: {  	[tilespmem:s5], [sflag:$0xC] =	stream.linear.gather [hbm4b:s8+s31], $0x2700, $0x38;
	[tilespmem:$0x1F100] =	vst v63  }
0x8a: {  	s30 =	simm.s32 $0xA080;
	s12 =	rddreg [dreg:$0x5]  }
0x8b: {  	[tilespmem:s30], [sflag:$0x7] =	stream.linear.gather [hbm4b:s12+s31], $0x80, $0x38;
	[tilespmem:$0x1F100] =	vst v63  }
0x8c: {  	s8 =	rddreg [dreg:$0x6]  }
0x8d: {  	[tilespmem:s31], [sflag:$0x1] =	stream.linear.gather [hbm4b:s8+s31], $0x2700, $0x38;
	[tilespmem:$0x1F100] =	vst v63  }
0x8e: {  	s12 =	rddreg [dreg:$0x7];
	s30 =	simm.s32 $0x2800  }
0x8f: {  	[tilespmem:s30], [sflag:$0x2] =	stream.linear.gather [hbm4b:s12+s31], $0x80, $0x38;
	[tilespmem:$0x1F100] =	vst v63  }
0x90: {  	_ =	swait.ge [sflag:s9], $0x2700  }
0x91: {  	[sflag:s9] =	ssyncset.done $0x0  }
0x92: {  	[sflag:s9] =	ssyncadd.s32 $0xFFFFD900  }
0x93: {  	_ =	swait.ge [sflag:s10], $0x80  }
0x94: {  	[sflag:s10] =	ssyncset.done $0x0  }
0x95: {  	[sflag:s10] =	ssyncadd.s32 $0xFFFFFF80  }
0x96: {  	_ =	swait.ge [sflag:s11], $0x80  }
0x97: {  	[sflag:s11] =	ssyncset.done $0x0  }
0x98: {  	[sflag:s11] =	ssyncadd.s32 $0xFFFFFF80  }
0x99: {  	_ =	swait.ge [sflag:s13], $0x2700  }
0x9a: {  	[sflag:s13] =	ssyncset.done $0x0  }
0x9b: {  	[sflag:s13] =	ssyncadd.s32 $0xFFFFD900  }
0x9c: {  	_ =	swait.ge [sflag:s6], $0x1000  }
0x9d: {  	[sflag:s6] =	ssyncset.done $0x0  }
0x9e: {  	[sflag:s6] =	ssyncadd.s32 $0xFFFFF000  }
0x9f: {  	[tilespmem:s2], [sflag:$0x1] =	stream.indirect.gather [hbm4b:s4+s14], $0x80, s31, s14, $0xb8;
	[tilespmem:$0x1F100] =	vst v63  }
0xa0: {  	_ = 	snop  }
0xa1: {  	[tilespmem:s15], [sflag:$0x2] =	stream.indirect.gather [hbm4b:s4+s14], $0x80, s14, s14, $0xb8;
	[tilespmem:$0x1F100] =	vst v63  }
0xa2: {  	s5 =	simm.s32 $0x40  }
0xa3: {  	[tilespmem:s16], [sflag:$0x3] =	stream.indirect.gather [hbm4b:s4+s14], $0x80, s5, s14, $0xb8;
	[tilespmem:$0x1F100] =	vst v63  }
0xa4: {  	s8 =	simm.s32 $0x60  }
0xa5: {  	[tilespmem:s17], [sflag:$0x4] =	stream.indirect.gather [hbm4b:s4+s14], $0x80, s8, s14, $0xb8;
	[tilespmem:$0x1F100] =	vst v63  }
0xa6: {  	s12 =	simm.s32 $0x80  }
0xa7: {  	[tilespmem:s18], [sflag:$0x5] =	stream.indirect.gather [hbm4b:s4+s14], $0x80, s12, s14, $0xb8;
	[tilespmem:$0x1F100] =	vst v63  }
0xa8: {  	s30 =	simm.s32 $0xA0  }
0xa9: {  	[tilespmem:s19], [sflag:$0x6] =	stream.indirect.gather [hbm4b:s4+s14], $0x80, s30, s14, $0xb8;
	[tilespmem:$0x1F100] =	vst v63  }
0xaa: {  	s0 =	simm.s32 $0x160;
	s8 =	simm.s32 $0x580;
	[bflag:$0x0] =	sbarrier.arrive $0xFFFF  }
.LBB2_4:
0xab: {  	s30 =	sadd.s32 $0xFFFFFA80, s8  }
0xac: {  	s5 =	sand.u32 $0xFE00, s30  }
0xad: {  	_ =	swait.ge [sflag:s9], $0x1000;
	s30 =	sand.u32 $0x40, s31;
	s5 =	sshrl.u32 s5, $0x2  }
0xae: {  	[sflag:s9] =	ssyncset.done $0x0;
	s5 =	sor.u32 s30, s5  }
0xaf: {  	[sflag:s9] =	ssyncadd.s32 $0xFFFFF000;
	s12 =	sadd.s32 $0x7880, s5  }
0xb0: {  	[spmem:s1] =	stream.indirect.scatter.add.f32 [tilespmem:s2], [sflag:$0xC], $0x80, s12, s14, $0xb8;
	[tilespmem:$0x1F100] =	vst v63  }
0xb1: {  	_ =	swait.ge [sflag:s10], $0x1000  }
0xb2: {  	[sflag:s10] =	ssyncset.done $0x0  }
0xb3: {  	s5 =	sadd.s32 $0x78A0, s5;
	[sflag:s10] =	ssyncadd.s32 $0xFFFFF000  }
0xb4: {  	[spmem:s1] =	stream.indirect.scatter.add.f32 [tilespmem:s15], [sflag:$0x7], $0x80, s5, s14, $0xb8;
	[tilespmem:$0x1F100] =	vst v63  }
0xb5: {  	s5 =	sadd.s32 $0xFFFFFB80, s8  }
0xb6: {  	s12 =	sadd.s32 $0xFFFFFEE0, s0;
	s5 =	sand.u32 $0x1FE00, s5  }
0xb7: {  	s12 =	sand.u32 $0x40, s12;
	_ =	swait.ge [sflag:s20], $0x1000;
	s5 =	sshrl.u32 s5, $0x2  }
0xb8: {  	[sflag:s20] =	ssyncset.done $0x0;
	s5 =	sor.u32 s12, s5  }
0xb9: {  	[sflag:s20] =	ssyncadd.s32 $0xFFFFF000;
	s5 =	sadd.s32 $0x7880, s5  }
0xba: {  	[spmem:s1] =	stream.indirect.scatter.add.f32 [tilespmem:s16], [sflag:$0x8], $0x80, s5, s14, $0xb8;
	[tilespmem:$0x1F100] =	vst v63  }
0xbb: {  	s5 =	sadd.s32 $0xFFFFFC00, s8  }
0xbc: {  	s12 =	sadd.s32 $0xFFFFFF00, s0;
	s5 =	sand.u32 $0x1FE00, s5  }
0xbd: {  	s12 =	sand.u32 $0x60, s12;
	_ =	swait.ge [sflag:s21], $0x1000;
	s5 =	sshrl.u32 s5, $0x2  }
0xbe: {  	[sflag:s21] =	ssyncset.done $0x0;
	s5 =	sor.u32 s12, s5  }
0xbf: {  	[sflag:s21] =	ssyncadd.s32 $0xFFFFF000;
	s12 =	sadd.s32 $0xFFFFFC80, s8;
	s5 =	sadd.s32 $0x7880, s5  }
0xc0: {  	[spmem:s1] =	stream.indirect.scatter.add.f32 [tilespmem:s17], [sflag:$0x9], $0x80, s5, s14, $0xb8;
	[tilespmem:$0x1F100] =	vst v63  }
0xc1: {  	s5 =	sand.u32 $0x1FE00, s12  }
0xc2: {  	_ =	swait.ge [sflag:s22], $0x1000;
	s5 =	sshrl.u32 s5, $0x2  }
0xc3: {  	[sflag:s22] =	ssyncset.done $0x0;
	s5 =	sor.u32 s30, s5  }
0xc4: {  	[sflag:s22] =	ssyncadd.s32 $0xFFFFF000;
	s5 =	sadd.s32 $0x7880, s5  }
0xc5: {  	[spmem:s1] =	stream.indirect.scatter.add.f32 [tilespmem:s18], [sflag:$0xA], $0x80, s5, s14, $0xb8;
	[tilespmem:$0x1F100] =	vst v63  }
0xc6: {  	s5 =	sadd.s32 $0xFFFFFD00, s8  }
0xc7: {  	s12 =	sadd.s32 $0xFFFFFF40, s0;
	s5 =	sand.u32 $0x1FE00, s5  }
0xc8: {  	s12 =	sand.u32 $0x60, s12;
	_ =	swait.ge [sflag:s23], $0x1000;
	s5 =	sshrl.u32 s5, $0x2  }
0xc9: {  	p0 =	sne.s32 s8, $0x9E80;
	[sflag:s23] =	ssyncset.done $0x0;
	s5 =	sor.u32 s12, s5  }
.Ltmp1:
0xca: {  	[sflag:s23] =	ssyncadd.s32 $0xFFFFF000;
	s5 =	sadd.s32 $0x7880, s5;
	(pc) =	sbr.rel @!p0 .LBB2_5-.Ltmp1, $4  }
0xcb: {  	[spmem:s1] =	stream.indirect.scatter.add.f32 [tilespmem:s19], [sflag:$0xB], $0x80, s5, s14, $0xb8;
	[tilespmem:$0x1F100] =	vst v63  }
0xcc: {  	_ =	swait.ge [sflag:s13], $0x1000  }
0xcd: {  	[sflag:s13] =	ssyncset.done $0x0  }
0xce: {  	[sflag:s13] =	ssyncadd.s32 $0xFFFFF000  }
0xcf: {  	s5 =	sadd.s32 $0xFFFFFD80, s8  }
0xd0: {  	s12 =	sadd.s32 $0xFFFFFF60, s0;
	s5 =	sand.u32 $0x1FE00, s5  }
0xd1: {  	s12 =	sand.u32 $0x40, s12;
	s5 =	sshrl.u32 s5, $0x2  }
0xd2: {  	s5 =	sor.u32 s12, s5  }
0xd3: {  	[tilespmem:s2], [sflag:$0x1] =	stream.indirect.gather [hbm4b:s4+s14], $0x80, s5, s14, $0xb8;
	[tilespmem:$0x1F100] =	vst v63  }
0xd4: {  	s5 =	sadd.s32 $0xFFFFFE00, s8  }
0xd5: {  	s12 =	sadd.s32 $0xFFFFFF80, s0;
	_ =	swait.ge [sflag:s11], $0x1000;
	s5 =	sand.u32 $0x1FE00, s5  }
0xd6: {  	s12 =	sand.u32 $0x60, s12;
	[sflag:s11] =	ssyncset.done $0x0;
	s5 =	sshrl.u32 s5, $0x2  }
0xd7: {  	[sflag:s11] =	ssyncadd.s32 $0xFFFFF000;
	s5 =	sor.u32 s12, s5;
	s12 =	sadd.s32 $0xFFFFFE80, s8  }
0xd8: {  	[tilespmem:s15], [sflag:$0x2] =	stream.indirect.gather [hbm4b:s4+s14], $0x80, s5, s14, $0xb8;
	[tilespmem:$0x1F100] =	vst v63  }
0xd9: {  	s5 =	sand.u32 $0x1FE00, s12;
	_ =	swait.ge [sflag:s25], $0x1000  }
0xda: {  	s5 =	sshrl.u32 s5, $0x2;
	[sflag:s25] =	ssyncset.done $0x0  }
0xdb: {  	s12 =	sadd.s32 $0xFFFFFF00, s8;
	s5 =	sor.u32 s30, s5;
	[sflag:s25] =	ssyncadd.s32 $0xFFFFF000  }
0xdc: {  	[tilespmem:s16], [sflag:$0x3] =	stream.indirect.gather [hbm4b:s4+s14], $0x80, s5, s14, $0xb8;
	[tilespmem:$0x1F100] =	vst v63  }
0xdd: {  	s30 =	sadd.s32 $0xFFFFFFC0, s0;
	s5 =	sand.u32 $0x1FE00, s12;
	_ =	swait.ge [sflag:s26], $0x1000  }
0xde: {  	s12 =	sand.u32 $0x60, s30;
	s5 =	sshrl.u32 s5, $0x2;
	[sflag:s26] =	ssyncset.done $0x0  }
0xdf: {  	s5 =	sor.u32 s12, s5;
	s12 =	sadd.s32 $0xFFFFFF80, s8;
	[sflag:s26] =	ssyncadd.s32 $0xFFFFF000  }
0xe0: {  	[tilespmem:s17], [sflag:$0x4] =	stream.indirect.gather [hbm4b:s4+s14], $0x80, s5, s14, $0xb8;
	[tilespmem:$0x1F100] =	vst v63  }
0xe1: {  	s30 =	sadd.s32 $0xFFFFFFE0, s0;
	s5 =	sand.u32 $0x1FE00, s12;
	_ =	swait.ge [sflag:s28], $0x1000  }
0xe2: {  	s12 =	sand.u32 $0x40, s30;
	s5 =	sshrl.u32 s5, $0x2;
	[sflag:s28] =	ssyncset.done $0x0  }
0xe3: {  	s5 =	sor.u32 s12, s5;
	s12 =	sand.u32 $0x1FE00, s8;
	s8 =	sadd.s32 $0x300, s8  }
0xe4: {  	[sflag:s28] =	ssyncadd.s32 $0xFFFFF000;
	p0 =	sne.s32 s8, $0xA180  }
0xe5: {  	[tilespmem:s18], [sflag:$0x5] =	stream.indirect.gather [hbm4b:s4+s14], $0x80, s5, s14, $0xb8;
	[tilespmem:$0x1F100] =	vst v63  }
.Ltmp2:
0xe6: {  	_ = 	snop;
	(pc) =	sbr.rel @p0 .LBB2_4-.Ltmp2, $4  }
.Ltmp3:
0xe7: {  	s31 =	sadd.s32 $0x40, s31;
	_ =	swait.ge [sflag:s29], $0x1000;
	(pc) =	sbr.rel @!p0 .LBB2_7-.Ltmp3, $4  }
0xe8: {  	s30 =	sand.u32 $0x60, s0;
	s5 =	sshrl.u32 s12, $0x2;
	[sflag:s29] =	ssyncset.done $0x0  }
0xe9: {  	s0 =	sadd.s32 $0xC0, s0;
	s5 =	sor.u32 s30, s5;
	[sflag:s29] =	ssyncadd.s32 $0xFFFFF000  }
0xea: {  	[tilespmem:s19], [sflag:$0x6] =	stream.indirect.gather [hbm4b:s4+s14], $0x80, s5, s14, $0xb8;
	[tilespmem:$0x1F100] =	vst v63  }
0xeb: {  	_ = 	snop  }
.LBB2_5:
0xec: {  	_ =	swait.ge [sflag:s11], $0x1000  }
0xed: {  	[sflag:s11] =	ssyncset.done $0x0  }
0xee: {  	[sflag:s11] =	ssyncadd.s32 $0xFFFFF000  }
0xef: {  	_ =	swait.ge [sflag:s25], $0x1000  }
0xf0: {  	[sflag:s25] =	ssyncset.done $0x0  }
0xf1: {  	[sflag:s25] =	ssyncadd.s32 $0xFFFFF000  }
0xf2: {  	_ =	swait.ge [sflag:s26], $0x1000  }
0xf3: {  	[sflag:s26] =	ssyncset.done $0x0  }
0xf4: {  	[sflag:s26] =	ssyncadd.s32 $0xFFFFF000  }
0xf5: {  	_ =	swait.ge [sflag:s28], $0x1000  }
0xf6: {  	[sflag:s28] =	ssyncset.done $0x0  }
0xf7: {  	[sflag:s28] =	ssyncadd.s32 $0xFFFFF000  }
0xf8: {  	_ =	swait.ge [sflag:s29], $0x1000  }
0xf9: {  	[sflag:s29] =	ssyncset.done $0x0  }
0xfa: {  	[sflag:s29] =	ssyncadd.s32 $0xFFFFF000  }
.LBB2_7:
0xfb: {  	s0 =	simm.s32 $0x2800;
	s5 =	simm.s32 $0x10  }
0xfc: {  	[tilespmem:s2], [sflag:$0xE] =	stream.indirect.gather [hbm4b:s4+s5], $0x80, s0, s5, $0xb8;
	[tilespmem:$0x1F100] =	vst v63  }
0xfd: {  	_ =	swait.ge [sflag:s7], $0x800  }
0xfe: {  	[sflag:s7] =	ssyncset.done $0x0  }
0xff: {  	s12 =	simm.s32 $0xA080;
	[sflag:s7] =	ssyncadd.s32 $0xFFFFF800  }
0x100: {  	[spmem:s1] =	stream.indirect.scatter.add.f32 [tilespmem:s2], [sflag:$0xE], $0x80, s12, s5, $0xb8;
	[tilespmem:$0x1F100] =	vst v63  }
0x101: {  	_ =	swait.ge [sflag:s7], $0x800  }
0x102: {  	[sflag:s7] =	ssyncset.done $0x0  }
0x103: {  	[sflag:s7] =	ssyncadd.s32 $0xFFFFF800  }
0x104: {  	s8 =	stileid.u32;
	[bflag:$0x0] =	sbarrier.arrive $0xFFFF  }
0x105: {  	s0 =	sshll.u32 s8, $0x6;
	s31 =	rddreg [dreg:$0x3]  }
0x106: {  	s0 =	sor.u32 $0x1C0D, s0;
	s8 =	rddreg [dreg:$0x9];
	s12 =	sshrl.u32 s31, $0x3  }
0x107: {  	[hbm:s8], [sflag:s0] =	dma.local [spmem:s12], $0x200  }
0x108: {  	s12 =	rddreg [dreg:$0xa]  }
0x109: {  	s5 =	sadd.s32 $0x0, s24;
	s8 =	sshrl.u32 s12, $0x3  }
0x10a: {  	[hbm:s5], [sflag:s0] =	dma.local [spmem:s8], $0x200  }
0x10b: {  	_ =	swait.ge [sflag:s6], $0x200  }
0x10c: {  	s30 =	sadd.s32 $0x1000, s12;
	s8 =	simm.s32 $0x200;
	[sflag:s6] =	ssyncset.done $0x0  }
.LBB2_8:
0x10d: {  	s5 =	sadd.s32 s8, s24  }
0x10e: {  	s12 =	sshrl.u32 s30, $0x3;
	[sflag:s6] =	ssyncadd.s32 $0xFFFFFE00;
	p0 =	sne.s32 s8, $0x2400  }
0x10f: {  	[hbm:s5], [sflag:s0] =	dma.local [spmem:s12], $0x200  }
.Ltmp4:
0x110: {  	_ = 	snop;
	(pc) =	sbr.rel @p0 .LBB2_8-.Ltmp4, $4  }
0x111: {  	_ = 	snop  }
0x112: {  	s8 =	sadd.s32 $0x200, s8  }
0x113: {  	_ =	swait.ge [sflag:s6], $0x200  }
0x114: {  	s30 =	sadd.s32 $0x1000, s30;
	[sflag:s6] =	ssyncset.done $0x0  }
0x115: {  	[sflag:s6] =	ssyncadd.s32 $0xFFFFFE00  }
0x116: {  	_ =	swait.ge [sflag:s6], $0x200  }
0x117: {  	s3 =	sadd.s32 $0x1, s3;
	s0 =	rddreg [dreg:$0x8]  }
0x118: {  	p0 =	sne.s32 s3, s0  }
.Ltmp5:
0x119: {  	_ = 	snop;
	(pc) =	sbr.rel @p0 .LBB2_1-.Ltmp5, $3  }
0x11a: {  	_ =	sdelay $0x1  }
0x11b: {  	[sflag:s6] =	ssyncset.done $0x0  }
0x11c: {  	[sflag:s6] =	ssyncadd.s32 $0xFFFFFE00  }
0x11d: {  	_ =	sfence.sel $0x180000  }
0x11e: {  	[bflag:$0x0] =	sbarrier.arrive $0xFFFF  }
0x11f: {  	_ =	strace $0x90000050  }
0x120: {  	s0 =	stileid.u32;
	[bflag:$0x2] =	sbarrier.arrive $0xFFFF  }
0x121: {  	p0 =	sne.s32 s0, $0x0;
	s0 =	rddreg [dreg:$0x2]  }
0x122: {  	s0 =	sadd.s32 @!p0 $0x100000, s0  }
0x123: {  	[sflag:s0] =	ssyncadd.tile.s32 @!p0 $0x1;
	_ =	shalt  }
.Lfunc_end2:
_tile_overlayer_lowered:
.L_overlay_start_2:
0x124: {  	(tag) =	ssettag $0x2  }
0x125: {  	s0 =	rddreg [dreg:$0x0];
	s2 =	stileid.u32  }
0x126: {  	s1 =	rddreg [dreg:$0x1];
	p0 =	sne.s32 s2, $0x0  }
0x127: {  	s3 =	rddreg [dreg:$0x2];
	[bflag:$0x3] =	sbarrier.arrive $0xFFFF;
	s2 =	simm.s32 @!p0 $0x1C0E  }
0x128: {  	[timem:s3], [sflag:s2] =	dma.local @!p0 [hbm:s0], s1  }
0x129: {  	s0 =	simm.s32 @!p0 $0xE  }
0x12a: {  	_ =	swait.ge @!p0 [sflag:s0], s1  }
0x12b: {  	s1 =	ssub.s32 @!p0 $0x0, s1;
	[sflag:s0] =	ssyncset.done @!p0 $0x0  }
0x12c: {  	[sflag:s0] =	ssyncadd.s32 @!p0 s1  }
0x12d: {  	[bflag:$0x3] =	sbarrier.arrive $0xFFFF  }
0x12e: {  	_ =	shalt  }

</sc_bundles>
